<compile_context>
chip_gen: v7x
topology: tpu7x:2x2x1
jax: 0.10.2.dev20260603
libtpu: 0.0.44.dev20260713+nightly
codegen_flags: <defaults>
</compile_context>

<pallas_src>
import jax
import jax.numpy as jnp
from jax import lax
from jax.experimental import pallas as pl
from jax.experimental.pallas import tpu as pltpu
from jax.experimental.pallas import tpu_sc as plsc

_NC = 1
_NS = 16
_NW = _NC * _NS
_LANES = 16
_CROWS = 8
_UNROLL = 8



def _tc_body(inp_ref, targ_ref, sum_ref, cnt_ref):
    i = pl.program_id(0)

    @pl.when(i == 0)
    def _init():
        sum_ref[0] = 0.0
        cnt_ref[0] = 0.0

    t = targ_ref[...]
    x = inp_ref[...]
    mask = jnp.isnan(t)
    d = jnp.where(mask, 0.0, x - t)
    sum_ref[0] += jnp.sum(d * d)
    cnt_ref[0] += jnp.sum(jnp.where(mask, 0.0, 1.0))


def _tc_masked_mse(x, t, skip_rows=0):
    rows, cols = x.shape
    block_rows = 512
    grid = (rows - skip_rows) // block_rows
    blk_off = skip_rows // block_rows
    index_map = lambda i: (i + blk_off, 0)
    s, c = pl.pallas_call(
        _tc_body,
        grid=(grid,),
        in_specs=[
            pl.BlockSpec((block_rows, cols), index_map),
            pl.BlockSpec((block_rows, cols), index_map),
        ],
        out_specs=[
            pl.BlockSpec(memory_space=pltpu.SMEM),
            pl.BlockSpec(memory_space=pltpu.SMEM),
        ],
        out_shape=[
            jax.ShapeDtypeStruct((1,), jnp.float32),
            jax.ShapeDtypeStruct((1,), jnp.float32),
        ],
    )(x, t)
    return s[0], c[0]



def _sc_masked_mse(x, t, sc_rows=None):
    rows, cols = x.shape
    if sc_rows is None:
        sc_rows = rows
    rows_per_w = sc_rows // _NW
    nchunks = rows_per_w // _CROWS
    npairs = nchunks // 2

    def body(x_hbm, t_hbm, sum_hbm, cnt_hbm,
             xb0, xb1, tb0, tb1, ob_s, ob_c,
             sx0, sx1, st0, st1):
        cid = lax.axis_index("c")
        sid = lax.axis_index("s")
        wid = sid * _NC + cid
        base = wid * rows_per_w

        xbufs = (xb0, xb1)
        tbufs = (tb0, tb1)
        sxs = (sx0, sx1)
        sts = (st0, st1)

        def start(k, slot):
            off = base + k * _CROWS
            pltpu.make_async_copy(x_hbm.at[pl.ds(off, _CROWS)], xbufs[slot],
                                  sxs[slot]).start()
            pltpu.make_async_copy(t_hbm.at[pl.ds(off, _CROWS)], tbufs[slot],
                                  sts[slot]).start()

        def wait(slot):
            pltpu.make_async_copy(x_hbm.at[pl.ds(0, _CROWS)], xbufs[slot],
                                  sxs[slot]).wait()
            pltpu.make_async_copy(t_hbm.at[pl.ds(0, _CROWS)], tbufs[slot],
                                  sts[slot]).wait()

        def compute(slot, accs):
            xb = xbufs[slot]
            tb = tbufs[slot]

            def row(r, accs):
                xr = xb.at[r]
                tr = tb.at[r]

                def inner(j, carry):
                    a0, a1, c0, c1 = carry
                    jbase = j * (_LANES * _UNROLL)
                    for u in range(_UNROLL):
                        off = jbase + u * _LANES
                        xv = xr[pl.ds(off, _LANES)]
                        tv = tr[pl.ds(off, _LANES)]
                        d = xv - tv
                        d2 = d * d
                        m = d2 == d2
                        if u % 2 == 0:
                            a0 = a0 + jnp.where(m, d2, 0.0)
                            c0 = c0 + jnp.where(m, 1.0, 0.0)
                        else:
                            a1 = a1 + jnp.where(m, d2, 0.0)
                            c1 = c1 + jnp.where(m, 1.0, 0.0)
                    return a0, a1, c0, c1

                return lax.fori_loop(0, cols // (_LANES * _UNROLL), inner,
                                     accs)

            for r in range(_CROWS):
                accs = row(r, accs)
            return accs

        start(0, 0)
        zero = jnp.zeros((_LANES,), jnp.float32)

        def pair(p, carry):
            accs = carry
            start(2 * p + 1, 1)
            wait(0)
            accs = compute(0, accs)

            @pl.when(p + 1 < npairs)
            def _():
                start(2 * p + 2, 0)

            wait(1)
            accs = compute(1, accs)
            return accs

        a0, a1, c0, c1 = lax.fori_loop(0, npairs, pair,
                                       (zero, zero, zero, zero))
        ob_s[...] = a0 + a1
        ob_c[...] = c0 + c1
        pltpu.sync_copy(ob_s, sum_hbm.at[pl.ds(wid * _LANES, _LANES)])
        pltpu.sync_copy(ob_c, cnt_hbm.at[pl.ds(wid * _LANES, _LANES)])

    mesh = plsc.VectorSubcoreMesh(core_axis_name="c", subcore_axis_name="s",
                                  num_cores=_NC, num_subcores=_NS)
    s, c = pl.kernel(
        body,
        out_type=[
            jax.ShapeDtypeStruct((_NW * _LANES,), jnp.float32),
            jax.ShapeDtypeStruct((_NW * _LANES,), jnp.float32),
        ],
        mesh=mesh,
        scratch_types=[
            pltpu.VMEM((_CROWS, 2048), jnp.float32),
            pltpu.VMEM((_CROWS, 2048), jnp.float32),
            pltpu.VMEM((_CROWS, 2048), jnp.float32),
            pltpu.VMEM((_CROWS, 2048), jnp.float32),
            pltpu.VMEM((_LANES,), jnp.float32),
            pltpu.VMEM((_LANES,), jnp.float32),
            pltpu.SemaphoreType.DMA,
            pltpu.SemaphoreType.DMA,
            pltpu.SemaphoreType.DMA,
            pltpu.SemaphoreType.DMA,
        ],
    )(x, t)
    return jnp.sum(s), jnp.sum(c)


_SC_ROWS = 2048


def kernel(inp, targ):
    cols = inp.shape[-1]
    x = inp.reshape(-1, cols)
    t = targ.reshape(-1, cols)
    s1, c1 = _sc_masked_mse(x, t, _SC_ROWS)
    s2, c2 = _tc_masked_mse(x, t, _SC_ROWS)
    return (s1 + s2) / (c1 + c2)

# --- scband reference (transcript-rebuilt; emitter-appended) ---
"""Pipeline reference for scband-masked-loss-wrapper-27255862460721 (READ-ONLY COPY).

The authoritative reference and input builder live on the scoring server;
editing this copy changes nothing except your own understanding.
"""

import jax, jax.numpy as jnp
import numpy as np


def setup_inputs(seed: int = 0) -> dict:
    key = jax.random.key(seed)
    k1, k2, k3 = jax.random.split(key, 3)
    shape = (2, 8192, 2048)
    inp = jax.random.normal(k1, shape, dtype=jnp.float32)
    targ = jax.random.normal(k2, shape, dtype=jnp.float32)
    # inject NaNs into ~10% of targets, as the wrapper exists to mask these out
    nan_mask = jax.random.uniform(k3, shape) < 0.1
    targ = jnp.where(nan_mask, jnp.nan, targ)
    return {"inp": inp, "targ": targ}


def reference(inp, targ):
    # MaskedLossWrapper.forward with crit = MSELoss(reduction='mean'):
    #   flatten(1), drop positions where targ is NaN, mean squared error over the rest.
    B = inp.shape[0]
    inp_f = inp.reshape(B, -1)
    targ_f = targ.reshape(B, -1)
    mask = jnp.isnan(targ_f)
    # where-based masking is mathematically identical to boolean gather + mean
    targ_safe = jnp.where(mask, 0.0, targ_f)
    inp_safe = jnp.where(mask, 0.0, inp_f)
    diff = inp_safe - targ_safe
    sq = diff * diff
    count = jnp.sum(~mask).astype(jnp.float32)
    loss = jnp.sum(jnp.where(mask, 0.0, sq)) / count
    return loss

if __name__ == "__main__":
    import jax
    _d = setup_inputs()
    print(jax.jit(kernel)(*tuple(_d.values())))

</pallas_src>

<mosaic_0001>
#map = affine_map<(d0, d1) -> (0, 0)>
#map1 = affine_map<(d0, d1) -> (0)>
module attributes {stable_mosaic.version = 14 : i64} {
  func.func @body(%arg0: i32, %arg1: i32, %arg2: memref<16384x2048xf32, #tpu.memory_space<hbm>>, %arg3: memref<16384x2048xf32, #tpu.memory_space<hbm>>, %arg4: memref<256xf32, #tpu.memory_space<hbm>>, %arg5: memref<256xf32, #tpu.memory_space<hbm>>, %arg6: memref<8x2048xf32, #tpu.memory_space<vmem>>, %arg7: memref<8x2048xf32, #tpu.memory_space<vmem>>, %arg8: memref<8x2048xf32, #tpu.memory_space<vmem>>, %arg9: memref<8x2048xf32, #tpu.memory_space<vmem>>, %arg10: memref<16xf32, #tpu.memory_space<vmem>>, %arg11: memref<16xf32, #tpu.memory_space<vmem>>, %arg12: memref<!tpu.dma_semaphore, #tpu.memory_space<semaphore_mem>>, %arg13: memref<!tpu.dma_semaphore, #tpu.memory_space<semaphore_mem>>, %arg14: memref<!tpu.dma_semaphore, #tpu.memory_space<semaphore_mem>>, %arg15: memref<!tpu.dma_semaphore, #tpu.memory_space<semaphore_mem>>) attributes {dimension_semantics = [#tpu.dimension_semantics<core_parallel>, #tpu.dimension_semantics<subcore_parallel>], iteration_bounds = array<i64: 1, 16>, scalar_prefetch = 0 : i64, scratch_operands = 10 : i64, tpu.core_type = #tpu.core_type<sc_vector_subcore>, window_params = [{transform_indices = #map}, {transform_indices = #map}, {transform_indices = #map1}, {transform_indices = #map1}]} {
    %mul3A = arith.constant 1 : i32
    %mul3A_0 = arith.muli %arg1, %mul3A : i32
    %add3A = arith.addi %mul3A_0, %arg0 : i32
    %mul3A_1 = arith.constant 128 : i32
    %mul3A_2 = arith.muli %add3A, %mul3A_1 : i32
    %add3A_3 = arith.constant 0 : i32
    %add3A_4 = arith.addi %mul3A_2, %add3A_3 : i32
    %dma_start3A = arith.constant 0 : i32
    %dma_start3A_5 = tpu.memref_slice %arg2[%add3A_4, %dma_start3A] : memref<16384x2048xf32, #tpu.memory_space<hbm>> -> memref<8x2048xf32, #tpu.memory_space<hbm>>
    %dma_start3A_6 = arith.constant 0 : i32
    %dma_start3A_7 = tpu.memref_slice %arg2[%add3A_4, %dma_start3A_6] : memref<16384x2048xf32, #tpu.memory_space<hbm>> -> memref<8x2048xf32, #tpu.memory_space<hbm>>
    tpu.enqueue_dma source(%dma_start3A_7 : memref<8x2048xf32, #tpu.memory_space<hbm>>) target(%arg6 : memref<8x2048xf32, #tpu.memory_space<vmem>>) target_semaphore(%arg12 : memref<!tpu.dma_semaphore, #tpu.memory_space<semaphore_mem>>)
    %dma_start3A_8 = arith.constant 0 : i32
    %dma_start3A_9 = tpu.memref_slice %arg3[%add3A_4, %dma_start3A_8] : memref<16384x2048xf32, #tpu.memory_space<hbm>> -> memref<8x2048xf32, #tpu.memory_space<hbm>>
    %dma_start3A_10 = arith.constant 0 : i32
    %dma_start3A_11 = tpu.memref_slice %arg3[%add3A_4, %dma_start3A_10] : memref<16384x2048xf32, #tpu.memory_space<hbm>> -> memref<8x2048xf32, #tpu.memory_space<hbm>>
    tpu.enqueue_dma source(%dma_start3A_11 : memref<8x2048xf32, #tpu.memory_space<hbm>>) target(%arg8 : memref<8x2048xf32, #tpu.memory_space<vmem>>) target_semaphore(%arg14 : memref<!tpu.dma_semaphore, #tpu.memory_space<semaphore_mem>>)
    %broadcast_in_dim3A = arith.constant 0.000000e+00 : f32
    %broadcast_in_dim3A_12 = vector.broadcast %broadcast_in_dim3A : f32 to vector<16xf32>
    %scan3A = arith.constant 0 : i32
    %scan3A_13 = arith.constant 8 : i32
    %scan3A_14 = arith.addi %scan3A, %scan3A_13 : i32
    %scan3A_15 = arith.constant 1 : i32
    %scan3A_16:4 = scf.for %scan3A_31 = %scan3A to %scan3A_14 step %scan3A_15 iter_args(%scan3A_32 = %broadcast_in_dim3A_12, %scan3A_33 = %broadcast_in_dim3A_12, %scan3A_34 = %broadcast_in_dim3A_12, %scan3A_35 = %broadcast_in_dim3A_12) -> (vector<16xf32>, vector<16xf32>, vector<16xf32>, vector<16xf32>)  : i32 {
      %mul3A_36 = arith.constant 2 : i32
      %mul3A_37 = arith.muli %mul3A_36, %scan3A_31 : i32
      %add3A_38 = arith.constant 1 : i32
      %add3A_39 = arith.addi %mul3A_37, %add3A_38 : i32
      %mul3A_40 = arith.constant 8 : i32
      %mul3A_41 = arith.muli %add3A_39, %mul3A_40 : i32
      %add3A_42 = arith.addi %mul3A_2, %mul3A_41 : i32
      %dma_start3A_43 = arith.constant 0 : i32
      %dma_start3A_44 = tpu.memref_slice %arg2[%add3A_42, %dma_start3A_43] : memref<16384x2048xf32, #tpu.memory_space<hbm>> -> memref<8x2048xf32, #tpu.memory_space<hbm>>
      %dma_start3A_45 = arith.constant 0 : i32
      %dma_start3A_46 = tpu.memref_slice %arg2[%add3A_42, %dma_start3A_45] : memref<16384x2048xf32, #tpu.memory_space<hbm>> -> memref<8x2048xf32, #tpu.memory_space<hbm>>
      tpu.enqueue_dma source(%dma_start3A_46 : memref<8x2048xf32, #tpu.memory_space<hbm>>) target(%arg7 : memref<8x2048xf32, #tpu.memory_space<vmem>>) target_semaphore(%arg13 : memref<!tpu.dma_semaphore, #tpu.memory_space<semaphore_mem>>)
      %dma_start3A_47 = arith.constant 0 : i32
      %dma_start3A_48 = tpu.memref_slice %arg3[%add3A_42, %dma_start3A_47] : memref<16384x2048xf32, #tpu.memory_space<hbm>> -> memref<8x2048xf32, #tpu.memory_space<hbm>>
      %dma_start3A_49 = arith.constant 0 : i32
      %dma_start3A_50 = tpu.memref_slice %arg3[%add3A_42, %dma_start3A_49] : memref<16384x2048xf32, #tpu.memory_space<hbm>> -> memref<8x2048xf32, #tpu.memory_space<hbm>>
      tpu.enqueue_dma source(%dma_start3A_50 : memref<8x2048xf32, #tpu.memory_space<hbm>>) target(%arg9 : memref<8x2048xf32, #tpu.memory_space<vmem>>) target_semaphore(%arg15 : memref<!tpu.dma_semaphore, #tpu.memory_space<semaphore_mem>>)
      %dma_wait3A = arith.constant 0 : i32
      %dma_wait3A_51 = arith.constant 0 : i32
      %dma_wait3A_52 = tpu.memref_slice %arg2[%dma_wait3A, %dma_wait3A_51] : memref<16384x2048xf32, #tpu.memory_space<hbm>> -> memref<8x2048xf32, #tpu.memory_space<hbm>>
      %dma_wait3A_53 = arith.constant 0 : i32
      %dma_wait3A_54 = arith.constant 0 : i32
      %dma_wait3A_55 = tpu.memref_slice %arg2[%dma_wait3A_53, %dma_wait3A_54] : memref<16384x2048xf32, #tpu.memory_space<hbm>> -> memref<8x2048xf32, #tpu.memory_space<hbm>>
      tpu.wait_dma2 semaphore(%arg12 : memref<!tpu.dma_semaphore, #tpu.memory_space<semaphore_mem>>) src(%dma_wait3A_55 : memref<8x2048xf32, #tpu.memory_space<hbm>>) dst(%arg6 : memref<8x2048xf32, #tpu.memory_space<vmem>>)
      %dma_wait3A_56 = arith.constant 0 : i32
      %dma_wait3A_57 = arith.constant 0 : i32
      %dma_wait3A_58 = tpu.memref_slice %arg3[%dma_wait3A_56, %dma_wait3A_57] : memref<16384x2048xf32, #tpu.memory_space<hbm>> -> memref<8x2048xf32, #tpu.memory_space<hbm>>
      %dma_wait3A_59 = arith.constant 0 : i32
      %dma_wait3A_60 = arith.constant 0 : i32
      %dma_wait3A_61 = tpu.memref_slice %arg3[%dma_wait3A_59, %dma_wait3A_60] : memref<16384x2048xf32, #tpu.memory_space<hbm>> -> memref<8x2048xf32, #tpu.memory_space<hbm>>
      tpu.wait_dma2 semaphore(%arg14 : memref<!tpu.dma_semaphore, #tpu.memory_space<semaphore_mem>>) src(%dma_wait3A_61 : memref<8x2048xf32, #tpu.memory_space<hbm>>) dst(%arg8 : memref<8x2048xf32, #tpu.memory_space<vmem>>)
      %scan3A_62 = arith.constant 0 : i32
      %scan3A_63 = arith.constant 0 : i32
      %scan3A_64 = arith.constant 0 : i32
      %scan3A_65 = arith.constant 16 : i32
      %scan3A_66 = arith.addi %scan3A_64, %scan3A_65 : i32
      %scan3A_67 = arith.constant 1 : i32
      %scan3A_68:4 = scf.for %scan3A_206 = %scan3A_64 to %scan3A_66 step %scan3A_67 iter_args(%scan3A_207 = %scan3A_32, %scan3A_208 = %scan3A_33, %scan3A_209 = %scan3A_34, %scan3A_210 = %scan3A_35) -> (vector<16xf32>, vector<16xf32>, vector<16xf32>, vector<16xf32>)  : i32 {
        %mul3A_211 = arith.constant 128 : i32
        %mul3A_212 = arith.muli %scan3A_206, %mul3A_211 : i32
        %add3A_213 = arith.constant 0 : i32
        %add3A_214 = arith.addi %mul3A_212, %add3A_213 : i32
        %get3A = arith.constant 0 : i32
        %get3A_215 = tpu.memref_slice %arg6[%scan3A_62, %get3A] : memref<8x2048xf32, #tpu.memory_space<vmem>> -> memref<1x2048xf32, #tpu.memory_space<vmem>>
        %get3A_216 = tpu.memref_squeeze %get3A_215 : memref<1x2048xf32, #tpu.memory_space<vmem>> -> memref<2048xf32, #tpu.memory_space<vmem>>
        %get3A_217 = arith.index_cast %add3A_214 : i32 to index
        %get3A_218 = tpu.vector_load %get3A_216[%get3A_217] {strides = array<i32>} : memref<2048xf32, #tpu.memory_space<vmem>>, vector<16xf32>,
        %get3A_219 = vector.shape_cast %get3A_218 : vector<16xf32> to vector<16xf32>
        %get3A_220 = arith.constant 0 : i32
        %get3A_221 = tpu.memref_slice %arg8[%scan3A_63, %get3A_220] : memref<8x2048xf32, #tpu.memory_space<vmem>> -> memref<1x2048xf32, #tpu.memory_space<vmem>>
        %get3A_222 = tpu.memref_squeeze %get3A_221 : memref<1x2048xf32, #tpu.memory_space<vmem>> -> memref<2048xf32, #tpu.memory_space<vmem>>
        %get3A_223 = arith.index_cast %add3A_214 : i32 to index
        %get3A_224 = tpu.vector_load %get3A_222[%get3A_223] {strides = array<i32>} : memref<2048xf32, #tpu.memory_space<vmem>>, vector<16xf32>,
        %get3A_225 = vector.shape_cast %get3A_224 : vector<16xf32> to vector<16xf32>
        %sub3A = arith.subf %get3A_219, %get3A_225 : vector<16xf32>
        %mul3A_226 = arith.mulf %sub3A, %sub3A : vector<16xf32>
        %eq3A = arith.cmpf oeq, %mul3A_226, %mul3A_226 : vector<16xf32>
        %jit3A = arith.constant 0.000000e+00 : f32
        %broadcast_in_dim3A_227 = vector.broadcast %jit3A : f32 to vector<16xf32>
        %select_n3A = arith.select %eq3A, %mul3A_226, %broadcast_in_dim3A_227 : vector<16xi1>, vector<16xf32>
        %add3A_228 = arith.addf %scan3A_207, %select_n3A : vector<16xf32>
        %jit3A_229 = arith.constant 1.000000e+00 : f32
        %jit3A_230 = arith.constant 0.000000e+00 : f32
        %broadcast_in_dim3A_231 = vector.broadcast %jit3A_229 : f32 to vector<16xf32>
        %broadcast_in_dim3A_232 = vector.broadcast %jit3A_230 : f32 to vector<16xf32>
        %select_n3A_233 = arith.select %eq3A, %broadcast_in_dim3A_231, %broadcast_in_dim3A_232 : vector<16xi1>, vector<16xf32>
        %add3A_234 = arith.addf %scan3A_209, %select_n3A_233 : vector<16xf32>
        %add3A_235 = arith.constant 16 : i32
        %add3A_236 = arith.addi %mul3A_212, %add3A_235 : i32
        %get3A_237 = arith.constant 0 : i32
        %get3A_238 = tpu.memref_slice %arg6[%scan3A_62, %get3A_237] : memref<8x2048xf32, #tpu.memory_space<vmem>> -> memref<1x2048xf32, #tpu.memory_space<vmem>>
        %get3A_239 = tpu.memref_squeeze %get3A_238 : memref<1x2048xf32, #tpu.memory_space<vmem>> -> memref<2048xf32, #tpu.memory_space<vmem>>
        %get3A_240 = arith.index_cast %add3A_236 : i32 to index
        %get3A_241 = tpu.vector_load %get3A_239[%get3A_240] {strides = array<i32>} : memref<2048xf32, #tpu.memory_space<vmem>>, vector<16xf32>,
        %get3A_242 = vector.shape_cast %get3A_241 : vector<16xf32> to vector<16xf32>
        %get3A_243 = arith.constant 0 : i32
        %get3A_244 = tpu.memref_slice %arg8[%scan3A_63, %get3A_243] : memref<8x2048xf32, #tpu.memory_space<vmem>> -> memref<1x2048xf32, #tpu.memory_space<vmem>>
        %get3A_245 = tpu.memref_squeeze %get3A_244 : memref<1x2048xf32, #tpu.memory_space<vmem>> -> memref<2048xf32, #tpu.memory_space<vmem>>
        %get3A_246 = arith.index_cast %add3A_236 : i32 to index
        %get3A_247 = tpu.vector_load %get3A_245[%get3A_246] {strides = array<i32>} : memref<2048xf32, #tpu.memory_space<vmem>>, vector<16xf32>,
        %get3A_248 = vector.shape_cast %get3A_247 : vector<16xf32> to vector<16xf32>
        %sub3A_249 = arith.subf %get3A_242, %get3A_248 : vector<16xf32>
        %mul3A_250 = arith.mulf %sub3A_249, %sub3A_249 : vector<16xf32>
        %eq3A_251 = arith.cmpf oeq, %mul3A_250, %mul3A_250 : vector<16xf32>
        %jit3A_252 = arith.constant 0.000000e+00 : f32
        %broadcast_in_dim3A_253 = vector.broadcast %jit3A_252 : f32 to vector<16xf32>
        %select_n3A_254 = arith.select %eq3A_251, %mul3A_250, %broadcast_in_dim3A_253 : vector<16xi1>, vector<16xf32>
        %add3A_255 = arith.addf %scan3A_208, %select_n3A_254 : vector<16xf32>
        %jit3A_256 = arith.constant 1.000000e+00 : f32
        %jit3A_257 = arith.constant 0.000000e+00 : f32
        %broadcast_in_dim3A_258 = vector.broadcast %jit3A_256 : f32 to vector<16xf32>
        %broadcast_in_dim3A_259 = vector.broadcast %jit3A_257 : f32 to vector<16xf32>
        %select_n3A_260 = arith.select %eq3A_251, %broadcast_in_dim3A_258, %broadcast_in_dim3A_259 : vector<16xi1>, vector<16xf32>
        %add3A_261 = arith.addf %scan3A_210, %select_n3A_260 : vector<16xf32>
        %add3A_262 = arith.constant 32 : i32
        %add3A_263 = arith.addi %mul3A_212, %add3A_262 : i32
        %get3A_264 = arith.constant 0 : i32
        %get3A_265 = tpu.memref_slice %arg6[%scan3A_62, %get3A_264] : memref<8x2048xf32, #tpu.memory_space<vmem>> -> memref<1x2048xf32, #tpu.memory_space<vmem>>
        %get3A_266 = tpu.memref_squeeze %get3A_265 : memref<1x2048xf32, #tpu.memory_space<vmem>> -> memref<2048xf32, #tpu.memory_space<vmem>>
        %get3A_267 = arith.index_cast %add3A_263 : i32 to index
        %get3A_268 = tpu.vector_load %get3A_266[%get3A_267] {strides = array<i32>} : memref<2048xf32, #tpu.memory_space<vmem>>, vector<16xf32>,
        %get3A_269 = vector.shape_cast %get3A_268 : vector<16xf32> to vector<16xf32>
        %get3A_270 = arith.constant 0 : i32
        %get3A_271 = tpu.memref_slice %arg8[%scan3A_63, %get3A_270] : memref<8x2048xf32, #tpu.memory_space<vmem>> -> memref<1x2048xf32, #tpu.memory_space<vmem>>
        %get3A_272 = tpu.memref_squeeze %get3A_271 : memref<1x2048xf32, #tpu.memory_space<vmem>> -> memref<2048xf32, #tpu.memory_space<vmem>>
        %get3A_273 = arith.index_cast %add3A_263 : i32 to index
        %get3A_274 = tpu.vector_load %get3A_272[%get3A_273] {strides = array<i32>} : memref<2048xf32, #tpu.memory_space<vmem>>, vector<16xf32>,
        %get3A_275 = vector.shape_cast %get3A_274 : vector<16xf32> to vector<16xf32>
        %sub3A_276 = arith.subf %get3A_269, %get3A_275 : vector<16xf32>
        %mul3A_277 = arith.mulf %sub3A_276, %sub3A_276 : vector<16xf32>
        %eq3A_278 = arith.cmpf oeq, %mul3A_277, %mul3A_277 : vector<16xf32>
        %jit3A_279 = arith.constant 0.000000e+00 : f32
        %broadcast_in_dim3A_280 = vector.broadcast %jit3A_279 : f32 to vector<16xf32>
        %select_n3A_281 = arith.select %eq3A_278, %mul3A_277, %broadcast_in_dim3A_280 : vector<16xi1>, vector<16xf32>
        %add3A_282 = arith.addf %add3A_228, %select_n3A_281 : vector<16xf32>
        %jit3A_283 = arith.constant 1.000000e+00 : f32
        %jit3A_284 = arith.constant 0.000000e+00 : f32
        %broadcast_in_dim3A_285 = vector.broadcast %jit3A_283 : f32 to vector<16xf32>
        %broadcast_in_dim3A_286 = vector.broadcast %jit3A_284 : f32 to vector<16xf32>
        %select_n3A_287 = arith.select %eq3A_278, %broadcast_in_dim3A_285, %broadcast_in_dim3A_286 : vector<16xi1>, vector<16xf32>
        %add3A_288 = arith.addf %add3A_234, %select_n3A_287 : vector<16xf32>
        %add3A_289 = arith.constant 48 : i32
        %add3A_290 = arith.addi %mul3A_212, %add3A_289 : i32
        %get3A_291 = arith.constant 0 : i32
        %get3A_292 = tpu.memref_slice %arg6[%scan3A_62, %get3A_291] : memref<8x2048xf32, #tpu.memory_space<vmem>> -> memref<1x2048xf32, #tpu.memory_space<vmem>>
        %get3A_293 = tpu.memref_squeeze %get3A_292 : memref<1x2048xf32, #tpu.memory_space<vmem>> -> memref<2048xf32, #tpu.memory_space<vmem>>
        %get3A_294 = arith.index_cast %add3A_290 : i32 to index
        %get3A_295 = tpu.vector_load %get3A_293[%get3A_294] {strides = array<i32>} : memref<2048xf32, #tpu.memory_space<vmem>>, vector<16xf32>,
        %get3A_296 = vector.shape_cast %get3A_295 : vector<16xf32> to vector<16xf32>
        %get3A_297 = arith.constant 0 : i32
        %get3A_298 = tpu.memref_slice %arg8[%scan3A_63, %get3A_297] : memref<8x2048xf32, #tpu.memory_space<vmem>> -> memref<1x2048xf32, #tpu.memory_space<vmem>>
        %get3A_299 = tpu.memref_squeeze %get3A_298 : memref<1x2048xf32, #tpu.memory_space<vmem>> -> memref<2048xf32, #tpu.memory_space<vmem>>
        %get3A_300 = arith.index_cast %add3A_290 : i32 to index
        %get3A_301 = tpu.vector_load %get3A_299[%get3A_300] {strides = array<i32>} : memref<2048xf32, #tpu.memory_space<vmem>>, vector<16xf32>,
        %get3A_302 = vector.shape_cast %get3A_301 : vector<16xf32> to vector<16xf32>
        %sub3A_303 = arith.subf %get3A_296, %get3A_302 : vector<16xf32>
        %mul3A_304 = arith.mulf %sub3A_303, %sub3A_303 : vector<16xf32>
        %eq3A_305 = arith.cmpf oeq, %mul3A_304, %mul3A_304 : vector<16xf32>
        %jit3A_306 = arith.constant 0.000000e+00 : f32
        %broadcast_in_dim3A_307 = vector.broadcast %jit3A_306 : f32 to vector<16xf32>
        %select_n3A_308 = arith.select %eq3A_305, %mul3A_304, %broadcast_in_dim3A_307 : vector<16xi1>, vector<16xf32>
        %add3A_309 = arith.addf %add3A_255, %select_n3A_308 : vector<16xf32>
        %jit3A_310 = arith.constant 1.000000e+00 : f32
        %jit3A_311 = arith.constant 0.000000e+00 : f32
        %broadcast_in_dim3A_312 = vector.broadcast %jit3A_310 : f32 to vector<16xf32>
        %broadcast_in_dim3A_313 = vector.broadcast %jit3A_311 : f32 to vector<16xf32>
        %select_n3A_314 = arith.select %eq3A_305, %broadcast_in_dim3A_312, %broadcast_in_dim3A_313 : vector<16xi1>, vector<16xf32>
        %add3A_315 = arith.addf %add3A_261, %select_n3A_314 : vector<16xf32>
        %add3A_316 = arith.constant 64 : i32
        %add3A_317 = arith.addi %mul3A_212, %add3A_316 : i32
        %get3A_318 = arith.constant 0 : i32
        %get3A_319 = tpu.memref_slice %arg6[%scan3A_62, %get3A_318] : memref<8x2048xf32, #tpu.memory_space<vmem>> -> memref<1x2048xf32, #tpu.memory_space<vmem>>
        %get3A_320 = tpu.memref_squeeze %get3A_319 : memref<1x2048xf32, #tpu.memory_space<vmem>> -> memref<2048xf32, #tpu.memory_space<vmem>>
        %get3A_321 = arith.index_cast %add3A_317 : i32 to index
        %get3A_322 = tpu.vector_load %get3A_320[%get3A_321] {strides = array<i32>} : memref<2048xf32, #tpu.memory_space<vmem>>, vector<16xf32>,
        %get3A_323 = vector.shape_cast %get3A_322 : vector<16xf32> to vector<16xf32>
        %get3A_324 = arith.constant 0 : i32
        %get3A_325 = tpu.memref_slice %arg8[%scan3A_63, %get3A_324] : memref<8x2048xf32, #tpu.memory_space<vmem>> -> memref<1x2048xf32, #tpu.memory_space<vmem>>
        %get3A_326 = tpu.memref_squeeze %get3A_325 : memref<1x2048xf32, #tpu.memory_space<vmem>> -> memref<2048xf32, #tpu.memory_space<vmem>>
        %get3A_327 = arith.index_cast %add3A_317 : i32 to index
        %get3A_328 = tpu.vector_load %get3A_326[%get3A_327] {strides = array<i32>} : memref<2048xf32, #tpu.memory_space<vmem>>, vector<16xf32>,
        %get3A_329 = vector.shape_cast %get3A_328 : vector<16xf32> to vector<16xf32>
        %sub3A_330 = arith.subf %get3A_323, %get3A_329 : vector<16xf32>
        %mul3A_331 = arith.mulf %sub3A_330, %sub3A_330 : vector<16xf32>
        %eq3A_332 = arith.cmpf oeq, %mul3A_331, %mul3A_331 : vector<16xf32>
        %jit3A_333 = arith.constant 0.000000e+00 : f32
        %broadcast_in_dim3A_334 = vector.broadcast %jit3A_333 : f32 to vector<16xf32>
        %select_n3A_335 = arith.select %eq3A_332, %mul3A_331, %broadcast_in_dim3A_334 : vector<16xi1>, vector<16xf32>
        %add3A_336 = arith.addf %add3A_282, %select_n3A_335 : vector<16xf32>
        %jit3A_337 = arith.constant 1.000000e+00 : f32
        %jit3A_338 = arith.constant 0.000000e+00 : f32
        %broadcast_in_dim3A_339 = vector.broadcast %jit3A_337 : f32 to vector<16xf32>
        %broadcast_in_dim3A_340 = vector.broadcast %jit3A_338 : f32 to vector<16xf32>
        %select_n3A_341 = arith.select %eq3A_332, %broadcast_in_dim3A_339, %broadcast_in_dim3A_340 : vector<16xi1>, vector<16xf32>
        %add3A_342 = arith.addf %add3A_288, %select_n3A_341 : vector<16xf32>
        %add3A_343 = arith.constant 80 : i32
        %add3A_344 = arith.addi %mul3A_212, %add3A_343 : i32
        %get3A_345 = arith.constant 0 : i32
        %get3A_346 = tpu.memref_slice %arg6[%scan3A_62, %get3A_345] : memref<8x2048xf32, #tpu.memory_space<vmem>> -> memref<1x2048xf32, #tpu.memory_space<vmem>>
        %get3A_347 = tpu.memref_squeeze %get3A_346 : memref<1x2048xf32, #tpu.memory_space<vmem>> -> memref<2048xf32, #tpu.memory_space<vmem>>
        %get3A_348 = arith.index_cast %add3A_344 : i32 to index
        %get3A_349 = tpu.vector_load %get3A_347[%get3A_348] {strides = array<i32>} : memref<2048xf32, #tpu.memory_space<vmem>>, vector<16xf32>,
        %get3A_350 = vector.shape_cast %get3A_349 : vector<16xf32> to vector<16xf32>
        %get3A_351 = arith.constant 0 : i32
        %get3A_352 = tpu.memref_slice %arg8[%scan3A_63, %get3A_351] : memref<8x2048xf32, #tpu.memory_space<vmem>> -> memref<1x2048xf32, #tpu.memory_space<vmem>>
        %get3A_353 = tpu.memref_squeeze %get3A_352 : memref<1x2048xf32, #tpu.memory_space<vmem>> -> memref<2048xf32, #tpu.memory_space<vmem>>
        %get3A_354 = arith.index_cast %add3A_344 : i32 to index
        %get3A_355 = tpu.vector_load %get3A_353[%get3A_354] {strides = array<i32>} : memref<2048xf32, #tpu.memory_space<vmem>>, vector<16xf32>,
        %get3A_356 = vector.shape_cast %get3A_355 : vector<16xf32> to vector<16xf32>
        %sub3A_357 = arith.subf %get3A_350, %get3A_356 : vector<16xf32>
        %mul3A_358 = arith.mulf %sub3A_357, %sub3A_357 : vector<16xf32>
        %eq3A_359 = arith.cmpf oeq, %mul3A_358, %mul3A_358 : vector<16xf32>
        %jit3A_360 = arith.constant 0.000000e+00 : f32
        %broadcast_in_dim3A_361 = vector.broadcast %jit3A_360 : f32 to vector<16xf32>
        %select_n3A_362 = arith.select %eq3A_359, %mul3A_358, %broadcast_in_dim3A_361 : vector<16xi1>, vector<16xf32>
        %add3A_363 = arith.addf %add3A_309, %select_n3A_362 : vector<16xf32>
        %jit3A_364 = arith.constant 1.000000e+00 : f32
        %jit3A_365 = arith.constant 0.000000e+00 : f32
        %broadcast_in_dim3A_366 = vector.broadcast %jit3A_364 : f32 to vector<16xf32>
        %broadcast_in_dim3A_367 = vector.broadcast %jit3A_365 : f32 to vector<16xf32>
        %select_n3A_368 = arith.select %eq3A_359, %broadcast_in_dim3A_366, %broadcast_in_dim3A_367 : vector<16xi1>, vector<16xf32>
        %add3A_369 = arith.addf %add3A_315, %select_n3A_368 : vector<16xf32>
        %add3A_370 = arith.constant 96 : i32
        %add3A_371 = arith.addi %mul3A_212, %add3A_370 : i32
        %get3A_372 = arith.constant 0 : i32
        %get3A_373 = tpu.memref_slice %arg6[%scan3A_62, %get3A_372] : memref<8x2048xf32, #tpu.memory_space<vmem>> -> memref<1x2048xf32, #tpu.memory_space<vmem>>
        %get3A_374 = tpu.memref_squeeze %get3A_373 : memref<1x2048xf32, #tpu.memory_space<vmem>> -> memref<2048xf32, #tpu.memory_space<vmem>>
        %get3A_375 = arith.index_cast %add3A_371 : i32 to index
        %get3A_376 = tpu.vector_load %get3A_374[%get3A_375] {strides = array<i32>} : memref<2048xf32, #tpu.memory_space<vmem>>, vector<16xf32>,
        %get3A_377 = vector.shape_cast %get3A_376 : vector<16xf32> to vector<16xf32>
        %get3A_378 = arith.constant 0 : i32
        %get3A_379 = tpu.memref_slice %arg8[%scan3A_63, %get3A_378] : memref<8x2048xf32, #tpu.memory_space<vmem>> -> memref<1x2048xf32, #tpu.memory_space<vmem>>
        %get3A_380 = tpu.memref_squeeze %get3A_379 : memref<1x2048xf32, #tpu.memory_space<vmem>> -> memref<2048xf32, #tpu.memory_space<vmem>>
        %get3A_381 = arith.index_cast %add3A_371 : i32 to index
        %get3A_382 = tpu.vector_load %get3A_380[%get3A_381] {strides = array<i32>} : memref<2048xf32, #tpu.memory_space<vmem>>, vector<16xf32>,
        %get3A_383 = vector.shape_cast %get3A_382 : vector<16xf32> to vector<16xf32>
        %sub3A_384 = arith.subf %get3A_377, %get3A_383 : vector<16xf32>
        %mul3A_385 = arith.mulf %sub3A_384, %sub3A_384 : vector<16xf32>
        %eq3A_386 = arith.cmpf oeq, %mul3A_385, %mul3A_385 : vector<16xf32>
        %jit3A_387 = arith.constant 0.000000e+00 : f32
        %broadcast_in_dim3A_388 = vector.broadcast %jit3A_387 : f32 to vector<16xf32>
        %select_n3A_389 = arith.select %eq3A_386, %mul3A_385, %broadcast_in_dim3A_388 : vector<16xi1>, vector<16xf32>
        %add3A_390 = arith.addf %add3A_336, %select_n3A_389 : vector<16xf32>
        %jit3A_391 = arith.constant 1.000000e+00 : f32
        %jit3A_392 = arith.constant 0.000000e+00 : f32
        %broadcast_in_dim3A_393 = vector.broadcast %jit3A_391 : f32 to vector<16xf32>
        %broadcast_in_dim3A_394 = vector.broadcast %jit3A_392 : f32 to vector<16xf32>
        %select_n3A_395 = arith.select %eq3A_386, %broadcast_in_dim3A_393, %broadcast_in_dim3A_394 : vector<16xi1>, vector<16xf32>
        %add3A_396 = arith.addf %add3A_342, %select_n3A_395 : vector<16xf32>
        %add3A_397 = arith.constant 112 : i32
        %add3A_398 = arith.addi %mul3A_212, %add3A_397 : i32
        %get3A_399 = arith.constant 0 : i32
        %get3A_400 = tpu.memref_slice %arg6[%scan3A_62, %get3A_399] : memref<8x2048xf32, #tpu.memory_space<vmem>> -> memref<1x2048xf32, #tpu.memory_space<vmem>>
        %get3A_401 = tpu.memref_squeeze %get3A_400 : memref<1x2048xf32, #tpu.memory_space<vmem>> -> memref<2048xf32, #tpu.memory_space<vmem>>
        %get3A_402 = arith.index_cast %add3A_398 : i32 to index
        %get3A_403 = tpu.vector_load %get3A_401[%get3A_402] {strides = array<i32>} : memref<2048xf32, #tpu.memory_space<vmem>>, vector<16xf32>,
        %get3A_404 = vector.shape_cast %get3A_403 : vector<16xf32> to vector<16xf32>
        %get3A_405 = arith.constant 0 : i32
        %get3A_406 = tpu.memref_slice %arg8[%scan3A_63, %get3A_405] : memref<8x2048xf32, #tpu.memory_space<vmem>> -> memref<1x2048xf32, #tpu.memory_space<vmem>>
        %get3A_407 = tpu.memref_squeeze %get3A_406 : memref<1x2048xf32, #tpu.memory_space<vmem>> -> memref<2048xf32, #tpu.memory_space<vmem>>
        %get3A_408 = arith.index_cast %add3A_398 : i32 to index
        %get3A_409 = tpu.vector_load %get3A_407[%get3A_408] {strides = array<i32>} : memref<2048xf32, #tpu.memory_space<vmem>>, vector<16xf32>,
        %get3A_410 = vector.shape_cast %get3A_409 : vector<16xf32> to vector<16xf32>
        %sub3A_411 = arith.subf %get3A_404, %get3A_410 : vector<16xf32>
        %mul3A_412 = arith.mulf %sub3A_411, %sub3A_411 : vector<16xf32>
        %eq3A_413 = arith.cmpf oeq, %mul3A_412, %mul3A_412 : vector<16xf32>
        %jit3A_414 = arith.constant 0.000000e+00 : f32
        %broadcast_in_dim3A_415 = vector.broadcast %jit3A_414 : f32 to vector<16xf32>
        %select_n3A_416 = arith.select %eq3A_413, %mul3A_412, %broadcast_in_dim3A_415 : vector<16xi1>, vector<16xf32>
        %add3A_417 = arith.addf %add3A_363, %select_n3A_416 : vector<16xf32>
        %jit3A_418 = arith.constant 1.000000e+00 : f32
        %jit3A_419 = arith.constant 0.000000e+00 : f32
        %broadcast_in_dim3A_420 = vector.broadcast %jit3A_418 : f32 to vector<16xf32>
        %broadcast_in_dim3A_421 = vector.broadcast %jit3A_419 : f32 to vector<16xf32>
        %select_n3A_422 = arith.select %eq3A_413, %broadcast_in_dim3A_420, %broadcast_in_dim3A_421 : vector<16xi1>, vector<16xf32>
        %add3A_423 = arith.addf %add3A_369, %select_n3A_422 : vector<16xf32>
        scf.yield %add3A_390, %add3A_417, %add3A_396, %add3A_423 : vector<16xf32>, vector<16xf32>, vector<16xf32>, vector<16xf32>
      }
      %scan3A_69 = arith.constant 16 : i32
      %scan3A_70 = arith.constant 1 : i32
      %scan3A_71 = arith.constant 1 : i32
      %scan3A_72 = arith.constant 0 : i32
      %scan3A_73 = arith.constant 16 : i32
      %scan3A_74 = arith.addi %scan3A_72, %scan3A_73 : i32
      %scan3A_75 = arith.constant 1 : i32
      %scan3A_76:4 = scf.for %scan3A_206 = %scan3A_72 to %scan3A_74 step %scan3A_75 iter_args(%scan3A_207 = %scan3A_68#0, %scan3A_208 = %scan3A_68#1, %scan3A_209 = %scan3A_68#2, %scan3A_210 = %scan3A_68#3) -> (vector<16xf32>, vector<16xf32>, vector<16xf32>, vector<16xf32>)  : i32 {
        %mul3A_211 = arith.constant 128 : i32
        %mul3A_212 = arith.muli %scan3A_206, %mul3A_211 : i32
        %add3A_213 = arith.constant 0 : i32
        %add3A_214 = arith.addi %mul3A_212, %add3A_213 : i32
        %get3A = arith.constant 0 : i32
        %get3A_215 = tpu.memref_slice %arg6[%scan3A_70, %get3A] : memref<8x2048xf32, #tpu.memory_space<vmem>> -> memref<1x2048xf32, #tpu.memory_space<vmem>>
        %get3A_216 = tpu.memref_squeeze %get3A_215 : memref<1x2048xf32, #tpu.memory_space<vmem>> -> memref<2048xf32, #tpu.memory_space<vmem>>
        %get3A_217 = arith.index_cast %add3A_214 : i32 to index
        %get3A_218 = tpu.vector_load %get3A_216[%get3A_217] {strides = array<i32>} : memref<2048xf32, #tpu.memory_space<vmem>>, vector<16xf32>,
        %get3A_219 = vector.shape_cast %get3A_218 : vector<16xf32> to vector<16xf32>
        %get3A_220 = arith.constant 0 : i32
        %get3A_221 = tpu.memref_slice %arg8[%scan3A_71, %get3A_220] : memref<8x2048xf32, #tpu.memory_space<vmem>> -> memref<1x2048xf32, #tpu.memory_space<vmem>>
        %get3A_222 = tpu.memref_squeeze %get3A_221 : memref<1x2048xf32, #tpu.memory_space<vmem>> -> memref<2048xf32, #tpu.memory_space<vmem>>
        %get3A_223 = arith.index_cast %add3A_214 : i32 to index
        %get3A_224 = tpu.vector_load %get3A_222[%get3A_223] {strides = array<i32>} : memref<2048xf32, #tpu.memory_space<vmem>>, vector<16xf32>,
        %get3A_225 = vector.shape_cast %get3A_224 : vector<16xf32> to vector<16xf32>
        %sub3A = arith.subf %get3A_219, %get3A_225 : vector<16xf32>
        %mul3A_226 = arith.mulf %sub3A, %sub3A : vector<16xf32>
        %eq3A = arith.cmpf oeq, %mul3A_226, %mul3A_226 : vector<16xf32>
        %jit3A = arith.constant 0.000000e+00 : f32
        %broadcast_in_dim3A_227 = vector.broadcast %jit3A : f32 to vector<16xf32>
        %select_n3A = arith.select %eq3A, %mul3A_226, %broadcast_in_dim3A_227 : vector<16xi1>, vector<16xf32>
        %add3A_228 = arith.addf %scan3A_207, %select_n3A : vector<16xf32>
        %jit3A_229 = arith.constant 1.000000e+00 : f32
        %jit3A_230 = arith.constant 0.000000e+00 : f32
        %broadcast_in_dim3A_231 = vector.broadcast %jit3A_229 : f32 to vector<16xf32>
        %broadcast_in_dim3A_232 = vector.broadcast %jit3A_230 : f32 to vector<16xf32>
        %select_n3A_233 = arith.select %eq3A, %broadcast_in_dim3A_231, %broadcast_in_dim3A_232 : vector<16xi1>, vector<16xf32>
        %add3A_234 = arith.addf %scan3A_209, %select_n3A_233 : vector<16xf32>
        %add3A_235 = arith.constant 16 : i32
        %add3A_236 = arith.addi %mul3A_212, %add3A_235 : i32
        %get3A_237 = arith.constant 0 : i32
        %get3A_238 = tpu.memref_slice %arg6[%scan3A_70, %get3A_237] : memref<8x2048xf32, #tpu.memory_space<vmem>> -> memref<1x2048xf32, #tpu.memory_space<vmem>>
        %get3A_239 = tpu.memref_squeeze %get3A_238 : memref<1x2048xf32, #tpu.memory_space<vmem>> -> memref<2048xf32, #tpu.memory_space<vmem>>
        %get3A_240 = arith.index_cast %add3A_236 : i32 to index
        %get3A_241 = tpu.vector_load %get3A_239[%get3A_240] {strides = array<i32>} : memref<2048xf32, #tpu.memory_space<vmem>>, vector<16xf32>,
        %get3A_242 = vector.shape_cast %get3A_241 : vector<16xf32> to vector<16xf32>
        %get3A_243 = arith.constant 0 : i32
        %get3A_244 = tpu.memref_slice %arg8[%scan3A_71, %get3A_243] : memref<8x2048xf32, #tpu.memory_space<vmem>> -> memref<1x2048xf32, #tpu.memory_space<vmem>>
        %get3A_245 = tpu.memref_squeeze %get3A_244 : memref<1x2048xf32, #tpu.memory_space<vmem>> -> memref<2048xf32, #tpu.memory_space<vmem>>
        %get3A_246 = arith.index_cast %add3A_236 : i32 to index
        %get3A_247 = tpu.vector_load %get3A_245[%get3A_246] {strides = array<i32>} : memref<2048xf32, #tpu.memory_space<vmem>>, vector<16xf32>,
        %get3A_248 = vector.shape_cast %get3A_247 : vector<16xf32> to vector<16xf32>
        %sub3A_249 = arith.subf %get3A_242, %get3A_248 : vector<16xf32>
        %mul3A_250 = arith.mulf %sub3A_249, %sub3A_249 : vector<16xf32>
        %eq3A_251 = arith.cmpf oeq, %mul3A_250, %mul3A_250 : vector<16xf32>
        %jit3A_252 = arith.constant 0.000000e+00 : f32
        %broadcast_in_dim3A_253 = vector.broadcast %jit3A_252 : f32 to vector<16xf32>
        %select_n3A_254 = arith.select %eq3A_251, %mul3A_250, %broadcast_in_dim3A_253 : vector<16xi1>, vector<16xf32>
        %add3A_255 = arith.addf %scan3A_208, %select_n3A_254 : vector<16xf32>
        %jit3A_256 = arith.constant 1.000000e+00 : f32
        %jit3A_257 = arith.constant 0.000000e+00 : f32
        %broadcast_in_dim3A_258 = vector.broadcast %jit3A_256 : f32 to vector<16xf32>
        %broadcast_in_dim3A_259 = vector.broadcast %jit3A_257 : f32 to vector<16xf32>
        %select_n3A_260 = arith.select %eq3A_251, %broadcast_in_dim3A_258, %broadcast_in_dim3A_259 : vector<16xi1>, vector<16xf32>
        %add3A_261 = arith.addf %scan3A_210, %select_n3A_260 : vector<16xf32>
        %add3A_262 = arith.constant 32 : i32
        %add3A_263 = arith.addi %mul3A_212, %add3A_262 : i32
        %get3A_264 = arith.constant 0 : i32
        %get3A_265 = tpu.memref_slice %arg6[%scan3A_70, %get3A_264] : memref<8x2048xf32, #tpu.memory_space<vmem>> -> memref<1x2048xf32, #tpu.memory_space<vmem>>
        %get3A_266 = tpu.memref_squeeze %get3A_265 : memref<1x2048xf32, #tpu.memory_space<vmem>> -> memref<2048xf32, #tpu.memory_space<vmem>>
        %get3A_267 = arith.index_cast %add3A_263 : i32 to index
        %get3A_268 = tpu.vector_load %get3A_266[%get3A_267] {strides = array<i32>} : memref<2048xf32, #tpu.memory_space<vmem>>, vector<16xf32>,
        %get3A_269 = vector.shape_cast %get3A_268 : vector<16xf32> to vector<16xf32>
        %get3A_270 = arith.constant 0 : i32
        %get3A_271 = tpu.memref_slice %arg8[%scan3A_71, %get3A_270] : memref<8x2048xf32, #tpu.memory_space<vmem>> -> memref<1x2048xf32, #tpu.memory_space<vmem>>
        %get3A_272 = tpu.memref_squeeze %get3A_271 : memref<1x2048xf32, #tpu.memory_space<vmem>> -> memref<2048xf32, #tpu.memory_space<vmem>>
        %get3A_273 = arith.index_cast %add3A_263 : i32 to index
        %get3A_274 = tpu.vector_load %get3A_272[%get3A_273] {strides = array<i32>} : memref<2048xf32, #tpu.memory_space<vmem>>, vector<16xf32>,
        %get3A_275 = vector.shape_cast %get3A_274 : vector<16xf32> to vector<16xf32>
        %sub3A_276 = arith.subf %get3A_269, %get3A_275 : vector<16xf32>
        %mul3A_277 = arith.mulf %sub3A_276, %sub3A_276 : vector<16xf32>
        %eq3A_278 = arith.cmpf oeq, %mul3A_277, %mul3A_277 : vector<16xf32>
        %jit3A_279 = arith.constant 0.000000e+00 : f32
        %broadcast_in_dim3A_280 = vector.broadcast %jit3A_279 : f32 to vector<16xf32>
        %select_n3A_281 = arith.select %eq3A_278, %mul3A_277, %broadcast_in_dim3A_280 : vector<16xi1>, vector<16xf32>
        %add3A_282 = arith.addf %add3A_228, %select_n3A_281 : vector<16xf32>
        %jit3A_283 = arith.constant 1.000000e+00 : f32
        %jit3A_284 = arith.constant 0.000000e+00 : f32
        %broadcast_in_dim3A_285 = vector.broadcast %jit3A_283 : f32 to vector<16xf32>
        %broadcast_in_dim3A_286 = vector.broadcast %jit3A_284 : f32 to vector<16xf32>
        %select_n3A_287 = arith.select %eq3A_278, %broadcast_in_dim3A_285, %broadcast_in_dim3A_286 : vector<16xi1>, vector<16xf32>
        %add3A_288 = arith.addf %add3A_234, %select_n3A_287 : vector<16xf32>
        %add3A_289 = arith.constant 48 : i32
        %add3A_290 = arith.addi %mul3A_212, %add3A_289 : i32
        %get3A_291 = arith.constant 0 : i32
        %get3A_292 = tpu.memref_slice %arg6[%scan3A_70, %get3A_291] : memref<8x2048xf32, #tpu.memory_space<vmem>> -> memref<1x2048xf32, #tpu.memory_space<vmem>>
        %get3A_293 = tpu.memref_squeeze %get3A_292 : memref<1x2048xf32, #tpu.memory_space<vmem>> -> memref<2048xf32, #tpu.memory_space<vmem>>
        %get3A_294 = arith.index_cast %add3A_290 : i32 to index
        %get3A_295 = tpu.vector_load %get3A_293[%get3A_294] {strides = array<i32>} : memref<2048xf32, #tpu.memory_space<vmem>>, vector<16xf32>,
        %get3A_296 = vector.shape_cast %get3A_295 : vector<16xf32> to vector<16xf32>
        %get3A_297 = arith.constant 0 : i32
        %get3A_298 = tpu.memref_slice %arg8[%scan3A_71, %get3A_297] : memref<8x2048xf32, #tpu.memory_space<vmem>> -> memref<1x2048xf32, #tpu.memory_space<vmem>>
        %get3A_299 = tpu.memref_squeeze %get3A_298 : memref<1x2048xf32, #tpu.memory_space<vmem>> -> memref<2048xf32, #tpu.memory_space<vmem>>
        %get3A_300 = arith.index_cast %add3A_290 : i32 to index
        %get3A_301 = tpu.vector_load %get3A_299[%get3A_300] {strides = array<i32>} : memref<2048xf32, #tpu.memory_space<vmem>>, vector<16xf32>,
        %get3A_302 = vector.shape_cast %get3A_301 : vector<16xf32> to vector<16xf32>
        %sub3A_303 = arith.subf %get3A_296, %get3A_302 : vector<16xf32>
        %mul3A_304 = arith.mulf %sub3A_303, %sub3A_303 : vector<16xf32>
        %eq3A_305 = arith.cmpf oeq, %mul3A_304, %mul3A_304 : vector<16xf32>
        %jit3A_306 = arith.constant 0.000000e+00 : f32
        %broadcast_in_dim3A_307 = vector.broadcast %jit3A_306 : f32 to vector<16xf32>
        %select_n3A_308 = arith.select %eq3A_305, %mul3A_304, %broadcast_in_dim3A_307 : vector<16xi1>, vector<16xf32>
        %add3A_309 = arith.addf %add3A_255, %select_n3A_308 : vector<16xf32>
        %jit3A_310 = arith.constant 1.000000e+00 : f32
        %jit3A_311 = arith.constant 0.000000e+00 : f32
        %broadcast_in_dim3A_312 = vector.broadcast %jit3A_310 : f32 to vector<16xf32>
        %broadcast_in_dim3A_313 = vector.broadcast %jit3A_311 : f32 to vector<16xf32>
        %select_n3A_314 = arith.select %eq3A_305, %broadcast_in_dim3A_312, %broadcast_in_dim3A_313 : vector<16xi1>, vector<16xf32>
        %add3A_315 = arith.addf %add3A_261, %select_n3A_314 : vector<16xf32>
        %add3A_316 = arith.constant 64 : i32
        %add3A_317 = arith.addi %mul3A_212, %add3A_316 : i32
        %get3A_318 = arith.constant 0 : i32
        %get3A_319 = tpu.memref_slice %arg6[%scan3A_70, %get3A_318] : memref<8x2048xf32, #tpu.memory_space<vmem>> -> memref<1x2048xf32, #tpu.memory_space<vmem>>
        %get3A_320 = tpu.memref_squeeze %get3A_319 : memref<1x2048xf32, #tpu.memory_space<vmem>> -> memref<2048xf32, #tpu.memory_space<vmem>>
        %get3A_321 = arith.index_cast %add3A_317 : i32 to index
        %get3A_322 = tpu.vector_load %get3A_320[%get3A_321] {strides = array<i32>} : memref<2048xf32, #tpu.memory_space<vmem>>, vector<16xf32>,
        %get3A_323 = vector.shape_cast %get3A_322 : vector<16xf32> to vector<16xf32>
        %get3A_324 = arith.constant 0 : i32
        %get3A_325 = tpu.memref_slice %arg8[%scan3A_71, %get3A_324] : memref<8x2048xf32, #tpu.memory_space<vmem>> -> memref<1x2048xf32, #tpu.memory_space<vmem>>
        %get3A_326 = tpu.memref_squeeze %get3A_325 : memref<1x2048xf32, #tpu.memory_space<vmem>> -> memref<2048xf32, #tpu.memory_space<vmem>>
        %get3A_327 = arith.index_cast %add3A_317 : i32 to index
        %get3A_328 = tpu.vector_load %get3A_326[%get3A_327] {strides = array<i32>} : memref<2048xf32, #tpu.memory_space<vmem>>, vector<16xf32>,
        %get3A_329 = vector.shape_cast %get3A_328 : vector<16xf32> to vector<16xf32>
        %sub3A_330 = arith.subf %get3A_323, %get3A_329 : vector<16xf32>
        %mul3A_331 = arith.mulf %sub3A_330, %sub3A_330 : vector<16xf32>
        %eq3A_332 = arith.cmpf oeq, %mul3A_331, %mul3A_331 : vector<16xf32>
        %jit3A_333 = arith.constant 0.000000e+00 : f32
        %broadcast_in_dim3A_334 = vector.broadcast %jit3A_333 : f32 to vector<16xf32>
        %select_n3A_335 = arith.select %eq3A_332, %mul3A_331, %broadcast_in_dim3A_334 : vector<16xi1>, vector<16xf32>
        %add3A_336 = arith.addf %add3A_282, %select_n3A_335 : vector<16xf32>
        %jit3A_337 = arith.constant 1.000000e+00 : f32
        %jit3A_338 = arith.constant 0.000000e+00 : f32
        %broadcast_in_dim3A_339 = vector.broadcast %jit3A_337 : f32 to vector<16xf32>
        %broadcast_in_dim3A_340 = vector.broadcast %jit3A_338 : f32 to vector<16xf32>
        %select_n3A_341 = arith.select %eq3A_332, %broadcast_in_dim3A_339, %broadcast_in_dim3A_340 : vector<16xi1>, vector<16xf32>
        %add3A_342 = arith.addf %add3A_288, %select_n3A_341 : vector<16xf32>
        %add3A_343 = arith.constant 80 : i32
        %add3A_344 = arith.addi %mul3A_212, %add3A_343 : i32
        %get3A_345 = arith.constant 0 : i32
        %get3A_346 = tpu.memref_slice %arg6[%scan3A_70, %get3A_345] : memref<8x2048xf32, #tpu.memory_space<vmem>> -> memref<1x2048xf32, #tpu.memory_space<vmem>>
        %get3A_347 = tpu.memref_squeeze %get3A_346 : memref<1x2048xf32, #tpu.memory_space<vmem>> -> memref<2048xf32, #tpu.memory_space<vmem>>
        %get3A_348 = arith.index_cast %add3A_344 : i32 to index
        %get3A_349 = tpu.vector_load %get3A_347[%get3A_348] {strides = array<i32>} : memref<2048xf32, #tpu.memory_space<vmem>>, vector<16xf32>,
        %get3A_350 = vector.shape_cast %get3A_349 : vector<16xf32> to vector<16xf32>
        %get3A_351 = arith.constant 0 : i32
        %get3A_352 = tpu.memref_slice %arg8[%scan3A_71, %get3A_351] : memref<8x2048xf32, #tpu.memory_space<vmem>> -> memref<1x2048xf32, #tpu.memory_space<vmem>>
        %get3A_353 = tpu.memref_squeeze %get3A_352 : memref<1x2048xf32, #tpu.memory_space<vmem>> -> memref<2048xf32, #tpu.memory_space<vmem>>
        %get3A_354 = arith.index_cast %add3A_344 : i32 to index
        %get3A_355 = tpu.vector_load %get3A_353[%get3A_354] {strides = array<i32>} : memref<2048xf32, #tpu.memory_space<vmem>>, vector<16xf32>,
        %get3A_356 = vector.shape_cast %get3A_355 : vector<16xf32> to vector<16xf32>
        %sub3A_357 = arith.subf %get3A_350, %get3A_356 : vector<16xf32>
        %mul3A_358 = arith.mulf %sub3A_357, %sub3A_357 : vector<16xf32>
        %eq3A_359 = arith.cmpf oeq, %mul3A_358, %mul3A_358 : vector<16xf32>
        %jit3A_360 = arith.constant 0.000000e+00 : f32
        %broadcast_in_dim3A_361 = vector.broadcast %jit3A_360 : f32 to vector<16xf32>
        %select_n3A_362 = arith.select %eq3A_359, %mul3A_358, %broadcast_in_dim3A_361 : vector<16xi1>, vector<16xf32>
        %add3A_363 = arith.addf %add3A_309, %select_n3A_362 : vector<16xf32>
        %jit3A_364 = arith.constant 1.000000e+00 : f32
        %jit3A_365 = arith.constant 0.000000e+00 : f32
        %broadcast_in_dim3A_366 = vector.broadcast %jit3A_364 : f32 to vector<16xf32>
        %broadcast_in_dim3A_367 = vector.broadcast %jit3A_365 : f32 to vector<16xf32>
        %select_n3A_368 = arith.select %eq3A_359, %broadcast_in_dim3A_366, %broadcast_in_dim3A_367 : vector<16xi1>, vector<16xf32>
        %add3A_369 = arith.addf %add3A_315, %select_n3A_368 : vector<16xf32>
        %add3A_370 = arith.constant 96 : i32
        %add3A_371 = arith.addi %mul3A_212, %add3A_370 : i32
        %get3A_372 = arith.constant 0 : i32
        %get3A_373 = tpu.memref_slice %arg6[%scan3A_70, %get3A_372] : memref<8x2048xf32, #tpu.memory_space<vmem>> -> memref<1x2048xf32, #tpu.memory_space<vmem>>
        %get3A_374 = tpu.memref_squeeze %get3A_373 : memref<1x2048xf32, #tpu.memory_space<vmem>> -> memref<2048xf32, #tpu.memory_space<vmem>>
        %get3A_375 = arith.index_cast %add3A_371 : i32 to index
        %get3A_376 = tpu.vector_load %get3A_374[%get3A_375] {strides = array<i32>} : memref<2048xf32, #tpu.memory_space<vmem>>, vector<16xf32>,
        %get3A_377 = vector.shape_cast %get3A_376 : vector<16xf32> to vector<16xf32>
        %get3A_378 = arith.constant 0 : i32
        %get3A_379 = tpu.memref_slice %arg8[%scan3A_71, %get3A_378] : memref<8x2048xf32, #tpu.memory_space<vmem>> -> memref<1x2048xf32, #tpu.memory_space<vmem>>
        %get3A_380 = tpu.memref_squeeze %get3A_379 : memref<1x2048xf32, #tpu.memory_space<vmem>> -> memref<2048xf32, #tpu.memory_space<vmem>>
        %get3A_381 = arith.index_cast %add3A_371 : i32 to index
        %get3A_382 = tpu.vector_load %get3A_380[%get3A_381] {strides = array<i32>} : memref<2048xf32, #tpu.memory_space<vmem>>, vector<16xf32>,
        %get3A_383 = vector.shape_cast %get3A_382 : vector<16xf32> to vector<16xf32>
        %sub3A_384 = arith.subf %get3A_377, %get3A_383 : vector<16xf32>
        %mul3A_385 = arith.mulf %sub3A_384, %sub3A_384 : vector<16xf32>
        %eq3A_386 = arith.cmpf oeq, %mul3A_385, %mul3A_385 : vector<16xf32>
        %jit3A_387 = arith.constant 0.000000e+00 : f32
        %broadcast_in_dim3A_388 = vector.broadcast %jit3A_387 : f32 to vector<16xf32>
        %select_n3A_389 = arith.select %eq3A_386, %mul3A_385, %broadcast_in_dim3A_388 : vector<16xi1>, vector<16xf32>
        %add3A_390 = arith.addf %add3A_336, %select_n3A_389 : vector<16xf32>
        %jit3A_391 = arith.constant 1.000000e+00 : f32
        %jit3A_392 = arith.constant 0.000000e+00 : f32
        %broadcast_in_dim3A_393 = vector.broadcast %jit3A_391 : f32 to vector<16xf32>
        %broadcast_in_dim3A_394 = vector.broadcast %jit3A_392 : f32 to vector<16xf32>
        %select_n3A_395 = arith.select %eq3A_386, %broadcast_in_dim3A_393, %broadcast_in_dim3A_394 : vector<16xi1>, vector<16xf32>
        %add3A_396 = arith.addf %add3A_342, %select_n3A_395 : vector<16xf32>
        %add3A_397 = arith.constant 112 : i32
        %add3A_398 = arith.addi %mul3A_212, %add3A_397 : i32
        %get3A_399 = arith.constant 0 : i32
        %get3A_400 = tpu.memref_slice %arg6[%scan3A_70, %get3A_399] : memref<8x2048xf32, #tpu.memory_space<vmem>> -> memref<1x2048xf32, #tpu.memory_space<vmem>>
        %get3A_401 = tpu.memref_squeeze %get3A_400 : memref<1x2048xf32, #tpu.memory_space<vmem>> -> memref<2048xf32, #tpu.memory_space<vmem>>
        %get3A_402 = arith.index_cast %add3A_398 : i32 to index
        %get3A_403 = tpu.vector_load %get3A_401[%get3A_402] {strides = array<i32>} : memref<2048xf32, #tpu.memory_space<vmem>>, vector<16xf32>,
        %get3A_404 = vector.shape_cast %get3A_403 : vector<16xf32> to vector<16xf32>
        %get3A_405 = arith.constant 0 : i32
        %get3A_406 = tpu.memref_slice %arg8[%scan3A_71, %get3A_405] : memref<8x2048xf32, #tpu.memory_space<vmem>> -> memref<1x2048xf32, #tpu.memory_space<vmem>>
        %get3A_407 = tpu.memref_squeeze %get3A_406 : memref<1x2048xf32, #tpu.memory_space<vmem>> -> memref<2048xf32, #tpu.memory_space<vmem>>
        %get3A_408 = arith.index_cast %add3A_398 : i32 to index
        %get3A_409 = tpu.vector_load %get3A_407[%get3A_408] {strides = array<i32>} : memref<2048xf32, #tpu.memory_space<vmem>>, vector<16xf32>,
        %get3A_410 = vector.shape_cast %get3A_409 : vector<16xf32> to vector<16xf32>
        %sub3A_411 = arith.subf %get3A_404, %get3A_410 : vector<16xf32>
        %mul3A_412 = arith.mulf %sub3A_411, %sub3A_411 : vector<16xf32>
        %eq3A_413 = arith.cmpf oeq, %mul3A_412, %mul3A_412 : vector<16xf32>
        %jit3A_414 = arith.constant 0.000000e+00 : f32
        %broadcast_in_dim3A_415 = vector.broadcast %jit3A_414 : f32 to vector<16xf32>
        %select_n3A_416 = arith.select %eq3A_413, %mul3A_412, %broadcast_in_dim3A_415 : vector<16xi1>, vector<16xf32>
        %add3A_417 = arith.addf %add3A_363, %select_n3A_416 : vector<16xf32>
        %jit3A_418 = arith.constant 1.000000e+00 : f32
        %jit3A_419 = arith.constant 0.000000e+00 : f32
        %broadcast_in_dim3A_420 = vector.broadcast %jit3A_418 : f32 to vector<16xf32>
        %broadcast_in_dim3A_421 = vector.broadcast %jit3A_419 : f32 to vector<16xf32>
        %select_n3A_422 = arith.select %eq3A_413, %broadcast_in_dim3A_420, %broadcast_in_dim3A_421 : vector<16xi1>, vector<16xf32>
        %add3A_423 = arith.addf %add3A_369, %select_n3A_422 : vector<16xf32>
        scf.yield %add3A_390, %add3A_417, %add3A_396, %add3A_423 : vector<16xf32>, vector<16xf32>, vector<16xf32>, vector<16xf32>
      }
      %scan3A_77 = arith.constant 16 : i32
      %scan3A_78 = arith.constant 2 : i32
      %scan3A_79 = arith.constant 2 : i32
      %scan3A_80 = arith.constant 0 : i32
      %scan3A_81 = arith.constant 16 : i32
      %scan3A_82 = arith.addi %scan3A_80, %scan3A_81 : i32
      %scan3A_83 = arith.constant 1 : i32
      %scan3A_84:4 = scf.for %scan3A_206 = %scan3A_80 to %scan3A_82 step %scan3A_83 iter_args(%scan3A_207 = %scan3A_76#0, %scan3A_208 = %scan3A_76#1, %scan3A_209 = %scan3A_76#2, %scan3A_210 = %scan3A_76#3) -> (vector<16xf32>, vector<16xf32>, vector<16xf32>, vector<16xf32>)  : i32 {
        %mul3A_211 = arith.constant 128 : i32
        %mul3A_212 = arith.muli %scan3A_206, %mul3A_211 : i32
        %add3A_213 = arith.constant 0 : i32
        %add3A_214 = arith.addi %mul3A_212, %add3A_213 : i32
        %get3A = arith.constant 0 : i32
        %get3A_215 = tpu.memref_slice %arg6[%scan3A_78, %get3A] : memref<8x2048xf32, #tpu.memory_space<vmem>> -> memref<1x2048xf32, #tpu.memory_space<vmem>>
        %get3A_216 = tpu.memref_squeeze %get3A_215 : memref<1x2048xf32, #tpu.memory_space<vmem>> -> memref<2048xf32, #tpu.memory_space<vmem>>
        %get3A_217 = arith.index_cast %add3A_214 : i32 to index
        %get3A_218 = tpu.vector_load %get3A_216[%get3A_217] {strides = array<i32>} : memref<2048xf32, #tpu.memory_space<vmem>>, vector<16xf32>,
        %get3A_219 = vector.shape_cast %get3A_218 : vector<16xf32> to vector<16xf32>
        %get3A_220 = arith.constant 0 : i32
        %get3A_221 = tpu.memref_slice %arg8[%scan3A_79, %get3A_220] : memref<8x2048xf32, #tpu.memory_space<vmem>> -> memref<1x2048xf32, #tpu.memory_space<vmem>>
        %get3A_222 = tpu.memref_squeeze %get3A_221 : memref<1x2048xf32, #tpu.memory_space<vmem>> -> memref<2048xf32, #tpu.memory_space<vmem>>
        %get3A_223 = arith.index_cast %add3A_214 : i32 to index
        %get3A_224 = tpu.vector_load %get3A_222[%get3A_223] {strides = array<i32>} : memref<2048xf32, #tpu.memory_space<vmem>>, vector<16xf32>,
        %get3A_225 = vector.shape_cast %get3A_224 : vector<16xf32> to vector<16xf32>
        %sub3A = arith.subf %get3A_219, %get3A_225 : vector<16xf32>
        %mul3A_226 = arith.mulf %sub3A, %sub3A : vector<16xf32>
        %eq3A = arith.cmpf oeq, %mul3A_226, %mul3A_226 : vector<16xf32>
        %jit3A = arith.constant 0.000000e+00 : f32
        %broadcast_in_dim3A_227 = vector.broadcast %jit3A : f32 to vector<16xf32>
        %select_n3A = arith.select %eq3A, %mul3A_226, %broadcast_in_dim3A_227 : vector<16xi1>, vector<16xf32>
        %add3A_228 = arith.addf %scan3A_207, %select_n3A : vector<16xf32>
        %jit3A_229 = arith.constant 1.000000e+00 : f32
        %jit3A_230 = arith.constant 0.000000e+00 : f32
        %broadcast_in_dim3A_231 = vector.broadcast %jit3A_229 : f32 to vector<16xf32>
        %broadcast_in_dim3A_232 = vector.broadcast %jit3A_230 : f32 to vector<16xf32>
        %select_n3A_233 = arith.select %eq3A, %broadcast_in_dim3A_231, %broadcast_in_dim3A_232 : vector<16xi1>, vector<16xf32>
        %add3A_234 = arith.addf %scan3A_209, %select_n3A_233 : vector<16xf32>
        %add3A_235 = arith.constant 16 : i32
        %add3A_236 = arith.addi %mul3A_212, %add3A_235 : i32
        %get3A_237 = arith.constant 0 : i32
        %get3A_238 = tpu.memref_slice %arg6[%scan3A_78, %get3A_237] : memref<8x2048xf32, #tpu.memory_space<vmem>> -> memref<1x2048xf32, #tpu.memory_space<vmem>>
        %get3A_239 = tpu.memref_squeeze %get3A_238 : memref<1x2048xf32, #tpu.memory_space<vmem>> -> memref<2048xf32, #tpu.memory_space<vmem>>
        %get3A_240 = arith.index_cast %add3A_236 : i32 to index
        %get3A_241 = tpu.vector_load %get3A_239[%get3A_240] {strides = array<i32>} : memref<2048xf32, #tpu.memory_space<vmem>>, vector<16xf32>,
        %get3A_242 = vector.shape_cast %get3A_241 : vector<16xf32> to vector<16xf32>
        %get3A_243 = arith.constant 0 : i32
        %get3A_244 = tpu.memref_slice %arg8[%scan3A_79, %get3A_243] : memref<8x2048xf32, #tpu.memory_space<vmem>> -> memref<1x2048xf32, #tpu.memory_space<vmem>>
        %get3A_245 = tpu.memref_squeeze %get3A_244 : memref<1x2048xf32, #tpu.memory_space<vmem>> -> memref<2048xf32, #tpu.memory_space<vmem>>
        %get3A_246 = arith.index_cast %add3A_236 : i32 to index
        %get3A_247 = tpu.vector_load %get3A_245[%get3A_246] {strides = array<i32>} : memref<2048xf32, #tpu.memory_space<vmem>>, vector<16xf32>,
        %get3A_248 = vector.shape_cast %get3A_247 : vector<16xf32> to vector<16xf32>
        %sub3A_249 = arith.subf %get3A_242, %get3A_248 : vector<16xf32>
        %mul3A_250 = arith.mulf %sub3A_249, %sub3A_249 : vector<16xf32>
        %eq3A_251 = arith.cmpf oeq, %mul3A_250, %mul3A_250 : vector<16xf32>
        %jit3A_252 = arith.constant 0.000000e+00 : f32
        %broadcast_in_dim3A_253 = vector.broadcast %jit3A_252 : f32 to vector<16xf32>
        %select_n3A_254 = arith.select %eq3A_251, %mul3A_250, %broadcast_in_dim3A_253 : vector<16xi1>, vector<16xf32>
        %add3A_255 = arith.addf %scan3A_208, %select_n3A_254 : vector<16xf32>
        %jit3A_256 = arith.constant 1.000000e+00 : f32
        %jit3A_257 = arith.constant 0.000000e+00 : f32
        %broadcast_in_dim3A_258 = vector.broadcast %jit3A_256 : f32 to vector<16xf32>
        %broadcast_in_dim3A_259 = vector.broadcast %jit3A_257 : f32 to vector<16xf32>
        %select_n3A_260 = arith.select %eq3A_251, %broadcast_in_dim3A_258, %broadcast_in_dim3A_259 : vector<16xi1>, vector<16xf32>
        %add3A_261 = arith.addf %scan3A_210, %select_n3A_260 : vector<16xf32>
        %add3A_262 = arith.constant 32 : i32
        %add3A_263 = arith.addi %mul3A_212, %add3A_262 : i32
        %get3A_264 = arith.constant 0 : i32
        %get3A_265 = tpu.memref_slice %arg6[%scan3A_78, %get3A_264] : memref<8x2048xf32, #tpu.memory_space<vmem>> -> memref<1x2048xf32, #tpu.memory_space<vmem>>
        %get3A_266 = tpu.memref_squeeze %get3A_265 : memref<1x2048xf32, #tpu.memory_space<vmem>> -> memref<2048xf32, #tpu.memory_space<vmem>>
        %get3A_267 = arith.index_cast %add3A_263 : i32 to index
        %get3A_268 = tpu.vector_load %get3A_266[%get3A_267] {strides = array<i32>} : memref<2048xf32, #tpu.memory_space<vmem>>, vector<16xf32>,
        %get3A_269 = vector.shape_cast %get3A_268 : vector<16xf32> to vector<16xf32>
        %get3A_270 = arith.constant 0 : i32
        %get3A_271 = tpu.memref_slice %arg8[%scan3A_79, %get3A_270] : memref<8x2048xf32, #tpu.memory_space<vmem>> -> memref<1x2048xf32, #tpu.memory_space<vmem>>
        %get3A_272 = tpu.memref_squeeze %get3A_271 : memref<1x2048xf32, #tpu.memory_space<vmem>> -> memref<2048xf32, #tpu.memory_space<vmem>>
        %get3A_273 = arith.index_cast %add3A_263 : i32 to index
        %get3A_274 = tpu.vector_load %get3A_272[%get3A_273] {strides = array<i32>} : memref<2048xf32, #tpu.memory_space<vmem>>, vector<16xf32>,
        %get3A_275 = vector.shape_cast %get3A_274 : vector<16xf32> to vector<16xf32>
        %sub3A_276 = arith.subf %get3A_269, %get3A_275 : vector<16xf32>
        %mul3A_277 = arith.mulf %sub3A_276, %sub3A_276 : vector<16xf32>
        %eq3A_278 = arith.cmpf oeq, %mul3A_277, %mul3A_277 : vector<16xf32>
        %jit3A_279 = arith.constant 0.000000e+00 : f32
        %broadcast_in_dim3A_280 = vector.broadcast %jit3A_279 : f32 to vector<16xf32>
        %select_n3A_281 = arith.select %eq3A_278, %mul3A_277, %broadcast_in_dim3A_280 : vector<16xi1>, vector<16xf32>
        %add3A_282 = arith.addf %add3A_228, %select_n3A_281 : vector<16xf32>
        %jit3A_283 = arith.constant 1.000000e+00 : f32
        %jit3A_284 = arith.constant 0.000000e+00 : f32
        %broadcast_in_dim3A_285 = vector.broadcast %jit3A_283 : f32 to vector<16xf32>
        %broadcast_in_dim3A_286 = vector.broadcast %jit3A_284 : f32 to vector<16xf32>
        %select_n3A_287 = arith.select %eq3A_278, %broadcast_in_dim3A_285, %broadcast_in_dim3A_286 : vector<16xi1>, vector<16xf32>
        %add3A_288 = arith.addf %add3A_234, %select_n3A_287 : vector<16xf32>
        %add3A_289 = arith.constant 48 : i32
        %add3A_290 = arith.addi %mul3A_212, %add3A_289 : i32
        %get3A_291 = arith.constant 0 : i32
        %get3A_292 = tpu.memref_slice %arg6[%scan3A_78, %get3A_291] : memref<8x2048xf32, #tpu.memory_space<vmem>> -> memref<1x2048xf32, #tpu.memory_space<vmem>>
        %get3A_293 = tpu.memref_squeeze %get3A_292 : memref<1x2048xf32, #tpu.memory_space<vmem>> -> memref<2048xf32, #tpu.memory_space<vmem>>
        %get3A_294 = arith.index_cast %add3A_290 : i32 to index
        %get3A_295 = tpu.vector_load %get3A_293[%get3A_294] {strides = array<i32>} : memref<2048xf32, #tpu.memory_space<vmem>>, vector<16xf32>,
        %get3A_296 = vector.shape_cast %get3A_295 : vector<16xf32> to vector<16xf32>
        %get3A_297 = arith.constant 0 : i32
        %get3A_298 = tpu.memref_slice %arg8[%scan3A_79, %get3A_297] : memref<8x2048xf32, #tpu.memory_space<vmem>> -> memref<1x2048xf32, #tpu.memory_space<vmem>>
        %get3A_299 = tpu.memref_squeeze %get3A_298 : memref<1x2048xf32, #tpu.memory_space<vmem>> -> memref<2048xf32, #tpu.memory_space<vmem>>
        %get3A_300 = arith.index_cast %add3A_290 : i32 to index
        %get3A_301 = tpu.vector_load %get3A_299[%get3A_300] {strides = array<i32>} : memref<2048xf32, #tpu.memory_space<vmem>>, vector<16xf32>,
        %get3A_302 = vector.shape_cast %get3A_301 : vector<16xf32> to vector<16xf32>
        %sub3A_303 = arith.subf %get3A_296, %get3A_302 : vector<16xf32>
        %mul3A_304 = arith.mulf %sub3A_303, %sub3A_303 : vector<16xf32>
        %eq3A_305 = arith.cmpf oeq, %mul3A_304, %mul3A_304 : vector<16xf32>
        %jit3A_306 = arith.constant 0.000000e+00 : f32
        %broadcast_in_dim3A_307 = vector.broadcast %jit3A_306 : f32 to vector<16xf32>
        %select_n3A_308 = arith.select %eq3A_305, %mul3A_304, %broadcast_in_dim3A_307 : vector<16xi1>, vector<16xf32>
        %add3A_309 = arith.addf %add3A_255, %select_n3A_308 : vector<16xf32>
        %jit3A_310 = arith.constant 1.000000e+00 : f32
        %jit3A_311 = arith.constant 0.000000e+00 : f32
        %broadcast_in_dim3A_312 = vector.broadcast %jit3A_310 : f32 to vector<16xf32>
        %broadcast_in_dim3A_313 = vector.broadcast %jit3A_311 : f32 to vector<16xf32>
        %select_n3A_314 = arith.select %eq3A_305, %broadcast_in_dim3A_312, %broadcast_in_dim3A_313 : vector<16xi1>, vector<16xf32>
        %add3A_315 = arith.addf %add3A_261, %select_n3A_314 : vector<16xf32>
        %add3A_316 = arith.constant 64 : i32
        %add3A_317 = arith.addi %mul3A_212, %add3A_316 : i32
        %get3A_318 = arith.constant 0 : i32
        %get3A_319 = tpu.memref_slice %arg6[%scan3A_78, %get3A_318] : memref<8x2048xf32, #tpu.memory_space<vmem>> -> memref<1x2048xf32, #tpu.memory_space<vmem>>
        %get3A_320 = tpu.memref_squeeze %get3A_319 : memref<1x2048xf32, #tpu.memory_space<vmem>> -> memref<2048xf32, #tpu.memory_space<vmem>>
        %get3A_321 = arith.index_cast %add3A_317 : i32 to index
        %get3A_322 = tpu.vector_load %get3A_320[%get3A_321] {strides = array<i32>} : memref<2048xf32, #tpu.memory_space<vmem>>, vector<16xf32>,
        %get3A_323 = vector.shape_cast %get3A_322 : vector<16xf32> to vector<16xf32>
        %get3A_324 = arith.constant 0 : i32
        %get3A_325 = tpu.memref_slice %arg8[%scan3A_79, %get3A_324] : memref<8x2048xf32, #tpu.memory_space<vmem>> -> memref<1x2048xf32, #tpu.memory_space<vmem>>
        %get3A_326 = tpu.memref_squeeze %get3A_325 : memref<1x2048xf32, #tpu.memory_space<vmem>> -> memref<2048xf32, #tpu.memory_space<vmem>>
        %get3A_327 = arith.index_cast %add3A_317 : i32 to index
        %get3A_328 = tpu.vector_load %get3A_326[%get3A_327] {strides = array<i32>} : memref<2048xf32, #tpu.memory_space<vmem>>, vector<16xf32>,
        %get3A_329 = vector.shape_cast %get3A_328 : vector<16xf32> to vector<16xf32>
        %sub3A_330 = arith.subf %get3A_323, %get3A_329 : vector<16xf32>
        %mul3A_331 = arith.mulf %sub3A_330, %sub3A_330 : vector<16xf32>
        %eq3A_332 = arith.cmpf oeq, %mul3A_331, %mul3A_331 : vector<16xf32>
        %jit3A_333 = arith.constant 0.000000e+00 : f32
        %broadcast_in_dim3A_334 = vector.broadcast %jit3A_333 : f32 to vector<16xf32>
        %select_n3A_335 = arith.select %eq3A_332, %mul3A_331, %broadcast_in_dim3A_334 : vector<16xi1>, vector<16xf32>
        %add3A_336 = arith.addf %add3A_282, %select_n3A_335 : vector<16xf32>
        %jit3A_337 = arith.constant 1.000000e+00 : f32
        %jit3A_338 = arith.constant 0.000000e+00 : f32
        %broadcast_in_dim3A_339 = vector.broadcast %jit3A_337 : f32 to vector<16xf32>
        %broadcast_in_dim3A_340 = vector.broadcast %jit3A_338 : f32 to vector<16xf32>
        %select_n3A_341 = arith.select %eq3A_332, %broadcast_in_dim3A_339, %broadcast_in_dim3A_340 : vector<16xi1>, vector<16xf32>
        %add3A_342 = arith.addf %add3A_288, %select_n3A_341 : vector<16xf32>
        %add3A_343 = arith.constant 80 : i32
        %add3A_344 = arith.addi %mul3A_212, %add3A_343 : i32
        %get3A_345 = arith.constant 0 : i32
        %get3A_346 = tpu.memref_slice %arg6[%scan3A_78, %get3A_345] : memref<8x2048xf32, #tpu.memory_space<vmem>> -> memref<1x2048xf32, #tpu.memory_space<vmem>>
        %get3A_347 = tpu.memref_squeeze %get3A_346 : memref<1x2048xf32, #tpu.memory_space<vmem>> -> memref<2048xf32, #tpu.memory_space<vmem>>
        %get3A_348 = arith.index_cast %add3A_344 : i32 to index
        %get3A_349 = tpu.vector_load %get3A_347[%get3A_348] {strides = array<i32>} : memref<2048xf32, #tpu.memory_space<vmem>>, vector<16xf32>,
        %get3A_350 = vector.shape_cast %get3A_349 : vector<16xf32> to vector<16xf32>
        %get3A_351 = arith.constant 0 : i32
        %get3A_352 = tpu.memref_slice %arg8[%scan3A_79, %get3A_351] : memref<8x2048xf32, #tpu.memory_space<vmem>> -> memref<1x2048xf32, #tpu.memory_space<vmem>>
        %get3A_353 = tpu.memref_squeeze %get3A_352 : memref<1x2048xf32, #tpu.memory_space<vmem>> -> memref<2048xf32, #tpu.memory_space<vmem>>
        %get3A_354 = arith.index_cast %add3A_344 : i32 to index
        %get3A_355 = tpu.vector_load %get3A_353[%get3A_354] {strides = array<i32>} : memref<2048xf32, #tpu.memory_space<vmem>>, vector<16xf32>,
        %get3A_356 = vector.shape_cast %get3A_355 : vector<16xf32> to vector<16xf32>
        %sub3A_357 = arith.subf %get3A_350, %get3A_356 : vector<16xf32>
        %mul3A_358 = arith.mulf %sub3A_357, %sub3A_357 : vector<16xf32>
        %eq3A_359 = arith.cmpf oeq, %mul3A_358, %mul3A_358 : vector<16xf32>
        %jit3A_360 = arith.constant 0.000000e+00 : f32
        %broadcast_in_dim3A_361 = vector.broadcast %jit3A_360 : f32 to vector<16xf32>
        %select_n3A_362 = arith.select %eq3A_359, %mul3A_358, %broadcast_in_dim3A_361 : vector<16xi1>, vector<16xf32>
        %add3A_363 = arith.addf %add3A_309, %select_n3A_362 : vector<16xf32>
        %jit3A_364 = arith.constant 1.000000e+00 : f32
        %jit3A_365 = arith.constant 0.000000e+00 : f32
        %broadcast_in_dim3A_366 = vector.broadcast %jit3A_364 : f32 to vector<16xf32>
        %broadcast_in_dim3A_367 = vector.broadcast %jit3A_365 : f32 to vector<16xf32>
        %select_n3A_368 = arith.select %eq3A_359, %broadcast_in_dim3A_366, %broadcast_in_dim3A_367 : vector<16xi1>, vector<16xf32>
        %add3A_369 = arith.addf %add3A_315, %select_n3A_368 : vector<16xf32>
        %add3A_370 = arith.constant 96 : i32
        %add3A_371 = arith.addi %mul3A_212, %add3A_370 : i32
        %get3A_372 = arith.constant 0 : i32
        %get3A_373 = tpu.memref_slice %arg6[%scan3A_78, %get3A_372] : memref<8x2048xf32, #tpu.memory_space<vmem>> -> memref<1x2048xf32, #tpu.memory_space<vmem>>
        %get3A_374 = tpu.memref_squeeze %get3A_373 : memref<1x2048xf32, #tpu.memory_space<vmem>> -> memref<2048xf32, #tpu.memory_space<vmem>>
        %get3A_375 = arith.index_cast %add3A_371 : i32 to index
        %get3A_376 = tpu.vector_load %get3A_374[%get3A_375] {strides = array<i32>} : memref<2048xf32, #tpu.memory_space<vmem>>, vector<16xf32>,
        %get3A_377 = vector.shape_cast %get3A_376 : vector<16xf32> to vector<16xf32>
        %get3A_378 = arith.constant 0 : i32
        %get3A_379 = tpu.memref_slice %arg8[%scan3A_79, %get3A_378] : memref<8x2048xf32, #tpu.memory_space<vmem>> -> memref<1x2048xf32, #tpu.memory_space<vmem>>
        %get3A_380 = tpu.memref_squeeze %get3A_379 : memref<1x2048xf32, #tpu.memory_space<vmem>> -> memref<2048xf32, #tpu.memory_space<vmem>>
        %get3A_381 = arith.index_cast %add3A_371 : i32 to index
        %get3A_382 = tpu.vector_load %get3A_380[%get3A_381] {strides = array<i32>} : memref<2048xf32, #tpu.memory_space<vmem>>, vector<16xf32>,
        %get3A_383 = vector.shape_cast %get3A_382 : vector<16xf32> to vector<16xf32>
        %sub3A_384 = arith.subf %get3A_377, %get3A_383 : vector<16xf32>
        %mul3A_385 = arith.mulf %sub3A_384, %sub3A_384 : vector<16xf32>
        %eq3A_386 = arith.cmpf oeq, %mul3A_385, %mul3A_385 : vector<16xf32>
        %jit3A_387 = arith.constant 0.000000e+00 : f32
        %broadcast_in_dim3A_388 = vector.broadcast %jit3A_387 : f32 to vector<16xf32>
        %select_n3A_389 = arith.select %eq3A_386, %mul3A_385, %broadcast_in_dim3A_388 : vector<16xi1>, vector<16xf32>
        %add3A_390 = arith.addf %add3A_336, %select_n3A_389 : vector<16xf32>
        %jit3A_391 = arith.constant 1.000000e+00 : f32
        %jit3A_392 = arith.constant 0.000000e+00 : f32
        %broadcast_in_dim3A_393 = vector.broadcast %jit3A_391 : f32 to vector<16xf32>
        %broadcast_in_dim3A_394 = vector.broadcast %jit3A_392 : f32 to vector<16xf32>
        %select_n3A_395 = arith.select %eq3A_386, %broadcast_in_dim3A_393, %broadcast_in_dim3A_394 : vector<16xi1>, vector<16xf32>
        %add3A_396 = arith.addf %add3A_342, %select_n3A_395 : vector<16xf32>
        %add3A_397 = arith.constant 112 : i32
        %add3A_398 = arith.addi %mul3A_212, %add3A_397 : i32
        %get3A_399 = arith.constant 0 : i32
        %get3A_400 = tpu.memref_slice %arg6[%scan3A_78, %get3A_399] : memref<8x2048xf32, #tpu.memory_space<vmem>> -> memref<1x2048xf32, #tpu.memory_space<vmem>>
        %get3A_401 = tpu.memref_squeeze %get3A_400 : memref<1x2048xf32, #tpu.memory_space<vmem>> -> memref<2048xf32, #tpu.memory_space<vmem>>
        %get3A_402 = arith.index_cast %add3A_398 : i32 to index
        %get3A_403 = tpu.vector_load %get3A_401[%get3A_402] {strides = array<i32>} : memref<2048xf32, #tpu.memory_space<vmem>>, vector<16xf32>,
        %get3A_404 = vector.shape_cast %get3A_403 : vector<16xf32> to vector<16xf32>
        %get3A_405 = arith.constant 0 : i32
        %get3A_406 = tpu.memref_slice %arg8[%scan3A_79, %get3A_405] : memref<8x2048xf32, #tpu.memory_space<vmem>> -> memref<1x2048xf32, #tpu.memory_space<vmem>>
        %get3A_407 = tpu.memref_squeeze %get3A_406 : memref<1x2048xf32, #tpu.memory_space<vmem>> -> memref<2048xf32, #tpu.memory_space<vmem>>
        %get3A_408 = arith.index_cast %add3A_398 : i32 to index
        %get3A_409 = tpu.vector_load %get3A_407[%get3A_408] {strides = array<i32>} : memref<2048xf32, #tpu.memory_space<vmem>>, vector<16xf32>,
        %get3A_410 = vector.shape_cast %get3A_409 : vector<16xf32> to vector<16xf32>
        %sub3A_411 = arith.subf %get3A_404, %get3A_410 : vector<16xf32>
        %mul3A_412 = arith.mulf %sub3A_411, %sub3A_411 : vector<16xf32>
        %eq3A_413 = arith.cmpf oeq, %mul3A_412, %mul3A_412 : vector<16xf32>
        %jit3A_414 = arith.constant 0.000000e+00 : f32
        %broadcast_in_dim3A_415 = vector.broadcast %jit3A_414 : f32 to vector<16xf32>
        %select_n3A_416 = arith.select %eq3A_413, %mul3A_412, %broadcast_in_dim3A_415 : vector<16xi1>, vector<16xf32>
        %add3A_417 = arith.addf %add3A_363, %select_n3A_416 : vector<16xf32>
        %jit3A_418 = arith.constant 1.000000e+00 : f32
        %jit3A_419 = arith.constant 0.000000e+00 : f32
        %broadcast_in_dim3A_420 = vector.broadcast %jit3A_418 : f32 to vector<16xf32>
        %broadcast_in_dim3A_421 = vector.broadcast %jit3A_419 : f32 to vector<16xf32>
        %select_n3A_422 = arith.select %eq3A_413, %broadcast_in_dim3A_420, %broadcast_in_dim3A_421 : vector<16xi1>, vector<16xf32>
        %add3A_423 = arith.addf %add3A_369, %select_n3A_422 : vector<16xf32>
        scf.yield %add3A_390, %add3A_417, %add3A_396, %add3A_423 : vector<16xf32>, vector<16xf32>, vector<16xf32>, vector<16xf32>
      }
      %scan3A_85 = arith.constant 16 : i32
      %scan3A_86 = arith.constant 3 : i32
      %scan3A_87 = arith.constant 3 : i32
      %scan3A_88 = arith.constant 0 : i32
      %scan3A_89 = arith.constant 16 : i32
      %scan3A_90 = arith.addi %scan3A_88, %scan3A_89 : i32
      %scan3A_91 = arith.constant 1 : i32
      %scan3A_92:4 = scf.for %scan3A_206 = %scan3A_88 to %scan3A_90 step %scan3A_91 iter_args(%scan3A_207 = %scan3A_84#0, %scan3A_208 = %scan3A_84#1, %scan3A_209 = %scan3A_84#2, %scan3A_210 = %scan3A_84#3) -> (vector<16xf32>, vector<16xf32>, vector<16xf32>, vector<16xf32>)  : i32 {
        %mul3A_211 = arith.constant 128 : i32
        %mul3A_212 = arith.muli %scan3A_206, %mul3A_211 : i32
        %add3A_213 = arith.constant 0 : i32
        %add3A_214 = arith.addi %mul3A_212, %add3A_213 : i32
        %get3A = arith.constant 0 : i32
        %get3A_215 = tpu.memref_slice %arg6[%scan3A_86, %get3A] : memref<8x2048xf32, #tpu.memory_space<vmem>> -> memref<1x2048xf32, #tpu.memory_space<vmem>>
        %get3A_216 = tpu.memref_squeeze %get3A_215 : memref<1x2048xf32, #tpu.memory_space<vmem>> -> memref<2048xf32, #tpu.memory_space<vmem>>
        %get3A_217 = arith.index_cast %add3A_214 : i32 to index
        %get3A_218 = tpu.vector_load %get3A_216[%get3A_217] {strides = array<i32>} : memref<2048xf32, #tpu.memory_space<vmem>>, vector<16xf32>,
        %get3A_219 = vector.shape_cast %get3A_218 : vector<16xf32> to vector<16xf32>
        %get3A_220 = arith.constant 0 : i32
        %get3A_221 = tpu.memref_slice %arg8[%scan3A_87, %get3A_220] : memref<8x2048xf32, #tpu.memory_space<vmem>> -> memref<1x2048xf32, #tpu.memory_space<vmem>>
        %get3A_222 = tpu.memref_squeeze %get3A_221 : memref<1x2048xf32, #tpu.memory_space<vmem>> -> memref<2048xf32, #tpu.memory_space<vmem>>
        %get3A_223 = arith.index_cast %add3A_214 : i32 to index
        %get3A_224 = tpu.vector_load %get3A_222[%get3A_223] {strides = array<i32>} : memref<2048xf32, #tpu.memory_space<vmem>>, vector<16xf32>,
        %get3A_225 = vector.shape_cast %get3A_224 : vector<16xf32> to vector<16xf32>
        %sub3A = arith.subf %get3A_219, %get3A_225 : vector<16xf32>
        %mul3A_226 = arith.mulf %sub3A, %sub3A : vector<16xf32>
        %eq3A = arith.cmpf oeq, %mul3A_226, %mul3A_226 : vector<16xf32>
        %jit3A = arith.constant 0.000000e+00 : f32
        %broadcast_in_dim3A_227 = vector.broadcast %jit3A : f32 to vector<16xf32>
        %select_n3A = arith.select %eq3A, %mul3A_226, %broadcast_in_dim3A_227 : vector<16xi1>, vector<16xf32>
        %add3A_228 = arith.addf %scan3A_207, %select_n3A : vector<16xf32>
        %jit3A_229 = arith.constant 1.000000e+00 : f32
        %jit3A_230 = arith.constant 0.000000e+00 : f32
        %broadcast_in_dim3A_231 = vector.broadcast %jit3A_229 : f32 to vector<16xf32>
        %broadcast_in_dim3A_232 = vector.broadcast %jit3A_230 : f32 to vector<16xf32>
        %select_n3A_233 = arith.select %eq3A, %broadcast_in_dim3A_231, %broadcast_in_dim3A_232 : vector<16xi1>, vector<16xf32>
        %add3A_234 = arith.addf %scan3A_209, %select_n3A_233 : vector<16xf32>
        %add3A_235 = arith.constant 16 : i32
        %add3A_236 = arith.addi %mul3A_212, %add3A_235 : i32
        %get3A_237 = arith.constant 0 : i32
        %get3A_238 = tpu.memref_slice %arg6[%scan3A_86, %get3A_237] : memref<8x2048xf32, #tpu.memory_space<vmem>> -> memref<1x2048xf32, #tpu.memory_space<vmem>>
        %get3A_239 = tpu.memref_squeeze %get3A_238 : memref<1x2048xf32, #tpu.memory_space<vmem>> -> memref<2048xf32, #tpu.memory_space<vmem>>
        %get3A_240 = arith.index_cast %add3A_236 : i32 to index
        %get3A_241 = tpu.vector_load %get3A_239[%get3A_240] {strides = array<i32>} : memref<2048xf32, #tpu.memory_space<vmem>>, vector<16xf32>,
        %get3A_242 = vector.shape_cast %get3A_241 : vector<16xf32> to vector<16xf32>
        %get3A_243 = arith.constant 0 : i32
        %get3A_244 = tpu.memref_slice %arg8[%scan3A_87, %get3A_243] : memref<8x2048xf32, #tpu.memory_space<vmem>> -> memref<1x2048xf32, #tpu.memory_space<vmem>>
        %get3A_245 = tpu.memref_squeeze %get3A_244 : memref<1x2048xf32, #tpu.memory_space<vmem>> -> memref<2048xf32, #tpu.memory_space<vmem>>
        %get3A_246 = arith.index_cast %add3A_236 : i32 to index
        %get3A_247 = tpu.vector_load %get3A_245[%get3A_246] {strides = array<i32>} : memref<2048xf32, #tpu.memory_space<vmem>>, vector<16xf32>,
        %get3A_248 = vector.shape_cast %get3A_247 : vector<16xf32> to vector<16xf32>
        %sub3A_249 = arith.subf %get3A_242, %get3A_248 : vector<16xf32>
        %mul3A_250 = arith.mulf %sub3A_249, %sub3A_249 : vector<16xf32>
        %eq3A_251 = arith.cmpf oeq, %mul3A_250, %mul3A_250 : vector<16xf32>
        %jit3A_252 = arith.constant 0.000000e+00 : f32
        %broadcast_in_dim3A_253 = vector.broadcast %jit3A_252 : f32 to vector<16xf32>
        %select_n3A_254 = arith.select %eq3A_251, %mul3A_250, %broadcast_in_dim3A_253 : vector<16xi1>, vector<16xf32>
        %add3A_255 = arith.addf %scan3A_208, %select_n3A_254 : vector<16xf32>
        %jit3A_256 = arith.constant 1.000000e+00 : f32
        %jit3A_257 = arith.constant 0.000000e+00 : f32
        %broadcast_in_dim3A_258 = vector.broadcast %jit3A_256 : f32 to vector<16xf32>
        %broadcast_in_dim3A_259 = vector.broadcast %jit3A_257 : f32 to vector<16xf32>
        %select_n3A_260 = arith.select %eq3A_251, %broadcast_in_dim3A_258, %broadcast_in_dim3A_259 : vector<16xi1>, vector<16xf32>
        %add3A_261 = arith.addf %scan3A_210, %select_n3A_260 : vector<16xf32>
        %add3A_262 = arith.constant 32 : i32
        %add3A_263 = arith.addi %mul3A_212, %add3A_262 : i32
        %get3A_264 = arith.constant 0 : i32
        %get3A_265 = tpu.memref_slice %arg6[%scan3A_86, %get3A_264] : memref<8x2048xf32, #tpu.memory_space<vmem>> -> memref<1x2048xf32, #tpu.memory_space<vmem>>
        %get3A_266 = tpu.memref_squeeze %get3A_265 : memref<1x2048xf32, #tpu.memory_space<vmem>> -> memref<2048xf32, #tpu.memory_space<vmem>>
        %get3A_267 = arith.index_cast %add3A_263 : i32 to index
        %get3A_268 = tpu.vector_load %get3A_266[%get3A_267] {strides = array<i32>} : memref<2048xf32, #tpu.memory_space<vmem>>, vector<16xf32>,
        %get3A_269 = vector.shape_cast %get3A_268 : vector<16xf32> to vector<16xf32>
        %get3A_270 = arith.constant 0 : i32
        %get3A_271 = tpu.memref_slice %arg8[%scan3A_87, %get3A_270] : memref<8x2048xf32, #tpu.memory_space<vmem>> -> memref<1x2048xf32, #tpu.memory_space<vmem>>
        %get3A_272 = tpu.memref_squeeze %get3A_271 : memref<1x2048xf32, #tpu.memory_space<vmem>> -> memref<2048xf32, #tpu.memory_space<vmem>>
        %get3A_273 = arith.index_cast %add3A_263 : i32 to index
        %get3A_274 = tpu.vector_load %get3A_272[%get3A_273] {strides = array<i32>} : memref<2048xf32, #tpu.memory_space<vmem>>, vector<16xf32>,
        %get3A_275 = vector.shape_cast %get3A_274 : vector<16xf32> to vector<16xf32>
        %sub3A_276 = arith.subf %get3A_269, %get3A_275 : vector<16xf32>
        %mul3A_277 = arith.mulf %sub3A_276, %sub3A_276 : vector<16xf32>
        %eq3A_278 = arith.cmpf oeq, %mul3A_277, %mul3A_277 : vector<16xf32>
        %jit3A_279 = arith.constant 0.000000e+00 : f32
        %broadcast_in_dim3A_280 = vector.broadcast %jit3A_279 : f32 to vector<16xf32>
        %select_n3A_281 = arith.select %eq3A_278, %mul3A_277, %broadcast_in_dim3A_280 : vector<16xi1>, vector<16xf32>
        %add3A_282 = arith.addf %add3A_228, %select_n3A_281 : vector<16xf32>
        %jit3A_283 = arith.constant 1.000000e+00 : f32
        %jit3A_284 = arith.constant 0.000000e+00 : f32
        %broadcast_in_dim3A_285 = vector.broadcast %jit3A_283 : f32 to vector<16xf32>
        %broadcast_in_dim3A_286 = vector.broadcast %jit3A_284 : f32 to vector<16xf32>
        %select_n3A_287 = arith.select %eq3A_278, %broadcast_in_dim3A_285, %broadcast_in_dim3A_286 : vector<16xi1>, vector<16xf32>
        %add3A_288 = arith.addf %add3A_234, %select_n3A_287 : vector<16xf32>
        %add3A_289 = arith.constant 48 : i32
        %add3A_290 = arith.addi %mul3A_212, %add3A_289 : i32
        %get3A_291 = arith.constant 0 : i32
        %get3A_292 = tpu.memref_slice %arg6[%scan3A_86, %get3A_291] : memref<8x2048xf32, #tpu.memory_space<vmem>> -> memref<1x2048xf32, #tpu.memory_space<vmem>>
        %get3A_293 = tpu.memref_squeeze %get3A_292 : memref<1x2048xf32, #tpu.memory_space<vmem>> -> memref<2048xf32, #tpu.memory_space<vmem>>
        %get3A_294 = arith.index_cast %add3A_290 : i32 to index
        %get3A_295 = tpu.vector_load %get3A_293[%get3A_294] {strides = array<i32>} : memref<2048xf32, #tpu.memory_space<vmem>>, vector<16xf32>,
        %get3A_296 = vector.shape_cast %get3A_295 : vector<16xf32> to vector<16xf32>
        %get3A_297 = arith.constant 0 : i32
        %get3A_298 = tpu.memref_slice %arg8[%scan3A_87, %get3A_297] : memref<8x2048xf32, #tpu.memory_space<vmem>> -> memref<1x2048xf32, #tpu.memory_space<vmem>>
        %get3A_299 = tpu.memref_squeeze %get3A_298 : memref<1x2048xf32, #tpu.memory_space<vmem>> -> memref<2048xf32, #tpu.memory_space<vmem>>
        %get3A_300 = arith.index_cast %add3A_290 : i32 to index
        %get3A_301 = tpu.vector_load %get3A_299[%get3A_300] {strides = array<i32>} : memref<2048xf32, #tpu.memory_space<vmem>>, vector<16xf32>,
        %get3A_302 = vector.shape_cast %get3A_301 : vector<16xf32> to vector<16xf32>
        %sub3A_303 = arith.subf %get3A_296, %get3A_302 : vector<16xf32>
        %mul3A_304 = arith.mulf %sub3A_303, %sub3A_303 : vector<16xf32>
        %eq3A_305 = arith.cmpf oeq, %mul3A_304, %mul3A_304 : vector<16xf32>
        %jit3A_306 = arith.constant 0.000000e+00 : f32
        %broadcast_in_dim3A_307 = vector.broadcast %jit3A_306 : f32 to vector<16xf32>
        %select_n3A_308 = arith.select %eq3A_305, %mul3A_304, %broadcast_in_dim3A_307 : vector<16xi1>, vector<16xf32>
        %add3A_309 = arith.addf %add3A_255, %select_n3A_308 : vector<16xf32>
        %jit3A_310 = arith.constant 1.000000e+00 : f32
        %jit3A_311 = arith.constant 0.000000e+00 : f32
        %broadcast_in_dim3A_312 = vector.broadcast %jit3A_310 : f32 to vector<16xf32>
        %broadcast_in_dim3A_313 = vector.broadcast %jit3A_311 : f32 to vector<16xf32>
        %select_n3A_314 = arith.select %eq3A_305, %broadcast_in_dim3A_312, %broadcast_in_dim3A_313 : vector<16xi1>, vector<16xf32>
        %add3A_315 = arith.addf %add3A_261, %select_n3A_314 : vector<16xf32>
        %add3A_316 = arith.constant 64 : i32
        %add3A_317 = arith.addi %mul3A_212, %add3A_316 : i32
        %get3A_318 = arith.constant 0 : i32
        %get3A_319 = tpu.memref_slice %arg6[%scan3A_86, %get3A_318] : memref<8x2048xf32, #tpu.memory_space<vmem>> -> memref<1x2048xf32, #tpu.memory_space<vmem>>
        %get3A_320 = tpu.memref_squeeze %get3A_319 : memref<1x2048xf32, #tpu.memory_space<vmem>> -> memref<2048xf32, #tpu.memory_space<vmem>>
        %get3A_321 = arith.index_cast %add3A_317 : i32 to index
        %get3A_322 = tpu.vector_load %get3A_320[%get3A_321] {strides = array<i32>} : memref<2048xf32, #tpu.memory_space<vmem>>, vector<16xf32>,
        %get3A_323 = vector.shape_cast %get3A_322 : vector<16xf32> to vector<16xf32>
        %get3A_324 = arith.constant 0 : i32
        %get3A_325 = tpu.memref_slice %arg8[%scan3A_87, %get3A_324] : memref<8x2048xf32, #tpu.memory_space<vmem>> -> memref<1x2048xf32, #tpu.memory_space<vmem>>
        %get3A_326 = tpu.memref_squeeze %get3A_325 : memref<1x2048xf32, #tpu.memory_space<vmem>> -> memref<2048xf32, #tpu.memory_space<vmem>>
        %get3A_327 = arith.index_cast %add3A_317 : i32 to index
        %get3A_328 = tpu.vector_load %get3A_326[%get3A_327] {strides = array<i32>} : memref<2048xf32, #tpu.memory_space<vmem>>, vector<16xf32>,
        %get3A_329 = vector.shape_cast %get3A_328 : vector<16xf32> to vector<16xf32>
        %sub3A_330 = arith.subf %get3A_323, %get3A_329 : vector<16xf32>
        %mul3A_331 = arith.mulf %sub3A_330, %sub3A_330 : vector<16xf32>
        %eq3A_332 = arith.cmpf oeq, %mul3A_331, %mul3A_331 : vector<16xf32>
        %jit3A_333 = arith.constant 0.000000e+00 : f32
        %broadcast_in_dim3A_334 = vector.broadcast %jit3A_333 : f32 to vector<16xf32>
        %select_n3A_335 = arith.select %eq3A_332, %mul3A_331, %broadcast_in_dim3A_334 : vector<16xi1>, vector<16xf32>
        %add3A_336 = arith.addf %add3A_282, %select_n3A_335 : vector<16xf32>
        %jit3A_337 = arith.constant 1.000000e+00 : f32
        %jit3A_338 = arith.constant 0.000000e+00 : f32
        %broadcast_in_dim3A_339 = vector.broadcast %jit3A_337 : f32 to vector<16xf32>
        %broadcast_in_dim3A_340 = vector.broadcast %jit3A_338 : f32 to vector<16xf32>
        %select_n3A_341 = arith.select %eq3A_332, %broadcast_in_dim3A_339, %broadcast_in_dim3A_340 : vector<16xi1>, vector<16xf32>
        %add3A_342 = arith.addf %add3A_288, %select_n3A_341 : vector<16xf32>
        %add3A_343 = arith.constant 80 : i32
        %add3A_344 = arith.addi %mul3A_212, %add3A_343 : i32
        %get3A_345 = arith.constant 0 : i32
        %get3A_346 = tpu.memref_slice %arg6[%scan3A_86, %get3A_345] : memref<8x2048xf32, #tpu.memory_space<vmem>> -> memref<1x2048xf32, #tpu.memory_space<vmem>>
        %get3A_347 = tpu.memref_squeeze %get3A_346 : memref<1x2048xf32, #tpu.memory_space<vmem>> -> memref<2048xf32, #tpu.memory_space<vmem>>
        %get3A_348 = arith.index_cast %add3A_344 : i32 to index
        %get3A_349 = tpu.vector_load %get3A_347[%get3A_348] {strides = array<i32>} : memref<2048xf32, #tpu.memory_space<vmem>>, vector<16xf32>,
        %get3A_350 = vector.shape_cast %get3A_349 : vector<16xf32> to vector<16xf32>
        %get3A_351 = arith.constant 0 : i32
        %get3A_352 = tpu.memref_slice %arg8[%scan3A_87, %get3A_351] : memref<8x2048xf32, #tpu.memory_space<vmem>> -> memref<1x2048xf32, #tpu.memory_space<vmem>>
        %get3A_353 = tpu.memref_squeeze %get3A_352 : memref<1x2048xf32, #tpu.memory_space<vmem>> -> memref<2048xf32, #tpu.memory_space<vmem>>
        %get3A_354 = arith.index_cast %add3A_344 : i32 to index
        %get3A_355 = tpu.vector_load %get3A_353[%get3A_354] {strides = array<i32>} : memref<2048xf32, #tpu.memory_space<vmem>>, vector<16xf32>,
        %get3A_356 = vector.shape_cast %get3A_355 : vector<16xf32> to vector<16xf32>
        %sub3A_357 = arith.subf %get3A_350, %get3A_356 : vector<16xf32>
        %mul3A_358 = arith.mulf %sub3A_357, %sub3A_357 : vector<16xf32>
        %eq3A_359 = arith.cmpf oeq, %mul3A_358, %mul3A_358 : vector<16xf32>
        %jit3A_360 = arith.constant 0.000000e+00 : f32
        %broadcast_in_dim3A_361 = vector.broadcast %jit3A_360 : f32 to vector<16xf32>
        %select_n3A_362 = arith.select %eq3A_359, %mul3A_358, %broadcast_in_dim3A_361 : vector<16xi1>, vector<16xf32>
        %add3A_363 = arith.addf %add3A_309, %select_n3A_362 : vector<16xf32>
        %jit3A_364 = arith.constant 1.000000e+00 : f32
        %jit3A_365 = arith.constant 0.000000e+00 : f32
        %broadcast_in_dim3A_366 = vector.broadcast %jit3A_364 : f32 to vector<16xf32>
        %broadcast_in_dim3A_367 = vector.broadcast %jit3A_365 : f32 to vector<16xf32>
        %select_n3A_368 = arith.select %eq3A_359, %broadcast_in_dim3A_366, %broadcast_in_dim3A_367 : vector<16xi1>, vector<16xf32>
        %add3A_369 = arith.addf %add3A_315, %select_n3A_368 : vector<16xf32>
        %add3A_370 = arith.constant 96 : i32
        %add3A_371 = arith.addi %mul3A_212, %add3A_370 : i32
        %get3A_372 = arith.constant 0 : i32
        %get3A_373 = tpu.memref_slice %arg6[%scan3A_86, %get3A_372] : memref<8x2048xf32, #tpu.memory_space<vmem>> -> memref<1x2048xf32, #tpu.memory_space<vmem>>
        %get3A_374 = tpu.memref_squeeze %get3A_373 : memref<1x2048xf32, #tpu.memory_space<vmem>> -> memref<2048xf32, #tpu.memory_space<vmem>>
        %get3A_375 = arith.index_cast %add3A_371 : i32 to index
        %get3A_376 = tpu.vector_load %get3A_374[%get3A_375] {strides = array<i32>} : memref<2048xf32, #tpu.memory_space<vmem>>, vector<16xf32>,
        %get3A_377 = vector.shape_cast %get3A_376 : vector<16xf32> to vector<16xf32>
        %get3A_378 = arith.constant 0 : i32
        %get3A_379 = tpu.memref_slice %arg8[%scan3A_87, %get3A_378] : memref<8x2048xf32, #tpu.memory_space<vmem>> -> memref<1x2048xf32, #tpu.memory_space<vmem>>
        %get3A_380 = tpu.memref_squeeze %get3A_379 : memref<1x2048xf32, #tpu.memory_space<vmem>> -> memref<2048xf32, #tpu.memory_space<vmem>>
        %get3A_381 = arith.index_cast %add3A_371 : i32 to index
        %get3A_382 = tpu.vector_load %get3A_380[%get3A_381] {strides = array<i32>} : memref<2048xf32, #tpu.memory_space<vmem>>, vector<16xf32>,
        %get3A_383 = vector.shape_cast %get3A_382 : vector<16xf32> to vector<16xf32>
        %sub3A_384 = arith.subf %get3A_377, %get3A_383 : vector<16xf32>
        %mul3A_385 = arith.mulf %sub3A_384, %sub3A_384 : vector<16xf32>
        %eq3A_386 = arith.cmpf oeq, %mul3A_385, %mul3A_385 : vector<16xf32>
        %jit3A_387 = arith.constant 0.000000e+00 : f32
        %broadcast_in_dim3A_388 = vector.broadcast %jit3A_387 : f32 to vector<16xf32>
        %select_n3A_389 = arith.select %eq3A_386, %mul3A_385, %broadcast_in_dim3A_388 : vector<16xi1>, vector<16xf32>
        %add3A_390 = arith.addf %add3A_336, %select_n3A_389 : vector<16xf32>
        %jit3A_391 = arith.constant 1.000000e+00 : f32
        %jit3A_392 = arith.constant 0.000000e+00 : f32
        %broadcast_in_dim3A_393 = vector.broadcast %jit3A_391 : f32 to vector<16xf32>
        %broadcast_in_dim3A_394 = vector.broadcast %jit3A_392 : f32 to vector<16xf32>
        %select_n3A_395 = arith.select %eq3A_386, %broadcast_in_dim3A_393, %broadcast_in_dim3A_394 : vector<16xi1>, vector<16xf32>
        %add3A_396 = arith.addf %add3A_342, %select_n3A_395 : vector<16xf32>
        %add3A_397 = arith.constant 112 : i32
        %add3A_398 = arith.addi %mul3A_212, %add3A_397 : i32
        %get3A_399 = arith.constant 0 : i32
        %get3A_400 = tpu.memref_slice %arg6[%scan3A_86, %get3A_399] : memref<8x2048xf32, #tpu.memory_space<vmem>> -> memref<1x2048xf32, #tpu.memory_space<vmem>>
        %get3A_401 = tpu.memref_squeeze %get3A_400 : memref<1x2048xf32, #tpu.memory_space<vmem>> -> memref<2048xf32, #tpu.memory_space<vmem>>
        %get3A_402 = arith.index_cast %add3A_398 : i32 to index
        %get3A_403 = tpu.vector_load %get3A_401[%get3A_402] {strides = array<i32>} : memref<2048xf32, #tpu.memory_space<vmem>>, vector<16xf32>,
        %get3A_404 = vector.shape_cast %get3A_403 : vector<16xf32> to vector<16xf32>
        %get3A_405 = arith.constant 0 : i32
        %get3A_406 = tpu.memref_slice %arg8[%scan3A_87, %get3A_405] : memref<8x2048xf32, #tpu.memory_space<vmem>> -> memref<1x2048xf32, #tpu.memory_space<vmem>>
        %get3A_407 = tpu.memref_squeeze %get3A_406 : memref<1x2048xf32, #tpu.memory_space<vmem>> -> memref<2048xf32, #tpu.memory_space<vmem>>
        %get3A_408 = arith.index_cast %add3A_398 : i32 to index
        %get3A_409 = tpu.vector_load %get3A_407[%get3A_408] {strides = array<i32>} : memref<2048xf32, #tpu.memory_space<vmem>>, vector<16xf32>,
        %get3A_410 = vector.shape_cast %get3A_409 : vector<16xf32> to vector<16xf32>
        %sub3A_411 = arith.subf %get3A_404, %get3A_410 : vector<16xf32>
        %mul3A_412 = arith.mulf %sub3A_411, %sub3A_411 : vector<16xf32>
        %eq3A_413 = arith.cmpf oeq, %mul3A_412, %mul3A_412 : vector<16xf32>
        %jit3A_414 = arith.constant 0.000000e+00 : f32
        %broadcast_in_dim3A_415 = vector.broadcast %jit3A_414 : f32 to vector<16xf32>
        %select_n3A_416 = arith.select %eq3A_413, %mul3A_412, %broadcast_in_dim3A_415 : vector<16xi1>, vector<16xf32>
        %add3A_417 = arith.addf %add3A_363, %select_n3A_416 : vector<16xf32>
        %jit3A_418 = arith.constant 1.000000e+00 : f32
        %jit3A_419 = arith.constant 0.000000e+00 : f32
        %broadcast_in_dim3A_420 = vector.broadcast %jit3A_418 : f32 to vector<16xf32>
        %broadcast_in_dim3A_421 = vector.broadcast %jit3A_419 : f32 to vector<16xf32>
        %select_n3A_422 = arith.select %eq3A_413, %broadcast_in_dim3A_420, %broadcast_in_dim3A_421 : vector<16xi1>, vector<16xf32>
        %add3A_423 = arith.addf %add3A_369, %select_n3A_422 : vector<16xf32>
        scf.yield %add3A_390, %add3A_417, %add3A_396, %add3A_423 : vector<16xf32>, vector<16xf32>, vector<16xf32>, vector<16xf32>
      }
      %scan3A_93 = arith.constant 16 : i32
      %scan3A_94 = arith.constant 4 : i32
      %scan3A_95 = arith.constant 4 : i32
      %scan3A_96 = arith.constant 0 : i32
      %scan3A_97 = arith.constant 16 : i32
      %scan3A_98 = arith.addi %scan3A_96, %scan3A_97 : i32
      %scan3A_99 = arith.constant 1 : i32
      %scan3A_100:4 = scf.for %scan3A_206 = %scan3A_96 to %scan3A_98 step %scan3A_99 iter_args(%scan3A_207 = %scan3A_92#0, %scan3A_208 = %scan3A_92#1, %scan3A_209 = %scan3A_92#2, %scan3A_210 = %scan3A_92#3) -> (vector<16xf32>, vector<16xf32>, vector<16xf32>, vector<16xf32>)  : i32 {
        %mul3A_211 = arith.constant 128 : i32
        %mul3A_212 = arith.muli %scan3A_206, %mul3A_211 : i32
        %add3A_213 = arith.constant 0 : i32
        %add3A_214 = arith.addi %mul3A_212, %add3A_213 : i32
        %get3A = arith.constant 0 : i32
        %get3A_215 = tpu.memref_slice %arg6[%scan3A_94, %get3A] : memref<8x2048xf32, #tpu.memory_space<vmem>> -> memref<1x2048xf32, #tpu.memory_space<vmem>>
        %get3A_216 = tpu.memref_squeeze %get3A_215 : memref<1x2048xf32, #tpu.memory_space<vmem>> -> memref<2048xf32, #tpu.memory_space<vmem>>
        %get3A_217 = arith.index_cast %add3A_214 : i32 to index
        %get3A_218 = tpu.vector_load %get3A_216[%get3A_217] {strides = array<i32>} : memref<2048xf32, #tpu.memory_space<vmem>>, vector<16xf32>,
        %get3A_219 = vector.shape_cast %get3A_218 : vector<16xf32> to vector<16xf32>
        %get3A_220 = arith.constant 0 : i32
        %get3A_221 = tpu.memref_slice %arg8[%scan3A_95, %get3A_220] : memref<8x2048xf32, #tpu.memory_space<vmem>> -> memref<1x2048xf32, #tpu.memory_space<vmem>>
        %get3A_222 = tpu.memref_squeeze %get3A_221 : memref<1x2048xf32, #tpu.memory_space<vmem>> -> memref<2048xf32, #tpu.memory_space<vmem>>
        %get3A_223 = arith.index_cast %add3A_214 : i32 to index
        %get3A_224 = tpu.vector_load %get3A_222[%get3A_223] {strides = array<i32>} : memref<2048xf32, #tpu.memory_space<vmem>>, vector<16xf32>,
        %get3A_225 = vector.shape_cast %get3A_224 : vector<16xf32> to vector<16xf32>
        %sub3A = arith.subf %get3A_219, %get3A_225 : vector<16xf32>
        %mul3A_226 = arith.mulf %sub3A, %sub3A : vector<16xf32>
        %eq3A = arith.cmpf oeq, %mul3A_226, %mul3A_226 : vector<16xf32>
        %jit3A = arith.constant 0.000000e+00 : f32
        %broadcast_in_dim3A_227 = vector.broadcast %jit3A : f32 to vector<16xf32>
        %select_n3A = arith.select %eq3A, %mul3A_226, %broadcast_in_dim3A_227 : vector<16xi1>, vector<16xf32>
        %add3A_228 = arith.addf %scan3A_207, %select_n3A : vector<16xf32>
        %jit3A_229 = arith.constant 1.000000e+00 : f32
        %jit3A_230 = arith.constant 0.000000e+00 : f32
        %broadcast_in_dim3A_231 = vector.broadcast %jit3A_229 : f32 to vector<16xf32>
        %broadcast_in_dim3A_232 = vector.broadcast %jit3A_230 : f32 to vector<16xf32>
        %select_n3A_233 = arith.select %eq3A, %broadcast_in_dim3A_231, %broadcast_in_dim3A_232 : vector<16xi1>, vector<16xf32>
        %add3A_234 = arith.addf %scan3A_209, %select_n3A_233 : vector<16xf32>
        %add3A_235 = arith.constant 16 : i32
        %add3A_236 = arith.addi %mul3A_212, %add3A_235 : i32
        %get3A_237 = arith.constant 0 : i32
        %get3A_238 = tpu.memref_slice %arg6[%scan3A_94, %get3A_237] : memref<8x2048xf32, #tpu.memory_space<vmem>> -> memref<1x2048xf32, #tpu.memory_space<vmem>>
        %get3A_239 = tpu.memref_squeeze %get3A_238 : memref<1x2048xf32, #tpu.memory_space<vmem>> -> memref<2048xf32, #tpu.memory_space<vmem>>
        %get3A_240 = arith.index_cast %add3A_236 : i32 to index
        %get3A_241 = tpu.vector_load %get3A_239[%get3A_240] {strides = array<i32>} : memref<2048xf32, #tpu.memory_space<vmem>>, vector<16xf32>,
        %get3A_242 = vector.shape_cast %get3A_241 : vector<16xf32> to vector<16xf32>
        %get3A_243 = arith.constant 0 : i32
        %get3A_244 = tpu.memref_slice %arg8[%scan3A_95, %get3A_243] : memref<8x2048xf32, #tpu.memory_space<vmem>> -> memref<1x2048xf32, #tpu.memory_space<vmem>>
        %get3A_245 = tpu.memref_squeeze %get3A_244 : memref<1x2048xf32, #tpu.memory_space<vmem>> -> memref<2048xf32, #tpu.memory_space<vmem>>
        %get3A_246 = arith.index_cast %add3A_236 : i32 to index
        %get3A_247 = tpu.vector_load %get3A_245[%get3A_246] {strides = array<i32>} : memref<2048xf32, #tpu.memory_space<vmem>>, vector<16xf32>,
        %get3A_248 = vector.shape_cast %get3A_247 : vector<16xf32> to vector<16xf32>
        %sub3A_249 = arith.subf %get3A_242, %get3A_248 : vector<16xf32>
        %mul3A_250 = arith.mulf %sub3A_249, %sub3A_249 : vector<16xf32>
        %eq3A_251 = arith.cmpf oeq, %mul3A_250, %mul3A_250 : vector<16xf32>
        %jit3A_252 = arith.constant 0.000000e+00 : f32
        %broadcast_in_dim3A_253 = vector.broadcast %jit3A_252 : f32 to vector<16xf32>
        %select_n3A_254 = arith.select %eq3A_251, %mul3A_250, %broadcast_in_dim3A_253 : vector<16xi1>, vector<16xf32>
        %add3A_255 = arith.addf %scan3A_208, %select_n3A_254 : vector<16xf32>
        %jit3A_256 = arith.constant 1.000000e+00 : f32
        %jit3A_257 = arith.constant 0.000000e+00 : f32
        %broadcast_in_dim3A_258 = vector.broadcast %jit3A_256 : f32 to vector<16xf32>
        %broadcast_in_dim3A_259 = vector.broadcast %jit3A_257 : f32 to vector<16xf32>
        %select_n3A_260 = arith.select %eq3A_251, %broadcast_in_dim3A_258, %broadcast_in_dim3A_259 : vector<16xi1>, vector<16xf32>
        %add3A_261 = arith.addf %scan3A_210, %select_n3A_260 : vector<16xf32>
        %add3A_262 = arith.constant 32 : i32
        %add3A_263 = arith.addi %mul3A_212, %add3A_262 : i32
        %get3A_264 = arith.constant 0 : i32
        %get3A_265 = tpu.memref_slice %arg6[%scan3A_94, %get3A_264] : memref<8x2048xf32, #tpu.memory_space<vmem>> -> memref<1x2048xf32, #tpu.memory_space<vmem>>
        %get3A_266 = tpu.memref_squeeze %get3A_265 : memref<1x2048xf32, #tpu.memory_space<vmem>> -> memref<2048xf32, #tpu.memory_space<vmem>>
        %get3A_267 = arith.index_cast %add3A_263 : i32 to index
        %get3A_268 = tpu.vector_load %get3A_266[%get3A_267] {strides = array<i32>} : memref<2048xf32, #tpu.memory_space<vmem>>, vector<16xf32>,
        %get3A_269 = vector.shape_cast %get3A_268 : vector<16xf32> to vector<16xf32>
        %get3A_270 = arith.constant 0 : i32
        %get3A_271 = tpu.memref_slice %arg8[%scan3A_95, %get3A_270] : memref<8x2048xf32, #tpu.memory_space<vmem>> -> memref<1x2048xf32, #tpu.memory_space<vmem>>
        %get3A_272 = tpu.memref_squeeze %get3A_271 : memref<1x2048xf32, #tpu.memory_space<vmem>> -> memref<2048xf32, #tpu.memory_space<vmem>>
        %get3A_273 = arith.index_cast %add3A_263 : i32 to index
        %get3A_274 = tpu.vector_load %get3A_272[%get3A_273] {strides = array<i32>} : memref<2048xf32, #tpu.memory_space<vmem>>, vector<16xf32>,
        %get3A_275 = vector.shape_cast %get3A_274 : vector<16xf32> to vector<16xf32>
        %sub3A_276 = arith.subf %get3A_269, %get3A_275 : vector<16xf32>
        %mul3A_277 = arith.mulf %sub3A_276, %sub3A_276 : vector<16xf32>
        %eq3A_278 = arith.cmpf oeq, %mul3A_277, %mul3A_277 : vector<16xf32>
        %jit3A_279 = arith.constant 0.000000e+00 : f32
        %broadcast_in_dim3A_280 = vector.broadcast %jit3A_279 : f32 to vector<16xf32>
        %select_n3A_281 = arith.select %eq3A_278, %mul3A_277, %broadcast_in_dim3A_280 : vector<16xi1>, vector<16xf32>
        %add3A_282 = arith.addf %add3A_228, %select_n3A_281 : vector<16xf32>
        %jit3A_283 = arith.constant 1.000000e+00 : f32
        %jit3A_284 = arith.constant 0.000000e+00 : f32
        %broadcast_in_dim3A_285 = vector.broadcast %jit3A_283 : f32 to vector<16xf32>
        %broadcast_in_dim3A_286 = vector.broadcast %jit3A_284 : f32 to vector<16xf32>
        %select_n3A_287 = arith.select %eq3A_278, %broadcast_in_dim3A_285, %broadcast_in_dim3A_286 : vector<16xi1>, vector<16xf32>
        %add3A_288 = arith.addf %add3A_234, %select_n3A_287 : vector<16xf32>
        %add3A_289 = arith.constant 48 : i32
        %add3A_290 = arith.addi %mul3A_212, %add3A_289 : i32
        %get3A_291 = arith.constant 0 : i32
        %get3A_292 = tpu.memref_slice %arg6[%scan3A_94, %get3A_291] : memref<8x2048xf32, #tpu.memory_space<vmem>> -> memref<1x2048xf32, #tpu.memory_space<vmem>>
        %get3A_293 = tpu.memref_squeeze %get3A_292 : memref<1x2048xf32, #tpu.memory_space<vmem>> -> memref<2048xf32, #tpu.memory_space<vmem>>
        %get3A_294 = arith.index_cast %add3A_290 : i32 to index
        %get3A_295 = tpu.vector_load %get3A_293[%get3A_294] {strides = array<i32>} : memref<2048xf32, #tpu.memory_space<vmem>>, vector<16xf32>,
        %get3A_296 = vector.shape_cast %get3A_295 : vector<16xf32> to vector<16xf32>
        %get3A_297 = arith.constant 0 : i32
        %get3A_298 = tpu.memref_slice %arg8[%scan3A_95, %get3A_297] : memref<8x2048xf32, #tpu.memory_space<vmem>> -> memref<1x2048xf32, #tpu.memory_space<vmem>>
        %get3A_299 = tpu.memref_squeeze %get3A_298 : memref<1x2048xf32, #tpu.memory_space<vmem>> -> memref<2048xf32, #tpu.memory_space<vmem>>
        %get3A_300 = arith.index_cast %add3A_290 : i32 to index
        %get3A_301 = tpu.vector_load %get3A_299[%get3A_300] {strides = array<i32>} : memref<2048xf32, #tpu.memory_space<vmem>>, vector<16xf32>,
        %get3A_302 = vector.shape_cast %get3A_301 : vector<16xf32> to vector<16xf32>
        %sub3A_303 = arith.subf %get3A_296, %get3A_302 : vector<16xf32>
        %mul3A_304 = arith.mulf %sub3A_303, %sub3A_303 : vector<16xf32>
        %eq3A_305 = arith.cmpf oeq, %mul3A_304, %mul3A_304 : vector<16xf32>
        %jit3A_306 = arith.constant 0.000000e+00 : f32
        %broadcast_in_dim3A_307 = vector.broadcast %jit3A_306 : f32 to vector<16xf32>
        %select_n3A_308 = arith.select %eq3A_305, %mul3A_304, %broadcast_in_dim3A_307 : vector<16xi1>, vector<16xf32>
        %add3A_309 = arith.addf %add3A_255, %select_n3A_308 : vector<16xf32>
        %jit3A_310 = arith.constant 1.000000e+00 : f32
        %jit3A_311 = arith.constant 0.000000e+00 : f32
        %broadcast_in_dim3A_312 = vector.broadcast %jit3A_310 : f32 to vector<16xf32>
        %broadcast_in_dim3A_313 = vector.broadcast %jit3A_311 : f32 to vector<16xf32>
        %select_n3A_314 = arith.select %eq3A_305, %broadcast_in_dim3A_312, %broadcast_in_dim3A_313 : vector<16xi1>, vector<16xf32>
        %add3A_315 = arith.addf %add3A_261, %select_n3A_314 : vector<16xf32>
        %add3A_316 = arith.constant 64 : i32
        %add3A_317 = arith.addi %mul3A_212, %add3A_316 : i32
        %get3A_318 = arith.constant 0 : i32
        %get3A_319 = tpu.memref_slice %arg6[%scan3A_94, %get3A_318] : memref<8x2048xf32, #tpu.memory_space<vmem>> -> memref<1x2048xf32, #tpu.memory_space<vmem>>
        %get3A_320 = tpu.memref_squeeze %get3A_319 : memref<1x2048xf32, #tpu.memory_space<vmem>> -> memref<2048xf32, #tpu.memory_space<vmem>>
        %get3A_321 = arith.index_cast %add3A_317 : i32 to index
        %get3A_322 = tpu.vector_load %get3A_320[%get3A_321] {strides = array<i32>} : memref<2048xf32, #tpu.memory_space<vmem>>, vector<16xf32>,
        %get3A_323 = vector.shape_cast %get3A_322 : vector<16xf32> to vector<16xf32>
        %get3A_324 = arith.constant 0 : i32
        %get3A_325 = tpu.memref_slice %arg8[%scan3A_95, %get3A_324] : memref<8x2048xf32, #tpu.memory_space<vmem>> -> memref<1x2048xf32, #tpu.memory_space<vmem>>
        %get3A_326 = tpu.memref_squeeze %get3A_325 : memref<1x2048xf32, #tpu.memory_space<vmem>> -> memref<2048xf32, #tpu.memory_space<vmem>>
        %get3A_327 = arith.index_cast %add3A_317 : i32 to index
        %get3A_328 = tpu.vector_load %get3A_326[%get3A_327] {strides = array<i32>} : memref<2048xf32, #tpu.memory_space<vmem>>, vector<16xf32>,
        %get3A_329 = vector.shape_cast %get3A_328 : vector<16xf32> to vector<16xf32>
        %sub3A_330 = arith.subf %get3A_323, %get3A_329 : vector<16xf32>
        %mul3A_331 = arith.mulf %sub3A_330, %sub3A_330 : vector<16xf32>
        %eq3A_332 = arith.cmpf oeq, %mul3A_331, %mul3A_331 : vector<16xf32>
        %jit3A_333 = arith.constant 0.000000e+00 : f32
        %broadcast_in_dim3A_334 = vector.broadcast %jit3A_333 : f32 to vector<16xf32>
        %select_n3A_335 = arith.select %eq3A_332, %mul3A_331, %broadcast_in_dim3A_334 : vector<16xi1>, vector<16xf32>
        %add3A_336 = arith.addf %add3A_282, %select_n3A_335 : vector<16xf32>
        %jit3A_337 = arith.constant 1.000000e+00 : f32
        %jit3A_338 = arith.constant 0.000000e+00 : f32
        %broadcast_in_dim3A_339 = vector.broadcast %jit3A_337 : f32 to vector<16xf32>
        %broadcast_in_dim3A_340 = vector.broadcast %jit3A_338 : f32 to vector<16xf32>
        %select_n3A_341 = arith.select %eq3A_332, %broadcast_in_dim3A_339, %broadcast_in_dim3A_340 : vector<16xi1>, vector<16xf32>
        %add3A_342 = arith.addf %add3A_288, %select_n3A_341 : vector<16xf32>
        %add3A_343 = arith.constant 80 : i32
        %add3A_344 = arith.addi %mul3A_212, %add3A_343 : i32
        %get3A_345 = arith.constant 0 : i32
        %get3A_346 = tpu.memref_slice %arg6[%scan3A_94, %get3A_345] : memref<8x2048xf32, #tpu.memory_space<vmem>> -> memref<1x2048xf32, #tpu.memory_space<vmem>>
        %get3A_347 = tpu.memref_squeeze %get3A_346 : memref<1x2048xf32, #tpu.memory_space<vmem>> -> memref<2048xf32, #tpu.memory_space<vmem>>
        %get3A_348 = arith.index_cast %add3A_344 : i32 to index
        %get3A_349 = tpu.vector_load %get3A_347[%get3A_348] {strides = array<i32>} : memref<2048xf32, #tpu.memory_space<vmem>>, vector<16xf32>,
        %get3A_350 = vector.shape_cast %get3A_349 : vector<16xf32> to vector<16xf32>
        %get3A_351 = arith.constant 0 : i32
        %get3A_352 = tpu.memref_slice %arg8[%scan3A_95, %get3A_351] : memref<8x2048xf32, #tpu.memory_space<vmem>> -> memref<1x2048xf32, #tpu.memory_space<vmem>>
        %get3A_353 = tpu.memref_squeeze %get3A_352 : memref<1x2048xf32, #tpu.memory_space<vmem>> -> memref<2048xf32, #tpu.memory_space<vmem>>
        %get3A_354 = arith.index_cast %add3A_344 : i32 to index
        %get3A_355 = tpu.vector_load %get3A_353[%get3A_354] {strides = array<i32>} : memref<2048xf32, #tpu.memory_space<vmem>>, vector<16xf32>,
        %get3A_356 = vector.shape_cast %get3A_355 : vector<16xf32> to vector<16xf32>
        %sub3A_357 = arith.subf %get3A_350, %get3A_356 : vector<16xf32>
        %mul3A_358 = arith.mulf %sub3A_357, %sub3A_357 : vector<16xf32>
        %eq3A_359 = arith.cmpf oeq, %mul3A_358, %mul3A_358 : vector<16xf32>
        %jit3A_360 = arith.constant 0.000000e+00 : f32
        %broadcast_in_dim3A_361 = vector.broadcast %jit3A_360 : f32 to vector<16xf32>
        %select_n3A_362 = arith.select %eq3A_359, %mul3A_358, %broadcast_in_dim3A_361 : vector<16xi1>, vector<16xf32>
        %add3A_363 = arith.addf %add3A_309, %select_n3A_362 : vector<16xf32>
        %jit3A_364 = arith.constant 1.000000e+00 : f32
        %jit3A_365 = arith.constant 0.000000e+00 : f32
        %broadcast_in_dim3A_366 = vector.broadcast %jit3A_364 : f32 to vector<16xf32>
        %broadcast_in_dim3A_367 = vector.broadcast %jit3A_365 : f32 to vector<16xf32>
        %select_n3A_368 = arith.select %eq3A_359, %broadcast_in_dim3A_366, %broadcast_in_dim3A_367 : vector<16xi1>, vector<16xf32>
        %add3A_369 = arith.addf %add3A_315, %select_n3A_368 : vector<16xf32>
        %add3A_370 = arith.constant 96 : i32
        %add3A_371 = arith.addi %mul3A_212, %add3A_370 : i32
        %get3A_372 = arith.constant 0 : i32
        %get3A_373 = tpu.memref_slice %arg6[%scan3A_94, %get3A_372] : memref<8x2048xf32, #tpu.memory_space<vmem>> -> memref<1x2048xf32, #tpu.memory_space<vmem>>
        %get3A_374 = tpu.memref_squeeze %get3A_373 : memref<1x2048xf32, #tpu.memory_space<vmem>> -> memref<2048xf32, #tpu.memory_space<vmem>>
        %get3A_375 = arith.index_cast %add3A_371 : i32 to index
        %get3A_376 = tpu.vector_load %get3A_374[%get3A_375] {strides = array<i32>} : memref<2048xf32, #tpu.memory_space<vmem>>, vector<16xf32>,
        %get3A_377 = vector.shape_cast %get3A_376 : vector<16xf32> to vector<16xf32>
        %get3A_378 = arith.constant 0 : i32
        %get3A_379 = tpu.memref_slice %arg8[%scan3A_95, %get3A_378] : memref<8x2048xf32, #tpu.memory_space<vmem>> -> memref<1x2048xf32, #tpu.memory_space<vmem>>
        %get3A_380 = tpu.memref_squeeze %get3A_379 : memref<1x2048xf32, #tpu.memory_space<vmem>> -> memref<2048xf32, #tpu.memory_space<vmem>>
        %get3A_381 = arith.index_cast %add3A_371 : i32 to index
        %get3A_382 = tpu.vector_load %get3A_380[%get3A_381] {strides = array<i32>} : memref<2048xf32, #tpu.memory_space<vmem>>, vector<16xf32>,
        %get3A_383 = vector.shape_cast %get3A_382 : vector<16xf32> to vector<16xf32>
        %sub3A_384 = arith.subf %get3A_377, %get3A_383 : vector<16xf32>
        %mul3A_385 = arith.mulf %sub3A_384, %sub3A_384 : vector<16xf32>
        %eq3A_386 = arith.cmpf oeq, %mul3A_385, %mul3A_385 : vector<16xf32>
        %jit3A_387 = arith.constant 0.000000e+00 : f32
        %broadcast_in_dim3A_388 = vector.broadcast %jit3A_387 : f32 to vector<16xf32>
        %select_n3A_389 = arith.select %eq3A_386, %mul3A_385, %broadcast_in_dim3A_388 : vector<16xi1>, vector<16xf32>
        %add3A_390 = arith.addf %add3A_336, %select_n3A_389 : vector<16xf32>
        %jit3A_391 = arith.constant 1.000000e+00 : f32
        %jit3A_392 = arith.constant 0.000000e+00 : f32
        %broadcast_in_dim3A_393 = vector.broadcast %jit3A_391 : f32 to vector<16xf32>
        %broadcast_in_dim3A_394 = vector.broadcast %jit3A_392 : f32 to vector<16xf32>
        %select_n3A_395 = arith.select %eq3A_386, %broadcast_in_dim3A_393, %broadcast_in_dim3A_394 : vector<16xi1>, vector<16xf32>
        %add3A_396 = arith.addf %add3A_342, %select_n3A_395 : vector<16xf32>
        %add3A_397 = arith.constant 112 : i32
        %add3A_398 = arith.addi %mul3A_212, %add3A_397 : i32
        %get3A_399 = arith.constant 0 : i32
        %get3A_400 = tpu.memref_slice %arg6[%scan3A_94, %get3A_399] : memref<8x2048xf32, #tpu.memory_space<vmem>> -> memref<1x2048xf32, #tpu.memory_space<vmem>>
        %get3A_401 = tpu.memref_squeeze %get3A_400 : memref<1x2048xf32, #tpu.memory_space<vmem>> -> memref<2048xf32, #tpu.memory_space<vmem>>
        %get3A_402 = arith.index_cast %add3A_398 : i32 to index
        %get3A_403 = tpu.vector_load %get3A_401[%get3A_402] {strides = array<i32>} : memref<2048xf32, #tpu.memory_space<vmem>>, vector<16xf32>,
        %get3A_404 = vector.shape_cast %get3A_403 : vector<16xf32> to vector<16xf32>
        %get3A_405 = arith.constant 0 : i32
        %get3A_406 = tpu.memref_slice %arg8[%scan3A_95, %get3A_405] : memref<8x2048xf32, #tpu.memory_space<vmem>> -> memref<1x2048xf32, #tpu.memory_space<vmem>>
        %get3A_407 = tpu.memref_squeeze %get3A_406 : memref<1x2048xf32, #tpu.memory_space<vmem>> -> memref<2048xf32, #tpu.memory_space<vmem>>
        %get3A_408 = arith.index_cast %add3A_398 : i32 to index
        %get3A_409 = tpu.vector_load %get3A_407[%get3A_408] {strides = array<i32>} : memref<2048xf32, #tpu.memory_space<vmem>>, vector<16xf32>,
        %get3A_410 = vector.shape_cast %get3A_409 : vector<16xf32> to vector<16xf32>
        %sub3A_411 = arith.subf %get3A_404, %get3A_410 : vector<16xf32>
        %mul3A_412 = arith.mulf %sub3A_411, %sub3A_411 : vector<16xf32>
        %eq3A_413 = arith.cmpf oeq, %mul3A_412, %mul3A_412 : vector<16xf32>
        %jit3A_414 = arith.constant 0.000000e+00 : f32
        %broadcast_in_dim3A_415 = vector.broadcast %jit3A_414 : f32 to vector<16xf32>
        %select_n3A_416 = arith.select %eq3A_413, %mul3A_412, %broadcast_in_dim3A_415 : vector<16xi1>, vector<16xf32>
        %add3A_417 = arith.addf %add3A_363, %select_n3A_416 : vector<16xf32>
        %jit3A_418 = arith.constant 1.000000e+00 : f32
        %jit3A_419 = arith.constant 0.000000e+00 : f32
        %broadcast_in_dim3A_420 = vector.broadcast %jit3A_418 : f32 to vector<16xf32>
        %broadcast_in_dim3A_421 = vector.broadcast %jit3A_419 : f32 to vector<16xf32>
        %select_n3A_422 = arith.select %eq3A_413, %broadcast_in_dim3A_420, %broadcast_in_dim3A_421 : vector<16xi1>, vector<16xf32>
        %add3A_423 = arith.addf %add3A_369, %select_n3A_422 : vector<16xf32>
        scf.yield %add3A_390, %add3A_417, %add3A_396, %add3A_423 : vector<16xf32>, vector<16xf32>, vector<16xf32>, vector<16xf32>
      }
      %scan3A_101 = arith.constant 16 : i32
      %scan3A_102 = arith.constant 5 : i32
      %scan3A_103 = arith.constant 5 : i32
      %scan3A_104 = arith.constant 0 : i32
      %scan3A_105 = arith.constant 16 : i32
      %scan3A_106 = arith.addi %scan3A_104, %scan3A_105 : i32
      %scan3A_107 = arith.constant 1 : i32
      %scan3A_108:4 = scf.for %scan3A_206 = %scan3A_104 to %scan3A_106 step %scan3A_107 iter_args(%scan3A_207 = %scan3A_100#0, %scan3A_208 = %scan3A_100#1, %scan3A_209 = %scan3A_100#2, %scan3A_210 = %scan3A_100#3) -> (vector<16xf32>, vector<16xf32>, vector<16xf32>, vector<16xf32>)  : i32 {
        %mul3A_211 = arith.constant 128 : i32
        %mul3A_212 = arith.muli %scan3A_206, %mul3A_211 : i32
        %add3A_213 = arith.constant 0 : i32
        %add3A_214 = arith.addi %mul3A_212, %add3A_213 : i32
        %get3A = arith.constant 0 : i32
        %get3A_215 = tpu.memref_slice %arg6[%scan3A_102, %get3A] : memref<8x2048xf32, #tpu.memory_space<vmem>> -> memref<1x2048xf32, #tpu.memory_space<vmem>>
        %get3A_216 = tpu.memref_squeeze %get3A_215 : memref<1x2048xf32, #tpu.memory_space<vmem>> -> memref<2048xf32, #tpu.memory_space<vmem>>
        %get3A_217 = arith.index_cast %add3A_214 : i32 to index
        %get3A_218 = tpu.vector_load %get3A_216[%get3A_217] {strides = array<i32>} : memref<2048xf32, #tpu.memory_space<vmem>>, vector<16xf32>,
        %get3A_219 = vector.shape_cast %get3A_218 : vector<16xf32> to vector<16xf32>
        %get3A_220 = arith.constant 0 : i32
        %get3A_221 = tpu.memref_slice %arg8[%scan3A_103, %get3A_220] : memref<8x2048xf32, #tpu.memory_space<vmem>> -> memref<1x2048xf32, #tpu.memory_space<vmem>>
        %get3A_222 = tpu.memref_squeeze %get3A_221 : memref<1x2048xf32, #tpu.memory_space<vmem>> -> memref<2048xf32, #tpu.memory_space<vmem>>
        %get3A_223 = arith.index_cast %add3A_214 : i32 to index
        %get3A_224 = tpu.vector_load %get3A_222[%get3A_223] {strides = array<i32>} : memref<2048xf32, #tpu.memory_space<vmem>>, vector<16xf32>,
        %get3A_225 = vector.shape_cast %get3A_224 : vector<16xf32> to vector<16xf32>
        %sub3A = arith.subf %get3A_219, %get3A_225 : vector<16xf32>
        %mul3A_226 = arith.mulf %sub3A, %sub3A : vector<16xf32>
        %eq3A = arith.cmpf oeq, %mul3A_226, %mul3A_226 : vector<16xf32>
        %jit3A = arith.constant 0.000000e+00 : f32
        %broadcast_in_dim3A_227 = vector.broadcast %jit3A : f32 to vector<16xf32>
        %select_n3A = arith.select %eq3A, %mul3A_226, %broadcast_in_dim3A_227 : vector<16xi1>, vector<16xf32>
        %add3A_228 = arith.addf %scan3A_207, %select_n3A : vector<16xf32>
        %jit3A_229 = arith.constant 1.000000e+00 : f32
        %jit3A_230 = arith.constant 0.000000e+00 : f32
        %broadcast_in_dim3A_231 = vector.broadcast %jit3A_229 : f32 to vector<16xf32>
        %broadcast_in_dim3A_232 = vector.broadcast %jit3A_230 : f32 to vector<16xf32>
        %select_n3A_233 = arith.select %eq3A, %broadcast_in_dim3A_231, %broadcast_in_dim3A_232 : vector<16xi1>, vector<16xf32>
        %add3A_234 = arith.addf %scan3A_209, %select_n3A_233 : vector<16xf32>
        %add3A_235 = arith.constant 16 : i32
        %add3A_236 = arith.addi %mul3A_212, %add3A_235 : i32
        %get3A_237 = arith.constant 0 : i32
        %get3A_238 = tpu.memref_slice %arg6[%scan3A_102, %get3A_237] : memref<8x2048xf32, #tpu.memory_space<vmem>> -> memref<1x2048xf32, #tpu.memory_space<vmem>>
        %get3A_239 = tpu.memref_squeeze %get3A_238 : memref<1x2048xf32, #tpu.memory_space<vmem>> -> memref<2048xf32, #tpu.memory_space<vmem>>
        %get3A_240 = arith.index_cast %add3A_236 : i32 to index
        %get3A_241 = tpu.vector_load %get3A_239[%get3A_240] {strides = array<i32>} : memref<2048xf32, #tpu.memory_space<vmem>>, vector<16xf32>,
        %get3A_242 = vector.shape_cast %get3A_241 : vector<16xf32> to vector<16xf32>
        %get3A_243 = arith.constant 0 : i32
        %get3A_244 = tpu.memref_slice %arg8[%scan3A_103, %get3A_243] : memref<8x2048xf32, #tpu.memory_space<vmem>> -> memref<1x2048xf32, #tpu.memory_space<vmem>>
        %get3A_245 = tpu.memref_squeeze %get3A_244 : memref<1x2048xf32, #tpu.memory_space<vmem>> -> memref<2048xf32, #tpu.memory_space<vmem>>
        %get3A_246 = arith.index_cast %add3A_236 : i32 to index
        %get3A_247 = tpu.vector_load %get3A_245[%get3A_246] {strides = array<i32>} : memref<2048xf32, #tpu.memory_space<vmem>>, vector<16xf32>,
        %get3A_248 = vector.shape_cast %get3A_247 : vector<16xf32> to vector<16xf32>
        %sub3A_249 = arith.subf %get3A_242, %get3A_248 : vector<16xf32>
        %mul3A_250 = arith.mulf %sub3A_249, %sub3A_249 : vector<16xf32>
        %eq3A_251 = arith.cmpf oeq, %mul3A_250, %mul3A_250 : vector<16xf32>
        %jit3A_252 = arith.constant 0.000000e+00 : f32
        %broadcast_in_dim3A_253 = vector.broadcast %jit3A_252 : f32 to vector<16xf32>
        %select_n3A_254 = arith.select %eq3A_251, %mul3A_250, %broadcast_in_dim3A_253 : vector<16xi1>, vector<16xf32>
        %add3A_255 = arith.addf %scan3A_208, %select_n3A_254 : vector<16xf32>
        %jit3A_256 = arith.constant 1.000000e+00 : f32
        %jit3A_257 = arith.constant 0.000000e+00 : f32
        %broadcast_in_dim3A_258 = vector.broadcast %jit3A_256 : f32 to vector<16xf32>
        %broadcast_in_dim3A_259 = vector.broadcast %jit3A_257 : f32 to vector<16xf32>
        %select_n3A_260 = arith.select %eq3A_251, %broadcast_in_dim3A_258, %broadcast_in_dim3A_259 : vector<16xi1>, vector<16xf32>
        %add3A_261 = arith.addf %scan3A_210, %select_n3A_260 : vector<16xf32>
        %add3A_262 = arith.constant 32 : i32
        %add3A_263 = arith.addi %mul3A_212, %add3A_262 : i32
        %get3A_264 = arith.constant 0 : i32
        %get3A_265 = tpu.memref_slice %arg6[%scan3A_102, %get3A_264] : memref<8x2048xf32, #tpu.memory_space<vmem>> -> memref<1x2048xf32, #tpu.memory_space<vmem>>
        %get3A_266 = tpu.memref_squeeze %get3A_265 : memref<1x2048xf32, #tpu.memory_space<vmem>> -> memref<2048xf32, #tpu.memory_space<vmem>>
        %get3A_267 = arith.index_cast %add3A_263 : i32 to index
        %get3A_268 = tpu.vector_load %get3A_266[%get3A_267] {strides = array<i32>} : memref<2048xf32, #tpu.memory_space<vmem>>, vector<16xf32>,
        %get3A_269 = vector.shape_cast %get3A_268 : vector<16xf32> to vector<16xf32>
        %get3A_270 = arith.constant 0 : i32
        %get3A_271 = tpu.memref_slice %arg8[%scan3A_103, %get3A_270] : memref<8x2048xf32, #tpu.memory_space<vmem>> -> memref<1x2048xf32, #tpu.memory_space<vmem>>
        %get3A_272 = tpu.memref_squeeze %get3A_271 : memref<1x2048xf32, #tpu.memory_space<vmem>> -> memref<2048xf32, #tpu.memory_space<vmem>>
        %get3A_273 = arith.index_cast %add3A_263 : i32 to index
        %get3A_274 = tpu.vector_load %get3A_272[%get3A_273] {strides = array<i32>} : memref<2048xf32, #tpu.memory_space<vmem>>, vector<16xf32>,
        %get3A_275 = vector.shape_cast %get3A_274 : vector<16xf32> to vector<16xf32>
        %sub3A_276 = arith.subf %get3A_269, %get3A_275 : vector<16xf32>
        %mul3A_277 = arith.mulf %sub3A_276, %sub3A_276 : vector<16xf32>
        %eq3A_278 = arith.cmpf oeq, %mul3A_277, %mul3A_277 : vector<16xf32>
        %jit3A_279 = arith.constant 0.000000e+00 : f32
        %broadcast_in_dim3A_280 = vector.broadcast %jit3A_279 : f32 to vector<16xf32>
        %select_n3A_281 = arith.select %eq3A_278, %mul3A_277, %broadcast_in_dim3A_280 : vector<16xi1>, vector<16xf32>
        %add3A_282 = arith.addf %add3A_228, %select_n3A_281 : vector<16xf32>
        %jit3A_283 = arith.constant 1.000000e+00 : f32
        %jit3A_284 = arith.constant 0.000000e+00 : f32
        %broadcast_in_dim3A_285 = vector.broadcast %jit3A_283 : f32 to vector<16xf32>
        %broadcast_in_dim3A_286 = vector.broadcast %jit3A_284 : f32 to vector<16xf32>
        %select_n3A_287 = arith.select %eq3A_278, %broadcast_in_dim3A_285, %broadcast_in_dim3A_286 : vector<16xi1>, vector<16xf32>
        %add3A_288 = arith.addf %add3A_234, %select_n3A_287 : vector<16xf32>
        %add3A_289 = arith.constant 48 : i32
        %add3A_290 = arith.addi %mul3A_212, %add3A_289 : i32
        %get3A_291 = arith.constant 0 : i32
        %get3A_292 = tpu.memref_slice %arg6[%scan3A_102, %get3A_291] : memref<8x2048xf32, #tpu.memory_space<vmem>> -> memref<1x2048xf32, #tpu.memory_space<vmem>>
        %get3A_293 = tpu.memref_squeeze %get3A_292 : memref<1x2048xf32, #tpu.memory_space<vmem>> -> memref<2048xf32, #tpu.memory_space<vmem>>
        %get3A_294 = arith.index_cast %add3A_290 : i32 to index
        %get3A_295 = tpu.vector_load %get3A_293[%get3A_294] {strides = array<i32>} : memref<2048xf32, #tpu.memory_space<vmem>>, vector<16xf32>,
        %get3A_296 = vector.shape_cast %get3A_295 : vector<16xf32> to vector<16xf32>
        %get3A_297 = arith.constant 0 : i32
        %get3A_298 = tpu.memref_slice %arg8[%scan3A_103, %get3A_297] : memref<8x2048xf32, #tpu.memory_space<vmem>> -> memref<1x2048xf32, #tpu.memory_space<vmem>>
        %get3A_299 = tpu.memref_squeeze %get3A_298 : memref<1x2048xf32, #tpu.memory_space<vmem>> -> memref<2048xf32, #tpu.memory_space<vmem>>
        %get3A_300 = arith.index_cast %add3A_290 : i32 to index
        %get3A_301 = tpu.vector_load %get3A_299[%get3A_300] {strides = array<i32>} : memref<2048xf32, #tpu.memory_space<vmem>>, vector<16xf32>,
        %get3A_302 = vector.shape_cast %get3A_301 : vector<16xf32> to vector<16xf32>
        %sub3A_303 = arith.subf %get3A_296, %get3A_302 : vector<16xf32>
        %mul3A_304 = arith.mulf %sub3A_303, %sub3A_303 : vector<16xf32>
        %eq3A_305 = arith.cmpf oeq, %mul3A_304, %mul3A_304 : vector<16xf32>
        %jit3A_306 = arith.constant 0.000000e+00 : f32
        %broadcast_in_dim3A_307 = vector.broadcast %jit3A_306 : f32 to vector<16xf32>
        %select_n3A_308 = arith.select %eq3A_305, %mul3A_304, %broadcast_in_dim3A_307 : vector<16xi1>, vector<16xf32>
        %add3A_309 = arith.addf %add3A_255, %select_n3A_308 : vector<16xf32>
        %jit3A_310 = arith.constant 1.000000e+00 : f32
        %jit3A_311 = arith.constant 0.000000e+00 : f32
        %broadcast_in_dim3A_312 = vector.broadcast %jit3A_310 : f32 to vector<16xf32>
        %broadcast_in_dim3A_313 = vector.broadcast %jit3A_311 : f32 to vector<16xf32>
        %select_n3A_314 = arith.select %eq3A_305, %broadcast_in_dim3A_312, %broadcast_in_dim3A_313 : vector<16xi1>, vector<16xf32>
        %add3A_315 = arith.addf %add3A_261, %select_n3A_314 : vector<16xf32>
        %add3A_316 = arith.constant 64 : i32
        %add3A_317 = arith.addi %mul3A_212, %add3A_316 : i32
        %get3A_318 = arith.constant 0 : i32
        %get3A_319 = tpu.memref_slice %arg6[%scan3A_102, %get3A_318] : memref<8x2048xf32, #tpu.memory_space<vmem>> -> memref<1x2048xf32, #tpu.memory_space<vmem>>
        %get3A_320 = tpu.memref_squeeze %get3A_319 : memref<1x2048xf32, #tpu.memory_space<vmem>> -> memref<2048xf32, #tpu.memory_space<vmem>>
        %get3A_321 = arith.index_cast %add3A_317 : i32 to index
        %get3A_322 = tpu.vector_load %get3A_320[%get3A_321] {strides = array<i32>} : memref<2048xf32, #tpu.memory_space<vmem>>, vector<16xf32>,
        %get3A_323 = vector.shape_cast %get3A_322 : vector<16xf32> to vector<16xf32>
        %get3A_324 = arith.constant 0 : i32
        %get3A_325 = tpu.memref_slice %arg8[%scan3A_103, %get3A_324] : memref<8x2048xf32, #tpu.memory_space<vmem>> -> memref<1x2048xf32, #tpu.memory_space<vmem>>
        %get3A_326 = tpu.memref_squeeze %get3A_325 : memref<1x2048xf32, #tpu.memory_space<vmem>> -> memref<2048xf32, #tpu.memory_space<vmem>>
        %get3A_327 = arith.index_cast %add3A_317 : i32 to index
        %get3A_328 = tpu.vector_load %get3A_326[%get3A_327] {strides = array<i32>} : memref<2048xf32, #tpu.memory_space<vmem>>, vector<16xf32>,
        %get3A_329 = vector.shape_cast %get3A_328 : vector<16xf32> to vector<16xf32>
        %sub3A_330 = arith.subf %get3A_323, %get3A_329 : vector<16xf32>
        %mul3A_331 = arith.mulf %sub3A_330, %sub3A_330 : vector<16xf32>
        %eq3A_332 = arith.cmpf oeq, %mul3A_331, %mul3A_331 : vector<16xf32>
        %jit3A_333 = arith.constant 0.000000e+00 : f32
        %broadcast_in_dim3A_334 = vector.broadcast %jit3A_333 : f32 to vector<16xf32>
        %select_n3A_335 = arith.select %eq3A_332, %mul3A_331, %broadcast_in_dim3A_334 : vector<16xi1>, vector<16xf32>
        %add3A_336 = arith.addf %add3A_282, %select_n3A_335 : vector<16xf32>
        %jit3A_337 = arith.constant 1.000000e+00 : f32
        %jit3A_338 = arith.constant 0.000000e+00 : f32
        %broadcast_in_dim3A_339 = vector.broadcast %jit3A_337 : f32 to vector<16xf32>
        %broadcast_in_dim3A_340 = vector.broadcast %jit3A_338 : f32 to vector<16xf32>
        %select_n3A_341 = arith.select %eq3A_332, %broadcast_in_dim3A_339, %broadcast_in_dim3A_340 : vector<16xi1>, vector<16xf32>
        %add3A_342 = arith.addf %add3A_288, %select_n3A_341 : vector<16xf32>
        %add3A_343 = arith.constant 80 : i32
        %add3A_344 = arith.addi %mul3A_212, %add3A_343 : i32
        %get3A_345 = arith.constant 0 : i32
        %get3A_346 = tpu.memref_slice %arg6[%scan3A_102, %get3A_345] : memref<8x2048xf32, #tpu.memory_space<vmem>> -> memref<1x2048xf32, #tpu.memory_space<vmem>>
        %get3A_347 = tpu.memref_squeeze %get3A_346 : memref<1x2048xf32, #tpu.memory_space<vmem>> -> memref<2048xf32, #tpu.memory_space<vmem>>
        %get3A_348 = arith.index_cast %add3A_344 : i32 to index
        %get3A_349 = tpu.vector_load %get3A_347[%get3A_348] {strides = array<i32>} : memref<2048xf32, #tpu.memory_space<vmem>>, vector<16xf32>,
        %get3A_350 = vector.shape_cast %get3A_349 : vector<16xf32> to vector<16xf32>
        %get3A_351 = arith.constant 0 : i32
        %get3A_352 = tpu.memref_slice %arg8[%scan3A_103, %get3A_351] : memref<8x2048xf32, #tpu.memory_space<vmem>> -> memref<1x2048xf32, #tpu.memory_space<vmem>>
        %get3A_353 = tpu.memref_squeeze %get3A_352 : memref<1x2048xf32, #tpu.memory_space<vmem>> -> memref<2048xf32, #tpu.memory_space<vmem>>
        %get3A_354 = arith.index_cast %add3A_344 : i32 to index
        %get3A_355 = tpu.vector_load %get3A_353[%get3A_354] {strides = array<i32>} : memref<2048xf32, #tpu.memory_space<vmem>>, vector<16xf32>,
        %get3A_356 = vector.shape_cast %get3A_355 : vector<16xf32> to vector<16xf32>
        %sub3A_357 = arith.subf %get3A_350, %get3A_356 : vector<16xf32>
        %mul3A_358 = arith.mulf %sub3A_357, %sub3A_357 : vector<16xf32>
        %eq3A_359 = arith.cmpf oeq, %mul3A_358, %mul3A_358 : vector<16xf32>
        %jit3A_360 = arith.constant 0.000000e+00 : f32
        %broadcast_in_dim3A_361 = vector.broadcast %jit3A_360 : f32 to vector<16xf32>
        %select_n3A_362 = arith.select %eq3A_359, %mul3A_358, %broadcast_in_dim3A_361 : vector<16xi1>, vector<16xf32>
        %add3A_363 = arith.addf %add3A_309, %select_n3A_362 : vector<16xf32>
        %jit3A_364 = arith.constant 1.000000e+00 : f32
        %jit3A_365 = arith.constant 0.000000e+00 : f32
        %broadcast_in_dim3A_366 = vector.broadcast %jit3A_364 : f32 to vector<16xf32>
        %broadcast_in_dim3A_367 = vector.broadcast %jit3A_365 : f32 to vector<16xf32>
        %select_n3A_368 = arith.select %eq3A_359, %broadcast_in_dim3A_366, %broadcast_in_dim3A_367 : vector<16xi1>, vector<16xf32>
        %add3A_369 = arith.addf %add3A_315, %select_n3A_368 : vector<16xf32>
        %add3A_370 = arith.constant 96 : i32
        %add3A_371 = arith.addi %mul3A_212, %add3A_370 : i32
        %get3A_372 = arith.constant 0 : i32
        %get3A_373 = tpu.memref_slice %arg6[%scan3A_102, %get3A_372] : memref<8x2048xf32, #tpu.memory_space<vmem>> -> memref<1x2048xf32, #tpu.memory_space<vmem>>
        %get3A_374 = tpu.memref_squeeze %get3A_373 : memref<1x2048xf32, #tpu.memory_space<vmem>> -> memref<2048xf32, #tpu.memory_space<vmem>>
        %get3A_375 = arith.index_cast %add3A_371 : i32 to index
        %get3A_376 = tpu.vector_load %get3A_374[%get3A_375] {strides = array<i32>} : memref<2048xf32, #tpu.memory_space<vmem>>, vector<16xf32>,
        %get3A_377 = vector.shape_cast %get3A_376 : vector<16xf32> to vector<16xf32>
        %get3A_378 = arith.constant 0 : i32
        %get3A_379 = tpu.memref_slice %arg8[%scan3A_103, %get3A_378] : memref<8x2048xf32, #tpu.memory_space<vmem>> -> memref<1x2048xf32, #tpu.memory_space<vmem>>
        %get3A_380 = tpu.memref_squeeze %get3A_379 : memref<1x2048xf32, #tpu.memory_space<vmem>> -> memref<2048xf32, #tpu.memory_space<vmem>>
        %get3A_381 = arith.index_cast %add3A_371 : i32 to index
        %get3A_382 = tpu.vector_load %get3A_380[%get3A_381] {strides = array<i32>} : memref<2048xf32, #tpu.memory_space<vmem>>, vector<16xf32>,
        %get3A_383 = vector.shape_cast %get3A_382 : vector<16xf32> to vector<16xf32>
        %sub3A_384 = arith.subf %get3A_377, %get3A_383 : vector<16xf32>
        %mul3A_385 = arith.mulf %sub3A_384, %sub3A_384 : vector<16xf32>
        %eq3A_386 = arith.cmpf oeq, %mul3A_385, %mul3A_385 : vector<16xf32>
        %jit3A_387 = arith.constant 0.000000e+00 : f32
        %broadcast_in_dim3A_388 = vector.broadcast %jit3A_387 : f32 to vector<16xf32>
        %select_n3A_389 = arith.select %eq3A_386, %mul3A_385, %broadcast_in_dim3A_388 : vector<16xi1>, vector<16xf32>
        %add3A_390 = arith.addf %add3A_336, %select_n3A_389 : vector<16xf32>
        %jit3A_391 = arith.constant 1.000000e+00 : f32
        %jit3A_392 = arith.constant 0.000000e+00 : f32
        %broadcast_in_dim3A_393 = vector.broadcast %jit3A_391 : f32 to vector<16xf32>
        %broadcast_in_dim3A_394 = vector.broadcast %jit3A_392 : f32 to vector<16xf32>
        %select_n3A_395 = arith.select %eq3A_386, %broadcast_in_dim3A_393, %broadcast_in_dim3A_394 : vector<16xi1>, vector<16xf32>
        %add3A_396 = arith.addf %add3A_342, %select_n3A_395 : vector<16xf32>
        %add3A_397 = arith.constant 112 : i32
        %add3A_398 = arith.addi %mul3A_212, %add3A_397 : i32
        %get3A_399 = arith.constant 0 : i32
        %get3A_400 = tpu.memref_slice %arg6[%scan3A_102, %get3A_399] : memref<8x2048xf32, #tpu.memory_space<vmem>> -> memref<1x2048xf32, #tpu.memory_space<vmem>>
        %get3A_401 = tpu.memref_squeeze %get3A_400 : memref<1x2048xf32, #tpu.memory_space<vmem>> -> memref<2048xf32, #tpu.memory_space<vmem>>
        %get3A_402 = arith.index_cast %add3A_398 : i32 to index
        %get3A_403 = tpu.vector_load %get3A_401[%get3A_402] {strides = array<i32>} : memref<2048xf32, #tpu.memory_space<vmem>>, vector<16xf32>,
        %get3A_404 = vector.shape_cast %get3A_403 : vector<16xf32> to vector<16xf32>
        %get3A_405 = arith.constant 0 : i32
        %get3A_406 = tpu.memref_slice %arg8[%scan3A_103, %get3A_405] : memref<8x2048xf32, #tpu.memory_space<vmem>> -> memref<1x2048xf32, #tpu.memory_space<vmem>>
        %get3A_407 = tpu.memref_squeeze %get3A_406 : memref<1x2048xf32, #tpu.memory_space<vmem>> -> memref<2048xf32, #tpu.memory_space<vmem>>
        %get3A_408 = arith.index_cast %add3A_398 : i32 to index
        %get3A_409 = tpu.vector_load %get3A_407[%get3A_408] {strides = array<i32>} : memref<2048xf32, #tpu.memory_space<vmem>>, vector<16xf32>,
        %get3A_410 = vector.shape_cast %get3A_409 : vector<16xf32> to vector<16xf32>
        %sub3A_411 = arith.subf %get3A_404, %get3A_410 : vector<16xf32>
        %mul3A_412 = arith.mulf %sub3A_411, %sub3A_411 : vector<16xf32>
        %eq3A_413 = arith.cmpf oeq, %mul3A_412, %mul3A_412 : vector<16xf32>
        %jit3A_414 = arith.constant 0.000000e+00 : f32
        %broadcast_in_dim3A_415 = vector.broadcast %jit3A_414 : f32 to vector<16xf32>
        %select_n3A_416 = arith.select %eq3A_413, %mul3A_412, %broadcast_in_dim3A_415 : vector<16xi1>, vector<16xf32>
        %add3A_417 = arith.addf %add3A_363, %select_n3A_416 : vector<16xf32>
        %jit3A_418 = arith.constant 1.000000e+00 : f32
        %jit3A_419 = arith.constant 0.000000e+00 : f32
        %broadcast_in_dim3A_420 = vector.broadcast %jit3A_418 : f32 to vector<16xf32>
        %broadcast_in_dim3A_421 = vector.broadcast %jit3A_419 : f32 to vector<16xf32>
        %select_n3A_422 = arith.select %eq3A_413, %broadcast_in_dim3A_420, %broadcast_in_dim3A_421 : vector<16xi1>, vector<16xf32>
        %add3A_423 = arith.addf %add3A_369, %select_n3A_422 : vector<16xf32>
        scf.yield %add3A_390, %add3A_417, %add3A_396, %add3A_423 : vector<16xf32>, vector<16xf32>, vector<16xf32>, vector<16xf32>
      }
      %scan3A_109 = arith.constant 16 : i32
      %scan3A_110 = arith.constant 6 : i32
      %scan3A_111 = arith.constant 6 : i32
      %scan3A_112 = arith.constant 0 : i32
      %scan3A_113 = arith.constant 16 : i32
      %scan3A_114 = arith.addi %scan3A_112, %scan3A_113 : i32
      %scan3A_115 = arith.constant 1 : i32
      %scan3A_116:4 = scf.for %scan3A_206 = %scan3A_112 to %scan3A_114 step %scan3A_115 iter_args(%scan3A_207 = %scan3A_108#0, %scan3A_208 = %scan3A_108#1, %scan3A_209 = %scan3A_108#2, %scan3A_210 = %scan3A_108#3) -> (vector<16xf32>, vector<16xf32>, vector<16xf32>, vector<16xf32>)  : i32 {
        %mul3A_211 = arith.constant 128 : i32
        %mul3A_212 = arith.muli %scan3A_206, %mul3A_211 : i32
        %add3A_213 = arith.constant 0 : i32
        %add3A_214 = arith.addi %mul3A_212, %add3A_213 : i32
        %get3A = arith.constant 0 : i32
        %get3A_215 = tpu.memref_slice %arg6[%scan3A_110, %get3A] : memref<8x2048xf32, #tpu.memory_space<vmem>> -> memref<1x2048xf32, #tpu.memory_space<vmem>>
        %get3A_216 = tpu.memref_squeeze %get3A_215 : memref<1x2048xf32, #tpu.memory_space<vmem>> -> memref<2048xf32, #tpu.memory_space<vmem>>
        %get3A_217 = arith.index_cast %add3A_214 : i32 to index
        %get3A_218 = tpu.vector_load %get3A_216[%get3A_217] {strides = array<i32>} : memref<2048xf32, #tpu.memory_space<vmem>>, vector<16xf32>,
        %get3A_219 = vector.shape_cast %get3A_218 : vector<16xf32> to vector<16xf32>
        %get3A_220 = arith.constant 0 : i32
        %get3A_221 = tpu.memref_slice %arg8[%scan3A_111, %get3A_220] : memref<8x2048xf32, #tpu.memory_space<vmem>> -> memref<1x2048xf32, #tpu.memory_space<vmem>>
        %get3A_222 = tpu.memref_squeeze %get3A_221 : memref<1x2048xf32, #tpu.memory_space<vmem>> -> memref<2048xf32, #tpu.memory_space<vmem>>
        %get3A_223 = arith.index_cast %add3A_214 : i32 to index
        %get3A_224 = tpu.vector_load %get3A_222[%get3A_223] {strides = array<i32>} : memref<2048xf32, #tpu.memory_space<vmem>>, vector<16xf32>,
        %get3A_225 = vector.shape_cast %get3A_224 : vector<16xf32> to vector<16xf32>
        %sub3A = arith.subf %get3A_219, %get3A_225 : vector<16xf32>
        %mul3A_226 = arith.mulf %sub3A, %sub3A : vector<16xf32>
        %eq3A = arith.cmpf oeq, %mul3A_226, %mul3A_226 : vector<16xf32>
        %jit3A = arith.constant 0.000000e+00 : f32
        %broadcast_in_dim3A_227 = vector.broadcast %jit3A : f32 to vector<16xf32>
        %select_n3A = arith.select %eq3A, %mul3A_226, %broadcast_in_dim3A_227 : vector<16xi1>, vector<16xf32>
        %add3A_228 = arith.addf %scan3A_207, %select_n3A : vector<16xf32>
        %jit3A_229 = arith.constant 1.000000e+00 : f32
        %jit3A_230 = arith.constant 0.000000e+00 : f32
        %broadcast_in_dim3A_231 = vector.broadcast %jit3A_229 : f32 to vector<16xf32>
        %broadcast_in_dim3A_232 = vector.broadcast %jit3A_230 : f32 to vector<16xf32>
        %select_n3A_233 = arith.select %eq3A, %broadcast_in_dim3A_231, %broadcast_in_dim3A_232 : vector<16xi1>, vector<16xf32>
        %add3A_234 = arith.addf %scan3A_209, %select_n3A_233 : vector<16xf32>
        %add3A_235 = arith.constant 16 : i32
        %add3A_236 = arith.addi %mul3A_212, %add3A_235 : i32
        %get3A_237 = arith.constant 0 : i32
        %get3A_238 = tpu.memref_slice %arg6[%scan3A_110, %get3A_237] : memref<8x2048xf32, #tpu.memory_space<vmem>> -> memref<1x2048xf32, #tpu.memory_space<vmem>>
        %get3A_239 = tpu.memref_squeeze %get3A_238 : memref<1x2048xf32, #tpu.memory_space<vmem>> -> memref<2048xf32, #tpu.memory_space<vmem>>
        %get3A_240 = arith.index_cast %add3A_236 : i32 to index
        %get3A_241 = tpu.vector_load %get3A_239[%get3A_240] {strides = array<i32>} : memref<2048xf32, #tpu.memory_space<vmem>>, vector<16xf32>,
        %get3A_242 = vector.shape_cast %get3A_241 : vector<16xf32> to vector<16xf32>
        %get3A_243 = arith.constant 0 : i32
        %get3A_244 = tpu.memref_slice %arg8[%scan3A_111, %get3A_243] : memref<8x2048xf32, #tpu.memory_space<vmem>> -> memref<1x2048xf32, #tpu.memory_space<vmem>>
        %get3A_245 = tpu.memref_squeeze %get3A_244 : memref<1x2048xf32, #tpu.memory_space<vmem>> -> memref<2048xf32, #tpu.memory_space<vmem>>
        %get3A_246 = arith.index_cast %add3A_236 : i32 to index
        %get3A_247 = tpu.vector_load %get3A_245[%get3A_246] {strides = array<i32>} : memref<2048xf32, #tpu.memory_space<vmem>>, vector<16xf32>,
        %get3A_248 = vector.shape_cast %get3A_247 : vector<16xf32> to vector<16xf32>
        %sub3A_249 = arith.subf %get3A_242, %get3A_248 : vector<16xf32>
        %mul3A_250 = arith.mulf %sub3A_249, %sub3A_249 : vector<16xf32>
        %eq3A_251 = arith.cmpf oeq, %mul3A_250, %mul3A_250 : vector<16xf32>
        %jit3A_252 = arith.constant 0.000000e+00 : f32
        %broadcast_in_dim3A_253 = vector.broadcast %jit3A_252 : f32 to vector<16xf32>
        %select_n3A_254 = arith.select %eq3A_251, %mul3A_250, %broadcast_in_dim3A_253 : vector<16xi1>, vector<16xf32>
        %add3A_255 = arith.addf %scan3A_208, %select_n3A_254 : vector<16xf32>
        %jit3A_256 = arith.constant 1.000000e+00 : f32
        %jit3A_257 = arith.constant 0.000000e+00 : f32
        %broadcast_in_dim3A_258 = vector.broadcast %jit3A_256 : f32 to vector<16xf32>
        %broadcast_in_dim3A_259 = vector.broadcast %jit3A_257 : f32 to vector<16xf32>
        %select_n3A_260 = arith.select %eq3A_251, %broadcast_in_dim3A_258, %broadcast_in_dim3A_259 : vector<16xi1>, vector<16xf32>
        %add3A_261 = arith.addf %scan3A_210, %select_n3A_260 : vector<16xf32>
        %add3A_262 = arith.constant 32 : i32
        %add3A_263 = arith.addi %mul3A_212, %add3A_262 : i32
        %get3A_264 = arith.constant 0 : i32
        %get3A_265 = tpu.memref_slice %arg6[%scan3A_110, %get3A_264] : memref<8x2048xf32, #tpu.memory_space<vmem>> -> memref<1x2048xf32, #tpu.memory_space<vmem>>
        %get3A_266 = tpu.memref_squeeze %get3A_265 : memref<1x2048xf32, #tpu.memory_space<vmem>> -> memref<2048xf32, #tpu.memory_space<vmem>>
        %get3A_267 = arith.index_cast %add3A_263 : i32 to index
        %get3A_268 = tpu.vector_load %get3A_266[%get3A_267] {strides = array<i32>} : memref<2048xf32, #tpu.memory_space<vmem>>, vector<16xf32>,
        %get3A_269 = vector.shape_cast %get3A_268 : vector<16xf32> to vector<16xf32>
        %get3A_270 = arith.constant 0 : i32
        %get3A_271 = tpu.memref_slice %arg8[%scan3A_111, %get3A_270] : memref<8x2048xf32, #tpu.memory_space<vmem>> -> memref<1x2048xf32, #tpu.memory_space<vmem>>
        %get3A_272 = tpu.memref_squeeze %get3A_271 : memref<1x2048xf32, #tpu.memory_space<vmem>> -> memref<2048xf32, #tpu.memory_space<vmem>>
        %get3A_273 = arith.index_cast %add3A_263 : i32 to index
        %get3A_274 = tpu.vector_load %get3A_272[%get3A_273] {strides = array<i32>} : memref<2048xf32, #tpu.memory_space<vmem>>, vector<16xf32>,
        %get3A_275 = vector.shape_cast %get3A_274 : vector<16xf32> to vector<16xf32>
        %sub3A_276 = arith.subf %get3A_269, %get3A_275 : vector<16xf32>
        %mul3A_277 = arith.mulf %sub3A_276, %sub3A_276 : vector<16xf32>
        %eq3A_278 = arith.cmpf oeq, %mul3A_277, %mul3A_277 : vector<16xf32>
        %jit3A_279 = arith.constant 0.000000e+00 : f32
        %broadcast_in_dim3A_280 = vector.broadcast %jit3A_279 : f32 to vector<16xf32>
        %select_n3A_281 = arith.select %eq3A_278, %mul3A_277, %broadcast_in_dim3A_280 : vector<16xi1>, vector<16xf32>
        %add3A_282 = arith.addf %add3A_228, %select_n3A_281 : vector<16xf32>
        %jit3A_283 = arith.constant 1.000000e+00 : f32
        %jit3A_284 = arith.constant 0.000000e+00 : f32
        %broadcast_in_dim3A_285 = vector.broadcast %jit3A_283 : f32 to vector<16xf32>
        %broadcast_in_dim3A_286 = vector.broadcast %jit3A_284 : f32 to vector<16xf32>
        %select_n3A_287 = arith.select %eq3A_278, %broadcast_in_dim3A_285, %broadcast_in_dim3A_286 : vector<16xi1>, vector<16xf32>
        %add3A_288 = arith.addf %add3A_234, %select_n3A_287 : vector<16xf32>
        %add3A_289 = arith.constant 48 : i32
        %add3A_290 = arith.addi %mul3A_212, %add3A_289 : i32
        %get3A_291 = arith.constant 0 : i32
        %get3A_292 = tpu.memref_slice %arg6[%scan3A_110, %get3A_291] : memref<8x2048xf32, #tpu.memory_space<vmem>> -> memref<1x2048xf32, #tpu.memory_space<vmem>>
        %get3A_293 = tpu.memref_squeeze %get3A_292 : memref<1x2048xf32, #tpu.memory_space<vmem>> -> memref<2048xf32, #tpu.memory_space<vmem>>
        %get3A_294 = arith.index_cast %add3A_290 : i32 to index
        %get3A_295 = tpu.vector_load %get3A_293[%get3A_294] {strides = array<i32>} : memref<2048xf32, #tpu.memory_space<vmem>>, vector<16xf32>,
        %get3A_296 = vector.shape_cast %get3A_295 : vector<16xf32> to vector<16xf32>
        %get3A_297 = arith.constant 0 : i32
        %get3A_298 = tpu.memref_slice %arg8[%scan3A_111, %get3A_297] : memref<8x2048xf32, #tpu.memory_space<vmem>> -> memref<1x2048xf32, #tpu.memory_space<vmem>>
        %get3A_299 = tpu.memref_squeeze %get3A_298 : memref<1x2048xf32, #tpu.memory_space<vmem>> -> memref<2048xf32, #tpu.memory_space<vmem>>
        %get3A_300 = arith.index_cast %add3A_290 : i32 to index
        %get3A_301 = tpu.vector_load %get3A_299[%get3A_300] {strides = array<i32>} : memref<2048xf32, #tpu.memory_space<vmem>>, vector<16xf32>,
        %get3A_302 = vector.shape_cast %get3A_301 : vector<16xf32> to vector<16xf32>
        %sub3A_303 = arith.subf %get3A_296, %get3A_302 : vector<16xf32>
        %mul3A_304 = arith.mulf %sub3A_303, %sub3A_303 : vector<16xf32>
        %eq3A_305 = arith.cmpf oeq, %mul3A_304, %mul3A_304 : vector<16xf32>
        %jit3A_306 = arith.constant 0.000000e+00 : f32
        %broadcast_in_dim3A_307 = vector.broadcast %jit3A_306 : f32 to vector<16xf32>
        %select_n3A_308 = arith.select %eq3A_305, %mul3A_304, %broadcast_in_dim3A_307 : vector<16xi1>, vector<16xf32>
        %add3A_309 = arith.addf %add3A_255, %select_n3A_308 : vector<16xf32>
        %jit3A_310 = arith.constant 1.000000e+00 : f32
        %jit3A_311 = arith.constant 0.000000e+00 : f32
        %broadcast_in_dim3A_312 = vector.broadcast %jit3A_310 : f32 to vector<16xf32>
        %broadcast_in_dim3A_313 = vector.broadcast %jit3A_311 : f32 to vector<16xf32>
        %select_n3A_314 = arith.select %eq3A_305, %broadcast_in_dim3A_312, %broadcast_in_dim3A_313 : vector<16xi1>, vector<16xf32>
        %add3A_315 = arith.addf %add3A_261, %select_n3A_314 : vector<16xf32>
        %add3A_316 = arith.constant 64 : i32
        %add3A_317 = arith.addi %mul3A_212, %add3A_316 : i32
        %get3A_318 = arith.constant 0 : i32
        %get3A_319 = tpu.memref_slice %arg6[%scan3A_110, %get3A_318] : memref<8x2048xf32, #tpu.memory_space<vmem>> -> memref<1x2048xf32, #tpu.memory_space<vmem>>
        %get3A_320 = tpu.memref_squeeze %get3A_319 : memref<1x2048xf32, #tpu.memory_space<vmem>> -> memref<2048xf32, #tpu.memory_space<vmem>>
        %get3A_321 = arith.index_cast %add3A_317 : i32 to index
        %get3A_322 = tpu.vector_load %get3A_320[%get3A_321] {strides = array<i32>} : memref<2048xf32, #tpu.memory_space<vmem>>, vector<16xf32>,
        %get3A_323 = vector.shape_cast %get3A_322 : vector<16xf32> to vector<16xf32>
        %get3A_324 = arith.constant 0 : i32
        %get3A_325 = tpu.memref_slice %arg8[%scan3A_111, %get3A_324] : memref<8x2048xf32, #tpu.memory_space<vmem>> -> memref<1x2048xf32, #tpu.memory_space<vmem>>
        %get3A_326 = tpu.memref_squeeze %get3A_325 : memref<1x2048xf32, #tpu.memory_space<vmem>> -> memref<2048xf32, #tpu.memory_space<vmem>>
        %get3A_327 = arith.index_cast %add3A_317 : i32 to index
        %get3A_328 = tpu.vector_load %get3A_326[%get3A_327] {strides = array<i32>} : memref<2048xf32, #tpu.memory_space<vmem>>, vector<16xf32>,
        %get3A_329 = vector.shape_cast %get3A_328 : vector<16xf32> to vector<16xf32>
        %sub3A_330 = arith.subf %get3A_323, %get3A_329 : vector<16xf32>
        %mul3A_331 = arith.mulf %sub3A_330, %sub3A_330 : vector<16xf32>
        %eq3A_332 = arith.cmpf oeq, %mul3A_331, %mul3A_331 : vector<16xf32>
        %jit3A_333 = arith.constant 0.000000e+00 : f32
        %broadcast_in_dim3A_334 = vector.broadcast %jit3A_333 : f32 to vector<16xf32>
        %select_n3A_335 = arith.select %eq3A_332, %mul3A_331, %broadcast_in_dim3A_334 : vector<16xi1>, vector<16xf32>
        %add3A_336 = arith.addf %add3A_282, %select_n3A_335 : vector<16xf32>
        %jit3A_337 = arith.constant 1.000000e+00 : f32
        %jit3A_338 = arith.constant 0.000000e+00 : f32
        %broadcast_in_dim3A_339 = vector.broadcast %jit3A_337 : f32 to vector<16xf32>
        %broadcast_in_dim3A_340 = vector.broadcast %jit3A_338 : f32 to vector<16xf32>
        %select_n3A_341 = arith.select %eq3A_332, %broadcast_in_dim3A_339, %broadcast_in_dim3A_340 : vector<16xi1>, vector<16xf32>
        %add3A_342 = arith.addf %add3A_288, %select_n3A_341 : vector<16xf32>
        %add3A_343 = arith.constant 80 : i32
        %add3A_344 = arith.addi %mul3A_212, %add3A_343 : i32
        %get3A_345 = arith.constant 0 : i32
        %get3A_346 = tpu.memref_slice %arg6[%scan3A_110, %get3A_345] : memref<8x2048xf32, #tpu.memory_space<vmem>> -> memref<1x2048xf32, #tpu.memory_space<vmem>>
        %get3A_347 = tpu.memref_squeeze %get3A_346 : memref<1x2048xf32, #tpu.memory_space<vmem>> -> memref<2048xf32, #tpu.memory_space<vmem>>
        %get3A_348 = arith.index_cast %add3A_344 : i32 to index
        %get3A_349 = tpu.vector_load %get3A_347[%get3A_348] {strides = array<i32>} : memref<2048xf32, #tpu.memory_space<vmem>>, vector<16xf32>,
        %get3A_350 = vector.shape_cast %get3A_349 : vector<16xf32> to vector<16xf32>
        %get3A_351 = arith.constant 0 : i32
        %get3A_352 = tpu.memref_slice %arg8[%scan3A_111, %get3A_351] : memref<8x2048xf32, #tpu.memory_space<vmem>> -> memref<1x2048xf32, #tpu.memory_space<vmem>>
        %get3A_353 = tpu.memref_squeeze %get3A_352 : memref<1x2048xf32, #tpu.memory_space<vmem>> -> memref<2048xf32, #tpu.memory_space<vmem>>
        %get3A_354 = arith.index_cast %add3A_344 : i32 to index
        %get3A_355 = tpu.vector_load %get3A_353[%get3A_354] {strides = array<i32>} : memref<2048xf32, #tpu.memory_space<vmem>>, vector<16xf32>,
        %get3A_356 = vector.shape_cast %get3A_355 : vector<16xf32> to vector<16xf32>
        %sub3A_357 = arith.subf %get3A_350, %get3A_356 : vector<16xf32>
        %mul3A_358 = arith.mulf %sub3A_357, %sub3A_357 : vector<16xf32>
        %eq3A_359 = arith.cmpf oeq, %mul3A_358, %mul3A_358 : vector<16xf32>
        %jit3A_360 = arith.constant 0.000000e+00 : f32
        %broadcast_in_dim3A_361 = vector.broadcast %jit3A_360 : f32 to vector<16xf32>
        %select_n3A_362 = arith.select %eq3A_359, %mul3A_358, %broadcast_in_dim3A_361 : vector<16xi1>, vector<16xf32>
        %add3A_363 = arith.addf %add3A_309, %select_n3A_362 : vector<16xf32>
        %jit3A_364 = arith.constant 1.000000e+00 : f32
        %jit3A_365 = arith.constant 0.000000e+00 : f32
        %broadcast_in_dim3A_366 = vector.broadcast %jit3A_364 : f32 to vector<16xf32>
        %broadcast_in_dim3A_367 = vector.broadcast %jit3A_365 : f32 to vector<16xf32>
        %select_n3A_368 = arith.select %eq3A_359, %broadcast_in_dim3A_366, %broadcast_in_dim3A_367 : vector<16xi1>, vector<16xf32>
        %add3A_369 = arith.addf %add3A_315, %select_n3A_368 : vector<16xf32>
        %add3A_370 = arith.constant 96 : i32
        %add3A_371 = arith.addi %mul3A_212, %add3A_370 : i32
        %get3A_372 = arith.constant 0 : i32
        %get3A_373 = tpu.memref_slice %arg6[%scan3A_110, %get3A_372] : memref<8x2048xf32, #tpu.memory_space<vmem>> -> memref<1x2048xf32, #tpu.memory_space<vmem>>
        %get3A_374 = tpu.memref_squeeze %get3A_373 : memref<1x2048xf32, #tpu.memory_space<vmem>> -> memref<2048xf32, #tpu.memory_space<vmem>>
        %get3A_375 = arith.index_cast %add3A_371 : i32 to index
        %get3A_376 = tpu.vector_load %get3A_374[%get3A_375] {strides = array<i32>} : memref<2048xf32, #tpu.memory_space<vmem>>, vector<16xf32>,
        %get3A_377 = vector.shape_cast %get3A_376 : vector<16xf32> to vector<16xf32>
        %get3A_378 = arith.constant 0 : i32
        %get3A_379 = tpu.memref_slice %arg8[%scan3A_111, %get3A_378] : memref<8x2048xf32, #tpu.memory_space<vmem>> -> memref<1x2048xf32, #tpu.memory_space<vmem>>
        %get3A_380 = tpu.memref_squeeze %get3A_379 : memref<1x2048xf32, #tpu.memory_space<vmem>> -> memref<2048xf32, #tpu.memory_space<vmem>>
        %get3A_381 = arith.index_cast %add3A_371 : i32 to index
        %get3A_382 = tpu.vector_load %get3A_380[%get3A_381] {strides = array<i32>} : memref<2048xf32, #tpu.memory_space<vmem>>, vector<16xf32>,
        %get3A_383 = vector.shape_cast %get3A_382 : vector<16xf32> to vector<16xf32>
        %sub3A_384 = arith.subf %get3A_377, %get3A_383 : vector<16xf32>
        %mul3A_385 = arith.mulf %sub3A_384, %sub3A_384 : vector<16xf32>
        %eq3A_386 = arith.cmpf oeq, %mul3A_385, %mul3A_385 : vector<16xf32>
        %jit3A_387 = arith.constant 0.000000e+00 : f32
        %broadcast_in_dim3A_388 = vector.broadcast %jit3A_387 : f32 to vector<16xf32>
        %select_n3A_389 = arith.select %eq3A_386, %mul3A_385, %broadcast_in_dim3A_388 : vector<16xi1>, vector<16xf32>
        %add3A_390 = arith.addf %add3A_336, %select_n3A_389 : vector<16xf32>
        %jit3A_391 = arith.constant 1.000000e+00 : f32
        %jit3A_392 = arith.constant 0.000000e+00 : f32
        %broadcast_in_dim3A_393 = vector.broadcast %jit3A_391 : f32 to vector<16xf32>
        %broadcast_in_dim3A_394 = vector.broadcast %jit3A_392 : f32 to vector<16xf32>
        %select_n3A_395 = arith.select %eq3A_386, %broadcast_in_dim3A_393, %broadcast_in_dim3A_394 : vector<16xi1>, vector<16xf32>
        %add3A_396 = arith.addf %add3A_342, %select_n3A_395 : vector<16xf32>
        %add3A_397 = arith.constant 112 : i32
        %add3A_398 = arith.addi %mul3A_212, %add3A_397 : i32
        %get3A_399 = arith.constant 0 : i32
        %get3A_400 = tpu.memref_slice %arg6[%scan3A_110, %get3A_399] : memref<8x2048xf32, #tpu.memory_space<vmem>> -> memref<1x2048xf32, #tpu.memory_space<vmem>>
        %get3A_401 = tpu.memref_squeeze %get3A_400 : memref<1x2048xf32, #tpu.memory_space<vmem>> -> memref<2048xf32, #tpu.memory_space<vmem>>
        %get3A_402 = arith.index_cast %add3A_398 : i32 to index
        %get3A_403 = tpu.vector_load %get3A_401[%get3A_402] {strides = array<i32>} : memref<2048xf32, #tpu.memory_space<vmem>>, vector<16xf32>,
        %get3A_404 = vector.shape_cast %get3A_403 : vector<16xf32> to vector<16xf32>
        %get3A_405 = arith.constant 0 : i32
        %get3A_406 = tpu.memref_slice %arg8[%scan3A_111, %get3A_405] : memref<8x2048xf32, #tpu.memory_space<vmem>> -> memref<1x2048xf32, #tpu.memory_space<vmem>>
        %get3A_407 = tpu.memref_squeeze %get3A_406 : memref<1x2048xf32, #tpu.memory_space<vmem>> -> memref<2048xf32, #tpu.memory_space<vmem>>
        %get3A_408 = arith.index_cast %add3A_398 : i32 to index
        %get3A_409 = tpu.vector_load %get3A_407[%get3A_408] {strides = array<i32>} : memref<2048xf32, #tpu.memory_space<vmem>>, vector<16xf32>,
        %get3A_410 = vector.shape_cast %get3A_409 : vector<16xf32> to vector<16xf32>
        %sub3A_411 = arith.subf %get3A_404, %get3A_410 : vector<16xf32>
        %mul3A_412 = arith.mulf %sub3A_411, %sub3A_411 : vector<16xf32>
        %eq3A_413 = arith.cmpf oeq, %mul3A_412, %mul3A_412 : vector<16xf32>
        %jit3A_414 = arith.constant 0.000000e+00 : f32
        %broadcast_in_dim3A_415 = vector.broadcast %jit3A_414 : f32 to vector<16xf32>
        %select_n3A_416 = arith.select %eq3A_413, %mul3A_412, %broadcast_in_dim3A_415 : vector<16xi1>, vector<16xf32>
        %add3A_417 = arith.addf %add3A_363, %select_n3A_416 : vector<16xf32>
        %jit3A_418 = arith.constant 1.000000e+00 : f32
        %jit3A_419 = arith.constant 0.000000e+00 : f32
        %broadcast_in_dim3A_420 = vector.broadcast %jit3A_418 : f32 to vector<16xf32>
        %broadcast_in_dim3A_421 = vector.broadcast %jit3A_419 : f32 to vector<16xf32>
        %select_n3A_422 = arith.select %eq3A_413, %broadcast_in_dim3A_420, %broadcast_in_dim3A_421 : vector<16xi1>, vector<16xf32>
        %add3A_423 = arith.addf %add3A_369, %select_n3A_422 : vector<16xf32>
        scf.yield %add3A_390, %add3A_417, %add3A_396, %add3A_423 : vector<16xf32>, vector<16xf32>, vector<16xf32>, vector<16xf32>
      }
      %scan3A_117 = arith.constant 16 : i32
      %scan3A_118 = arith.constant 7 : i32
      %scan3A_119 = arith.constant 7 : i32
      %scan3A_120 = arith.constant 0 : i32
      %scan3A_121 = arith.constant 16 : i32
      %scan3A_122 = arith.addi %scan3A_120, %scan3A_121 : i32
      %scan3A_123 = arith.constant 1 : i32
      %scan3A_124:4 = scf.for %scan3A_206 = %scan3A_120 to %scan3A_122 step %scan3A_123 iter_args(%scan3A_207 = %scan3A_116#0, %scan3A_208 = %scan3A_116#1, %scan3A_209 = %scan3A_116#2, %scan3A_210 = %scan3A_116#3) -> (vector<16xf32>, vector<16xf32>, vector<16xf32>, vector<16xf32>)  : i32 {
        %mul3A_211 = arith.constant 128 : i32
        %mul3A_212 = arith.muli %scan3A_206, %mul3A_211 : i32
        %add3A_213 = arith.constant 0 : i32
        %add3A_214 = arith.addi %mul3A_212, %add3A_213 : i32
        %get3A = arith.constant 0 : i32
        %get3A_215 = tpu.memref_slice %arg6[%scan3A_118, %get3A] : memref<8x2048xf32, #tpu.memory_space<vmem>> -> memref<1x2048xf32, #tpu.memory_space<vmem>>
        %get3A_216 = tpu.memref_squeeze %get3A_215 : memref<1x2048xf32, #tpu.memory_space<vmem>> -> memref<2048xf32, #tpu.memory_space<vmem>>
        %get3A_217 = arith.index_cast %add3A_214 : i32 to index
        %get3A_218 = tpu.vector_load %get3A_216[%get3A_217] {strides = array<i32>} : memref<2048xf32, #tpu.memory_space<vmem>>, vector<16xf32>,
        %get3A_219 = vector.shape_cast %get3A_218 : vector<16xf32> to vector<16xf32>
        %get3A_220 = arith.constant 0 : i32
        %get3A_221 = tpu.memref_slice %arg8[%scan3A_119, %get3A_220] : memref<8x2048xf32, #tpu.memory_space<vmem>> -> memref<1x2048xf32, #tpu.memory_space<vmem>>
        %get3A_222 = tpu.memref_squeeze %get3A_221 : memref<1x2048xf32, #tpu.memory_space<vmem>> -> memref<2048xf32, #tpu.memory_space<vmem>>
        %get3A_223 = arith.index_cast %add3A_214 : i32 to index
        %get3A_224 = tpu.vector_load %get3A_222[%get3A_223] {strides = array<i32>} : memref<2048xf32, #tpu.memory_space<vmem>>, vector<16xf32>,
        %get3A_225 = vector.shape_cast %get3A_224 : vector<16xf32> to vector<16xf32>
        %sub3A = arith.subf %get3A_219, %get3A_225 : vector<16xf32>
        %mul3A_226 = arith.mulf %sub3A, %sub3A : vector<16xf32>
        %eq3A = arith.cmpf oeq, %mul3A_226, %mul3A_226 : vector<16xf32>
        %jit3A = arith.constant 0.000000e+00 : f32
        %broadcast_in_dim3A_227 = vector.broadcast %jit3A : f32 to vector<16xf32>
        %select_n3A = arith.select %eq3A, %mul3A_226, %broadcast_in_dim3A_227 : vector<16xi1>, vector<16xf32>
        %add3A_228 = arith.addf %scan3A_207, %select_n3A : vector<16xf32>
        %jit3A_229 = arith.constant 1.000000e+00 : f32
        %jit3A_230 = arith.constant 0.000000e+00 : f32
        %broadcast_in_dim3A_231 = vector.broadcast %jit3A_229 : f32 to vector<16xf32>
        %broadcast_in_dim3A_232 = vector.broadcast %jit3A_230 : f32 to vector<16xf32>
        %select_n3A_233 = arith.select %eq3A, %broadcast_in_dim3A_231, %broadcast_in_dim3A_232 : vector<16xi1>, vector<16xf32>
        %add3A_234 = arith.addf %scan3A_209, %select_n3A_233 : vector<16xf32>
        %add3A_235 = arith.constant 16 : i32
        %add3A_236 = arith.addi %mul3A_212, %add3A_235 : i32
        %get3A_237 = arith.constant 0 : i32
        %get3A_238 = tpu.memref_slice %arg6[%scan3A_118, %get3A_237] : memref<8x2048xf32, #tpu.memory_space<vmem>> -> memref<1x2048xf32, #tpu.memory_space<vmem>>
        %get3A_239 = tpu.memref_squeeze %get3A_238 : memref<1x2048xf32, #tpu.memory_space<vmem>> -> memref<2048xf32, #tpu.memory_space<vmem>>
        %get3A_240 = arith.index_cast %add3A_236 : i32 to index
        %get3A_241 = tpu.vector_load %get3A_239[%get3A_240] {strides = array<i32>} : memref<2048xf32, #tpu.memory_space<vmem>>, vector<16xf32>,
        %get3A_242 = vector.shape_cast %get3A_241 : vector<16xf32> to vector<16xf32>
        %get3A_243 = arith.constant 0 : i32
        %get3A_244 = tpu.memref_slice %arg8[%scan3A_119, %get3A_243] : memref<8x2048xf32, #tpu.memory_space<vmem>> -> memref<1x2048xf32, #tpu.memory_space<vmem>>
        %get3A_245 = tpu.memref_squeeze %get3A_244 : memref<1x2048xf32, #tpu.memory_space<vmem>> -> memref<2048xf32, #tpu.memory_space<vmem>>
        %get3A_246 = arith.index_cast %add3A_236 : i32 to index
        %get3A_247 = tpu.vector_load %get3A_245[%get3A_246] {strides = array<i32>} : memref<2048xf32, #tpu.memory_space<vmem>>, vector<16xf32>,
        %get3A_248 = vector.shape_cast %get3A_247 : vector<16xf32> to vector<16xf32>
        %sub3A_249 = arith.subf %get3A_242, %get3A_248 : vector<16xf32>
        %mul3A_250 = arith.mulf %sub3A_249, %sub3A_249 : vector<16xf32>
        %eq3A_251 = arith.cmpf oeq, %mul3A_250, %mul3A_250 : vector<16xf32>
        %jit3A_252 = arith.constant 0.000000e+00 : f32
        %broadcast_in_dim3A_253 = vector.broadcast %jit3A_252 : f32 to vector<16xf32>
        %select_n3A_254 = arith.select %eq3A_251, %mul3A_250, %broadcast_in_dim3A_253 : vector<16xi1>, vector<16xf32>
        %add3A_255 = arith.addf %scan3A_208, %select_n3A_254 : vector<16xf32>
        %jit3A_256 = arith.constant 1.000000e+00 : f32
        %jit3A_257 = arith.constant 0.000000e+00 : f32
        %broadcast_in_dim3A_258 = vector.broadcast %jit3A_256 : f32 to vector<16xf32>
        %broadcast_in_dim3A_259 = vector.broadcast %jit3A_257 : f32 to vector<16xf32>
        %select_n3A_260 = arith.select %eq3A_251, %broadcast_in_dim3A_258, %broadcast_in_dim3A_259 : vector<16xi1>, vector<16xf32>
        %add3A_261 = arith.addf %scan3A_210, %select_n3A_260 : vector<16xf32>
        %add3A_262 = arith.constant 32 : i32
        %add3A_263 = arith.addi %mul3A_212, %add3A_262 : i32
        %get3A_264 = arith.constant 0 : i32
        %get3A_265 = tpu.memref_slice %arg6[%scan3A_118, %get3A_264] : memref<8x2048xf32, #tpu.memory_space<vmem>> -> memref<1x2048xf32, #tpu.memory_space<vmem>>
        %get3A_266 = tpu.memref_squeeze %get3A_265 : memref<1x2048xf32, #tpu.memory_space<vmem>> -> memref<2048xf32, #tpu.memory_space<vmem>>
        %get3A_267 = arith.index_cast %add3A_263 : i32 to index
        %get3A_268 = tpu.vector_load %get3A_266[%get3A_267] {strides = array<i32>} : memref<2048xf32, #tpu.memory_space<vmem>>, vector<16xf32>,
        %get3A_269 = vector.shape_cast %get3A_268 : vector<16xf32> to vector<16xf32>
        %get3A_270 = arith.constant 0 : i32
        %get3A_271 = tpu.memref_slice %arg8[%scan3A_119, %get3A_270] : memref<8x2048xf32, #tpu.memory_space<vmem>> -> memref<1x2048xf32, #tpu.memory_space<vmem>>
        %get3A_272 = tpu.memref_squeeze %get3A_271 : memref<1x2048xf32, #tpu.memory_space<vmem>> -> memref<2048xf32, #tpu.memory_space<vmem>>
        %get3A_273 = arith.index_cast %add3A_263 : i32 to index
        %get3A_274 = tpu.vector_load %get3A_272[%get3A_273] {strides = array<i32>} : memref<2048xf32, #tpu.memory_space<vmem>>, vector<16xf32>,
        %get3A_275 = vector.shape_cast %get3A_274 : vector<16xf32> to vector<16xf32>
        %sub3A_276 = arith.subf %get3A_269, %get3A_275 : vector<16xf32>
        %mul3A_277 = arith.mulf %sub3A_276, %sub3A_276 : vector<16xf32>
        %eq3A_278 = arith.cmpf oeq, %mul3A_277, %mul3A_277 : vector<16xf32>
        %jit3A_279 = arith.constant 0.000000e+00 : f32
        %broadcast_in_dim3A_280 = vector.broadcast %jit3A_279 : f32 to vector<16xf32>
        %select_n3A_281 = arith.select %eq3A_278, %mul3A_277, %broadcast_in_dim3A_280 : vector<16xi1>, vector<16xf32>
        %add3A_282 = arith.addf %add3A_228, %select_n3A_281 : vector<16xf32>
        %jit3A_283 = arith.constant 1.000000e+00 : f32
        %jit3A_284 = arith.constant 0.000000e+00 : f32
        %broadcast_in_dim3A_285 = vector.broadcast %jit3A_283 : f32 to vector<16xf32>
        %broadcast_in_dim3A_286 = vector.broadcast %jit3A_284 : f32 to vector<16xf32>
        %select_n3A_287 = arith.select %eq3A_278, %broadcast_in_dim3A_285, %broadcast_in_dim3A_286 : vector<16xi1>, vector<16xf32>
        %add3A_288 = arith.addf %add3A_234, %select_n3A_287 : vector<16xf32>
        %add3A_289 = arith.constant 48 : i32
        %add3A_290 = arith.addi %mul3A_212, %add3A_289 : i32
        %get3A_291 = arith.constant 0 : i32
        %get3A_292 = tpu.memref_slice %arg6[%scan3A_118, %get3A_291] : memref<8x2048xf32, #tpu.memory_space<vmem>> -> memref<1x2048xf32, #tpu.memory_space<vmem>>
        %get3A_293 = tpu.memref_squeeze %get3A_292 : memref<1x2048xf32, #tpu.memory_space<vmem>> -> memref<2048xf32, #tpu.memory_space<vmem>>
        %get3A_294 = arith.index_cast %add3A_290 : i32 to index
        %get3A_295 = tpu.vector_load %get3A_293[%get3A_294] {strides = array<i32>} : memref<2048xf32, #tpu.memory_space<vmem>>, vector<16xf32>,
        %get3A_296 = vector.shape_cast %get3A_295 : vector<16xf32> to vector<16xf32>
        %get3A_297 = arith.constant 0 : i32
        %get3A_298 = tpu.memref_slice %arg8[%scan3A_119, %get3A_297] : memref<8x2048xf32, #tpu.memory_space<vmem>> -> memref<1x2048xf32, #tpu.memory_space<vmem>>
        %get3A_299 = tpu.memref_squeeze %get3A_298 : memref<1x2048xf32, #tpu.memory_space<vmem>> -> memref<2048xf32, #tpu.memory_space<vmem>>
        %get3A_300 = arith.index_cast %add3A_290 : i32 to index
        %get3A_301 = tpu.vector_load %get3A_299[%get3A_300] {strides = array<i32>} : memref<2048xf32, #tpu.memory_space<vmem>>, vector<16xf32>,
        %get3A_302 = vector.shape_cast %get3A_301 : vector<16xf32> to vector<16xf32>
        %sub3A_303 = arith.subf %get3A_296, %get3A_302 : vector<16xf32>
        %mul3A_304 = arith.mulf %sub3A_303, %sub3A_303 : vector<16xf32>
        %eq3A_305 = arith.cmpf oeq, %mul3A_304, %mul3A_304 : vector<16xf32>
        %jit3A_306 = arith.constant 0.000000e+00 : f32
        %broadcast_in_dim3A_307 = vector.broadcast %jit3A_306 : f32 to vector<16xf32>
        %select_n3A_308 = arith.select %eq3A_305, %mul3A_304, %broadcast_in_dim3A_307 : vector<16xi1>, vector<16xf32>
        %add3A_309 = arith.addf %add3A_255, %select_n3A_308 : vector<16xf32>
        %jit3A_310 = arith.constant 1.000000e+00 : f32
        %jit3A_311 = arith.constant 0.000000e+00 : f32
        %broadcast_in_dim3A_312 = vector.broadcast %jit3A_310 : f32 to vector<16xf32>
        %broadcast_in_dim3A_313 = vector.broadcast %jit3A_311 : f32 to vector<16xf32>
        %select_n3A_314 = arith.select %eq3A_305, %broadcast_in_dim3A_312, %broadcast_in_dim3A_313 : vector<16xi1>, vector<16xf32>
        %add3A_315 = arith.addf %add3A_261, %select_n3A_314 : vector<16xf32>
        %add3A_316 = arith.constant 64 : i32
        %add3A_317 = arith.addi %mul3A_212, %add3A_316 : i32
        %get3A_318 = arith.constant 0 : i32
        %get3A_319 = tpu.memref_slice %arg6[%scan3A_118, %get3A_318] : memref<8x2048xf32, #tpu.memory_space<vmem>> -> memref<1x2048xf32, #tpu.memory_space<vmem>>
        %get3A_320 = tpu.memref_squeeze %get3A_319 : memref<1x2048xf32, #tpu.memory_space<vmem>> -> memref<2048xf32, #tpu.memory_space<vmem>>
        %get3A_321 = arith.index_cast %add3A_317 : i32 to index
        %get3A_322 = tpu.vector_load %get3A_320[%get3A_321] {strides = array<i32>} : memref<2048xf32, #tpu.memory_space<vmem>>, vector<16xf32>,
        %get3A_323 = vector.shape_cast %get3A_322 : vector<16xf32> to vector<16xf32>
        %get3A_324 = arith.constant 0 : i32
        %get3A_325 = tpu.memref_slice %arg8[%scan3A_119, %get3A_324] : memref<8x2048xf32, #tpu.memory_space<vmem>> -> memref<1x2048xf32, #tpu.memory_space<vmem>>
        %get3A_326 = tpu.memref_squeeze %get3A_325 : memref<1x2048xf32, #tpu.memory_space<vmem>> -> memref<2048xf32, #tpu.memory_space<vmem>>
        %get3A_327 = arith.index_cast %add3A_317 : i32 to index
        %get3A_328 = tpu.vector_load %get3A_326[%get3A_327] {strides = array<i32>} : memref<2048xf32, #tpu.memory_space<vmem>>, vector<16xf32>,
        %get3A_329 = vector.shape_cast %get3A_328 : vector<16xf32> to vector<16xf32>
        %sub3A_330 = arith.subf %get3A_323, %get3A_329 : vector<16xf32>
        %mul3A_331 = arith.mulf %sub3A_330, %sub3A_330 : vector<16xf32>
        %eq3A_332 = arith.cmpf oeq, %mul3A_331, %mul3A_331 : vector<16xf32>
        %jit3A_333 = arith.constant 0.000000e+00 : f32
        %broadcast_in_dim3A_334 = vector.broadcast %jit3A_333 : f32 to vector<16xf32>
        %select_n3A_335 = arith.select %eq3A_332, %mul3A_331, %broadcast_in_dim3A_334 : vector<16xi1>, vector<16xf32>
        %add3A_336 = arith.addf %add3A_282, %select_n3A_335 : vector<16xf32>
        %jit3A_337 = arith.constant 1.000000e+00 : f32
        %jit3A_338 = arith.constant 0.000000e+00 : f32
        %broadcast_in_dim3A_339 = vector.broadcast %jit3A_337 : f32 to vector<16xf32>
        %broadcast_in_dim3A_340 = vector.broadcast %jit3A_338 : f32 to vector<16xf32>
        %select_n3A_341 = arith.select %eq3A_332, %broadcast_in_dim3A_339, %broadcast_in_dim3A_340 : vector<16xi1>, vector<16xf32>
        %add3A_342 = arith.addf %add3A_288, %select_n3A_341 : vector<16xf32>
        %add3A_343 = arith.constant 80 : i32
        %add3A_344 = arith.addi %mul3A_212, %add3A_343 : i32
        %get3A_345 = arith.constant 0 : i32
        %get3A_346 = tpu.memref_slice %arg6[%scan3A_118, %get3A_345] : memref<8x2048xf32, #tpu.memory_space<vmem>> -> memref<1x2048xf32, #tpu.memory_space<vmem>>
        %get3A_347 = tpu.memref_squeeze %get3A_346 : memref<1x2048xf32, #tpu.memory_space<vmem>> -> memref<2048xf32, #tpu.memory_space<vmem>>
        %get3A_348 = arith.index_cast %add3A_344 : i32 to index
        %get3A_349 = tpu.vector_load %get3A_347[%get3A_348] {strides = array<i32>} : memref<2048xf32, #tpu.memory_space<vmem>>, vector<16xf32>,
        %get3A_350 = vector.shape_cast %get3A_349 : vector<16xf32> to vector<16xf32>
        %get3A_351 = arith.constant 0 : i32
        %get3A_352 = tpu.memref_slice %arg8[%scan3A_119, %get3A_351] : memref<8x2048xf32, #tpu.memory_space<vmem>> -> memref<1x2048xf32, #tpu.memory_space<vmem>>
        %get3A_353 = tpu.memref_squeeze %get3A_352 : memref<1x2048xf32, #tpu.memory_space<vmem>> -> memref<2048xf32, #tpu.memory_space<vmem>>
        %get3A_354 = arith.index_cast %add3A_344 : i32 to index
        %get3A_355 = tpu.vector_load %get3A_353[%get3A_354] {strides = array<i32>} : memref<2048xf32, #tpu.memory_space<vmem>>, vector<16xf32>,
        %get3A_356 = vector.shape_cast %get3A_355 : vector<16xf32> to vector<16xf32>
        %sub3A_357 = arith.subf %get3A_350, %get3A_356 : vector<16xf32>
        %mul3A_358 = arith.mulf %sub3A_357, %sub3A_357 : vector<16xf32>
        %eq3A_359 = arith.cmpf oeq, %mul3A_358, %mul3A_358 : vector<16xf32>
        %jit3A_360 = arith.constant 0.000000e+00 : f32
        %broadcast_in_dim3A_361 = vector.broadcast %jit3A_360 : f32 to vector<16xf32>
        %select_n3A_362 = arith.select %eq3A_359, %mul3A_358, %broadcast_in_dim3A_361 : vector<16xi1>, vector<16xf32>
        %add3A_363 = arith.addf %add3A_309, %select_n3A_362 : vector<16xf32>
        %jit3A_364 = arith.constant 1.000000e+00 : f32
        %jit3A_365 = arith.constant 0.000000e+00 : f32
        %broadcast_in_dim3A_366 = vector.broadcast %jit3A_364 : f32 to vector<16xf32>
        %broadcast_in_dim3A_367 = vector.broadcast %jit3A_365 : f32 to vector<16xf32>
        %select_n3A_368 = arith.select %eq3A_359, %broadcast_in_dim3A_366, %broadcast_in_dim3A_367 : vector<16xi1>, vector<16xf32>
        %add3A_369 = arith.addf %add3A_315, %select_n3A_368 : vector<16xf32>
        %add3A_370 = arith.constant 96 : i32
        %add3A_371 = arith.addi %mul3A_212, %add3A_370 : i32
        %get3A_372 = arith.constant 0 : i32
        %get3A_373 = tpu.memref_slice %arg6[%scan3A_118, %get3A_372] : memref<8x2048xf32, #tpu.memory_space<vmem>> -> memref<1x2048xf32, #tpu.memory_space<vmem>>
        %get3A_374 = tpu.memref_squeeze %get3A_373 : memref<1x2048xf32, #tpu.memory_space<vmem>> -> memref<2048xf32, #tpu.memory_space<vmem>>
        %get3A_375 = arith.index_cast %add3A_371 : i32 to index
        %get3A_376 = tpu.vector_load %get3A_374[%get3A_375] {strides = array<i32>} : memref<2048xf32, #tpu.memory_space<vmem>>, vector<16xf32>,
        %get3A_377 = vector.shape_cast %get3A_376 : vector<16xf32> to vector<16xf32>
        %get3A_378 = arith.constant 0 : i32
        %get3A_379 = tpu.memref_slice %arg8[%scan3A_119, %get3A_378] : memref<8x2048xf32, #tpu.memory_space<vmem>> -> memref<1x2048xf32, #tpu.memory_space<vmem>>
        %get3A_380 = tpu.memref_squeeze %get3A_379 : memref<1x2048xf32, #tpu.memory_space<vmem>> -> memref<2048xf32, #tpu.memory_space<vmem>>
        %get3A_381 = arith.index_cast %add3A_371 : i32 to index
        %get3A_382 = tpu.vector_load %get3A_380[%get3A_381] {strides = array<i32>} : memref<2048xf32, #tpu.memory_space<vmem>>, vector<16xf32>,
        %get3A_383 = vector.shape_cast %get3A_382 : vector<16xf32> to vector<16xf32>
        %sub3A_384 = arith.subf %get3A_377, %get3A_383 : vector<16xf32>
        %mul3A_385 = arith.mulf %sub3A_384, %sub3A_384 : vector<16xf32>
        %eq3A_386 = arith.cmpf oeq, %mul3A_385, %mul3A_385 : vector<16xf32>
        %jit3A_387 = arith.constant 0.000000e+00 : f32
        %broadcast_in_dim3A_388 = vector.broadcast %jit3A_387 : f32 to vector<16xf32>
        %select_n3A_389 = arith.select %eq3A_386, %mul3A_385, %broadcast_in_dim3A_388 : vector<16xi1>, vector<16xf32>
        %add3A_390 = arith.addf %add3A_336, %select_n3A_389 : vector<16xf32>
        %jit3A_391 = arith.constant 1.000000e+00 : f32
        %jit3A_392 = arith.constant 0.000000e+00 : f32
        %broadcast_in_dim3A_393 = vector.broadcast %jit3A_391 : f32 to vector<16xf32>
        %broadcast_in_dim3A_394 = vector.broadcast %jit3A_392 : f32 to vector<16xf32>
        %select_n3A_395 = arith.select %eq3A_386, %broadcast_in_dim3A_393, %broadcast_in_dim3A_394 : vector<16xi1>, vector<16xf32>
        %add3A_396 = arith.addf %add3A_342, %select_n3A_395 : vector<16xf32>
        %add3A_397 = arith.constant 112 : i32
        %add3A_398 = arith.addi %mul3A_212, %add3A_397 : i32
        %get3A_399 = arith.constant 0 : i32
        %get3A_400 = tpu.memref_slice %arg6[%scan3A_118, %get3A_399] : memref<8x2048xf32, #tpu.memory_space<vmem>> -> memref<1x2048xf32, #tpu.memory_space<vmem>>
        %get3A_401 = tpu.memref_squeeze %get3A_400 : memref<1x2048xf32, #tpu.memory_space<vmem>> -> memref<2048xf32, #tpu.memory_space<vmem>>
        %get3A_402 = arith.index_cast %add3A_398 : i32 to index
        %get3A_403 = tpu.vector_load %get3A_401[%get3A_402] {strides = array<i32>} : memref<2048xf32, #tpu.memory_space<vmem>>, vector<16xf32>,
        %get3A_404 = vector.shape_cast %get3A_403 : vector<16xf32> to vector<16xf32>
        %get3A_405 = arith.constant 0 : i32
        %get3A_406 = tpu.memref_slice %arg8[%scan3A_119, %get3A_405] : memref<8x2048xf32, #tpu.memory_space<vmem>> -> memref<1x2048xf32, #tpu.memory_space<vmem>>
        %get3A_407 = tpu.memref_squeeze %get3A_406 : memref<1x2048xf32, #tpu.memory_space<vmem>> -> memref<2048xf32, #tpu.memory_space<vmem>>
        %get3A_408 = arith.index_cast %add3A_398 : i32 to index
        %get3A_409 = tpu.vector_load %get3A_407[%get3A_408] {strides = array<i32>} : memref<2048xf32, #tpu.memory_space<vmem>>, vector<16xf32>,
        %get3A_410 = vector.shape_cast %get3A_409 : vector<16xf32> to vector<16xf32>
        %sub3A_411 = arith.subf %get3A_404, %get3A_410 : vector<16xf32>
        %mul3A_412 = arith.mulf %sub3A_411, %sub3A_411 : vector<16xf32>
        %eq3A_413 = arith.cmpf oeq, %mul3A_412, %mul3A_412 : vector<16xf32>
        %jit3A_414 = arith.constant 0.000000e+00 : f32
        %broadcast_in_dim3A_415 = vector.broadcast %jit3A_414 : f32 to vector<16xf32>
        %select_n3A_416 = arith.select %eq3A_413, %mul3A_412, %broadcast_in_dim3A_415 : vector<16xi1>, vector<16xf32>
        %add3A_417 = arith.addf %add3A_363, %select_n3A_416 : vector<16xf32>
        %jit3A_418 = arith.constant 1.000000e+00 : f32
        %jit3A_419 = arith.constant 0.000000e+00 : f32
        %broadcast_in_dim3A_420 = vector.broadcast %jit3A_418 : f32 to vector<16xf32>
        %broadcast_in_dim3A_421 = vector.broadcast %jit3A_419 : f32 to vector<16xf32>
        %select_n3A_422 = arith.select %eq3A_413, %broadcast_in_dim3A_420, %broadcast_in_dim3A_421 : vector<16xi1>, vector<16xf32>
        %add3A_423 = arith.addf %add3A_369, %select_n3A_422 : vector<16xf32>
        scf.yield %add3A_390, %add3A_417, %add3A_396, %add3A_423 : vector<16xf32>, vector<16xf32>, vector<16xf32>, vector<16xf32>
      }
      %scan3A_125 = arith.constant 16 : i32
      %add3A_126 = arith.constant 1 : i32
      %add3A_127 = arith.addi %scan3A_31, %add3A_126 : i32
      %lt3A = arith.constant 8 : i32
      %lt3A_128 = arith.cmpi slt, %add3A_127, %lt3A : i32
      %convert_element_type3A = arith.extui %lt3A_128 : i1 to i32
      %cond3A = arith.constant 0 : i32
      %cond3A_129 = arith.cmpi ne, %convert_element_type3A, %cond3A : i32
      scf.if %cond3A_129 {
        %mul3A_206 = arith.constant 2 : i32
        %mul3A_207 = arith.muli %mul3A_206, %scan3A_31 : i32
        %add3A_208 = arith.constant 2 : i32
        %add3A_209 = arith.addi %mul3A_207, %add3A_208 : i32
        %mul3A_210 = arith.constant 8 : i32
        %mul3A_211 = arith.muli %add3A_209, %mul3A_210 : i32
        %add3A_212 = arith.addi %mul3A_2, %mul3A_211 : i32
        %dma_start3A_213 = arith.constant 0 : i32
        %dma_start3A_214 = tpu.memref_slice %arg2[%add3A_212, %dma_start3A_213] : memref<16384x2048xf32, #tpu.memory_space<hbm>> -> memref<8x2048xf32, #tpu.memory_space<hbm>>
        %dma_start3A_215 = arith.constant 0 : i32
        %dma_start3A_216 = tpu.memref_slice %arg2[%add3A_212, %dma_start3A_215] : memref<16384x2048xf32, #tpu.memory_space<hbm>> -> memref<8x2048xf32, #tpu.memory_space<hbm>>
        tpu.enqueue_dma source(%dma_start3A_216 : memref<8x2048xf32, #tpu.memory_space<hbm>>) target(%arg6 : memref<8x2048xf32, #tpu.memory_space<vmem>>) target_semaphore(%arg12 : memref<!tpu.dma_semaphore, #tpu.memory_space<semaphore_mem>>)
        %dma_start3A_217 = arith.constant 0 : i32
        %dma_start3A_218 = tpu.memref_slice %arg3[%add3A_212, %dma_start3A_217] : memref<16384x2048xf32, #tpu.memory_space<hbm>> -> memref<8x2048xf32, #tpu.memory_space<hbm>>
        %dma_start3A_219 = arith.constant 0 : i32
        %dma_start3A_220 = tpu.memref_slice %arg3[%add3A_212, %dma_start3A_219] : memref<16384x2048xf32, #tpu.memory_space<hbm>> -> memref<8x2048xf32, #tpu.memory_space<hbm>>
        tpu.enqueue_dma source(%dma_start3A_220 : memref<8x2048xf32, #tpu.memory_space<hbm>>) target(%arg8 : memref<8x2048xf32, #tpu.memory_space<vmem>>) target_semaphore(%arg14 : memref<!tpu.dma_semaphore, #tpu.memory_space<semaphore_mem>>)
      } else {
      }
      %dma_wait3A_130 = arith.constant 0 : i32
      %dma_wait3A_131 = arith.constant 0 : i32
      %dma_wait3A_132 = tpu.memref_slice %arg2[%dma_wait3A_130, %dma_wait3A_131] : memref<16384x2048xf32, #tpu.memory_space<hbm>> -> memref<8x2048xf32, #tpu.memory_space<hbm>>
      %dma_wait3A_133 = arith.constant 0 : i32
      %dma_wait3A_134 = arith.constant 0 : i32
      %dma_wait3A_135 = tpu.memref_slice %arg2[%dma_wait3A_133, %dma_wait3A_134] : memref<16384x2048xf32, #tpu.memory_space<hbm>> -> memref<8x2048xf32, #tpu.memory_space<hbm>>
      tpu.wait_dma2 semaphore(%arg13 : memref<!tpu.dma_semaphore, #tpu.memory_space<semaphore_mem>>) src(%dma_wait3A_135 : memref<8x2048xf32, #tpu.memory_space<hbm>>) dst(%arg7 : memref<8x2048xf32, #tpu.memory_space<vmem>>)
      %dma_wait3A_136 = arith.constant 0 : i32
      %dma_wait3A_137 = arith.constant 0 : i32
      %dma_wait3A_138 = tpu.memref_slice %arg3[%dma_wait3A_136, %dma_wait3A_137] : memref<16384x2048xf32, #tpu.memory_space<hbm>> -> memref<8x2048xf32, #tpu.memory_space<hbm>>
      %dma_wait3A_139 = arith.constant 0 : i32
      %dma_wait3A_140 = arith.constant 0 : i32
      %dma_wait3A_141 = tpu.memref_slice %arg3[%dma_wait3A_139, %dma_wait3A_140] : memref<16384x2048xf32, #tpu.memory_space<hbm>> -> memref<8x2048xf32, #tpu.memory_space<hbm>>
      tpu.wait_dma2 semaphore(%arg15 : memref<!tpu.dma_semaphore, #tpu.memory_space<semaphore_mem>>) src(%dma_wait3A_141 : memref<8x2048xf32, #tpu.memory_space<hbm>>) dst(%arg9 : memref<8x2048xf32, #tpu.memory_space<vmem>>)
      %scan3A_142 = arith.constant 0 : i32
      %scan3A_143 = arith.constant 0 : i32
      %scan3A_144 = arith.constant 0 : i32
      %scan3A_145 = arith.constant 16 : i32
      %scan3A_146 = arith.addi %scan3A_144, %scan3A_145 : i32
      %scan3A_147 = arith.constant 1 : i32
      %scan3A_148:4 = scf.for %scan3A_206 = %scan3A_144 to %scan3A_146 step %scan3A_147 iter_args(%scan3A_207 = %scan3A_124#0, %scan3A_208 = %scan3A_124#1, %scan3A_209 = %scan3A_124#2, %scan3A_210 = %scan3A_124#3) -> (vector<16xf32>, vector<16xf32>, vector<16xf32>, vector<16xf32>)  : i32 {
        %mul3A_211 = arith.constant 128 : i32
        %mul3A_212 = arith.muli %scan3A_206, %mul3A_211 : i32
        %add3A_213 = arith.constant 0 : i32
        %add3A_214 = arith.addi %mul3A_212, %add3A_213 : i32
        %get3A = arith.constant 0 : i32
        %get3A_215 = tpu.memref_slice %arg7[%scan3A_142, %get3A] : memref<8x2048xf32, #tpu.memory_space<vmem>> -> memref<1x2048xf32, #tpu.memory_space<vmem>>
        %get3A_216 = tpu.memref_squeeze %get3A_215 : memref<1x2048xf32, #tpu.memory_space<vmem>> -> memref<2048xf32, #tpu.memory_space<vmem>>
        %get3A_217 = arith.index_cast %add3A_214 : i32 to index
        %get3A_218 = tpu.vector_load %get3A_216[%get3A_217] {strides = array<i32>} : memref<2048xf32, #tpu.memory_space<vmem>>, vector<16xf32>,
        %get3A_219 = vector.shape_cast %get3A_218 : vector<16xf32> to vector<16xf32>
        %get3A_220 = arith.constant 0 : i32
        %get3A_221 = tpu.memref_slice %arg9[%scan3A_143, %get3A_220] : memref<8x2048xf32, #tpu.memory_space<vmem>> -> memref<1x2048xf32, #tpu.memory_space<vmem>>
        %get3A_222 = tpu.memref_squeeze %get3A_221 : memref<1x2048xf32, #tpu.memory_space<vmem>> -> memref<2048xf32, #tpu.memory_space<vmem>>
        %get3A_223 = arith.index_cast %add3A_214 : i32 to index
        %get3A_224 = tpu.vector_load %get3A_222[%get3A_223] {strides = array<i32>} : memref<2048xf32, #tpu.memory_space<vmem>>, vector<16xf32>,
        %get3A_225 = vector.shape_cast %get3A_224 : vector<16xf32> to vector<16xf32>
        %sub3A = arith.subf %get3A_219, %get3A_225 : vector<16xf32>
        %mul3A_226 = arith.mulf %sub3A, %sub3A : vector<16xf32>
        %eq3A = arith.cmpf oeq, %mul3A_226, %mul3A_226 : vector<16xf32>
        %jit3A = arith.constant 0.000000e+00 : f32
        %broadcast_in_dim3A_227 = vector.broadcast %jit3A : f32 to vector<16xf32>
        %select_n3A = arith.select %eq3A, %mul3A_226, %broadcast_in_dim3A_227 : vector<16xi1>, vector<16xf32>
        %add3A_228 = arith.addf %scan3A_207, %select_n3A : vector<16xf32>
        %jit3A_229 = arith.constant 1.000000e+00 : f32
        %jit3A_230 = arith.constant 0.000000e+00 : f32
        %broadcast_in_dim3A_231 = vector.broadcast %jit3A_229 : f32 to vector<16xf32>
        %broadcast_in_dim3A_232 = vector.broadcast %jit3A_230 : f32 to vector<16xf32>
        %select_n3A_233 = arith.select %eq3A, %broadcast_in_dim3A_231, %broadcast_in_dim3A_232 : vector<16xi1>, vector<16xf32>
        %add3A_234 = arith.addf %scan3A_209, %select_n3A_233 : vector<16xf32>
        %add3A_235 = arith.constant 16 : i32
        %add3A_236 = arith.addi %mul3A_212, %add3A_235 : i32
        %get3A_237 = arith.constant 0 : i32
        %get3A_238 = tpu.memref_slice %arg7[%scan3A_142, %get3A_237] : memref<8x2048xf32, #tpu.memory_space<vmem>> -> memref<1x2048xf32, #tpu.memory_space<vmem>>
        %get3A_239 = tpu.memref_squeeze %get3A_238 : memref<1x2048xf32, #tpu.memory_space<vmem>> -> memref<2048xf32, #tpu.memory_space<vmem>>
        %get3A_240 = arith.index_cast %add3A_236 : i32 to index
        %get3A_241 = tpu.vector_load %get3A_239[%get3A_240] {strides = array<i32>} : memref<2048xf32, #tpu.memory_space<vmem>>, vector<16xf32>,
        %get3A_242 = vector.shape_cast %get3A_241 : vector<16xf32> to vector<16xf32>
        %get3A_243 = arith.constant 0 : i32
        %get3A_244 = tpu.memref_slice %arg9[%scan3A_143, %get3A_243] : memref<8x2048xf32, #tpu.memory_space<vmem>> -> memref<1x2048xf32, #tpu.memory_space<vmem>>
        %get3A_245 = tpu.memref_squeeze %get3A_244 : memref<1x2048xf32, #tpu.memory_space<vmem>> -> memref<2048xf32, #tpu.memory_space<vmem>>
        %get3A_246 = arith.index_cast %add3A_236 : i32 to index
        %get3A_247 = tpu.vector_load %get3A_245[%get3A_246] {strides = array<i32>} : memref<2048xf32, #tpu.memory_space<vmem>>, vector<16xf32>,
        %get3A_248 = vector.shape_cast %get3A_247 : vector<16xf32> to vector<16xf32>
        %sub3A_249 = arith.subf %get3A_242, %get3A_248 : vector<16xf32>
        %mul3A_250 = arith.mulf %sub3A_249, %sub3A_249 : vector<16xf32>
        %eq3A_251 = arith.cmpf oeq, %mul3A_250, %mul3A_250 : vector<16xf32>
        %jit3A_252 = arith.constant 0.000000e+00 : f32
        %broadcast_in_dim3A_253 = vector.broadcast %jit3A_252 : f32 to vector<16xf32>
        %select_n3A_254 = arith.select %eq3A_251, %mul3A_250, %broadcast_in_dim3A_253 : vector<16xi1>, vector<16xf32>
        %add3A_255 = arith.addf %scan3A_208, %select_n3A_254 : vector<16xf32>
        %jit3A_256 = arith.constant 1.000000e+00 : f32
        %jit3A_257 = arith.constant 0.000000e+00 : f32
        %broadcast_in_dim3A_258 = vector.broadcast %jit3A_256 : f32 to vector<16xf32>
        %broadcast_in_dim3A_259 = vector.broadcast %jit3A_257 : f32 to vector<16xf32>
        %select_n3A_260 = arith.select %eq3A_251, %broadcast_in_dim3A_258, %broadcast_in_dim3A_259 : vector<16xi1>, vector<16xf32>
        %add3A_261 = arith.addf %scan3A_210, %select_n3A_260 : vector<16xf32>
        %add3A_262 = arith.constant 32 : i32
        %add3A_263 = arith.addi %mul3A_212, %add3A_262 : i32
        %get3A_264 = arith.constant 0 : i32
        %get3A_265 = tpu.memref_slice %arg7[%scan3A_142, %get3A_264] : memref<8x2048xf32, #tpu.memory_space<vmem>> -> memref<1x2048xf32, #tpu.memory_space<vmem>>
        %get3A_266 = tpu.memref_squeeze %get3A_265 : memref<1x2048xf32, #tpu.memory_space<vmem>> -> memref<2048xf32, #tpu.memory_space<vmem>>
        %get3A_267 = arith.index_cast %add3A_263 : i32 to index
        %get3A_268 = tpu.vector_load %get3A_266[%get3A_267] {strides = array<i32>} : memref<2048xf32, #tpu.memory_space<vmem>>, vector<16xf32>,
        %get3A_269 = vector.shape_cast %get3A_268 : vector<16xf32> to vector<16xf32>
        %get3A_270 = arith.constant 0 : i32
        %get3A_271 = tpu.memref_slice %arg9[%scan3A_143, %get3A_270] : memref<8x2048xf32, #tpu.memory_space<vmem>> -> memref<1x2048xf32, #tpu.memory_space<vmem>>
        %get3A_272 = tpu.memref_squeeze %get3A_271 : memref<1x2048xf32, #tpu.memory_space<vmem>> -> memref<2048xf32, #tpu.memory_space<vmem>>
        %get3A_273 = arith.index_cast %add3A_263 : i32 to index
        %get3A_274 = tpu.vector_load %get3A_272[%get3A_273] {strides = array<i32>} : memref<2048xf32, #tpu.memory_space<vmem>>, vector<16xf32>,
        %get3A_275 = vector.shape_cast %get3A_274 : vector<16xf32> to vector<16xf32>
        %sub3A_276 = arith.subf %get3A_269, %get3A_275 : vector<16xf32>
        %mul3A_277 = arith.mulf %sub3A_276, %sub3A_276 : vector<16xf32>
        %eq3A_278 = arith.cmpf oeq, %mul3A_277, %mul3A_277 : vector<16xf32>
        %jit3A_279 = arith.constant 0.000000e+00 : f32
        %broadcast_in_dim3A_280 = vector.broadcast %jit3A_279 : f32 to vector<16xf32>
        %select_n3A_281 = arith.select %eq3A_278, %mul3A_277, %broadcast_in_dim3A_280 : vector<16xi1>, vector<16xf32>
        %add3A_282 = arith.addf %add3A_228, %select_n3A_281 : vector<16xf32>
        %jit3A_283 = arith.constant 1.000000e+00 : f32
        %jit3A_284 = arith.constant 0.000000e+00 : f32
        %broadcast_in_dim3A_285 = vector.broadcast %jit3A_283 : f32 to vector<16xf32>
        %broadcast_in_dim3A_286 = vector.broadcast %jit3A_284 : f32 to vector<16xf32>
        %select_n3A_287 = arith.select %eq3A_278, %broadcast_in_dim3A_285, %broadcast_in_dim3A_286 : vector<16xi1>, vector<16xf32>
        %add3A_288 = arith.addf %add3A_234, %select_n3A_287 : vector<16xf32>
        %add3A_289 = arith.constant 48 : i32
        %add3A_290 = arith.addi %mul3A_212, %add3A_289 : i32
        %get3A_291 = arith.constant 0 : i32
        %get3A_292 = tpu.memref_slice %arg7[%scan3A_142, %get3A_291] : memref<8x2048xf32, #tpu.memory_space<vmem>> -> memref<1x2048xf32, #tpu.memory_space<vmem>>
        %get3A_293 = tpu.memref_squeeze %get3A_292 : memref<1x2048xf32, #tpu.memory_space<vmem>> -> memref<2048xf32, #tpu.memory_space<vmem>>
        %get3A_294 = arith.index_cast %add3A_290 : i32 to index
        %get3A_295 = tpu.vector_load %get3A_293[%get3A_294] {strides = array<i32>} : memref<2048xf32, #tpu.memory_space<vmem>>, vector<16xf32>,
        %get3A_296 = vector.shape_cast %get3A_295 : vector<16xf32> to vector<16xf32>
        %get3A_297 = arith.constant 0 : i32
        %get3A_298 = tpu.memref_slice %arg9[%scan3A_143, %get3A_297] : memref<8x2048xf32, #tpu.memory_space<vmem>> -> memref<1x2048xf32, #tpu.memory_space<vmem>>
        %get3A_299 = tpu.memref_squeeze %get3A_298 : memref<1x2048xf32, #tpu.memory_space<vmem>> -> memref<2048xf32, #tpu.memory_space<vmem>>
        %get3A_300 = arith.index_cast %add3A_290 : i32 to index
        %get3A_301 = tpu.vector_load %get3A_299[%get3A_300] {strides = array<i32>} : memref<2048xf32, #tpu.memory_space<vmem>>, vector<16xf32>,
        %get3A_302 = vector.shape_cast %get3A_301 : vector<16xf32> to vector<16xf32>
        %sub3A_303 = arith.subf %get3A_296, %get3A_302 : vector<16xf32>
        %mul3A_304 = arith.mulf %sub3A_303, %sub3A_303 : vector<16xf32>
        %eq3A_305 = arith.cmpf oeq, %mul3A_304, %mul3A_304 : vector<16xf32>
        %jit3A_306 = arith.constant 0.000000e+00 : f32
        %broadcast_in_dim3A_307 = vector.broadcast %jit3A_306 : f32 to vector<16xf32>
        %select_n3A_308 = arith.select %eq3A_305, %mul3A_304, %broadcast_in_dim3A_307 : vector<16xi1>, vector<16xf32>
        %add3A_309 = arith.addf %add3A_255, %select_n3A_308 : vector<16xf32>
        %jit3A_310 = arith.constant 1.000000e+00 : f32
        %jit3A_311 = arith.constant 0.000000e+00 : f32
        %broadcast_in_dim3A_312 = vector.broadcast %jit3A_310 : f32 to vector<16xf32>
        %broadcast_in_dim3A_313 = vector.broadcast %jit3A_311 : f32 to vector<16xf32>
        %select_n3A_314 = arith.select %eq3A_305, %broadcast_in_dim3A_312, %broadcast_in_dim3A_313 : vector<16xi1>, vector<16xf32>
        %add3A_315 = arith.addf %add3A_261, %select_n3A_314 : vector<16xf32>
        %add3A_316 = arith.constant 64 : i32
        %add3A_317 = arith.addi %mul3A_212, %add3A_316 : i32
        %get3A_318 = arith.constant 0 : i32
        %get3A_319 = tpu.memref_slice %arg7[%scan3A_142, %get3A_318] : memref<8x2048xf32, #tpu.memory_space<vmem>> -> memref<1x2048xf32, #tpu.memory_space<vmem>>
        %get3A_320 = tpu.memref_squeeze %get3A_319 : memref<1x2048xf32, #tpu.memory_space<vmem>> -> memref<2048xf32, #tpu.memory_space<vmem>>
        %get3A_321 = arith.index_cast %add3A_317 : i32 to index
        %get3A_322 = tpu.vector_load %get3A_320[%get3A_321] {strides = array<i32>} : memref<2048xf32, #tpu.memory_space<vmem>>, vector<16xf32>,
        %get3A_323 = vector.shape_cast %get3A_322 : vector<16xf32> to vector<16xf32>
        %get3A_324 = arith.constant 0 : i32
        %get3A_325 = tpu.memref_slice %arg9[%scan3A_143, %get3A_324] : memref<8x2048xf32, #tpu.memory_space<vmem>> -> memref<1x2048xf32, #tpu.memory_space<vmem>>
        %get3A_326 = tpu.memref_squeeze %get3A_325 : memref<1x2048xf32, #tpu.memory_space<vmem>> -> memref<2048xf32, #tpu.memory_space<vmem>>
        %get3A_327 = arith.index_cast %add3A_317 : i32 to index
        %get3A_328 = tpu.vector_load %get3A_326[%get3A_327] {strides = array<i32>} : memref<2048xf32, #tpu.memory_space<vmem>>, vector<16xf32>,
        %get3A_329 = vector.shape_cast %get3A_328 : vector<16xf32> to vector<16xf32>
        %sub3A_330 = arith.subf %get3A_323, %get3A_329 : vector<16xf32>
        %mul3A_331 = arith.mulf %sub3A_330, %sub3A_330 : vector<16xf32>
        %eq3A_332 = arith.cmpf oeq, %mul3A_331, %mul3A_331 : vector<16xf32>
        %jit3A_333 = arith.constant 0.000000e+00 : f32
        %broadcast_in_dim3A_334 = vector.broadcast %jit3A_333 : f32 to vector<16xf32>
        %select_n3A_335 = arith.select %eq3A_332, %mul3A_331, %broadcast_in_dim3A_334 : vector<16xi1>, vector<16xf32>
        %add3A_336 = arith.addf %add3A_282, %select_n3A_335 : vector<16xf32>
        %jit3A_337 = arith.constant 1.000000e+00 : f32
        %jit3A_338 = arith.constant 0.000000e+00 : f32
        %broadcast_in_dim3A_339 = vector.broadcast %jit3A_337 : f32 to vector<16xf32>
        %broadcast_in_dim3A_340 = vector.broadcast %jit3A_338 : f32 to vector<16xf32>
        %select_n3A_341 = arith.select %eq3A_332, %broadcast_in_dim3A_339, %broadcast_in_dim3A_340 : vector<16xi1>, vector<16xf32>
        %add3A_342 = arith.addf %add3A_288, %select_n3A_341 : vector<16xf32>
        %add3A_343 = arith.constant 80 : i32
        %add3A_344 = arith.addi %mul3A_212, %add3A_343 : i32
        %get3A_345 = arith.constant 0 : i32
        %get3A_346 = tpu.memref_slice %arg7[%scan3A_142, %get3A_345] : memref<8x2048xf32, #tpu.memory_space<vmem>> -> memref<1x2048xf32, #tpu.memory_space<vmem>>
        %get3A_347 = tpu.memref_squeeze %get3A_346 : memref<1x2048xf32, #tpu.memory_space<vmem>> -> memref<2048xf32, #tpu.memory_space<vmem>>
        %get3A_348 = arith.index_cast %add3A_344 : i32 to index
        %get3A_349 = tpu.vector_load %get3A_347[%get3A_348] {strides = array<i32>} : memref<2048xf32, #tpu.memory_space<vmem>>, vector<16xf32>,
        %get3A_350 = vector.shape_cast %get3A_349 : vector<16xf32> to vector<16xf32>
        %get3A_351 = arith.constant 0 : i32
        %get3A_352 = tpu.memref_slice %arg9[%scan3A_143, %get3A_351] : memref<8x2048xf32, #tpu.memory_space<vmem>> -> memref<1x2048xf32, #tpu.memory_space<vmem>>
        %get3A_353 = tpu.memref_squeeze %get3A_352 : memref<1x2048xf32, #tpu.memory_space<vmem>> -> memref<2048xf32, #tpu.memory_space<vmem>>
        %get3A_354 = arith.index_cast %add3A_344 : i32 to index
        %get3A_355 = tpu.vector_load %get3A_353[%get3A_354] {strides = array<i32>} : memref<2048xf32, #tpu.memory_space<vmem>>, vector<16xf32>,
        %get3A_356 = vector.shape_cast %get3A_355 : vector<16xf32> to vector<16xf32>
        %sub3A_357 = arith.subf %get3A_350, %get3A_356 : vector<16xf32>
        %mul3A_358 = arith.mulf %sub3A_357, %sub3A_357 : vector<16xf32>
        %eq3A_359 = arith.cmpf oeq, %mul3A_358, %mul3A_358 : vector<16xf32>
        %jit3A_360 = arith.constant 0.000000e+00 : f32
        %broadcast_in_dim3A_361 = vector.broadcast %jit3A_360 : f32 to vector<16xf32>
        %select_n3A_362 = arith.select %eq3A_359, %mul3A_358, %broadcast_in_dim3A_361 : vector<16xi1>, vector<16xf32>
        %add3A_363 = arith.addf %add3A_309, %select_n3A_362 : vector<16xf32>
        %jit3A_364 = arith.constant 1.000000e+00 : f32
        %jit3A_365 = arith.constant 0.000000e+00 : f32
        %broadcast_in_dim3A_366 = vector.broadcast %jit3A_364 : f32 to vector<16xf32>
        %broadcast_in_dim3A_367 = vector.broadcast %jit3A_365 : f32 to vector<16xf32>
        %select_n3A_368 = arith.select %eq3A_359, %broadcast_in_dim3A_366, %broadcast_in_dim3A_367 : vector<16xi1>, vector<16xf32>
        %add3A_369 = arith.addf %add3A_315, %select_n3A_368 : vector<16xf32>
        %add3A_370 = arith.constant 96 : i32
        %add3A_371 = arith.addi %mul3A_212, %add3A_370 : i32
        %get3A_372 = arith.constant 0 : i32
        %get3A_373 = tpu.memref_slice %arg7[%scan3A_142, %get3A_372] : memref<8x2048xf32, #tpu.memory_space<vmem>> -> memref<1x2048xf32, #tpu.memory_space<vmem>>
        %get3A_374 = tpu.memref_squeeze %get3A_373 : memref<1x2048xf32, #tpu.memory_space<vmem>> -> memref<2048xf32, #tpu.memory_space<vmem>>
        %get3A_375 = arith.index_cast %add3A_371 : i32 to index
        %get3A_376 = tpu.vector_load %get3A_374[%get3A_375] {strides = array<i32>} : memref<2048xf32, #tpu.memory_space<vmem>>, vector<16xf32>,
        %get3A_377 = vector.shape_cast %get3A_376 : vector<16xf32> to vector<16xf32>
        %get3A_378 = arith.constant 0 : i32
        %get3A_379 = tpu.memref_slice %arg9[%scan3A_143, %get3A_378] : memref<8x2048xf32, #tpu.memory_space<vmem>> -> memref<1x2048xf32, #tpu.memory_space<vmem>>
        %get3A_380 = tpu.memref_squeeze %get3A_379 : memref<1x2048xf32, #tpu.memory_space<vmem>> -> memref<2048xf32, #tpu.memory_space<vmem>>
        %get3A_381 = arith.index_cast %add3A_371 : i32 to index
        %get3A_382 = tpu.vector_load %get3A_380[%get3A_381] {strides = array<i32>} : memref<2048xf32, #tpu.memory_space<vmem>>, vector<16xf32>,
        %get3A_383 = vector.shape_cast %get3A_382 : vector<16xf32> to vector<16xf32>
        %sub3A_384 = arith.subf %get3A_377, %get3A_383 : vector<16xf32>
        %mul3A_385 = arith.mulf %sub3A_384, %sub3A_384 : vector<16xf32>
        %eq3A_386 = arith.cmpf oeq, %mul3A_385, %mul3A_385 : vector<16xf32>
        %jit3A_387 = arith.constant 0.000000e+00 : f32
        %broadcast_in_dim3A_388 = vector.broadcast %jit3A_387 : f32 to vector<16xf32>
        %select_n3A_389 = arith.select %eq3A_386, %mul3A_385, %broadcast_in_dim3A_388 : vector<16xi1>, vector<16xf32>
        %add3A_390 = arith.addf %add3A_336, %select_n3A_389 : vector<16xf32>
        %jit3A_391 = arith.constant 1.000000e+00 : f32
        %jit3A_392 = arith.constant 0.000000e+00 : f32
        %broadcast_in_dim3A_393 = vector.broadcast %jit3A_391 : f32 to vector<16xf32>
        %broadcast_in_dim3A_394 = vector.broadcast %jit3A_392 : f32 to vector<16xf32>
        %select_n3A_395 = arith.select %eq3A_386, %broadcast_in_dim3A_393, %broadcast_in_dim3A_394 : vector<16xi1>, vector<16xf32>
        %add3A_396 = arith.addf %add3A_342, %select_n3A_395 : vector<16xf32>
        %add3A_397 = arith.constant 112 : i32
        %add3A_398 = arith.addi %mul3A_212, %add3A_397 : i32
        %get3A_399 = arith.constant 0 : i32
        %get3A_400 = tpu.memref_slice %arg7[%scan3A_142, %get3A_399] : memref<8x2048xf32, #tpu.memory_space<vmem>> -> memref<1x2048xf32, #tpu.memory_space<vmem>>
        %get3A_401 = tpu.memref_squeeze %get3A_400 : memref<1x2048xf32, #tpu.memory_space<vmem>> -> memref<2048xf32, #tpu.memory_space<vmem>>
        %get3A_402 = arith.index_cast %add3A_398 : i32 to index
        %get3A_403 = tpu.vector_load %get3A_401[%get3A_402] {strides = array<i32>} : memref<2048xf32, #tpu.memory_space<vmem>>, vector<16xf32>,
        %get3A_404 = vector.shape_cast %get3A_403 : vector<16xf32> to vector<16xf32>
        %get3A_405 = arith.constant 0 : i32
        %get3A_406 = tpu.memref_slice %arg9[%scan3A_143, %get3A_405] : memref<8x2048xf32, #tpu.memory_space<vmem>> -> memref<1x2048xf32, #tpu.memory_space<vmem>>
        %get3A_407 = tpu.memref_squeeze %get3A_406 : memref<1x2048xf32, #tpu.memory_space<vmem>> -> memref<2048xf32, #tpu.memory_space<vmem>>
        %get3A_408 = arith.index_cast %add3A_398 : i32 to index
        %get3A_409 = tpu.vector_load %get3A_407[%get3A_408] {strides = array<i32>} : memref<2048xf32, #tpu.memory_space<vmem>>, vector<16xf32>,
        %get3A_410 = vector.shape_cast %get3A_409 : vector<16xf32> to vector<16xf32>
        %sub3A_411 = arith.subf %get3A_404, %get3A_410 : vector<16xf32>
        %mul3A_412 = arith.mulf %sub3A_411, %sub3A_411 : vector<16xf32>
        %eq3A_413 = arith.cmpf oeq, %mul3A_412, %mul3A_412 : vector<16xf32>
        %jit3A_414 = arith.constant 0.000000e+00 : f32
        %broadcast_in_dim3A_415 = vector.broadcast %jit3A_414 : f32 to vector<16xf32>
        %select_n3A_416 = arith.select %eq3A_413, %mul3A_412, %broadcast_in_dim3A_415 : vector<16xi1>, vector<16xf32>
        %add3A_417 = arith.addf %add3A_363, %select_n3A_416 : vector<16xf32>
        %jit3A_418 = arith.constant 1.000000e+00 : f32
        %jit3A_419 = arith.constant 0.000000e+00 : f32
        %broadcast_in_dim3A_420 = vector.broadcast %jit3A_418 : f32 to vector<16xf32>
        %broadcast_in_dim3A_421 = vector.broadcast %jit3A_419 : f32 to vector<16xf32>
        %select_n3A_422 = arith.select %eq3A_413, %broadcast_in_dim3A_420, %broadcast_in_dim3A_421 : vector<16xi1>, vector<16xf32>
        %add3A_423 = arith.addf %add3A_369, %select_n3A_422 : vector<16xf32>
        scf.yield %add3A_390, %add3A_417, %add3A_396, %add3A_423 : vector<16xf32>, vector<16xf32>, vector<16xf32>, vector<16xf32>
      }
      %scan3A_149 = arith.constant 16 : i32
      %scan3A_150 = arith.constant 1 : i32
      %scan3A_151 = arith.constant 1 : i32
      %scan3A_152 = arith.constant 0 : i32
      %scan3A_153 = arith.constant 16 : i32
      %scan3A_154 = arith.addi %scan3A_152, %scan3A_153 : i32
      %scan3A_155 = arith.constant 1 : i32
      %scan3A_156:4 = scf.for %scan3A_206 = %scan3A_152 to %scan3A_154 step %scan3A_155 iter_args(%scan3A_207 = %scan3A_148#0, %scan3A_208 = %scan3A_148#1, %scan3A_209 = %scan3A_148#2, %scan3A_210 = %scan3A_148#3) -> (vector<16xf32>, vector<16xf32>, vector<16xf32>, vector<16xf32>)  : i32 {
        %mul3A_211 = arith.constant 128 : i32
        %mul3A_212 = arith.muli %scan3A_206, %mul3A_211 : i32
        %add3A_213 = arith.constant 0 : i32
        %add3A_214 = arith.addi %mul3A_212, %add3A_213 : i32
        %get3A = arith.constant 0 : i32
        %get3A_215 = tpu.memref_slice %arg7[%scan3A_150, %get3A] : memref<8x2048xf32, #tpu.memory_space<vmem>> -> memref<1x2048xf32, #tpu.memory_space<vmem>>
        %get3A_216 = tpu.memref_squeeze %get3A_215 : memref<1x2048xf32, #tpu.memory_space<vmem>> -> memref<2048xf32, #tpu.memory_space<vmem>>
        %get3A_217 = arith.index_cast %add3A_214 : i32 to index
        %get3A_218 = tpu.vector_load %get3A_216[%get3A_217] {strides = array<i32>} : memref<2048xf32, #tpu.memory_space<vmem>>, vector<16xf32>,
        %get3A_219 = vector.shape_cast %get3A_218 : vector<16xf32> to vector<16xf32>
        %get3A_220 = arith.constant 0 : i32
        %get3A_221 = tpu.memref_slice %arg9[%scan3A_151, %get3A_220] : memref<8x2048xf32, #tpu.memory_space<vmem>> -> memref<1x2048xf32, #tpu.memory_space<vmem>>
        %get3A_222 = tpu.memref_squeeze %get3A_221 : memref<1x2048xf32, #tpu.memory_space<vmem>> -> memref<2048xf32, #tpu.memory_space<vmem>>
        %get3A_223 = arith.index_cast %add3A_214 : i32 to index
        %get3A_224 = tpu.vector_load %get3A_222[%get3A_223] {strides = array<i32>} : memref<2048xf32, #tpu.memory_space<vmem>>, vector<16xf32>,
        %get3A_225 = vector.shape_cast %get3A_224 : vector<16xf32> to vector<16xf32>
        %sub3A = arith.subf %get3A_219, %get3A_225 : vector<16xf32>
        %mul3A_226 = arith.mulf %sub3A, %sub3A : vector<16xf32>
        %eq3A = arith.cmpf oeq, %mul3A_226, %mul3A_226 : vector<16xf32>
        %jit3A = arith.constant 0.000000e+00 : f32
        %broadcast_in_dim3A_227 = vector.broadcast %jit3A : f32 to vector<16xf32>
        %select_n3A = arith.select %eq3A, %mul3A_226, %broadcast_in_dim3A_227 : vector<16xi1>, vector<16xf32>
        %add3A_228 = arith.addf %scan3A_207, %select_n3A : vector<16xf32>
        %jit3A_229 = arith.constant 1.000000e+00 : f32
        %jit3A_230 = arith.constant 0.000000e+00 : f32
        %broadcast_in_dim3A_231 = vector.broadcast %jit3A_229 : f32 to vector<16xf32>
        %broadcast_in_dim3A_232 = vector.broadcast %jit3A_230 : f32 to vector<16xf32>
        %select_n3A_233 = arith.select %eq3A, %broadcast_in_dim3A_231, %broadcast_in_dim3A_232 : vector<16xi1>, vector<16xf32>
        %add3A_234 = arith.addf %scan3A_209, %select_n3A_233 : vector<16xf32>
        %add3A_235 = arith.constant 16 : i32
        %add3A_236 = arith.addi %mul3A_212, %add3A_235 : i32
        %get3A_237 = arith.constant 0 : i32
        %get3A_238 = tpu.memref_slice %arg7[%scan3A_150, %get3A_237] : memref<8x2048xf32, #tpu.memory_space<vmem>> -> memref<1x2048xf32, #tpu.memory_space<vmem>>
        %get3A_239 = tpu.memref_squeeze %get3A_238 : memref<1x2048xf32, #tpu.memory_space<vmem>> -> memref<2048xf32, #tpu.memory_space<vmem>>
        %get3A_240 = arith.index_cast %add3A_236 : i32 to index
        %get3A_241 = tpu.vector_load %get3A_239[%get3A_240] {strides = array<i32>} : memref<2048xf32, #tpu.memory_space<vmem>>, vector<16xf32>,
        %get3A_242 = vector.shape_cast %get3A_241 : vector<16xf32> to vector<16xf32>
        %get3A_243 = arith.constant 0 : i32
        %get3A_244 = tpu.memref_slice %arg9[%scan3A_151, %get3A_243] : memref<8x2048xf32, #tpu.memory_space<vmem>> -> memref<1x2048xf32, #tpu.memory_space<vmem>>
        %get3A_245 = tpu.memref_squeeze %get3A_244 : memref<1x2048xf32, #tpu.memory_space<vmem>> -> memref<2048xf32, #tpu.memory_space<vmem>>
        %get3A_246 = arith.index_cast %add3A_236 : i32 to index
        %get3A_247 = tpu.vector_load %get3A_245[%get3A_246] {strides = array<i32>} : memref<2048xf32, #tpu.memory_space<vmem>>, vector<16xf32>,
        %get3A_248 = vector.shape_cast %get3A_247 : vector<16xf32> to vector<16xf32>
        %sub3A_249 = arith.subf %get3A_242, %get3A_248 : vector<16xf32>
        %mul3A_250 = arith.mulf %sub3A_249, %sub3A_249 : vector<16xf32>
        %eq3A_251 = arith.cmpf oeq, %mul3A_250, %mul3A_250 : vector<16xf32>
        %jit3A_252 = arith.constant 0.000000e+00 : f32
        %broadcast_in_dim3A_253 = vector.broadcast %jit3A_252 : f32 to vector<16xf32>
        %select_n3A_254 = arith.select %eq3A_251, %mul3A_250, %broadcast_in_dim3A_253 : vector<16xi1>, vector<16xf32>
        %add3A_255 = arith.addf %scan3A_208, %select_n3A_254 : vector<16xf32>
        %jit3A_256 = arith.constant 1.000000e+00 : f32
        %jit3A_257 = arith.constant 0.000000e+00 : f32
        %broadcast_in_dim3A_258 = vector.broadcast %jit3A_256 : f32 to vector<16xf32>
        %broadcast_in_dim3A_259 = vector.broadcast %jit3A_257 : f32 to vector<16xf32>
        %select_n3A_260 = arith.select %eq3A_251, %broadcast_in_dim3A_258, %broadcast_in_dim3A_259 : vector<16xi1>, vector<16xf32>
        %add3A_261 = arith.addf %scan3A_210, %select_n3A_260 : vector<16xf32>
        %add3A_262 = arith.constant 32 : i32
        %add3A_263 = arith.addi %mul3A_212, %add3A_262 : i32
        %get3A_264 = arith.constant 0 : i32
        %get3A_265 = tpu.memref_slice %arg7[%scan3A_150, %get3A_264] : memref<8x2048xf32, #tpu.memory_space<vmem>> -> memref<1x2048xf32, #tpu.memory_space<vmem>>
        %get3A_266 = tpu.memref_squeeze %get3A_265 : memref<1x2048xf32, #tpu.memory_space<vmem>> -> memref<2048xf32, #tpu.memory_space<vmem>>
        %get3A_267 = arith.index_cast %add3A_263 : i32 to index
        %get3A_268 = tpu.vector_load %get3A_266[%get3A_267] {strides = array<i32>} : memref<2048xf32, #tpu.memory_space<vmem>>, vector<16xf32>,
        %get3A_269 = vector.shape_cast %get3A_268 : vector<16xf32> to vector<16xf32>
        %get3A_270 = arith.constant 0 : i32
        %get3A_271 = tpu.memref_slice %arg9[%scan3A_151, %get3A_270] : memref<8x2048xf32, #tpu.memory_space<vmem>> -> memref<1x2048xf32, #tpu.memory_space<vmem>>
        %get3A_272 = tpu.memref_squeeze %get3A_271 : memref<1x2048xf32, #tpu.memory_space<vmem>> -> memref<2048xf32, #tpu.memory_space<vmem>>
        %get3A_273 = arith.index_cast %add3A_263 : i32 to index
        %get3A_274 = tpu.vector_load %get3A_272[%get3A_273] {strides = array<i32>} : memref<2048xf32, #tpu.memory_space<vmem>>, vector<16xf32>,
        %get3A_275 = vector.shape_cast %get3A_274 : vector<16xf32> to vector<16xf32>
        %sub3A_276 = arith.subf %get3A_269, %get3A_275 : vector<16xf32>
        %mul3A_277 = arith.mulf %sub3A_276, %sub3A_276 : vector<16xf32>
        %eq3A_278 = arith.cmpf oeq, %mul3A_277, %mul3A_277 : vector<16xf32>
        %jit3A_279 = arith.constant 0.000000e+00 : f32
        %broadcast_in_dim3A_280 = vector.broadcast %jit3A_279 : f32 to vector<16xf32>
        %select_n3A_281 = arith.select %eq3A_278, %mul3A_277, %broadcast_in_dim3A_280 : vector<16xi1>, vector<16xf32>
        %add3A_282 = arith.addf %add3A_228, %select_n3A_281 : vector<16xf32>
        %jit3A_283 = arith.constant 1.000000e+00 : f32
        %jit3A_284 = arith.constant 0.000000e+00 : f32
        %broadcast_in_dim3A_285 = vector.broadcast %jit3A_283 : f32 to vector<16xf32>
        %broadcast_in_dim3A_286 = vector.broadcast %jit3A_284 : f32 to vector<16xf32>
        %select_n3A_287 = arith.select %eq3A_278, %broadcast_in_dim3A_285, %broadcast_in_dim3A_286 : vector<16xi1>, vector<16xf32>
        %add3A_288 = arith.addf %add3A_234, %select_n3A_287 : vector<16xf32>
        %add3A_289 = arith.constant 48 : i32
        %add3A_290 = arith.addi %mul3A_212, %add3A_289 : i32
        %get3A_291 = arith.constant 0 : i32
        %get3A_292 = tpu.memref_slice %arg7[%scan3A_150, %get3A_291] : memref<8x2048xf32, #tpu.memory_space<vmem>> -> memref<1x2048xf32, #tpu.memory_space<vmem>>
        %get3A_293 = tpu.memref_squeeze %get3A_292 : memref<1x2048xf32, #tpu.memory_space<vmem>> -> memref<2048xf32, #tpu.memory_space<vmem>>
        %get3A_294 = arith.index_cast %add3A_290 : i32 to index
        %get3A_295 = tpu.vector_load %get3A_293[%get3A_294] {strides = array<i32>} : memref<2048xf32, #tpu.memory_space<vmem>>, vector<16xf32>,
        %get3A_296 = vector.shape_cast %get3A_295 : vector<16xf32> to vector<16xf32>
        %get3A_297 = arith.constant 0 : i32
        %get3A_298 = tpu.memref_slice %arg9[%scan3A_151, %get3A_297] : memref<8x2048xf32, #tpu.memory_space<vmem>> -> memref<1x2048xf32, #tpu.memory_space<vmem>>
        %get3A_299 = tpu.memref_squeeze %get3A_298 : memref<1x2048xf32, #tpu.memory_space<vmem>> -> memref<2048xf32, #tpu.memory_space<vmem>>
        %get3A_300 = arith.index_cast %add3A_290 : i32 to index
        %get3A_301 = tpu.vector_load %get3A_299[%get3A_300] {strides = array<i32>} : memref<2048xf32, #tpu.memory_space<vmem>>, vector<16xf32>,
        %get3A_302 = vector.shape_cast %get3A_301 : vector<16xf32> to vector<16xf32>
        %sub3A_303 = arith.subf %get3A_296, %get3A_302 : vector<16xf32>
        %mul3A_304 = arith.mulf %sub3A_303, %sub3A_303 : vector<16xf32>
        %eq3A_305 = arith.cmpf oeq, %mul3A_304, %mul3A_304 : vector<16xf32>
        %jit3A_306 = arith.constant 0.000000e+00 : f32
        %broadcast_in_dim3A_307 = vector.broadcast %jit3A_306 : f32 to vector<16xf32>
        %select_n3A_308 = arith.select %eq3A_305, %mul3A_304, %broadcast_in_dim3A_307 : vector<16xi1>, vector<16xf32>
        %add3A_309 = arith.addf %add3A_255, %select_n3A_308 : vector<16xf32>
        %jit3A_310 = arith.constant 1.000000e+00 : f32
        %jit3A_311 = arith.constant 0.000000e+00 : f32
        %broadcast_in_dim3A_312 = vector.broadcast %jit3A_310 : f32 to vector<16xf32>
        %broadcast_in_dim3A_313 = vector.broadcast %jit3A_311 : f32 to vector<16xf32>
        %select_n3A_314 = arith.select %eq3A_305, %broadcast_in_dim3A_312, %broadcast_in_dim3A_313 : vector<16xi1>, vector<16xf32>
        %add3A_315 = arith.addf %add3A_261, %select_n3A_314 : vector<16xf32>
        %add3A_316 = arith.constant 64 : i32
        %add3A_317 = arith.addi %mul3A_212, %add3A_316 : i32
        %get3A_318 = arith.constant 0 : i32
        %get3A_319 = tpu.memref_slice %arg7[%scan3A_150, %get3A_318] : memref<8x2048xf32, #tpu.memory_space<vmem>> -> memref<1x2048xf32, #tpu.memory_space<vmem>>
        %get3A_320 = tpu.memref_squeeze %get3A_319 : memref<1x2048xf32, #tpu.memory_space<vmem>> -> memref<2048xf32, #tpu.memory_space<vmem>>
        %get3A_321 = arith.index_cast %add3A_317 : i32 to index
        %get3A_322 = tpu.vector_load %get3A_320[%get3A_321] {strides = array<i32>} : memref<2048xf32, #tpu.memory_space<vmem>>, vector<16xf32>,
        %get3A_323 = vector.shape_cast %get3A_322 : vector<16xf32> to vector<16xf32>
        %get3A_324 = arith.constant 0 : i32
        %get3A_325 = tpu.memref_slice %arg9[%scan3A_151, %get3A_324] : memref<8x2048xf32, #tpu.memory_space<vmem>> -> memref<1x2048xf32, #tpu.memory_space<vmem>>
        %get3A_326 = tpu.memref_squeeze %get3A_325 : memref<1x2048xf32, #tpu.memory_space<vmem>> -> memref<2048xf32, #tpu.memory_space<vmem>>
        %get3A_327 = arith.index_cast %add3A_317 : i32 to index
        %get3A_328 = tpu.vector_load %get3A_326[%get3A_327] {strides = array<i32>} : memref<2048xf32, #tpu.memory_space<vmem>>, vector<16xf32>,
        %get3A_329 = vector.shape_cast %get3A_328 : vector<16xf32> to vector<16xf32>
        %sub3A_330 = arith.subf %get3A_323, %get3A_329 : vector<16xf32>
        %mul3A_331 = arith.mulf %sub3A_330, %sub3A_330 : vector<16xf32>
        %eq3A_332 = arith.cmpf oeq, %mul3A_331, %mul3A_331 : vector<16xf32>
        %jit3A_333 = arith.constant 0.000000e+00 : f32
        %broadcast_in_dim3A_334 = vector.broadcast %jit3A_333 : f32 to vector<16xf32>
        %select_n3A_335 = arith.select %eq3A_332, %mul3A_331, %broadcast_in_dim3A_334 : vector<16xi1>, vector<16xf32>
        %add3A_336 = arith.addf %add3A_282, %select_n3A_335 : vector<16xf32>
        %jit3A_337 = arith.constant 1.000000e+00 : f32
        %jit3A_338 = arith.constant 0.000000e+00 : f32
        %broadcast_in_dim3A_339 = vector.broadcast %jit3A_337 : f32 to vector<16xf32>
        %broadcast_in_dim3A_340 = vector.broadcast %jit3A_338 : f32 to vector<16xf32>
        %select_n3A_341 = arith.select %eq3A_332, %broadcast_in_dim3A_339, %broadcast_in_dim3A_340 : vector<16xi1>, vector<16xf32>
        %add3A_342 = arith.addf %add3A_288, %select_n3A_341 : vector<16xf32>
        %add3A_343 = arith.constant 80 : i32
        %add3A_344 = arith.addi %mul3A_212, %add3A_343 : i32
        %get3A_345 = arith.constant 0 : i32
        %get3A_346 = tpu.memref_slice %arg7[%scan3A_150, %get3A_345] : memref<8x2048xf32, #tpu.memory_space<vmem>> -> memref<1x2048xf32, #tpu.memory_space<vmem>>
        %get3A_347 = tpu.memref_squeeze %get3A_346 : memref<1x2048xf32, #tpu.memory_space<vmem>> -> memref<2048xf32, #tpu.memory_space<vmem>>
        %get3A_348 = arith.index_cast %add3A_344 : i32 to index
        %get3A_349 = tpu.vector_load %get3A_347[%get3A_348] {strides = array<i32>} : memref<2048xf32, #tpu.memory_space<vmem>>, vector<16xf32>,
        %get3A_350 = vector.shape_cast %get3A_349 : vector<16xf32> to vector<16xf32>
        %get3A_351 = arith.constant 0 : i32
        %get3A_352 = tpu.memref_slice %arg9[%scan3A_151, %get3A_351] : memref<8x2048xf32, #tpu.memory_space<vmem>> -> memref<1x2048xf32, #tpu.memory_space<vmem>>
        %get3A_353 = tpu.memref_squeeze %get3A_352 : memref<1x2048xf32, #tpu.memory_space<vmem>> -> memref<2048xf32, #tpu.memory_space<vmem>>
        %get3A_354 = arith.index_cast %add3A_344 : i32 to index
        %get3A_355 = tpu.vector_load %get3A_353[%get3A_354] {strides = array<i32>} : memref<2048xf32, #tpu.memory_space<vmem>>, vector<16xf32>,
        %get3A_356 = vector.shape_cast %get3A_355 : vector<16xf32> to vector<16xf32>
        %sub3A_357 = arith.subf %get3A_350, %get3A_356 : vector<16xf32>
        %mul3A_358 = arith.mulf %sub3A_357, %sub3A_357 : vector<16xf32>
        %eq3A_359 = arith.cmpf oeq, %mul3A_358, %mul3A_358 : vector<16xf32>
        %jit3A_360 = arith.constant 0.000000e+00 : f32
        %broadcast_in_dim3A_361 = vector.broadcast %jit3A_360 : f32 to vector<16xf32>
        %select_n3A_362 = arith.select %eq3A_359, %mul3A_358, %broadcast_in_dim3A_361 : vector<16xi1>, vector<16xf32>
        %add3A_363 = arith.addf %add3A_309, %select_n3A_362 : vector<16xf32>
        %jit3A_364 = arith.constant 1.000000e+00 : f32
        %jit3A_365 = arith.constant 0.000000e+00 : f32
        %broadcast_in_dim3A_366 = vector.broadcast %jit3A_364 : f32 to vector<16xf32>
        %broadcast_in_dim3A_367 = vector.broadcast %jit3A_365 : f32 to vector<16xf32>
        %select_n3A_368 = arith.select %eq3A_359, %broadcast_in_dim3A_366, %broadcast_in_dim3A_367 : vector<16xi1>, vector<16xf32>
        %add3A_369 = arith.addf %add3A_315, %select_n3A_368 : vector<16xf32>
        %add3A_370 = arith.constant 96 : i32
        %add3A_371 = arith.addi %mul3A_212, %add3A_370 : i32
        %get3A_372 = arith.constant 0 : i32
        %get3A_373 = tpu.memref_slice %arg7[%scan3A_150, %get3A_372] : memref<8x2048xf32, #tpu.memory_space<vmem>> -> memref<1x2048xf32, #tpu.memory_space<vmem>>
        %get3A_374 = tpu.memref_squeeze %get3A_373 : memref<1x2048xf32, #tpu.memory_space<vmem>> -> memref<2048xf32, #tpu.memory_space<vmem>>
        %get3A_375 = arith.index_cast %add3A_371 : i32 to index
        %get3A_376 = tpu.vector_load %get3A_374[%get3A_375] {strides = array<i32>} : memref<2048xf32, #tpu.memory_space<vmem>>, vector<16xf32>,
        %get3A_377 = vector.shape_cast %get3A_376 : vector<16xf32> to vector<16xf32>
        %get3A_378 = arith.constant 0 : i32
        %get3A_379 = tpu.memref_slice %arg9[%scan3A_151, %get3A_378] : memref<8x2048xf32, #tpu.memory_space<vmem>> -> memref<1x2048xf32, #tpu.memory_space<vmem>>
        %get3A_380 = tpu.memref_squeeze %get3A_379 : memref<1x2048xf32, #tpu.memory_space<vmem>> -> memref<2048xf32, #tpu.memory_space<vmem>>
        %get3A_381 = arith.index_cast %add3A_371 : i32 to index
        %get3A_382 = tpu.vector_load %get3A_380[%get3A_381] {strides = array<i32>} : memref<2048xf32, #tpu.memory_space<vmem>>, vector<16xf32>,
        %get3A_383 = vector.shape_cast %get3A_382 : vector<16xf32> to vector<16xf32>
        %sub3A_384 = arith.subf %get3A_377, %get3A_383 : vector<16xf32>
        %mul3A_385 = arith.mulf %sub3A_384, %sub3A_384 : vector<16xf32>
        %eq3A_386 = arith.cmpf oeq, %mul3A_385, %mul3A_385 : vector<16xf32>
        %jit3A_387 = arith.constant 0.000000e+00 : f32
        %broadcast_in_dim3A_388 = vector.broadcast %jit3A_387 : f32 to vector<16xf32>
        %select_n3A_389 = arith.select %eq3A_386, %mul3A_385, %broadcast_in_dim3A_388 : vector<16xi1>, vector<16xf32>
        %add3A_390 = arith.addf %add3A_336, %select_n3A_389 : vector<16xf32>
        %jit3A_391 = arith.constant 1.000000e+00 : f32
        %jit3A_392 = arith.constant 0.000000e+00 : f32
        %broadcast_in_dim3A_393 = vector.broadcast %jit3A_391 : f32 to vector<16xf32>
        %broadcast_in_dim3A_394 = vector.broadcast %jit3A_392 : f32 to vector<16xf32>
        %select_n3A_395 = arith.select %eq3A_386, %broadcast_in_dim3A_393, %broadcast_in_dim3A_394 : vector<16xi1>, vector<16xf32>
        %add3A_396 = arith.addf %add3A_342, %select_n3A_395 : vector<16xf32>
        %add3A_397 = arith.constant 112 : i32
        %add3A_398 = arith.addi %mul3A_212, %add3A_397 : i32
        %get3A_399 = arith.constant 0 : i32
        %get3A_400 = tpu.memref_slice %arg7[%scan3A_150, %get3A_399] : memref<8x2048xf32, #tpu.memory_space<vmem>> -> memref<1x2048xf32, #tpu.memory_space<vmem>>
        %get3A_401 = tpu.memref_squeeze %get3A_400 : memref<1x2048xf32, #tpu.memory_space<vmem>> -> memref<2048xf32, #tpu.memory_space<vmem>>
        %get3A_402 = arith.index_cast %add3A_398 : i32 to index
        %get3A_403 = tpu.vector_load %get3A_401[%get3A_402] {strides = array<i32>} : memref<2048xf32, #tpu.memory_space<vmem>>, vector<16xf32>,
        %get3A_404 = vector.shape_cast %get3A_403 : vector<16xf32> to vector<16xf32>
        %get3A_405 = arith.constant 0 : i32
        %get3A_406 = tpu.memref_slice %arg9[%scan3A_151, %get3A_405] : memref<8x2048xf32, #tpu.memory_space<vmem>> -> memref<1x2048xf32, #tpu.memory_space<vmem>>
        %get3A_407 = tpu.memref_squeeze %get3A_406 : memref<1x2048xf32, #tpu.memory_space<vmem>> -> memref<2048xf32, #tpu.memory_space<vmem>>
        %get3A_408 = arith.index_cast %add3A_398 : i32 to index
        %get3A_409 = tpu.vector_load %get3A_407[%get3A_408] {strides = array<i32>} : memref<2048xf32, #tpu.memory_space<vmem>>, vector<16xf32>,
        %get3A_410 = vector.shape_cast %get3A_409 : vector<16xf32> to vector<16xf32>
        %sub3A_411 = arith.subf %get3A_404, %get3A_410 : vector<16xf32>
        %mul3A_412 = arith.mulf %sub3A_411, %sub3A_411 : vector<16xf32>
        %eq3A_413 = arith.cmpf oeq, %mul3A_412, %mul3A_412 : vector<16xf32>
        %jit3A_414 = arith.constant 0.000000e+00 : f32
        %broadcast_in_dim3A_415 = vector.broadcast %jit3A_414 : f32 to vector<16xf32>
        %select_n3A_416 = arith.select %eq3A_413, %mul3A_412, %broadcast_in_dim3A_415 : vector<16xi1>, vector<16xf32>
        %add3A_417 = arith.addf %add3A_363, %select_n3A_416 : vector<16xf32>
        %jit3A_418 = arith.constant 1.000000e+00 : f32
        %jit3A_419 = arith.constant 0.000000e+00 : f32
        %broadcast_in_dim3A_420 = vector.broadcast %jit3A_418 : f32 to vector<16xf32>
        %broadcast_in_dim3A_421 = vector.broadcast %jit3A_419 : f32 to vector<16xf32>
        %select_n3A_422 = arith.select %eq3A_413, %broadcast_in_dim3A_420, %broadcast_in_dim3A_421 : vector<16xi1>, vector<16xf32>
        %add3A_423 = arith.addf %add3A_369, %select_n3A_422 : vector<16xf32>
        scf.yield %add3A_390, %add3A_417, %add3A_396, %add3A_423 : vector<16xf32>, vector<16xf32>, vector<16xf32>, vector<16xf32>
      }
      %scan3A_157 = arith.constant 16 : i32
      %scan3A_158 = arith.constant 2 : i32
      %scan3A_159 = arith.constant 2 : i32
      %scan3A_160 = arith.constant 0 : i32
      %scan3A_161 = arith.constant 16 : i32
      %scan3A_162 = arith.addi %scan3A_160, %scan3A_161 : i32
      %scan3A_163 = arith.constant 1 : i32
      %scan3A_164:4 = scf.for %scan3A_206 = %scan3A_160 to %scan3A_162 step %scan3A_163 iter_args(%scan3A_207 = %scan3A_156#0, %scan3A_208 = %scan3A_156#1, %scan3A_209 = %scan3A_156#2, %scan3A_210 = %scan3A_156#3) -> (vector<16xf32>, vector<16xf32>, vector<16xf32>, vector<16xf32>)  : i32 {
        %mul3A_211 = arith.constant 128 : i32
        %mul3A_212 = arith.muli %scan3A_206, %mul3A_211 : i32
        %add3A_213 = arith.constant 0 : i32
        %add3A_214 = arith.addi %mul3A_212, %add3A_213 : i32
        %get3A = arith.constant 0 : i32
        %get3A_215 = tpu.memref_slice %arg7[%scan3A_158, %get3A] : memref<8x2048xf32, #tpu.memory_space<vmem>> -> memref<1x2048xf32, #tpu.memory_space<vmem>>
        %get3A_216 = tpu.memref_squeeze %get3A_215 : memref<1x2048xf32, #tpu.memory_space<vmem>> -> memref<2048xf32, #tpu.memory_space<vmem>>
        %get3A_217 = arith.index_cast %add3A_214 : i32 to index
        %get3A_218 = tpu.vector_load %get3A_216[%get3A_217] {strides = array<i32>} : memref<2048xf32, #tpu.memory_space<vmem>>, vector<16xf32>,
        %get3A_219 = vector.shape_cast %get3A_218 : vector<16xf32> to vector<16xf32>
        %get3A_220 = arith.constant 0 : i32
        %get3A_221 = tpu.memref_slice %arg9[%scan3A_159, %get3A_220] : memref<8x2048xf32, #tpu.memory_space<vmem>> -> memref<1x2048xf32, #tpu.memory_space<vmem>>
        %get3A_222 = tpu.memref_squeeze %get3A_221 : memref<1x2048xf32, #tpu.memory_space<vmem>> -> memref<2048xf32, #tpu.memory_space<vmem>>
        %get3A_223 = arith.index_cast %add3A_214 : i32 to index
        %get3A_224 = tpu.vector_load %get3A_222[%get3A_223] {strides = array<i32>} : memref<2048xf32, #tpu.memory_space<vmem>>, vector<16xf32>,
        %get3A_225 = vector.shape_cast %get3A_224 : vector<16xf32> to vector<16xf32>
        %sub3A = arith.subf %get3A_219, %get3A_225 : vector<16xf32>
        %mul3A_226 = arith.mulf %sub3A, %sub3A : vector<16xf32>
        %eq3A = arith.cmpf oeq, %mul3A_226, %mul3A_226 : vector<16xf32>
        %jit3A = arith.constant 0.000000e+00 : f32
        %broadcast_in_dim3A_227 = vector.broadcast %jit3A : f32 to vector<16xf32>
        %select_n3A = arith.select %eq3A, %mul3A_226, %broadcast_in_dim3A_227 : vector<16xi1>, vector<16xf32>
        %add3A_228 = arith.addf %scan3A_207, %select_n3A : vector<16xf32>
        %jit3A_229 = arith.constant 1.000000e+00 : f32
        %jit3A_230 = arith.constant 0.000000e+00 : f32
        %broadcast_in_dim3A_231 = vector.broadcast %jit3A_229 : f32 to vector<16xf32>
        %broadcast_in_dim3A_232 = vector.broadcast %jit3A_230 : f32 to vector<16xf32>
        %select_n3A_233 = arith.select %eq3A, %broadcast_in_dim3A_231, %broadcast_in_dim3A_232 : vector<16xi1>, vector<16xf32>
        %add3A_234 = arith.addf %scan3A_209, %select_n3A_233 : vector<16xf32>
        %add3A_235 = arith.constant 16 : i32
        %add3A_236 = arith.addi %mul3A_212, %add3A_235 : i32
        %get3A_237 = arith.constant 0 : i32
        %get3A_238 = tpu.memref_slice %arg7[%scan3A_158, %get3A_237] : memref<8x2048xf32, #tpu.memory_space<vmem>> -> memref<1x2048xf32, #tpu.memory_space<vmem>>
        %get3A_239 = tpu.memref_squeeze %get3A_238 : memref<1x2048xf32, #tpu.memory_space<vmem>> -> memref<2048xf32, #tpu.memory_space<vmem>>
        %get3A_240 = arith.index_cast %add3A_236 : i32 to index
        %get3A_241 = tpu.vector_load %get3A_239[%get3A_240] {strides = array<i32>} : memref<2048xf32, #tpu.memory_space<vmem>>, vector<16xf32>,
        %get3A_242 = vector.shape_cast %get3A_241 : vector<16xf32> to vector<16xf32>
        %get3A_243 = arith.constant 0 : i32
        %get3A_244 = tpu.memref_slice %arg9[%scan3A_159, %get3A_243] : memref<8x2048xf32, #tpu.memory_space<vmem>> -> memref<1x2048xf32, #tpu.memory_space<vmem>>
        %get3A_245 = tpu.memref_squeeze %get3A_244 : memref<1x2048xf32, #tpu.memory_space<vmem>> -> memref<2048xf32, #tpu.memory_space<vmem>>
        %get3A_246 = arith.index_cast %add3A_236 : i32 to index
        %get3A_247 = tpu.vector_load %get3A_245[%get3A_246] {strides = array<i32>} : memref<2048xf32, #tpu.memory_space<vmem>>, vector<16xf32>,
        %get3A_248 = vector.shape_cast %get3A_247 : vector<16xf32> to vector<16xf32>
        %sub3A_249 = arith.subf %get3A_242, %get3A_248 : vector<16xf32>
        %mul3A_250 = arith.mulf %sub3A_249, %sub3A_249 : vector<16xf32>
        %eq3A_251 = arith.cmpf oeq, %mul3A_250, %mul3A_250 : vector<16xf32>
        %jit3A_252 = arith.constant 0.000000e+00 : f32
        %broadcast_in_dim3A_253 = vector.broadcast %jit3A_252 : f32 to vector<16xf32>
        %select_n3A_254 = arith.select %eq3A_251, %mul3A_250, %broadcast_in_dim3A_253 : vector<16xi1>, vector<16xf32>
        %add3A_255 = arith.addf %scan3A_208, %select_n3A_254 : vector<16xf32>
        %jit3A_256 = arith.constant 1.000000e+00 : f32
        %jit3A_257 = arith.constant 0.000000e+00 : f32
        %broadcast_in_dim3A_258 = vector.broadcast %jit3A_256 : f32 to vector<16xf32>
        %broadcast_in_dim3A_259 = vector.broadcast %jit3A_257 : f32 to vector<16xf32>
        %select_n3A_260 = arith.select %eq3A_251, %broadcast_in_dim3A_258, %broadcast_in_dim3A_259 : vector<16xi1>, vector<16xf32>
        %add3A_261 = arith.addf %scan3A_210, %select_n3A_260 : vector<16xf32>
        %add3A_262 = arith.constant 32 : i32
        %add3A_263 = arith.addi %mul3A_212, %add3A_262 : i32
        %get3A_264 = arith.constant 0 : i32
        %get3A_265 = tpu.memref_slice %arg7[%scan3A_158, %get3A_264] : memref<8x2048xf32, #tpu.memory_space<vmem>> -> memref<1x2048xf32, #tpu.memory_space<vmem>>
        %get3A_266 = tpu.memref_squeeze %get3A_265 : memref<1x2048xf32, #tpu.memory_space<vmem>> -> memref<2048xf32, #tpu.memory_space<vmem>>
        %get3A_267 = arith.index_cast %add3A_263 : i32 to index
        %get3A_268 = tpu.vector_load %get3A_266[%get3A_267] {strides = array<i32>} : memref<2048xf32, #tpu.memory_space<vmem>>, vector<16xf32>,
        %get3A_269 = vector.shape_cast %get3A_268 : vector<16xf32> to vector<16xf32>
        %get3A_270 = arith.constant 0 : i32
        %get3A_271 = tpu.memref_slice %arg9[%scan3A_159, %get3A_270] : memref<8x2048xf32, #tpu.memory_space<vmem>> -> memref<1x2048xf32, #tpu.memory_space<vmem>>
        %get3A_272 = tpu.memref_squeeze %get3A_271 : memref<1x2048xf32, #tpu.memory_space<vmem>> -> memref<2048xf32, #tpu.memory_space<vmem>>
        %get3A_273 = arith.index_cast %add3A_263 : i32 to index
        %get3A_274 = tpu.vector_load %get3A_272[%get3A_273] {strides = array<i32>} : memref<2048xf32, #tpu.memory_space<vmem>>, vector<16xf32>,
        %get3A_275 = vector.shape_cast %get3A_274 : vector<16xf32> to vector<16xf32>
        %sub3A_276 = arith.subf %get3A_269, %get3A_275 : vector<16xf32>
        %mul3A_277 = arith.mulf %sub3A_276, %sub3A_276 : vector<16xf32>
        %eq3A_278 = arith.cmpf oeq, %mul3A_277, %mul3A_277 : vector<16xf32>
        %jit3A_279 = arith.constant 0.000000e+00 : f32
        %broadcast_in_dim3A_280 = vector.broadcast %jit3A_279 : f32 to vector<16xf32>
        %select_n3A_281 = arith.select %eq3A_278, %mul3A_277, %broadcast_in_dim3A_280 : vector<16xi1>, vector<16xf32>
        %add3A_282 = arith.addf %add3A_228, %select_n3A_281 : vector<16xf32>
        %jit3A_283 = arith.constant 1.000000e+00 : f32
        %jit3A_284 = arith.constant 0.000000e+00 : f32
        %broadcast_in_dim3A_285 = vector.broadcast %jit3A_283 : f32 to vector<16xf32>
        %broadcast_in_dim3A_286 = vector.broadcast %jit3A_284 : f32 to vector<16xf32>
        %select_n3A_287 = arith.select %eq3A_278, %broadcast_in_dim3A_285, %broadcast_in_dim3A_286 : vector<16xi1>, vector<16xf32>
        %add3A_288 = arith.addf %add3A_234, %select_n3A_287 : vector<16xf32>
        %add3A_289 = arith.constant 48 : i32
        %add3A_290 = arith.addi %mul3A_212, %add3A_289 : i32
        %get3A_291 = arith.constant 0 : i32
        %get3A_292 = tpu.memref_slice %arg7[%scan3A_158, %get3A_291] : memref<8x2048xf32, #tpu.memory_space<vmem>> -> memref<1x2048xf32, #tpu.memory_space<vmem>>
        %get3A_293 = tpu.memref_squeeze %get3A_292 : memref<1x2048xf32, #tpu.memory_space<vmem>> -> memref<2048xf32, #tpu.memory_space<vmem>>
        %get3A_294 = arith.index_cast %add3A_290 : i32 to index
        %get3A_295 = tpu.vector_load %get3A_293[%get3A_294] {strides = array<i32>} : memref<2048xf32, #tpu.memory_space<vmem>>, vector<16xf32>,
        %get3A_296 = vector.shape_cast %get3A_295 : vector<16xf32> to vector<16xf32>
        %get3A_297 = arith.constant 0 : i32
        %get3A_298 = tpu.memref_slice %arg9[%scan3A_159, %get3A_297] : memref<8x2048xf32, #tpu.memory_space<vmem>> -> memref<1x2048xf32, #tpu.memory_space<vmem>>
        %get3A_299 = tpu.memref_squeeze %get3A_298 : memref<1x2048xf32, #tpu.memory_space<vmem>> -> memref<2048xf32, #tpu.memory_space<vmem>>
        %get3A_300 = arith.index_cast %add3A_290 : i32 to index
        %get3A_301 = tpu.vector_load %get3A_299[%get3A_300] {strides = array<i32>} : memref<2048xf32, #tpu.memory_space<vmem>>, vector<16xf32>,
        %get3A_302 = vector.shape_cast %get3A_301 : vector<16xf32> to vector<16xf32>
        %sub3A_303 = arith.subf %get3A_296, %get3A_302 : vector<16xf32>
        %mul3A_304 = arith.mulf %sub3A_303, %sub3A_303 : vector<16xf32>
        %eq3A_305 = arith.cmpf oeq, %mul3A_304, %mul3A_304 : vector<16xf32>
        %jit3A_306 = arith.constant 0.000000e+00 : f32
        %broadcast_in_dim3A_307 = vector.broadcast %jit3A_306 : f32 to vector<16xf32>
        %select_n3A_308 = arith.select %eq3A_305, %mul3A_304, %broadcast_in_dim3A_307 : vector<16xi1>, vector<16xf32>
        %add3A_309 = arith.addf %add3A_255, %select_n3A_308 : vector<16xf32>
        %jit3A_310 = arith.constant 1.000000e+00 : f32
        %jit3A_311 = arith.constant 0.000000e+00 : f32
        %broadcast_in_dim3A_312 = vector.broadcast %jit3A_310 : f32 to vector<16xf32>
        %broadcast_in_dim3A_313 = vector.broadcast %jit3A_311 : f32 to vector<16xf32>
        %select_n3A_314 = arith.select %eq3A_305, %broadcast_in_dim3A_312, %broadcast_in_dim3A_313 : vector<16xi1>, vector<16xf32>
        %add3A_315 = arith.addf %add3A_261, %select_n3A_314 : vector<16xf32>
        %add3A_316 = arith.constant 64 : i32
        %add3A_317 = arith.addi %mul3A_212, %add3A_316 : i32
        %get3A_318 = arith.constant 0 : i32
        %get3A_319 = tpu.memref_slice %arg7[%scan3A_158, %get3A_318] : memref<8x2048xf32, #tpu.memory_space<vmem>> -> memref<1x2048xf32, #tpu.memory_space<vmem>>
        %get3A_320 = tpu.memref_squeeze %get3A_319 : memref<1x2048xf32, #tpu.memory_space<vmem>> -> memref<2048xf32, #tpu.memory_space<vmem>>
        %get3A_321 = arith.index_cast %add3A_317 : i32 to index
        %get3A_322 = tpu.vector_load %get3A_320[%get3A_321] {strides = array<i32>} : memref<2048xf32, #tpu.memory_space<vmem>>, vector<16xf32>,
        %get3A_323 = vector.shape_cast %get3A_322 : vector<16xf32> to vector<16xf32>
        %get3A_324 = arith.constant 0 : i32
        %get3A_325 = tpu.memref_slice %arg9[%scan3A_159, %get3A_324] : memref<8x2048xf32, #tpu.memory_space<vmem>> -> memref<1x2048xf32, #tpu.memory_space<vmem>>
        %get3A_326 = tpu.memref_squeeze %get3A_325 : memref<1x2048xf32, #tpu.memory_space<vmem>> -> memref<2048xf32, #tpu.memory_space<vmem>>
        %get3A_327 = arith.index_cast %add3A_317 : i32 to index
        %get3A_328 = tpu.vector_load %get3A_326[%get3A_327] {strides = array<i32>} : memref<2048xf32, #tpu.memory_space<vmem>>, vector<16xf32>,
        %get3A_329 = vector.shape_cast %get3A_328 : vector<16xf32> to vector<16xf32>
        %sub3A_330 = arith.subf %get3A_323, %get3A_329 : vector<16xf32>
        %mul3A_331 = arith.mulf %sub3A_330, %sub3A_330 : vector<16xf32>
        %eq3A_332 = arith.cmpf oeq, %mul3A_331, %mul3A_331 : vector<16xf32>
        %jit3A_333 = arith.constant 0.000000e+00 : f32
        %broadcast_in_dim3A_334 = vector.broadcast %jit3A_333 : f32 to vector<16xf32>
        %select_n3A_335 = arith.select %eq3A_332, %mul3A_331, %broadcast_in_dim3A_334 : vector<16xi1>, vector<16xf32>
        %add3A_336 = arith.addf %add3A_282, %select_n3A_335 : vector<16xf32>
        %jit3A_337 = arith.constant 1.000000e+00 : f32
        %jit3A_338 = arith.constant 0.000000e+00 : f32
        %broadcast_in_dim3A_339 = vector.broadcast %jit3A_337 : f32 to vector<16xf32>
        %broadcast_in_dim3A_340 = vector.broadcast %jit3A_338 : f32 to vector<16xf32>
        %select_n3A_341 = arith.select %eq3A_332, %broadcast_in_dim3A_339, %broadcast_in_dim3A_340 : vector<16xi1>, vector<16xf32>
        %add3A_342 = arith.addf %add3A_288, %select_n3A_341 : vector<16xf32>
        %add3A_343 = arith.constant 80 : i32
        %add3A_344 = arith.addi %mul3A_212, %add3A_343 : i32
        %get3A_345 = arith.constant 0 : i32
        %get3A_346 = tpu.memref_slice %arg7[%scan3A_158, %get3A_345] : memref<8x2048xf32, #tpu.memory_space<vmem>> -> memref<1x2048xf32, #tpu.memory_space<vmem>>
        %get3A_347 = tpu.memref_squeeze %get3A_346 : memref<1x2048xf32, #tpu.memory_space<vmem>> -> memref<2048xf32, #tpu.memory_space<vmem>>
        %get3A_348 = arith.index_cast %add3A_344 : i32 to index
        %get3A_349 = tpu.vector_load %get3A_347[%get3A_348] {strides = array<i32>} : memref<2048xf32, #tpu.memory_space<vmem>>, vector<16xf32>,
        %get3A_350 = vector.shape_cast %get3A_349 : vector<16xf32> to vector<16xf32>
        %get3A_351 = arith.constant 0 : i32
        %get3A_352 = tpu.memref_slice %arg9[%scan3A_159, %get3A_351] : memref<8x2048xf32, #tpu.memory_space<vmem>> -> memref<1x2048xf32, #tpu.memory_space<vmem>>
        %get3A_353 = tpu.memref_squeeze %get3A_352 : memref<1x2048xf32, #tpu.memory_space<vmem>> -> memref<2048xf32, #tpu.memory_space<vmem>>
        %get3A_354 = arith.index_cast %add3A_344 : i32 to index
        %get3A_355 = tpu.vector_load %get3A_353[%get3A_354] {strides = array<i32>} : memref<2048xf32, #tpu.memory_space<vmem>>, vector<16xf32>,
        %get3A_356 = vector.shape_cast %get3A_355 : vector<16xf32> to vector<16xf32>
        %sub3A_357 = arith.subf %get3A_350, %get3A_356 : vector<16xf32>
        %mul3A_358 = arith.mulf %sub3A_357, %sub3A_357 : vector<16xf32>
        %eq3A_359 = arith.cmpf oeq, %mul3A_358, %mul3A_358 : vector<16xf32>
        %jit3A_360 = arith.constant 0.000000e+00 : f32
        %broadcast_in_dim3A_361 = vector.broadcast %jit3A_360 : f32 to vector<16xf32>
        %select_n3A_362 = arith.select %eq3A_359, %mul3A_358, %broadcast_in_dim3A_361 : vector<16xi1>, vector<16xf32>
        %add3A_363 = arith.addf %add3A_309, %select_n3A_362 : vector<16xf32>
        %jit3A_364 = arith.constant 1.000000e+00 : f32
        %jit3A_365 = arith.constant 0.000000e+00 : f32
        %broadcast_in_dim3A_366 = vector.broadcast %jit3A_364 : f32 to vector<16xf32>
        %broadcast_in_dim3A_367 = vector.broadcast %jit3A_365 : f32 to vector<16xf32>
        %select_n3A_368 = arith.select %eq3A_359, %broadcast_in_dim3A_366, %broadcast_in_dim3A_367 : vector<16xi1>, vector<16xf32>
        %add3A_369 = arith.addf %add3A_315, %select_n3A_368 : vector<16xf32>
        %add3A_370 = arith.constant 96 : i32
        %add3A_371 = arith.addi %mul3A_212, %add3A_370 : i32
        %get3A_372 = arith.constant 0 : i32
        %get3A_373 = tpu.memref_slice %arg7[%scan3A_158, %get3A_372] : memref<8x2048xf32, #tpu.memory_space<vmem>> -> memref<1x2048xf32, #tpu.memory_space<vmem>>
        %get3A_374 = tpu.memref_squeeze %get3A_373 : memref<1x2048xf32, #tpu.memory_space<vmem>> -> memref<2048xf32, #tpu.memory_space<vmem>>
        %get3A_375 = arith.index_cast %add3A_371 : i32 to index
        %get3A_376 = tpu.vector_load %get3A_374[%get3A_375] {strides = array<i32>} : memref<2048xf32, #tpu.memory_space<vmem>>, vector<16xf32>,
        %get3A_377 = vector.shape_cast %get3A_376 : vector<16xf32> to vector<16xf32>
        %get3A_378 = arith.constant 0 : i32
        %get3A_379 = tpu.memref_slice %arg9[%scan3A_159, %get3A_378] : memref<8x2048xf32, #tpu.memory_space<vmem>> -> memref<1x2048xf32, #tpu.memory_space<vmem>>
        %get3A_380 = tpu.memref_squeeze %get3A_379 : memref<1x2048xf32, #tpu.memory_space<vmem>> -> memref<2048xf32, #tpu.memory_space<vmem>>
        %get3A_381 = arith.index_cast %add3A_371 : i32 to index
        %get3A_382 = tpu.vector_load %get3A_380[%get3A_381] {strides = array<i32>} : memref<2048xf32, #tpu.memory_space<vmem>>, vector<16xf32>,
        %get3A_383 = vector.shape_cast %get3A_382 : vector<16xf32> to vector<16xf32>
        %sub3A_384 = arith.subf %get3A_377, %get3A_383 : vector<16xf32>
        %mul3A_385 = arith.mulf %sub3A_384, %sub3A_384 : vector<16xf32>
        %eq3A_386 = arith.cmpf oeq, %mul3A_385, %mul3A_385 : vector<16xf32>
        %jit3A_387 = arith.constant 0.000000e+00 : f32
        %broadcast_in_dim3A_388 = vector.broadcast %jit3A_387 : f32 to vector<16xf32>
        %select_n3A_389 = arith.select %eq3A_386, %mul3A_385, %broadcast_in_dim3A_388 : vector<16xi1>, vector<16xf32>
        %add3A_390 = arith.addf %add3A_336, %select_n3A_389 : vector<16xf32>
        %jit3A_391 = arith.constant 1.000000e+00 : f32
        %jit3A_392 = arith.constant 0.000000e+00 : f32
        %broadcast_in_dim3A_393 = vector.broadcast %jit3A_391 : f32 to vector<16xf32>
        %broadcast_in_dim3A_394 = vector.broadcast %jit3A_392 : f32 to vector<16xf32>
        %select_n3A_395 = arith.select %eq3A_386, %broadcast_in_dim3A_393, %broadcast_in_dim3A_394 : vector<16xi1>, vector<16xf32>
        %add3A_396 = arith.addf %add3A_342, %select_n3A_395 : vector<16xf32>
        %add3A_397 = arith.constant 112 : i32
        %add3A_398 = arith.addi %mul3A_212, %add3A_397 : i32
        %get3A_399 = arith.constant 0 : i32
        %get3A_400 = tpu.memref_slice %arg7[%scan3A_158, %get3A_399] : memref<8x2048xf32, #tpu.memory_space<vmem>> -> memref<1x2048xf32, #tpu.memory_space<vmem>>
        %get3A_401 = tpu.memref_squeeze %get3A_400 : memref<1x2048xf32, #tpu.memory_space<vmem>> -> memref<2048xf32, #tpu.memory_space<vmem>>
        %get3A_402 = arith.index_cast %add3A_398 : i32 to index
        %get3A_403 = tpu.vector_load %get3A_401[%get3A_402] {strides = array<i32>} : memref<2048xf32, #tpu.memory_space<vmem>>, vector<16xf32>,
        %get3A_404 = vector.shape_cast %get3A_403 : vector<16xf32> to vector<16xf32>
        %get3A_405 = arith.constant 0 : i32
        %get3A_406 = tpu.memref_slice %arg9[%scan3A_159, %get3A_405] : memref<8x2048xf32, #tpu.memory_space<vmem>> -> memref<1x2048xf32, #tpu.memory_space<vmem>>
        %get3A_407 = tpu.memref_squeeze %get3A_406 : memref<1x2048xf32, #tpu.memory_space<vmem>> -> memref<2048xf32, #tpu.memory_space<vmem>>
        %get3A_408 = arith.index_cast %add3A_398 : i32 to index
        %get3A_409 = tpu.vector_load %get3A_407[%get3A_408] {strides = array<i32>} : memref<2048xf32, #tpu.memory_space<vmem>>, vector<16xf32>,
        %get3A_410 = vector.shape_cast %get3A_409 : vector<16xf32> to vector<16xf32>
        %sub3A_411 = arith.subf %get3A_404, %get3A_410 : vector<16xf32>
        %mul3A_412 = arith.mulf %sub3A_411, %sub3A_411 : vector<16xf32>
        %eq3A_413 = arith.cmpf oeq, %mul3A_412, %mul3A_412 : vector<16xf32>
        %jit3A_414 = arith.constant 0.000000e+00 : f32
        %broadcast_in_dim3A_415 = vector.broadcast %jit3A_414 : f32 to vector<16xf32>
        %select_n3A_416 = arith.select %eq3A_413, %mul3A_412, %broadcast_in_dim3A_415 : vector<16xi1>, vector<16xf32>
        %add3A_417 = arith.addf %add3A_363, %select_n3A_416 : vector<16xf32>
        %jit3A_418 = arith.constant 1.000000e+00 : f32
        %jit3A_419 = arith.constant 0.000000e+00 : f32
        %broadcast_in_dim3A_420 = vector.broadcast %jit3A_418 : f32 to vector<16xf32>
        %broadcast_in_dim3A_421 = vector.broadcast %jit3A_419 : f32 to vector<16xf32>
        %select_n3A_422 = arith.select %eq3A_413, %broadcast_in_dim3A_420, %broadcast_in_dim3A_421 : vector<16xi1>, vector<16xf32>
        %add3A_423 = arith.addf %add3A_369, %select_n3A_422 : vector<16xf32>
        scf.yield %add3A_390, %add3A_417, %add3A_396, %add3A_423 : vector<16xf32>, vector<16xf32>, vector<16xf32>, vector<16xf32>
      }
      %scan3A_165 = arith.constant 16 : i32
      %scan3A_166 = arith.constant 3 : i32
      %scan3A_167 = arith.constant 3 : i32
      %scan3A_168 = arith.constant 0 : i32
      %scan3A_169 = arith.constant 16 : i32
      %scan3A_170 = arith.addi %scan3A_168, %scan3A_169 : i32
      %scan3A_171 = arith.constant 1 : i32
      %scan3A_172:4 = scf.for %scan3A_206 = %scan3A_168 to %scan3A_170 step %scan3A_171 iter_args(%scan3A_207 = %scan3A_164#0, %scan3A_208 = %scan3A_164#1, %scan3A_209 = %scan3A_164#2, %scan3A_210 = %scan3A_164#3) -> (vector<16xf32>, vector<16xf32>, vector<16xf32>, vector<16xf32>)  : i32 {
        %mul3A_211 = arith.constant 128 : i32
        %mul3A_212 = arith.muli %scan3A_206, %mul3A_211 : i32
        %add3A_213 = arith.constant 0 : i32
        %add3A_214 = arith.addi %mul3A_212, %add3A_213 : i32
        %get3A = arith.constant 0 : i32
        %get3A_215 = tpu.memref_slice %arg7[%scan3A_166, %get3A] : memref<8x2048xf32, #tpu.memory_space<vmem>> -> memref<1x2048xf32, #tpu.memory_space<vmem>>
        %get3A_216 = tpu.memref_squeeze %get3A_215 : memref<1x2048xf32, #tpu.memory_space<vmem>> -> memref<2048xf32, #tpu.memory_space<vmem>>
        %get3A_217 = arith.index_cast %add3A_214 : i32 to index
        %get3A_218 = tpu.vector_load %get3A_216[%get3A_217] {strides = array<i32>} : memref<2048xf32, #tpu.memory_space<vmem>>, vector<16xf32>,
        %get3A_219 = vector.shape_cast %get3A_218 : vector<16xf32> to vector<16xf32>
        %get3A_220 = arith.constant 0 : i32
        %get3A_221 = tpu.memref_slice %arg9[%scan3A_167, %get3A_220] : memref<8x2048xf32, #tpu.memory_space<vmem>> -> memref<1x2048xf32, #tpu.memory_space<vmem>>
        %get3A_222 = tpu.memref_squeeze %get3A_221 : memref<1x2048xf32, #tpu.memory_space<vmem>> -> memref<2048xf32, #tpu.memory_space<vmem>>
        %get3A_223 = arith.index_cast %add3A_214 : i32 to index
        %get3A_224 = tpu.vector_load %get3A_222[%get3A_223] {strides = array<i32>} : memref<2048xf32, #tpu.memory_space<vmem>>, vector<16xf32>,
        %get3A_225 = vector.shape_cast %get3A_224 : vector<16xf32> to vector<16xf32>
        %sub3A = arith.subf %get3A_219, %get3A_225 : vector<16xf32>
        %mul3A_226 = arith.mulf %sub3A, %sub3A : vector<16xf32>
        %eq3A = arith.cmpf oeq, %mul3A_226, %mul3A_226 : vector<16xf32>
        %jit3A = arith.constant 0.000000e+00 : f32
        %broadcast_in_dim3A_227 = vector.broadcast %jit3A : f32 to vector<16xf32>
        %select_n3A = arith.select %eq3A, %mul3A_226, %broadcast_in_dim3A_227 : vector<16xi1>, vector<16xf32>
        %add3A_228 = arith.addf %scan3A_207, %select_n3A : vector<16xf32>
        %jit3A_229 = arith.constant 1.000000e+00 : f32
        %jit3A_230 = arith.constant 0.000000e+00 : f32
        %broadcast_in_dim3A_231 = vector.broadcast %jit3A_229 : f32 to vector<16xf32>
        %broadcast_in_dim3A_232 = vector.broadcast %jit3A_230 : f32 to vector<16xf32>
        %select_n3A_233 = arith.select %eq3A, %broadcast_in_dim3A_231, %broadcast_in_dim3A_232 : vector<16xi1>, vector<16xf32>
        %add3A_234 = arith.addf %scan3A_209, %select_n3A_233 : vector<16xf32>
        %add3A_235 = arith.constant 16 : i32
        %add3A_236 = arith.addi %mul3A_212, %add3A_235 : i32
        %get3A_237 = arith.constant 0 : i32
        %get3A_238 = tpu.memref_slice %arg7[%scan3A_166, %get3A_237] : memref<8x2048xf32, #tpu.memory_space<vmem>> -> memref<1x2048xf32, #tpu.memory_space<vmem>>
        %get3A_239 = tpu.memref_squeeze %get3A_238 : memref<1x2048xf32, #tpu.memory_space<vmem>> -> memref<2048xf32, #tpu.memory_space<vmem>>
        %get3A_240 = arith.index_cast %add3A_236 : i32 to index
        %get3A_241 = tpu.vector_load %get3A_239[%get3A_240] {strides = array<i32>} : memref<2048xf32, #tpu.memory_space<vmem>>, vector<16xf32>,
        %get3A_242 = vector.shape_cast %get3A_241 : vector<16xf32> to vector<16xf32>
        %get3A_243 = arith.constant 0 : i32
        %get3A_244 = tpu.memref_slice %arg9[%scan3A_167, %get3A_243] : memref<8x2048xf32, #tpu.memory_space<vmem>> -> memref<1x2048xf32, #tpu.memory_space<vmem>>
        %get3A_245 = tpu.memref_squeeze %get3A_244 : memref<1x2048xf32, #tpu.memory_space<vmem>> -> memref<2048xf32, #tpu.memory_space<vmem>>
        %get3A_246 = arith.index_cast %add3A_236 : i32 to index
        %get3A_247 = tpu.vector_load %get3A_245[%get3A_246] {strides = array<i32>} : memref<2048xf32, #tpu.memory_space<vmem>>, vector<16xf32>,
        %get3A_248 = vector.shape_cast %get3A_247 : vector<16xf32> to vector<16xf32>
        %sub3A_249 = arith.subf %get3A_242, %get3A_248 : vector<16xf32>
        %mul3A_250 = arith.mulf %sub3A_249, %sub3A_249 : vector<16xf32>
        %eq3A_251 = arith.cmpf oeq, %mul3A_250, %mul3A_250 : vector<16xf32>
        %jit3A_252 = arith.constant 0.000000e+00 : f32
        %broadcast_in_dim3A_253 = vector.broadcast %jit3A_252 : f32 to vector<16xf32>
        %select_n3A_254 = arith.select %eq3A_251, %mul3A_250, %broadcast_in_dim3A_253 : vector<16xi1>, vector<16xf32>
        %add3A_255 = arith.addf %scan3A_208, %select_n3A_254 : vector<16xf32>
        %jit3A_256 = arith.constant 1.000000e+00 : f32
        %jit3A_257 = arith.constant 0.000000e+00 : f32
        %broadcast_in_dim3A_258 = vector.broadcast %jit3A_256 : f32 to vector<16xf32>
        %broadcast_in_dim3A_259 = vector.broadcast %jit3A_257 : f32 to vector<16xf32>
        %select_n3A_260 = arith.select %eq3A_251, %broadcast_in_dim3A_258, %broadcast_in_dim3A_259 : vector<16xi1>, vector<16xf32>
        %add3A_261 = arith.addf %scan3A_210, %select_n3A_260 : vector<16xf32>
        %add3A_262 = arith.constant 32 : i32
        %add3A_263 = arith.addi %mul3A_212, %add3A_262 : i32
        %get3A_264 = arith.constant 0 : i32
        %get3A_265 = tpu.memref_slice %arg7[%scan3A_166, %get3A_264] : memref<8x2048xf32, #tpu.memory_space<vmem>> -> memref<1x2048xf32, #tpu.memory_space<vmem>>
        %get3A_266 = tpu.memref_squeeze %get3A_265 : memref<1x2048xf32, #tpu.memory_space<vmem>> -> memref<2048xf32, #tpu.memory_space<vmem>>
        %get3A_267 = arith.index_cast %add3A_263 : i32 to index
        %get3A_268 = tpu.vector_load %get3A_266[%get3A_267] {strides = array<i32>} : memref<2048xf32, #tpu.memory_space<vmem>>, vector<16xf32>,
        %get3A_269 = vector.shape_cast %get3A_268 : vector<16xf32> to vector<16xf32>
        %get3A_270 = arith.constant 0 : i32
        %get3A_271 = tpu.memref_slice %arg9[%scan3A_167, %get3A_270] : memref<8x2048xf32, #tpu.memory_space<vmem>> -> memref<1x2048xf32, #tpu.memory_space<vmem>>
        %get3A_272 = tpu.memref_squeeze %get3A_271 : memref<1x2048xf32, #tpu.memory_space<vmem>> -> memref<2048xf32, #tpu.memory_space<vmem>>
        %get3A_273 = arith.index_cast %add3A_263 : i32 to index
        %get3A_274 = tpu.vector_load %get3A_272[%get3A_273] {strides = array<i32>} : memref<2048xf32, #tpu.memory_space<vmem>>, vector<16xf32>,
        %get3A_275 = vector.shape_cast %get3A_274 : vector<16xf32> to vector<16xf32>
        %sub3A_276 = arith.subf %get3A_269, %get3A_275 : vector<16xf32>
        %mul3A_277 = arith.mulf %sub3A_276, %sub3A_276 : vector<16xf32>
        %eq3A_278 = arith.cmpf oeq, %mul3A_277, %mul3A_277 : vector<16xf32>
        %jit3A_279 = arith.constant 0.000000e+00 : f32
        %broadcast_in_dim3A_280 = vector.broadcast %jit3A_279 : f32 to vector<16xf32>
        %select_n3A_281 = arith.select %eq3A_278, %mul3A_277, %broadcast_in_dim3A_280 : vector<16xi1>, vector<16xf32>
        %add3A_282 = arith.addf %add3A_228, %select_n3A_281 : vector<16xf32>
        %jit3A_283 = arith.constant 1.000000e+00 : f32
        %jit3A_284 = arith.constant 0.000000e+00 : f32
        %broadcast_in_dim3A_285 = vector.broadcast %jit3A_283 : f32 to vector<16xf32>
        %broadcast_in_dim3A_286 = vector.broadcast %jit3A_284 : f32 to vector<16xf32>
        %select_n3A_287 = arith.select %eq3A_278, %broadcast_in_dim3A_285, %broadcast_in_dim3A_286 : vector<16xi1>, vector<16xf32>
        %add3A_288 = arith.addf %add3A_234, %select_n3A_287 : vector<16xf32>
        %add3A_289 = arith.constant 48 : i32
        %add3A_290 = arith.addi %mul3A_212, %add3A_289 : i32
        %get3A_291 = arith.constant 0 : i32
        %get3A_292 = tpu.memref_slice %arg7[%scan3A_166, %get3A_291] : memref<8x2048xf32, #tpu.memory_space<vmem>> -> memref<1x2048xf32, #tpu.memory_space<vmem>>
        %get3A_293 = tpu.memref_squeeze %get3A_292 : memref<1x2048xf32, #tpu.memory_space<vmem>> -> memref<2048xf32, #tpu.memory_space<vmem>>
        %get3A_294 = arith.index_cast %add3A_290 : i32 to index
        %get3A_295 = tpu.vector_load %get3A_293[%get3A_294] {strides = array<i32>} : memref<2048xf32, #tpu.memory_space<vmem>>, vector<16xf32>,
        %get3A_296 = vector.shape_cast %get3A_295 : vector<16xf32> to vector<16xf32>
        %get3A_297 = arith.constant 0 : i32
        %get3A_298 = tpu.memref_slice %arg9[%scan3A_167, %get3A_297] : memref<8x2048xf32, #tpu.memory_space<vmem>> -> memref<1x2048xf32, #tpu.memory_space<vmem>>
        %get3A_299 = tpu.memref_squeeze %get3A_298 : memref<1x2048xf32, #tpu.memory_space<vmem>> -> memref<2048xf32, #tpu.memory_space<vmem>>
        %get3A_300 = arith.index_cast %add3A_290 : i32 to index
        %get3A_301 = tpu.vector_load %get3A_299[%get3A_300] {strides = array<i32>} : memref<2048xf32, #tpu.memory_space<vmem>>, vector<16xf32>,
        %get3A_302 = vector.shape_cast %get3A_301 : vector<16xf32> to vector<16xf32>
        %sub3A_303 = arith.subf %get3A_296, %get3A_302 : vector<16xf32>
        %mul3A_304 = arith.mulf %sub3A_303, %sub3A_303 : vector<16xf32>
        %eq3A_305 = arith.cmpf oeq, %mul3A_304, %mul3A_304 : vector<16xf32>
        %jit3A_306 = arith.constant 0.000000e+00 : f32
        %broadcast_in_dim3A_307 = vector.broadcast %jit3A_306 : f32 to vector<16xf32>
        %select_n3A_308 = arith.select %eq3A_305, %mul3A_304, %broadcast_in_dim3A_307 : vector<16xi1>, vector<16xf32>
        %add3A_309 = arith.addf %add3A_255, %select_n3A_308 : vector<16xf32>
        %jit3A_310 = arith.constant 1.000000e+00 : f32
        %jit3A_311 = arith.constant 0.000000e+00 : f32
        %broadcast_in_dim3A_312 = vector.broadcast %jit3A_310 : f32 to vector<16xf32>
        %broadcast_in_dim3A_313 = vector.broadcast %jit3A_311 : f32 to vector<16xf32>
        %select_n3A_314 = arith.select %eq3A_305, %broadcast_in_dim3A_312, %broadcast_in_dim3A_313 : vector<16xi1>, vector<16xf32>
        %add3A_315 = arith.addf %add3A_261, %select_n3A_314 : vector<16xf32>
        %add3A_316 = arith.constant 64 : i32
        %add3A_317 = arith.addi %mul3A_212, %add3A_316 : i32
        %get3A_318 = arith.constant 0 : i32
        %get3A_319 = tpu.memref_slice %arg7[%scan3A_166, %get3A_318] : memref<8x2048xf32, #tpu.memory_space<vmem>> -> memref<1x2048xf32, #tpu.memory_space<vmem>>
        %get3A_320 = tpu.memref_squeeze %get3A_319 : memref<1x2048xf32, #tpu.memory_space<vmem>> -> memref<2048xf32, #tpu.memory_space<vmem>>
        %get3A_321 = arith.index_cast %add3A_317 : i32 to index
        %get3A_322 = tpu.vector_load %get3A_320[%get3A_321] {strides = array<i32>} : memref<2048xf32, #tpu.memory_space<vmem>>, vector<16xf32>,
        %get3A_323 = vector.shape_cast %get3A_322 : vector<16xf32> to vector<16xf32>
        %get3A_324 = arith.constant 0 : i32
        %get3A_325 = tpu.memref_slice %arg9[%scan3A_167, %get3A_324] : memref<8x2048xf32, #tpu.memory_space<vmem>> -> memref<1x2048xf32, #tpu.memory_space<vmem>>
        %get3A_326 = tpu.memref_squeeze %get3A_325 : memref<1x2048xf32, #tpu.memory_space<vmem>> -> memref<2048xf32, #tpu.memory_space<vmem>>
        %get3A_327 = arith.index_cast %add3A_317 : i32 to index
        %get3A_328 = tpu.vector_load %get3A_326[%get3A_327] {strides = array<i32>} : memref<2048xf32, #tpu.memory_space<vmem>>, vector<16xf32>,
        %get3A_329 = vector.shape_cast %get3A_328 : vector<16xf32> to vector<16xf32>
        %sub3A_330 = arith.subf %get3A_323, %get3A_329 : vector<16xf32>
        %mul3A_331 = arith.mulf %sub3A_330, %sub3A_330 : vector<16xf32>
        %eq3A_332 = arith.cmpf oeq, %mul3A_331, %mul3A_331 : vector<16xf32>
        %jit3A_333 = arith.constant 0.000000e+00 : f32
        %broadcast_in_dim3A_334 = vector.broadcast %jit3A_333 : f32 to vector<16xf32>
        %select_n3A_335 = arith.select %eq3A_332, %mul3A_331, %broadcast_in_dim3A_334 : vector<16xi1>, vector<16xf32>
        %add3A_336 = arith.addf %add3A_282, %select_n3A_335 : vector<16xf32>
        %jit3A_337 = arith.constant 1.000000e+00 : f32
        %jit3A_338 = arith.constant 0.000000e+00 : f32
        %broadcast_in_dim3A_339 = vector.broadcast %jit3A_337 : f32 to vector<16xf32>
        %broadcast_in_dim3A_340 = vector.broadcast %jit3A_338 : f32 to vector<16xf32>
        %select_n3A_341 = arith.select %eq3A_332, %broadcast_in_dim3A_339, %broadcast_in_dim3A_340 : vector<16xi1>, vector<16xf32>
        %add3A_342 = arith.addf %add3A_288, %select_n3A_341 : vector<16xf32>
        %add3A_343 = arith.constant 80 : i32
        %add3A_344 = arith.addi %mul3A_212, %add3A_343 : i32
        %get3A_345 = arith.constant 0 : i32
        %get3A_346 = tpu.memref_slice %arg7[%scan3A_166, %get3A_345] : memref<8x2048xf32, #tpu.memory_space<vmem>> -> memref<1x2048xf32, #tpu.memory_space<vmem>>
        %get3A_347 = tpu.memref_squeeze %get3A_346 : memref<1x2048xf32, #tpu.memory_space<vmem>> -> memref<2048xf32, #tpu.memory_space<vmem>>
        %get3A_348 = arith.index_cast %add3A_344 : i32 to index
        %get3A_349 = tpu.vector_load %get3A_347[%get3A_348] {strides = array<i32>} : memref<2048xf32, #tpu.memory_space<vmem>>, vector<16xf32>,
        %get3A_350 = vector.shape_cast %get3A_349 : vector<16xf32> to vector<16xf32>
        %get3A_351 = arith.constant 0 : i32
        %get3A_352 = tpu.memref_slice %arg9[%scan3A_167, %get3A_351] : memref<8x2048xf32, #tpu.memory_space<vmem>> -> memref<1x2048xf32, #tpu.memory_space<vmem>>
        %get3A_353 = tpu.memref_squeeze %get3A_352 : memref<1x2048xf32, #tpu.memory_space<vmem>> -> memref<2048xf32, #tpu.memory_space<vmem>>
        %get3A_354 = arith.index_cast %add3A_344 : i32 to index
        %get3A_355 = tpu.vector_load %get3A_353[%get3A_354] {strides = array<i32>} : memref<2048xf32, #tpu.memory_space<vmem>>, vector<16xf32>,
        %get3A_356 = vector.shape_cast %get3A_355 : vector<16xf32> to vector<16xf32>
        %sub3A_357 = arith.subf %get3A_350, %get3A_356 : vector<16xf32>
        %mul3A_358 = arith.mulf %sub3A_357, %sub3A_357 : vector<16xf32>
        %eq3A_359 = arith.cmpf oeq, %mul3A_358, %mul3A_358 : vector<16xf32>
        %jit3A_360 = arith.constant 0.000000e+00 : f32
        %broadcast_in_dim3A_361 = vector.broadcast %jit3A_360 : f32 to vector<16xf32>
        %select_n3A_362 = arith.select %eq3A_359, %mul3A_358, %broadcast_in_dim3A_361 : vector<16xi1>, vector<16xf32>
        %add3A_363 = arith.addf %add3A_309, %select_n3A_362 : vector<16xf32>
        %jit3A_364 = arith.constant 1.000000e+00 : f32
        %jit3A_365 = arith.constant 0.000000e+00 : f32
        %broadcast_in_dim3A_366 = vector.broadcast %jit3A_364 : f32 to vector<16xf32>
        %broadcast_in_dim3A_367 = vector.broadcast %jit3A_365 : f32 to vector<16xf32>
        %select_n3A_368 = arith.select %eq3A_359, %broadcast_in_dim3A_366, %broadcast_in_dim3A_367 : vector<16xi1>, vector<16xf32>
        %add3A_369 = arith.addf %add3A_315, %select_n3A_368 : vector<16xf32>
        %add3A_370 = arith.constant 96 : i32
        %add3A_371 = arith.addi %mul3A_212, %add3A_370 : i32
        %get3A_372 = arith.constant 0 : i32
        %get3A_373 = tpu.memref_slice %arg7[%scan3A_166, %get3A_372] : memref<8x2048xf32, #tpu.memory_space<vmem>> -> memref<1x2048xf32, #tpu.memory_space<vmem>>
        %get3A_374 = tpu.memref_squeeze %get3A_373 : memref<1x2048xf32, #tpu.memory_space<vmem>> -> memref<2048xf32, #tpu.memory_space<vmem>>
        %get3A_375 = arith.index_cast %add3A_371 : i32 to index
        %get3A_376 = tpu.vector_load %get3A_374[%get3A_375] {strides = array<i32>} : memref<2048xf32, #tpu.memory_space<vmem>>, vector<16xf32>,
        %get3A_377 = vector.shape_cast %get3A_376 : vector<16xf32> to vector<16xf32>
        %get3A_378 = arith.constant 0 : i32
        %get3A_379 = tpu.memref_slice %arg9[%scan3A_167, %get3A_378] : memref<8x2048xf32, #tpu.memory_space<vmem>> -> memref<1x2048xf32, #tpu.memory_space<vmem>>
        %get3A_380 = tpu.memref_squeeze %get3A_379 : memref<1x2048xf32, #tpu.memory_space<vmem>> -> memref<2048xf32, #tpu.memory_space<vmem>>
        %get3A_381 = arith.index_cast %add3A_371 : i32 to index
        %get3A_382 = tpu.vector_load %get3A_380[%get3A_381] {strides = array<i32>} : memref<2048xf32, #tpu.memory_space<vmem>>, vector<16xf32>,
        %get3A_383 = vector.shape_cast %get3A_382 : vector<16xf32> to vector<16xf32>
        %sub3A_384 = arith.subf %get3A_377, %get3A_383 : vector<16xf32>
        %mul3A_385 = arith.mulf %sub3A_384, %sub3A_384 : vector<16xf32>
        %eq3A_386 = arith.cmpf oeq, %mul3A_385, %mul3A_385 : vector<16xf32>
        %jit3A_387 = arith.constant 0.000000e+00 : f32
        %broadcast_in_dim3A_388 = vector.broadcast %jit3A_387 : f32 to vector<16xf32>
        %select_n3A_389 = arith.select %eq3A_386, %mul3A_385, %broadcast_in_dim3A_388 : vector<16xi1>, vector<16xf32>
        %add3A_390 = arith.addf %add3A_336, %select_n3A_389 : vector<16xf32>
        %jit3A_391 = arith.constant 1.000000e+00 : f32
        %jit3A_392 = arith.constant 0.000000e+00 : f32
        %broadcast_in_dim3A_393 = vector.broadcast %jit3A_391 : f32 to vector<16xf32>
        %broadcast_in_dim3A_394 = vector.broadcast %jit3A_392 : f32 to vector<16xf32>
        %select_n3A_395 = arith.select %eq3A_386, %broadcast_in_dim3A_393, %broadcast_in_dim3A_394 : vector<16xi1>, vector<16xf32>
        %add3A_396 = arith.addf %add3A_342, %select_n3A_395 : vector<16xf32>
        %add3A_397 = arith.constant 112 : i32
        %add3A_398 = arith.addi %mul3A_212, %add3A_397 : i32
        %get3A_399 = arith.constant 0 : i32
        %get3A_400 = tpu.memref_slice %arg7[%scan3A_166, %get3A_399] : memref<8x2048xf32, #tpu.memory_space<vmem>> -> memref<1x2048xf32, #tpu.memory_space<vmem>>
        %get3A_401 = tpu.memref_squeeze %get3A_400 : memref<1x2048xf32, #tpu.memory_space<vmem>> -> memref<2048xf32, #tpu.memory_space<vmem>>
        %get3A_402 = arith.index_cast %add3A_398 : i32 to index
        %get3A_403 = tpu.vector_load %get3A_401[%get3A_402] {strides = array<i32>} : memref<2048xf32, #tpu.memory_space<vmem>>, vector<16xf32>,
        %get3A_404 = vector.shape_cast %get3A_403 : vector<16xf32> to vector<16xf32>
        %get3A_405 = arith.constant 0 : i32
        %get3A_406 = tpu.memref_slice %arg9[%scan3A_167, %get3A_405] : memref<8x2048xf32, #tpu.memory_space<vmem>> -> memref<1x2048xf32, #tpu.memory_space<vmem>>
        %get3A_407 = tpu.memref_squeeze %get3A_406 : memref<1x2048xf32, #tpu.memory_space<vmem>> -> memref<2048xf32, #tpu.memory_space<vmem>>
        %get3A_408 = arith.index_cast %add3A_398 : i32 to index
        %get3A_409 = tpu.vector_load %get3A_407[%get3A_408] {strides = array<i32>} : memref<2048xf32, #tpu.memory_space<vmem>>, vector<16xf32>,
        %get3A_410 = vector.shape_cast %get3A_409 : vector<16xf32> to vector<16xf32>
        %sub3A_411 = arith.subf %get3A_404, %get3A_410 : vector<16xf32>
        %mul3A_412 = arith.mulf %sub3A_411, %sub3A_411 : vector<16xf32>
        %eq3A_413 = arith.cmpf oeq, %mul3A_412, %mul3A_412 : vector<16xf32>
        %jit3A_414 = arith.constant 0.000000e+00 : f32
        %broadcast_in_dim3A_415 = vector.broadcast %jit3A_414 : f32 to vector<16xf32>
        %select_n3A_416 = arith.select %eq3A_413, %mul3A_412, %broadcast_in_dim3A_415 : vector<16xi1>, vector<16xf32>
        %add3A_417 = arith.addf %add3A_363, %select_n3A_416 : vector<16xf32>
        %jit3A_418 = arith.constant 1.000000e+00 : f32
        %jit3A_419 = arith.constant 0.000000e+00 : f32
        %broadcast_in_dim3A_420 = vector.broadcast %jit3A_418 : f32 to vector<16xf32>
        %broadcast_in_dim3A_421 = vector.broadcast %jit3A_419 : f32 to vector<16xf32>
        %select_n3A_422 = arith.select %eq3A_413, %broadcast_in_dim3A_420, %broadcast_in_dim3A_421 : vector<16xi1>, vector<16xf32>
        %add3A_423 = arith.addf %add3A_369, %select_n3A_422 : vector<16xf32>
        scf.yield %add3A_390, %add3A_417, %add3A_396, %add3A_423 : vector<16xf32>, vector<16xf32>, vector<16xf32>, vector<16xf32>
      }
      %scan3A_173 = arith.constant 16 : i32
      %scan3A_174 = arith.constant 4 : i32
      %scan3A_175 = arith.constant 4 : i32
      %scan3A_176 = arith.constant 0 : i32
      %scan3A_177 = arith.constant 16 : i32
      %scan3A_178 = arith.addi %scan3A_176, %scan3A_177 : i32
      %scan3A_179 = arith.constant 1 : i32
      %scan3A_180:4 = scf.for %scan3A_206 = %scan3A_176 to %scan3A_178 step %scan3A_179 iter_args(%scan3A_207 = %scan3A_172#0, %scan3A_208 = %scan3A_172#1, %scan3A_209 = %scan3A_172#2, %scan3A_210 = %scan3A_172#3) -> (vector<16xf32>, vector<16xf32>, vector<16xf32>, vector<16xf32>)  : i32 {
        %mul3A_211 = arith.constant 128 : i32
        %mul3A_212 = arith.muli %scan3A_206, %mul3A_211 : i32
        %add3A_213 = arith.constant 0 : i32
        %add3A_214 = arith.addi %mul3A_212, %add3A_213 : i32
        %get3A = arith.constant 0 : i32
        %get3A_215 = tpu.memref_slice %arg7[%scan3A_174, %get3A] : memref<8x2048xf32, #tpu.memory_space<vmem>> -> memref<1x2048xf32, #tpu.memory_space<vmem>>
        %get3A_216 = tpu.memref_squeeze %get3A_215 : memref<1x2048xf32, #tpu.memory_space<vmem>> -> memref<2048xf32, #tpu.memory_space<vmem>>
        %get3A_217 = arith.index_cast %add3A_214 : i32 to index
        %get3A_218 = tpu.vector_load %get3A_216[%get3A_217] {strides = array<i32>} : memref<2048xf32, #tpu.memory_space<vmem>>, vector<16xf32>,
        %get3A_219 = vector.shape_cast %get3A_218 : vector<16xf32> to vector<16xf32>
        %get3A_220 = arith.constant 0 : i32
        %get3A_221 = tpu.memref_slice %arg9[%scan3A_175, %get3A_220] : memref<8x2048xf32, #tpu.memory_space<vmem>> -> memref<1x2048xf32, #tpu.memory_space<vmem>>
        %get3A_222 = tpu.memref_squeeze %get3A_221 : memref<1x2048xf32, #tpu.memory_space<vmem>> -> memref<2048xf32, #tpu.memory_space<vmem>>
        %get3A_223 = arith.index_cast %add3A_214 : i32 to index
        %get3A_224 = tpu.vector_load %get3A_222[%get3A_223] {strides = array<i32>} : memref<2048xf32, #tpu.memory_space<vmem>>, vector<16xf32>,
        %get3A_225 = vector.shape_cast %get3A_224 : vector<16xf32> to vector<16xf32>
        %sub3A = arith.subf %get3A_219, %get3A_225 : vector<16xf32>
        %mul3A_226 = arith.mulf %sub3A, %sub3A : vector<16xf32>
        %eq3A = arith.cmpf oeq, %mul3A_226, %mul3A_226 : vector<16xf32>
        %jit3A = arith.constant 0.000000e+00 : f32
        %broadcast_in_dim3A_227 = vector.broadcast %jit3A : f32 to vector<16xf32>
        %select_n3A = arith.select %eq3A, %mul3A_226, %broadcast_in_dim3A_227 : vector<16xi1>, vector<16xf32>
        %add3A_228 = arith.addf %scan3A_207, %select_n3A : vector<16xf32>
        %jit3A_229 = arith.constant 1.000000e+00 : f32
        %jit3A_230 = arith.constant 0.000000e+00 : f32
        %broadcast_in_dim3A_231 = vector.broadcast %jit3A_229 : f32 to vector<16xf32>
        %broadcast_in_dim3A_232 = vector.broadcast %jit3A_230 : f32 to vector<16xf32>
        %select_n3A_233 = arith.select %eq3A, %broadcast_in_dim3A_231, %broadcast_in_dim3A_232 : vector<16xi1>, vector<16xf32>
        %add3A_234 = arith.addf %scan3A_209, %select_n3A_233 : vector<16xf32>
        %add3A_235 = arith.constant 16 : i32
        %add3A_236 = arith.addi %mul3A_212, %add3A_235 : i32
        %get3A_237 = arith.constant 0 : i32
        %get3A_238 = tpu.memref_slice %arg7[%scan3A_174, %get3A_237] : memref<8x2048xf32, #tpu.memory_space<vmem>> -> memref<1x2048xf32, #tpu.memory_space<vmem>>
        %get3A_239 = tpu.memref_squeeze %get3A_238 : memref<1x2048xf32, #tpu.memory_space<vmem>> -> memref<2048xf32, #tpu.memory_space<vmem>>
        %get3A_240 = arith.index_cast %add3A_236 : i32 to index
        %get3A_241 = tpu.vector_load %get3A_239[%get3A_240] {strides = array<i32>} : memref<2048xf32, #tpu.memory_space<vmem>>, vector<16xf32>,
        %get3A_242 = vector.shape_cast %get3A_241 : vector<16xf32> to vector<16xf32>
        %get3A_243 = arith.constant 0 : i32
        %get3A_244 = tpu.memref_slice %arg9[%scan3A_175, %get3A_243] : memref<8x2048xf32, #tpu.memory_space<vmem>> -> memref<1x2048xf32, #tpu.memory_space<vmem>>
        %get3A_245 = tpu.memref_squeeze %get3A_244 : memref<1x2048xf32, #tpu.memory_space<vmem>> -> memref<2048xf32, #tpu.memory_space<vmem>>
        %get3A_246 = arith.index_cast %add3A_236 : i32 to index
        %get3A_247 = tpu.vector_load %get3A_245[%get3A_246] {strides = array<i32>} : memref<2048xf32, #tpu.memory_space<vmem>>, vector<16xf32>,
        %get3A_248 = vector.shape_cast %get3A_247 : vector<16xf32> to vector<16xf32>
        %sub3A_249 = arith.subf %get3A_242, %get3A_248 : vector<16xf32>
        %mul3A_250 = arith.mulf %sub3A_249, %sub3A_249 : vector<16xf32>
        %eq3A_251 = arith.cmpf oeq, %mul3A_250, %mul3A_250 : vector<16xf32>
        %jit3A_252 = arith.constant 0.000000e+00 : f32
        %broadcast_in_dim3A_253 = vector.broadcast %jit3A_252 : f32 to vector<16xf32>
        %select_n3A_254 = arith.select %eq3A_251, %mul3A_250, %broadcast_in_dim3A_253 : vector<16xi1>, vector<16xf32>
        %add3A_255 = arith.addf %scan3A_208, %select_n3A_254 : vector<16xf32>
        %jit3A_256 = arith.constant 1.000000e+00 : f32
        %jit3A_257 = arith.constant 0.000000e+00 : f32
        %broadcast_in_dim3A_258 = vector.broadcast %jit3A_256 : f32 to vector<16xf32>
        %broadcast_in_dim3A_259 = vector.broadcast %jit3A_257 : f32 to vector<16xf32>
        %select_n3A_260 = arith.select %eq3A_251, %broadcast_in_dim3A_258, %broadcast_in_dim3A_259 : vector<16xi1>, vector<16xf32>
        %add3A_261 = arith.addf %scan3A_210, %select_n3A_260 : vector<16xf32>
        %add3A_262 = arith.constant 32 : i32
        %add3A_263 = arith.addi %mul3A_212, %add3A_262 : i32
        %get3A_264 = arith.constant 0 : i32
        %get3A_265 = tpu.memref_slice %arg7[%scan3A_174, %get3A_264] : memref<8x2048xf32, #tpu.memory_space<vmem>> -> memref<1x2048xf32, #tpu.memory_space<vmem>>
        %get3A_266 = tpu.memref_squeeze %get3A_265 : memref<1x2048xf32, #tpu.memory_space<vmem>> -> memref<2048xf32, #tpu.memory_space<vmem>>
        %get3A_267 = arith.index_cast %add3A_263 : i32 to index
        %get3A_268 = tpu.vector_load %get3A_266[%get3A_267] {strides = array<i32>} : memref<2048xf32, #tpu.memory_space<vmem>>, vector<16xf32>,
        %get3A_269 = vector.shape_cast %get3A_268 : vector<16xf32> to vector<16xf32>
        %get3A_270 = arith.constant 0 : i32
        %get3A_271 = tpu.memref_slice %arg9[%scan3A_175, %get3A_270] : memref<8x2048xf32, #tpu.memory_space<vmem>> -> memref<1x2048xf32, #tpu.memory_space<vmem>>
        %get3A_272 = tpu.memref_squeeze %get3A_271 : memref<1x2048xf32, #tpu.memory_space<vmem>> -> memref<2048xf32, #tpu.memory_space<vmem>>
        %get3A_273 = arith.index_cast %add3A_263 : i32 to index
        %get3A_274 = tpu.vector_load %get3A_272[%get3A_273] {strides = array<i32>} : memref<2048xf32, #tpu.memory_space<vmem>>, vector<16xf32>,
        %get3A_275 = vector.shape_cast %get3A_274 : vector<16xf32> to vector<16xf32>
        %sub3A_276 = arith.subf %get3A_269, %get3A_275 : vector<16xf32>
        %mul3A_277 = arith.mulf %sub3A_276, %sub3A_276 : vector<16xf32>
        %eq3A_278 = arith.cmpf oeq, %mul3A_277, %mul3A_277 : vector<16xf32>
        %jit3A_279 = arith.constant 0.000000e+00 : f32
        %broadcast_in_dim3A_280 = vector.broadcast %jit3A_279 : f32 to vector<16xf32>
        %select_n3A_281 = arith.select %eq3A_278, %mul3A_277, %broadcast_in_dim3A_280 : vector<16xi1>, vector<16xf32>
        %add3A_282 = arith.addf %add3A_228, %select_n3A_281 : vector<16xf32>
        %jit3A_283 = arith.constant 1.000000e+00 : f32
        %jit3A_284 = arith.constant 0.000000e+00 : f32
        %broadcast_in_dim3A_285 = vector.broadcast %jit3A_283 : f32 to vector<16xf32>
        %broadcast_in_dim3A_286 = vector.broadcast %jit3A_284 : f32 to vector<16xf32>
        %select_n3A_287 = arith.select %eq3A_278, %broadcast_in_dim3A_285, %broadcast_in_dim3A_286 : vector<16xi1>, vector<16xf32>
        %add3A_288 = arith.addf %add3A_234, %select_n3A_287 : vector<16xf32>
        %add3A_289 = arith.constant 48 : i32
        %add3A_290 = arith.addi %mul3A_212, %add3A_289 : i32
        %get3A_291 = arith.constant 0 : i32
        %get3A_292 = tpu.memref_slice %arg7[%scan3A_174, %get3A_291] : memref<8x2048xf32, #tpu.memory_space<vmem>> -> memref<1x2048xf32, #tpu.memory_space<vmem>>
        %get3A_293 = tpu.memref_squeeze %get3A_292 : memref<1x2048xf32, #tpu.memory_space<vmem>> -> memref<2048xf32, #tpu.memory_space<vmem>>
        %get3A_294 = arith.index_cast %add3A_290 : i32 to index
        %get3A_295 = tpu.vector_load %get3A_293[%get3A_294] {strides = array<i32>} : memref<2048xf32, #tpu.memory_space<vmem>>, vector<16xf32>,
        %get3A_296 = vector.shape_cast %get3A_295 : vector<16xf32> to vector<16xf32>
        %get3A_297 = arith.constant 0 : i32
        %get3A_298 = tpu.memref_slice %arg9[%scan3A_175, %get3A_297] : memref<8x2048xf32, #tpu.memory_space<vmem>> -> memref<1x2048xf32, #tpu.memory_space<vmem>>
        %get3A_299 = tpu.memref_squeeze %get3A_298 : memref<1x2048xf32, #tpu.memory_space<vmem>> -> memref<2048xf32, #tpu.memory_space<vmem>>
        %get3A_300 = arith.index_cast %add3A_290 : i32 to index
        %get3A_301 = tpu.vector_load %get3A_299[%get3A_300] {strides = array<i32>} : memref<2048xf32, #tpu.memory_space<vmem>>, vector<16xf32>,
        %get3A_302 = vector.shape_cast %get3A_301 : vector<16xf32> to vector<16xf32>
        %sub3A_303 = arith.subf %get3A_296, %get3A_302 : vector<16xf32>
        %mul3A_304 = arith.mulf %sub3A_303, %sub3A_303 : vector<16xf32>
        %eq3A_305 = arith.cmpf oeq, %mul3A_304, %mul3A_304 : vector<16xf32>
        %jit3A_306 = arith.constant 0.000000e+00 : f32
        %broadcast_in_dim3A_307 = vector.broadcast %jit3A_306 : f32 to vector<16xf32>
        %select_n3A_308 = arith.select %eq3A_305, %mul3A_304, %broadcast_in_dim3A_307 : vector<16xi1>, vector<16xf32>
        %add3A_309 = arith.addf %add3A_255, %select_n3A_308 : vector<16xf32>
        %jit3A_310 = arith.constant 1.000000e+00 : f32
        %jit3A_311 = arith.constant 0.000000e+00 : f32
        %broadcast_in_dim3A_312 = vector.broadcast %jit3A_310 : f32 to vector<16xf32>
        %broadcast_in_dim3A_313 = vector.broadcast %jit3A_311 : f32 to vector<16xf32>
        %select_n3A_314 = arith.select %eq3A_305, %broadcast_in_dim3A_312, %broadcast_in_dim3A_313 : vector<16xi1>, vector<16xf32>
        %add3A_315 = arith.addf %add3A_261, %select_n3A_314 : vector<16xf32>
        %add3A_316 = arith.constant 64 : i32
        %add3A_317 = arith.addi %mul3A_212, %add3A_316 : i32
        %get3A_318 = arith.constant 0 : i32
        %get3A_319 = tpu.memref_slice %arg7[%scan3A_174, %get3A_318] : memref<8x2048xf32, #tpu.memory_space<vmem>> -> memref<1x2048xf32, #tpu.memory_space<vmem>>
        %get3A_320 = tpu.memref_squeeze %get3A_319 : memref<1x2048xf32, #tpu.memory_space<vmem>> -> memref<2048xf32, #tpu.memory_space<vmem>>
        %get3A_321 = arith.index_cast %add3A_317 : i32 to index
        %get3A_322 = tpu.vector_load %get3A_320[%get3A_321] {strides = array<i32>} : memref<2048xf32, #tpu.memory_space<vmem>>, vector<16xf32>,
        %get3A_323 = vector.shape_cast %get3A_322 : vector<16xf32> to vector<16xf32>
        %get3A_324 = arith.constant 0 : i32
        %get3A_325 = tpu.memref_slice %arg9[%scan3A_175, %get3A_324] : memref<8x2048xf32, #tpu.memory_space<vmem>> -> memref<1x2048xf32, #tpu.memory_space<vmem>>
        %get3A_326 = tpu.memref_squeeze %get3A_325 : memref<1x2048xf32, #tpu.memory_space<vmem>> -> memref<2048xf32, #tpu.memory_space<vmem>>
        %get3A_327 = arith.index_cast %add3A_317 : i32 to index
        %get3A_328 = tpu.vector_load %get3A_326[%get3A_327] {strides = array<i32>} : memref<2048xf32, #tpu.memory_space<vmem>>, vector<16xf32>,
        %get3A_329 = vector.shape_cast %get3A_328 : vector<16xf32> to vector<16xf32>
        %sub3A_330 = arith.subf %get3A_323, %get3A_329 : vector<16xf32>
        %mul3A_331 = arith.mulf %sub3A_330, %sub3A_330 : vector<16xf32>
        %eq3A_332 = arith.cmpf oeq, %mul3A_331, %mul3A_331 : vector<16xf32>
        %jit3A_333 = arith.constant 0.000000e+00 : f32
        %broadcast_in_dim3A_334 = vector.broadcast %jit3A_333 : f32 to vector<16xf32>
        %select_n3A_335 = arith.select %eq3A_332, %mul3A_331, %broadcast_in_dim3A_334 : vector<16xi1>, vector<16xf32>
        %add3A_336 = arith.addf %add3A_282, %select_n3A_335 : vector<16xf32>
        %jit3A_337 = arith.constant 1.000000e+00 : f32
        %jit3A_338 = arith.constant 0.000000e+00 : f32
        %broadcast_in_dim3A_339 = vector.broadcast %jit3A_337 : f32 to vector<16xf32>
        %broadcast_in_dim3A_340 = vector.broadcast %jit3A_338 : f32 to vector<16xf32>
        %select_n3A_341 = arith.select %eq3A_332, %broadcast_in_dim3A_339, %broadcast_in_dim3A_340 : vector<16xi1>, vector<16xf32>
        %add3A_342 = arith.addf %add3A_288, %select_n3A_341 : vector<16xf32>
        %add3A_343 = arith.constant 80 : i32
        %add3A_344 = arith.addi %mul3A_212, %add3A_343 : i32
        %get3A_345 = arith.constant 0 : i32
        %get3A_346 = tpu.memref_slice %arg7[%scan3A_174, %get3A_345] : memref<8x2048xf32, #tpu.memory_space<vmem>> -> memref<1x2048xf32, #tpu.memory_space<vmem>>
        %get3A_347 = tpu.memref_squeeze %get3A_346 : memref<1x2048xf32, #tpu.memory_space<vmem>> -> memref<2048xf32, #tpu.memory_space<vmem>>
        %get3A_348 = arith.index_cast %add3A_344 : i32 to index
        %get3A_349 = tpu.vector_load %get3A_347[%get3A_348] {strides = array<i32>} : memref<2048xf32, #tpu.memory_space<vmem>>, vector<16xf32>,
        %get3A_350 = vector.shape_cast %get3A_349 : vector<16xf32> to vector<16xf32>
        %get3A_351 = arith.constant 0 : i32
        %get3A_352 = tpu.memref_slice %arg9[%scan3A_175, %get3A_351] : memref<8x2048xf32, #tpu.memory_space<vmem>> -> memref<1x2048xf32, #tpu.memory_space<vmem>>
        %get3A_353 = tpu.memref_squeeze %get3A_352 : memref<1x2048xf32, #tpu.memory_space<vmem>> -> memref<2048xf32, #tpu.memory_space<vmem>>
        %get3A_354 = arith.index_cast %add3A_344 : i32 to index
        %get3A_355 = tpu.vector_load %get3A_353[%get3A_354] {strides = array<i32>} : memref<2048xf32, #tpu.memory_space<vmem>>, vector<16xf32>,
        %get3A_356 = vector.shape_cast %get3A_355 : vector<16xf32> to vector<16xf32>
        %sub3A_357 = arith.subf %get3A_350, %get3A_356 : vector<16xf32>
        %mul3A_358 = arith.mulf %sub3A_357, %sub3A_357 : vector<16xf32>
        %eq3A_359 = arith.cmpf oeq, %mul3A_358, %mul3A_358 : vector<16xf32>
        %jit3A_360 = arith.constant 0.000000e+00 : f32
        %broadcast_in_dim3A_361 = vector.broadcast %jit3A_360 : f32 to vector<16xf32>
        %select_n3A_362 = arith.select %eq3A_359, %mul3A_358, %broadcast_in_dim3A_361 : vector<16xi1>, vector<16xf32>
        %add3A_363 = arith.addf %add3A_309, %select_n3A_362 : vector<16xf32>
        %jit3A_364 = arith.constant 1.000000e+00 : f32
        %jit3A_365 = arith.constant 0.000000e+00 : f32
        %broadcast_in_dim3A_366 = vector.broadcast %jit3A_364 : f32 to vector<16xf32>
        %broadcast_in_dim3A_367 = vector.broadcast %jit3A_365 : f32 to vector<16xf32>
        %select_n3A_368 = arith.select %eq3A_359, %broadcast_in_dim3A_366, %broadcast_in_dim3A_367 : vector<16xi1>, vector<16xf32>
        %add3A_369 = arith.addf %add3A_315, %select_n3A_368 : vector<16xf32>
        %add3A_370 = arith.constant 96 : i32
        %add3A_371 = arith.addi %mul3A_212, %add3A_370 : i32
        %get3A_372 = arith.constant 0 : i32
        %get3A_373 = tpu.memref_slice %arg7[%scan3A_174, %get3A_372] : memref<8x2048xf32, #tpu.memory_space<vmem>> -> memref<1x2048xf32, #tpu.memory_space<vmem>>
        %get3A_374 = tpu.memref_squeeze %get3A_373 : memref<1x2048xf32, #tpu.memory_space<vmem>> -> memref<2048xf32, #tpu.memory_space<vmem>>
        %get3A_375 = arith.index_cast %add3A_371 : i32 to index
        %get3A_376 = tpu.vector_load %get3A_374[%get3A_375] {strides = array<i32>} : memref<2048xf32, #tpu.memory_space<vmem>>, vector<16xf32>,
        %get3A_377 = vector.shape_cast %get3A_376 : vector<16xf32> to vector<16xf32>
        %get3A_378 = arith.constant 0 : i32
        %get3A_379 = tpu.memref_slice %arg9[%scan3A_175, %get3A_378] : memref<8x2048xf32, #tpu.memory_space<vmem>> -> memref<1x2048xf32, #tpu.memory_space<vmem>>
        %get3A_380 = tpu.memref_squeeze %get3A_379 : memref<1x2048xf32, #tpu.memory_space<vmem>> -> memref<2048xf32, #tpu.memory_space<vmem>>
        %get3A_381 = arith.index_cast %add3A_371 : i32 to index
        %get3A_382 = tpu.vector_load %get3A_380[%get3A_381] {strides = array<i32>} : memref<2048xf32, #tpu.memory_space<vmem>>, vector<16xf32>,
        %get3A_383 = vector.shape_cast %get3A_382 : vector<16xf32> to vector<16xf32>
        %sub3A_384 = arith.subf %get3A_377, %get3A_383 : vector<16xf32>
        %mul3A_385 = arith.mulf %sub3A_384, %sub3A_384 : vector<16xf32>
        %eq3A_386 = arith.cmpf oeq, %mul3A_385, %mul3A_385 : vector<16xf32>
        %jit3A_387 = arith.constant 0.000000e+00 : f32
        %broadcast_in_dim3A_388 = vector.broadcast %jit3A_387 : f32 to vector<16xf32>
        %select_n3A_389 = arith.select %eq3A_386, %mul3A_385, %broadcast_in_dim3A_388 : vector<16xi1>, vector<16xf32>
        %add3A_390 = arith.addf %add3A_336, %select_n3A_389 : vector<16xf32>
        %jit3A_391 = arith.constant 1.000000e+00 : f32
        %jit3A_392 = arith.constant 0.000000e+00 : f32
        %broadcast_in_dim3A_393 = vector.broadcast %jit3A_391 : f32 to vector<16xf32>
        %broadcast_in_dim3A_394 = vector.broadcast %jit3A_392 : f32 to vector<16xf32>
        %select_n3A_395 = arith.select %eq3A_386, %broadcast_in_dim3A_393, %broadcast_in_dim3A_394 : vector<16xi1>, vector<16xf32>
        %add3A_396 = arith.addf %add3A_342, %select_n3A_395 : vector<16xf32>
        %add3A_397 = arith.constant 112 : i32
        %add3A_398 = arith.addi %mul3A_212, %add3A_397 : i32
        %get3A_399 = arith.constant 0 : i32
        %get3A_400 = tpu.memref_slice %arg7[%scan3A_174, %get3A_399] : memref<8x2048xf32, #tpu.memory_space<vmem>> -> memref<1x2048xf32, #tpu.memory_space<vmem>>
        %get3A_401 = tpu.memref_squeeze %get3A_400 : memref<1x2048xf32, #tpu.memory_space<vmem>> -> memref<2048xf32, #tpu.memory_space<vmem>>
        %get3A_402 = arith.index_cast %add3A_398 : i32 to index
        %get3A_403 = tpu.vector_load %get3A_401[%get3A_402] {strides = array<i32>} : memref<2048xf32, #tpu.memory_space<vmem>>, vector<16xf32>,
        %get3A_404 = vector.shape_cast %get3A_403 : vector<16xf32> to vector<16xf32>
        %get3A_405 = arith.constant 0 : i32
        %get3A_406 = tpu.memref_slice %arg9[%scan3A_175, %get3A_405] : memref<8x2048xf32, #tpu.memory_space<vmem>> -> memref<1x2048xf32, #tpu.memory_space<vmem>>
        %get3A_407 = tpu.memref_squeeze %get3A_406 : memref<1x2048xf32, #tpu.memory_space<vmem>> -> memref<2048xf32, #tpu.memory_space<vmem>>
        %get3A_408 = arith.index_cast %add3A_398 : i32 to index
        %get3A_409 = tpu.vector_load %get3A_407[%get3A_408] {strides = array<i32>} : memref<2048xf32, #tpu.memory_space<vmem>>, vector<16xf32>,
        %get3A_410 = vector.shape_cast %get3A_409 : vector<16xf32> to vector<16xf32>
        %sub3A_411 = arith.subf %get3A_404, %get3A_410 : vector<16xf32>
        %mul3A_412 = arith.mulf %sub3A_411, %sub3A_411 : vector<16xf32>
        %eq3A_413 = arith.cmpf oeq, %mul3A_412, %mul3A_412 : vector<16xf32>
        %jit3A_414 = arith.constant 0.000000e+00 : f32
        %broadcast_in_dim3A_415 = vector.broadcast %jit3A_414 : f32 to vector<16xf32>
        %select_n3A_416 = arith.select %eq3A_413, %mul3A_412, %broadcast_in_dim3A_415 : vector<16xi1>, vector<16xf32>
        %add3A_417 = arith.addf %add3A_363, %select_n3A_416 : vector<16xf32>
        %jit3A_418 = arith.constant 1.000000e+00 : f32
        %jit3A_419 = arith.constant 0.000000e+00 : f32
        %broadcast_in_dim3A_420 = vector.broadcast %jit3A_418 : f32 to vector<16xf32>
        %broadcast_in_dim3A_421 = vector.broadcast %jit3A_419 : f32 to vector<16xf32>
        %select_n3A_422 = arith.select %eq3A_413, %broadcast_in_dim3A_420, %broadcast_in_dim3A_421 : vector<16xi1>, vector<16xf32>
        %add3A_423 = arith.addf %add3A_369, %select_n3A_422 : vector<16xf32>
        scf.yield %add3A_390, %add3A_417, %add3A_396, %add3A_423 : vector<16xf32>, vector<16xf32>, vector<16xf32>, vector<16xf32>
      }
      %scan3A_181 = arith.constant 16 : i32
      %scan3A_182 = arith.constant 5 : i32
      %scan3A_183 = arith.constant 5 : i32
      %scan3A_184 = arith.constant 0 : i32
      %scan3A_185 = arith.constant 16 : i32
      %scan3A_186 = arith.addi %scan3A_184, %scan3A_185 : i32
      %scan3A_187 = arith.constant 1 : i32
      %scan3A_188:4 = scf.for %scan3A_206 = %scan3A_184 to %scan3A_186 step %scan3A_187 iter_args(%scan3A_207 = %scan3A_180#0, %scan3A_208 = %scan3A_180#1, %scan3A_209 = %scan3A_180#2, %scan3A_210 = %scan3A_180#3) -> (vector<16xf32>, vector<16xf32>, vector<16xf32>, vector<16xf32>)  : i32 {
        %mul3A_211 = arith.constant 128 : i32
        %mul3A_212 = arith.muli %scan3A_206, %mul3A_211 : i32
        %add3A_213 = arith.constant 0 : i32
        %add3A_214 = arith.addi %mul3A_212, %add3A_213 : i32
        %get3A = arith.constant 0 : i32
        %get3A_215 = tpu.memref_slice %arg7[%scan3A_182, %get3A] : memref<8x2048xf32, #tpu.memory_space<vmem>> -> memref<1x2048xf32, #tpu.memory_space<vmem>>
        %get3A_216 = tpu.memref_squeeze %get3A_215 : memref<1x2048xf32, #tpu.memory_space<vmem>> -> memref<2048xf32, #tpu.memory_space<vmem>>
        %get3A_217 = arith.index_cast %add3A_214 : i32 to index
        %get3A_218 = tpu.vector_load %get3A_216[%get3A_217] {strides = array<i32>} : memref<2048xf32, #tpu.memory_space<vmem>>, vector<16xf32>,
        %get3A_219 = vector.shape_cast %get3A_218 : vector<16xf32> to vector<16xf32>
        %get3A_220 = arith.constant 0 : i32
        %get3A_221 = tpu.memref_slice %arg9[%scan3A_183, %get3A_220] : memref<8x2048xf32, #tpu.memory_space<vmem>> -> memref<1x2048xf32, #tpu.memory_space<vmem>>
        %get3A_222 = tpu.memref_squeeze %get3A_221 : memref<1x2048xf32, #tpu.memory_space<vmem>> -> memref<2048xf32, #tpu.memory_space<vmem>>
        %get3A_223 = arith.index_cast %add3A_214 : i32 to index
        %get3A_224 = tpu.vector_load %get3A_222[%get3A_223] {strides = array<i32>} : memref<2048xf32, #tpu.memory_space<vmem>>, vector<16xf32>,
        %get3A_225 = vector.shape_cast %get3A_224 : vector<16xf32> to vector<16xf32>
        %sub3A = arith.subf %get3A_219, %get3A_225 : vector<16xf32>
        %mul3A_226 = arith.mulf %sub3A, %sub3A : vector<16xf32>
        %eq3A = arith.cmpf oeq, %mul3A_226, %mul3A_226 : vector<16xf32>
        %jit3A = arith.constant 0.000000e+00 : f32
        %broadcast_in_dim3A_227 = vector.broadcast %jit3A : f32 to vector<16xf32>
        %select_n3A = arith.select %eq3A, %mul3A_226, %broadcast_in_dim3A_227 : vector<16xi1>, vector<16xf32>
        %add3A_228 = arith.addf %scan3A_207, %select_n3A : vector<16xf32>
        %jit3A_229 = arith.constant 1.000000e+00 : f32
        %jit3A_230 = arith.constant 0.000000e+00 : f32
        %broadcast_in_dim3A_231 = vector.broadcast %jit3A_229 : f32 to vector<16xf32>
        %broadcast_in_dim3A_232 = vector.broadcast %jit3A_230 : f32 to vector<16xf32>
        %select_n3A_233 = arith.select %eq3A, %broadcast_in_dim3A_231, %broadcast_in_dim3A_232 : vector<16xi1>, vector<16xf32>
        %add3A_234 = arith.addf %scan3A_209, %select_n3A_233 : vector<16xf32>
        %add3A_235 = arith.constant 16 : i32
        %add3A_236 = arith.addi %mul3A_212, %add3A_235 : i32
        %get3A_237 = arith.constant 0 : i32
        %get3A_238 = tpu.memref_slice %arg7[%scan3A_182, %get3A_237] : memref<8x2048xf32, #tpu.memory_space<vmem>> -> memref<1x2048xf32, #tpu.memory_space<vmem>>
        %get3A_239 = tpu.memref_squeeze %get3A_238 : memref<1x2048xf32, #tpu.memory_space<vmem>> -> memref<2048xf32, #tpu.memory_space<vmem>>
        %get3A_240 = arith.index_cast %add3A_236 : i32 to index
        %get3A_241 = tpu.vector_load %get3A_239[%get3A_240] {strides = array<i32>} : memref<2048xf32, #tpu.memory_space<vmem>>, vector<16xf32>,
        %get3A_242 = vector.shape_cast %get3A_241 : vector<16xf32> to vector<16xf32>
        %get3A_243 = arith.constant 0 : i32
        %get3A_244 = tpu.memref_slice %arg9[%scan3A_183, %get3A_243] : memref<8x2048xf32, #tpu.memory_space<vmem>> -> memref<1x2048xf32, #tpu.memory_space<vmem>>
        %get3A_245 = tpu.memref_squeeze %get3A_244 : memref<1x2048xf32, #tpu.memory_space<vmem>> -> memref<2048xf32, #tpu.memory_space<vmem>>
        %get3A_246 = arith.index_cast %add3A_236 : i32 to index
        %get3A_247 = tpu.vector_load %get3A_245[%get3A_246] {strides = array<i32>} : memref<2048xf32, #tpu.memory_space<vmem>>, vector<16xf32>,
        %get3A_248 = vector.shape_cast %get3A_247 : vector<16xf32> to vector<16xf32>
        %sub3A_249 = arith.subf %get3A_242, %get3A_248 : vector<16xf32>
        %mul3A_250 = arith.mulf %sub3A_249, %sub3A_249 : vector<16xf32>
        %eq3A_251 = arith.cmpf oeq, %mul3A_250, %mul3A_250 : vector<16xf32>
        %jit3A_252 = arith.constant 0.000000e+00 : f32
        %broadcast_in_dim3A_253 = vector.broadcast %jit3A_252 : f32 to vector<16xf32>
        %select_n3A_254 = arith.select %eq3A_251, %mul3A_250, %broadcast_in_dim3A_253 : vector<16xi1>, vector<16xf32>
        %add3A_255 = arith.addf %scan3A_208, %select_n3A_254 : vector<16xf32>
        %jit3A_256 = arith.constant 1.000000e+00 : f32
        %jit3A_257 = arith.constant 0.000000e+00 : f32
        %broadcast_in_dim3A_258 = vector.broadcast %jit3A_256 : f32 to vector<16xf32>
        %broadcast_in_dim3A_259 = vector.broadcast %jit3A_257 : f32 to vector<16xf32>
        %select_n3A_260 = arith.select %eq3A_251, %broadcast_in_dim3A_258, %broadcast_in_dim3A_259 : vector<16xi1>, vector<16xf32>
        %add3A_261 = arith.addf %scan3A_210, %select_n3A_260 : vector<16xf32>
        %add3A_262 = arith.constant 32 : i32
        %add3A_263 = arith.addi %mul3A_212, %add3A_262 : i32
        %get3A_264 = arith.constant 0 : i32
        %get3A_265 = tpu.memref_slice %arg7[%scan3A_182, %get3A_264] : memref<8x2048xf32, #tpu.memory_space<vmem>> -> memref<1x2048xf32, #tpu.memory_space<vmem>>
        %get3A_266 = tpu.memref_squeeze %get3A_265 : memref<1x2048xf32, #tpu.memory_space<vmem>> -> memref<2048xf32, #tpu.memory_space<vmem>>
        %get3A_267 = arith.index_cast %add3A_263 : i32 to index
        %get3A_268 = tpu.vector_load %get3A_266[%get3A_267] {strides = array<i32>} : memref<2048xf32, #tpu.memory_space<vmem>>, vector<16xf32>,
        %get3A_269 = vector.shape_cast %get3A_268 : vector<16xf32> to vector<16xf32>
        %get3A_270 = arith.constant 0 : i32
        %get3A_271 = tpu.memref_slice %arg9[%scan3A_183, %get3A_270] : memref<8x2048xf32, #tpu.memory_space<vmem>> -> memref<1x2048xf32, #tpu.memory_space<vmem>>
        %get3A_272 = tpu.memref_squeeze %get3A_271 : memref<1x2048xf32, #tpu.memory_space<vmem>> -> memref<2048xf32, #tpu.memory_space<vmem>>
        %get3A_273 = arith.index_cast %add3A_263 : i32 to index
        %get3A_274 = tpu.vector_load %get3A_272[%get3A_273] {strides = array<i32>} : memref<2048xf32, #tpu.memory_space<vmem>>, vector<16xf32>,
        %get3A_275 = vector.shape_cast %get3A_274 : vector<16xf32> to vector<16xf32>
        %sub3A_276 = arith.subf %get3A_269, %get3A_275 : vector<16xf32>
        %mul3A_277 = arith.mulf %sub3A_276, %sub3A_276 : vector<16xf32>
        %eq3A_278 = arith.cmpf oeq, %mul3A_277, %mul3A_277 : vector<16xf32>
        %jit3A_279 = arith.constant 0.000000e+00 : f32
        %broadcast_in_dim3A_280 = vector.broadcast %jit3A_279 : f32 to vector<16xf32>
        %select_n3A_281 = arith.select %eq3A_278, %mul3A_277, %broadcast_in_dim3A_280 : vector<16xi1>, vector<16xf32>
        %add3A_282 = arith.addf %add3A_228, %select_n3A_281 : vector<16xf32>
        %jit3A_283 = arith.constant 1.000000e+00 : f32
        %jit3A_284 = arith.constant 0.000000e+00 : f32
        %broadcast_in_dim3A_285 = vector.broadcast %jit3A_283 : f32 to vector<16xf32>
        %broadcast_in_dim3A_286 = vector.broadcast %jit3A_284 : f32 to vector<16xf32>
        %select_n3A_287 = arith.select %eq3A_278, %broadcast_in_dim3A_285, %broadcast_in_dim3A_286 : vector<16xi1>, vector<16xf32>
        %add3A_288 = arith.addf %add3A_234, %select_n3A_287 : vector<16xf32>
        %add3A_289 = arith.constant 48 : i32
        %add3A_290 = arith.addi %mul3A_212, %add3A_289 : i32
        %get3A_291 = arith.constant 0 : i32
        %get3A_292 = tpu.memref_slice %arg7[%scan3A_182, %get3A_291] : memref<8x2048xf32, #tpu.memory_space<vmem>> -> memref<1x2048xf32, #tpu.memory_space<vmem>>
        %get3A_293 = tpu.memref_squeeze %get3A_292 : memref<1x2048xf32, #tpu.memory_space<vmem>> -> memref<2048xf32, #tpu.memory_space<vmem>>
        %get3A_294 = arith.index_cast %add3A_290 : i32 to index
        %get3A_295 = tpu.vector_load %get3A_293[%get3A_294] {strides = array<i32>} : memref<2048xf32, #tpu.memory_space<vmem>>, vector<16xf32>,
        %get3A_296 = vector.shape_cast %get3A_295 : vector<16xf32> to vector<16xf32>
        %get3A_297 = arith.constant 0 : i32
        %get3A_298 = tpu.memref_slice %arg9[%scan3A_183, %get3A_297] : memref<8x2048xf32, #tpu.memory_space<vmem>> -> memref<1x2048xf32, #tpu.memory_space<vmem>>
        %get3A_299 = tpu.memref_squeeze %get3A_298 : memref<1x2048xf32, #tpu.memory_space<vmem>> -> memref<2048xf32, #tpu.memory_space<vmem>>
        %get3A_300 = arith.index_cast %add3A_290 : i32 to index
        %get3A_301 = tpu.vector_load %get3A_299[%get3A_300] {strides = array<i32>} : memref<2048xf32, #tpu.memory_space<vmem>>, vector<16xf32>,
        %get3A_302 = vector.shape_cast %get3A_301 : vector<16xf32> to vector<16xf32>
        %sub3A_303 = arith.subf %get3A_296, %get3A_302 : vector<16xf32>
        %mul3A_304 = arith.mulf %sub3A_303, %sub3A_303 : vector<16xf32>
        %eq3A_305 = arith.cmpf oeq, %mul3A_304, %mul3A_304 : vector<16xf32>
        %jit3A_306 = arith.constant 0.000000e+00 : f32
        %broadcast_in_dim3A_307 = vector.broadcast %jit3A_306 : f32 to vector<16xf32>
        %select_n3A_308 = arith.select %eq3A_305, %mul3A_304, %broadcast_in_dim3A_307 : vector<16xi1>, vector<16xf32>
        %add3A_309 = arith.addf %add3A_255, %select_n3A_308 : vector<16xf32>
        %jit3A_310 = arith.constant 1.000000e+00 : f32
        %jit3A_311 = arith.constant 0.000000e+00 : f32
        %broadcast_in_dim3A_312 = vector.broadcast %jit3A_310 : f32 to vector<16xf32>
        %broadcast_in_dim3A_313 = vector.broadcast %jit3A_311 : f32 to vector<16xf32>
        %select_n3A_314 = arith.select %eq3A_305, %broadcast_in_dim3A_312, %broadcast_in_dim3A_313 : vector<16xi1>, vector<16xf32>
        %add3A_315 = arith.addf %add3A_261, %select_n3A_314 : vector<16xf32>
        %add3A_316 = arith.constant 64 : i32
        %add3A_317 = arith.addi %mul3A_212, %add3A_316 : i32
        %get3A_318 = arith.constant 0 : i32
        %get3A_319 = tpu.memref_slice %arg7[%scan3A_182, %get3A_318] : memref<8x2048xf32, #tpu.memory_space<vmem>> -> memref<1x2048xf32, #tpu.memory_space<vmem>>
        %get3A_320 = tpu.memref_squeeze %get3A_319 : memref<1x2048xf32, #tpu.memory_space<vmem>> -> memref<2048xf32, #tpu.memory_space<vmem>>
        %get3A_321 = arith.index_cast %add3A_317 : i32 to index
        %get3A_322 = tpu.vector_load %get3A_320[%get3A_321] {strides = array<i32>} : memref<2048xf32, #tpu.memory_space<vmem>>, vector<16xf32>,
        %get3A_323 = vector.shape_cast %get3A_322 : vector<16xf32> to vector<16xf32>
        %get3A_324 = arith.constant 0 : i32
        %get3A_325 = tpu.memref_slice %arg9[%scan3A_183, %get3A_324] : memref<8x2048xf32, #tpu.memory_space<vmem>> -> memref<1x2048xf32, #tpu.memory_space<vmem>>
        %get3A_326 = tpu.memref_squeeze %get3A_325 : memref<1x2048xf32, #tpu.memory_space<vmem>> -> memref<2048xf32, #tpu.memory_space<vmem>>
        %get3A_327 = arith.index_cast %add3A_317 : i32 to index
        %get3A_328 = tpu.vector_load %get3A_326[%get3A_327] {strides = array<i32>} : memref<2048xf32, #tpu.memory_space<vmem>>, vector<16xf32>,
        %get3A_329 = vector.shape_cast %get3A_328 : vector<16xf32> to vector<16xf32>
        %sub3A_330 = arith.subf %get3A_323, %get3A_329 : vector<16xf32>
        %mul3A_331 = arith.mulf %sub3A_330, %sub3A_330 : vector<16xf32>
        %eq3A_332 = arith.cmpf oeq, %mul3A_331, %mul3A_331 : vector<16xf32>
        %jit3A_333 = arith.constant 0.000000e+00 : f32
        %broadcast_in_dim3A_334 = vector.broadcast %jit3A_333 : f32 to vector<16xf32>
        %select_n3A_335 = arith.select %eq3A_332, %mul3A_331, %broadcast_in_dim3A_334 : vector<16xi1>, vector<16xf32>
        %add3A_336 = arith.addf %add3A_282, %select_n3A_335 : vector<16xf32>
        %jit3A_337 = arith.constant 1.000000e+00 : f32
        %jit3A_338 = arith.constant 0.000000e+00 : f32
        %broadcast_in_dim3A_339 = vector.broadcast %jit3A_337 : f32 to vector<16xf32>
        %broadcast_in_dim3A_340 = vector.broadcast %jit3A_338 : f32 to vector<16xf32>
        %select_n3A_341 = arith.select %eq3A_332, %broadcast_in_dim3A_339, %broadcast_in_dim3A_340 : vector<16xi1>, vector<16xf32>
        %add3A_342 = arith.addf %add3A_288, %select_n3A_341 : vector<16xf32>
        %add3A_343 = arith.constant 80 : i32
        %add3A_344 = arith.addi %mul3A_212, %add3A_343 : i32
        %get3A_345 = arith.constant 0 : i32
        %get3A_346 = tpu.memref_slice %arg7[%scan3A_182, %get3A_345] : memref<8x2048xf32, #tpu.memory_space<vmem>> -> memref<1x2048xf32, #tpu.memory_space<vmem>>
        %get3A_347 = tpu.memref_squeeze %get3A_346 : memref<1x2048xf32, #tpu.memory_space<vmem>> -> memref<2048xf32, #tpu.memory_space<vmem>>
        %get3A_348 = arith.index_cast %add3A_344 : i32 to index
        %get3A_349 = tpu.vector_load %get3A_347[%get3A_348] {strides = array<i32>} : memref<2048xf32, #tpu.memory_space<vmem>>, vector<16xf32>,
        %get3A_350 = vector.shape_cast %get3A_349 : vector<16xf32> to vector<16xf32>
        %get3A_351 = arith.constant 0 : i32
        %get3A_352 = tpu.memref_slice %arg9[%scan3A_183, %get3A_351] : memref<8x2048xf32, #tpu.memory_space<vmem>> -> memref<1x2048xf32, #tpu.memory_space<vmem>>
        %get3A_353 = tpu.memref_squeeze %get3A_352 : memref<1x2048xf32, #tpu.memory_space<vmem>> -> memref<2048xf32, #tpu.memory_space<vmem>>
        %get3A_354 = arith.index_cast %add3A_344 : i32 to index
        %get3A_355 = tpu.vector_load %get3A_353[%get3A_354] {strides = array<i32>} : memref<2048xf32, #tpu.memory_space<vmem>>, vector<16xf32>,
        %get3A_356 = vector.shape_cast %get3A_355 : vector<16xf32> to vector<16xf32>
        %sub3A_357 = arith.subf %get3A_350, %get3A_356 : vector<16xf32>
        %mul3A_358 = arith.mulf %sub3A_357, %sub3A_357 : vector<16xf32>
        %eq3A_359 = arith.cmpf oeq, %mul3A_358, %mul3A_358 : vector<16xf32>
        %jit3A_360 = arith.constant 0.000000e+00 : f32
        %broadcast_in_dim3A_361 = vector.broadcast %jit3A_360 : f32 to vector<16xf32>
        %select_n3A_362 = arith.select %eq3A_359, %mul3A_358, %broadcast_in_dim3A_361 : vector<16xi1>, vector<16xf32>
        %add3A_363 = arith.addf %add3A_309, %select_n3A_362 : vector<16xf32>
        %jit3A_364 = arith.constant 1.000000e+00 : f32
        %jit3A_365 = arith.constant 0.000000e+00 : f32
        %broadcast_in_dim3A_366 = vector.broadcast %jit3A_364 : f32 to vector<16xf32>
        %broadcast_in_dim3A_367 = vector.broadcast %jit3A_365 : f32 to vector<16xf32>
        %select_n3A_368 = arith.select %eq3A_359, %broadcast_in_dim3A_366, %broadcast_in_dim3A_367 : vector<16xi1>, vector<16xf32>
        %add3A_369 = arith.addf %add3A_315, %select_n3A_368 : vector<16xf32>
        %add3A_370 = arith.constant 96 : i32
        %add3A_371 = arith.addi %mul3A_212, %add3A_370 : i32
        %get3A_372 = arith.constant 0 : i32
        %get3A_373 = tpu.memref_slice %arg7[%scan3A_182, %get3A_372] : memref<8x2048xf32, #tpu.memory_space<vmem>> -> memref<1x2048xf32, #tpu.memory_space<vmem>>
        %get3A_374 = tpu.memref_squeeze %get3A_373 : memref<1x2048xf32, #tpu.memory_space<vmem>> -> memref<2048xf32, #tpu.memory_space<vmem>>
        %get3A_375 = arith.index_cast %add3A_371 : i32 to index
        %get3A_376 = tpu.vector_load %get3A_374[%get3A_375] {strides = array<i32>} : memref<2048xf32, #tpu.memory_space<vmem>>, vector<16xf32>,
        %get3A_377 = vector.shape_cast %get3A_376 : vector<16xf32> to vector<16xf32>
        %get3A_378 = arith.constant 0 : i32
        %get3A_379 = tpu.memref_slice %arg9[%scan3A_183, %get3A_378] : memref<8x2048xf32, #tpu.memory_space<vmem>> -> memref<1x2048xf32, #tpu.memory_space<vmem>>
        %get3A_380 = tpu.memref_squeeze %get3A_379 : memref<1x2048xf32, #tpu.memory_space<vmem>> -> memref<2048xf32, #tpu.memory_space<vmem>>
        %get3A_381 = arith.index_cast %add3A_371 : i32 to index
        %get3A_382 = tpu.vector_load %get3A_380[%get3A_381] {strides = array<i32>} : memref<2048xf32, #tpu.memory_space<vmem>>, vector<16xf32>,
        %get3A_383 = vector.shape_cast %get3A_382 : vector<16xf32> to vector<16xf32>
        %sub3A_384 = arith.subf %get3A_377, %get3A_383 : vector<16xf32>
        %mul3A_385 = arith.mulf %sub3A_384, %sub3A_384 : vector<16xf32>
        %eq3A_386 = arith.cmpf oeq, %mul3A_385, %mul3A_385 : vector<16xf32>
        %jit3A_387 = arith.constant 0.000000e+00 : f32
        %broadcast_in_dim3A_388 = vector.broadcast %jit3A_387 : f32 to vector<16xf32>
        %select_n3A_389 = arith.select %eq3A_386, %mul3A_385, %broadcast_in_dim3A_388 : vector<16xi1>, vector<16xf32>
        %add3A_390 = arith.addf %add3A_336, %select_n3A_389 : vector<16xf32>
        %jit3A_391 = arith.constant 1.000000e+00 : f32
        %jit3A_392 = arith.constant 0.000000e+00 : f32
        %broadcast_in_dim3A_393 = vector.broadcast %jit3A_391 : f32 to vector<16xf32>
        %broadcast_in_dim3A_394 = vector.broadcast %jit3A_392 : f32 to vector<16xf32>
        %select_n3A_395 = arith.select %eq3A_386, %broadcast_in_dim3A_393, %broadcast_in_dim3A_394 : vector<16xi1>, vector<16xf32>
        %add3A_396 = arith.addf %add3A_342, %select_n3A_395 : vector<16xf32>
        %add3A_397 = arith.constant 112 : i32
        %add3A_398 = arith.addi %mul3A_212, %add3A_397 : i32
        %get3A_399 = arith.constant 0 : i32
        %get3A_400 = tpu.memref_slice %arg7[%scan3A_182, %get3A_399] : memref<8x2048xf32, #tpu.memory_space<vmem>> -> memref<1x2048xf32, #tpu.memory_space<vmem>>
        %get3A_401 = tpu.memref_squeeze %get3A_400 : memref<1x2048xf32, #tpu.memory_space<vmem>> -> memref<2048xf32, #tpu.memory_space<vmem>>
        %get3A_402 = arith.index_cast %add3A_398 : i32 to index
        %get3A_403 = tpu.vector_load %get3A_401[%get3A_402] {strides = array<i32>} : memref<2048xf32, #tpu.memory_space<vmem>>, vector<16xf32>,
        %get3A_404 = vector.shape_cast %get3A_403 : vector<16xf32> to vector<16xf32>
        %get3A_405 = arith.constant 0 : i32
        %get3A_406 = tpu.memref_slice %arg9[%scan3A_183, %get3A_405] : memref<8x2048xf32, #tpu.memory_space<vmem>> -> memref<1x2048xf32, #tpu.memory_space<vmem>>
        %get3A_407 = tpu.memref_squeeze %get3A_406 : memref<1x2048xf32, #tpu.memory_space<vmem>> -> memref<2048xf32, #tpu.memory_space<vmem>>
        %get3A_408 = arith.index_cast %add3A_398 : i32 to index
        %get3A_409 = tpu.vector_load %get3A_407[%get3A_408] {strides = array<i32>} : memref<2048xf32, #tpu.memory_space<vmem>>, vector<16xf32>,
        %get3A_410 = vector.shape_cast %get3A_409 : vector<16xf32> to vector<16xf32>
        %sub3A_411 = arith.subf %get3A_404, %get3A_410 : vector<16xf32>
        %mul3A_412 = arith.mulf %sub3A_411, %sub3A_411 : vector<16xf32>
        %eq3A_413 = arith.cmpf oeq, %mul3A_412, %mul3A_412 : vector<16xf32>
        %jit3A_414 = arith.constant 0.000000e+00 : f32
        %broadcast_in_dim3A_415 = vector.broadcast %jit3A_414 : f32 to vector<16xf32>
        %select_n3A_416 = arith.select %eq3A_413, %mul3A_412, %broadcast_in_dim3A_415 : vector<16xi1>, vector<16xf32>
        %add3A_417 = arith.addf %add3A_363, %select_n3A_416 : vector<16xf32>
        %jit3A_418 = arith.constant 1.000000e+00 : f32
        %jit3A_419 = arith.constant 0.000000e+00 : f32
        %broadcast_in_dim3A_420 = vector.broadcast %jit3A_418 : f32 to vector<16xf32>
        %broadcast_in_dim3A_421 = vector.broadcast %jit3A_419 : f32 to vector<16xf32>
        %select_n3A_422 = arith.select %eq3A_413, %broadcast_in_dim3A_420, %broadcast_in_dim3A_421 : vector<16xi1>, vector<16xf32>
        %add3A_423 = arith.addf %add3A_369, %select_n3A_422 : vector<16xf32>
        scf.yield %add3A_390, %add3A_417, %add3A_396, %add3A_423 : vector<16xf32>, vector<16xf32>, vector<16xf32>, vector<16xf32>
      }
      %scan3A_189 = arith.constant 16 : i32
      %scan3A_190 = arith.constant 6 : i32
      %scan3A_191 = arith.constant 6 : i32
      %scan3A_192 = arith.constant 0 : i32
      %scan3A_193 = arith.constant 16 : i32
      %scan3A_194 = arith.addi %scan3A_192, %scan3A_193 : i32
      %scan3A_195 = arith.constant 1 : i32
      %scan3A_196:4 = scf.for %scan3A_206 = %scan3A_192 to %scan3A_194 step %scan3A_195 iter_args(%scan3A_207 = %scan3A_188#0, %scan3A_208 = %scan3A_188#1, %scan3A_209 = %scan3A_188#2, %scan3A_210 = %scan3A_188#3) -> (vector<16xf32>, vector<16xf32>, vector<16xf32>, vector<16xf32>)  : i32 {
        %mul3A_211 = arith.constant 128 : i32
        %mul3A_212 = arith.muli %scan3A_206, %mul3A_211 : i32
        %add3A_213 = arith.constant 0 : i32
        %add3A_214 = arith.addi %mul3A_212, %add3A_213 : i32
        %get3A = arith.constant 0 : i32
        %get3A_215 = tpu.memref_slice %arg7[%scan3A_190, %get3A] : memref<8x2048xf32, #tpu.memory_space<vmem>> -> memref<1x2048xf32, #tpu.memory_space<vmem>>
        %get3A_216 = tpu.memref_squeeze %get3A_215 : memref<1x2048xf32, #tpu.memory_space<vmem>> -> memref<2048xf32, #tpu.memory_space<vmem>>
        %get3A_217 = arith.index_cast %add3A_214 : i32 to index
        %get3A_218 = tpu.vector_load %get3A_216[%get3A_217] {strides = array<i32>} : memref<2048xf32, #tpu.memory_space<vmem>>, vector<16xf32>,
        %get3A_219 = vector.shape_cast %get3A_218 : vector<16xf32> to vector<16xf32>
        %get3A_220 = arith.constant 0 : i32
        %get3A_221 = tpu.memref_slice %arg9[%scan3A_191, %get3A_220] : memref<8x2048xf32, #tpu.memory_space<vmem>> -> memref<1x2048xf32, #tpu.memory_space<vmem>>
        %get3A_222 = tpu.memref_squeeze %get3A_221 : memref<1x2048xf32, #tpu.memory_space<vmem>> -> memref<2048xf32, #tpu.memory_space<vmem>>
        %get3A_223 = arith.index_cast %add3A_214 : i32 to index
        %get3A_224 = tpu.vector_load %get3A_222[%get3A_223] {strides = array<i32>} : memref<2048xf32, #tpu.memory_space<vmem>>, vector<16xf32>,
        %get3A_225 = vector.shape_cast %get3A_224 : vector<16xf32> to vector<16xf32>
        %sub3A = arith.subf %get3A_219, %get3A_225 : vector<16xf32>
        %mul3A_226 = arith.mulf %sub3A, %sub3A : vector<16xf32>
        %eq3A = arith.cmpf oeq, %mul3A_226, %mul3A_226 : vector<16xf32>
        %jit3A = arith.constant 0.000000e+00 : f32
        %broadcast_in_dim3A_227 = vector.broadcast %jit3A : f32 to vector<16xf32>
        %select_n3A = arith.select %eq3A, %mul3A_226, %broadcast_in_dim3A_227 : vector<16xi1>, vector<16xf32>
        %add3A_228 = arith.addf %scan3A_207, %select_n3A : vector<16xf32>
        %jit3A_229 = arith.constant 1.000000e+00 : f32
        %jit3A_230 = arith.constant 0.000000e+00 : f32
        %broadcast_in_dim3A_231 = vector.broadcast %jit3A_229 : f32 to vector<16xf32>
        %broadcast_in_dim3A_232 = vector.broadcast %jit3A_230 : f32 to vector<16xf32>
        %select_n3A_233 = arith.select %eq3A, %broadcast_in_dim3A_231, %broadcast_in_dim3A_232 : vector<16xi1>, vector<16xf32>
        %add3A_234 = arith.addf %scan3A_209, %select_n3A_233 : vector<16xf32>
        %add3A_235 = arith.constant 16 : i32
        %add3A_236 = arith.addi %mul3A_212, %add3A_235 : i32
        %get3A_237 = arith.constant 0 : i32
        %get3A_238 = tpu.memref_slice %arg7[%scan3A_190, %get3A_237] : memref<8x2048xf32, #tpu.memory_space<vmem>> -> memref<1x2048xf32, #tpu.memory_space<vmem>>
        %get3A_239 = tpu.memref_squeeze %get3A_238 : memref<1x2048xf32, #tpu.memory_space<vmem>> -> memref<2048xf32, #tpu.memory_space<vmem>>
        %get3A_240 = arith.index_cast %add3A_236 : i32 to index
        %get3A_241 = tpu.vector_load %get3A_239[%get3A_240] {strides = array<i32>} : memref<2048xf32, #tpu.memory_space<vmem>>, vector<16xf32>,
        %get3A_242 = vector.shape_cast %get3A_241 : vector<16xf32> to vector<16xf32>
        %get3A_243 = arith.constant 0 : i32
        %get3A_244 = tpu.memref_slice %arg9[%scan3A_191, %get3A_243] : memref<8x2048xf32, #tpu.memory_space<vmem>> -> memref<1x2048xf32, #tpu.memory_space<vmem>>
        %get3A_245 = tpu.memref_squeeze %get3A_244 : memref<1x2048xf32, #tpu.memory_space<vmem>> -> memref<2048xf32, #tpu.memory_space<vmem>>
        %get3A_246 = arith.index_cast %add3A_236 : i32 to index
        %get3A_247 = tpu.vector_load %get3A_245[%get3A_246] {strides = array<i32>} : memref<2048xf32, #tpu.memory_space<vmem>>, vector<16xf32>,
        %get3A_248 = vector.shape_cast %get3A_247 : vector<16xf32> to vector<16xf32>
        %sub3A_249 = arith.subf %get3A_242, %get3A_248 : vector<16xf32>
        %mul3A_250 = arith.mulf %sub3A_249, %sub3A_249 : vector<16xf32>
        %eq3A_251 = arith.cmpf oeq, %mul3A_250, %mul3A_250 : vector<16xf32>
        %jit3A_252 = arith.constant 0.000000e+00 : f32
        %broadcast_in_dim3A_253 = vector.broadcast %jit3A_252 : f32 to vector<16xf32>
        %select_n3A_254 = arith.select %eq3A_251, %mul3A_250, %broadcast_in_dim3A_253 : vector<16xi1>, vector<16xf32>
        %add3A_255 = arith.addf %scan3A_208, %select_n3A_254 : vector<16xf32>
        %jit3A_256 = arith.constant 1.000000e+00 : f32
        %jit3A_257 = arith.constant 0.000000e+00 : f32
        %broadcast_in_dim3A_258 = vector.broadcast %jit3A_256 : f32 to vector<16xf32>
        %broadcast_in_dim3A_259 = vector.broadcast %jit3A_257 : f32 to vector<16xf32>
        %select_n3A_260 = arith.select %eq3A_251, %broadcast_in_dim3A_258, %broadcast_in_dim3A_259 : vector<16xi1>, vector<16xf32>
        %add3A_261 = arith.addf %scan3A_210, %select_n3A_260 : vector<16xf32>
        %add3A_262 = arith.constant 32 : i32
        %add3A_263 = arith.addi %mul3A_212, %add3A_262 : i32
        %get3A_264 = arith.constant 0 : i32
        %get3A_265 = tpu.memref_slice %arg7[%scan3A_190, %get3A_264] : memref<8x2048xf32, #tpu.memory_space<vmem>> -> memref<1x2048xf32, #tpu.memory_space<vmem>>
        %get3A_266 = tpu.memref_squeeze %get3A_265 : memref<1x2048xf32, #tpu.memory_space<vmem>> -> memref<2048xf32, #tpu.memory_space<vmem>>
        %get3A_267 = arith.index_cast %add3A_263 : i32 to index
        %get3A_268 = tpu.vector_load %get3A_266[%get3A_267] {strides = array<i32>} : memref<2048xf32, #tpu.memory_space<vmem>>, vector<16xf32>,
        %get3A_269 = vector.shape_cast %get3A_268 : vector<16xf32> to vector<16xf32>
        %get3A_270 = arith.constant 0 : i32
        %get3A_271 = tpu.memref_slice %arg9[%scan3A_191, %get3A_270] : memref<8x2048xf32, #tpu.memory_space<vmem>> -> memref<1x2048xf32, #tpu.memory_space<vmem>>
        %get3A_272 = tpu.memref_squeeze %get3A_271 : memref<1x2048xf32, #tpu.memory_space<vmem>> -> memref<2048xf32, #tpu.memory_space<vmem>>
        %get3A_273 = arith.index_cast %add3A_263 : i32 to index
        %get3A_274 = tpu.vector_load %get3A_272[%get3A_273] {strides = array<i32>} : memref<2048xf32, #tpu.memory_space<vmem>>, vector<16xf32>,
        %get3A_275 = vector.shape_cast %get3A_274 : vector<16xf32> to vector<16xf32>
        %sub3A_276 = arith.subf %get3A_269, %get3A_275 : vector<16xf32>
        %mul3A_277 = arith.mulf %sub3A_276, %sub3A_276 : vector<16xf32>
        %eq3A_278 = arith.cmpf oeq, %mul3A_277, %mul3A_277 : vector<16xf32>
        %jit3A_279 = arith.constant 0.000000e+00 : f32
        %broadcast_in_dim3A_280 = vector.broadcast %jit3A_279 : f32 to vector<16xf32>
        %select_n3A_281 = arith.select %eq3A_278, %mul3A_277, %broadcast_in_dim3A_280 : vector<16xi1>, vector<16xf32>
        %add3A_282 = arith.addf %add3A_228, %select_n3A_281 : vector<16xf32>
        %jit3A_283 = arith.constant 1.000000e+00 : f32
        %jit3A_284 = arith.constant 0.000000e+00 : f32
        %broadcast_in_dim3A_285 = vector.broadcast %jit3A_283 : f32 to vector<16xf32>
        %broadcast_in_dim3A_286 = vector.broadcast %jit3A_284 : f32 to vector<16xf32>
        %select_n3A_287 = arith.select %eq3A_278, %broadcast_in_dim3A_285, %broadcast_in_dim3A_286 : vector<16xi1>, vector<16xf32>
        %add3A_288 = arith.addf %add3A_234, %select_n3A_287 : vector<16xf32>
        %add3A_289 = arith.constant 48 : i32
        %add3A_290 = arith.addi %mul3A_212, %add3A_289 : i32
        %get3A_291 = arith.constant 0 : i32
        %get3A_292 = tpu.memref_slice %arg7[%scan3A_190, %get3A_291] : memref<8x2048xf32, #tpu.memory_space<vmem>> -> memref<1x2048xf32, #tpu.memory_space<vmem>>
        %get3A_293 = tpu.memref_squeeze %get3A_292 : memref<1x2048xf32, #tpu.memory_space<vmem>> -> memref<2048xf32, #tpu.memory_space<vmem>>
        %get3A_294 = arith.index_cast %add3A_290 : i32 to index
        %get3A_295 = tpu.vector_load %get3A_293[%get3A_294] {strides = array<i32>} : memref<2048xf32, #tpu.memory_space<vmem>>, vector<16xf32>,
        %get3A_296 = vector.shape_cast %get3A_295 : vector<16xf32> to vector<16xf32>
        %get3A_297 = arith.constant 0 : i32
        %get3A_298 = tpu.memref_slice %arg9[%scan3A_191, %get3A_297] : memref<8x2048xf32, #tpu.memory_space<vmem>> -> memref<1x2048xf32, #tpu.memory_space<vmem>>
        %get3A_299 = tpu.memref_squeeze %get3A_298 : memref<1x2048xf32, #tpu.memory_space<vmem>> -> memref<2048xf32, #tpu.memory_space<vmem>>
        %get3A_300 = arith.index_cast %add3A_290 : i32 to index
        %get3A_301 = tpu.vector_load %get3A_299[%get3A_300] {strides = array<i32>} : memref<2048xf32, #tpu.memory_space<vmem>>, vector<16xf32>,
        %get3A_302 = vector.shape_cast %get3A_301 : vector<16xf32> to vector<16xf32>
        %sub3A_303 = arith.subf %get3A_296, %get3A_302 : vector<16xf32>
        %mul3A_304 = arith.mulf %sub3A_303, %sub3A_303 : vector<16xf32>
        %eq3A_305 = arith.cmpf oeq, %mul3A_304, %mul3A_304 : vector<16xf32>
        %jit3A_306 = arith.constant 0.000000e+00 : f32
        %broadcast_in_dim3A_307 = vector.broadcast %jit3A_306 : f32 to vector<16xf32>
        %select_n3A_308 = arith.select %eq3A_305, %mul3A_304, %broadcast_in_dim3A_307 : vector<16xi1>, vector<16xf32>
        %add3A_309 = arith.addf %add3A_255, %select_n3A_308 : vector<16xf32>
        %jit3A_310 = arith.constant 1.000000e+00 : f32
        %jit3A_311 = arith.constant 0.000000e+00 : f32
        %broadcast_in_dim3A_312 = vector.broadcast %jit3A_310 : f32 to vector<16xf32>
        %broadcast_in_dim3A_313 = vector.broadcast %jit3A_311 : f32 to vector<16xf32>
        %select_n3A_314 = arith.select %eq3A_305, %broadcast_in_dim3A_312, %broadcast_in_dim3A_313 : vector<16xi1>, vector<16xf32>
        %add3A_315 = arith.addf %add3A_261, %select_n3A_314 : vector<16xf32>
        %add3A_316 = arith.constant 64 : i32
        %add3A_317 = arith.addi %mul3A_212, %add3A_316 : i32
        %get3A_318 = arith.constant 0 : i32
        %get3A_319 = tpu.memref_slice %arg7[%scan3A_190, %get3A_318] : memref<8x2048xf32, #tpu.memory_space<vmem>> -> memref<1x2048xf32, #tpu.memory_space<vmem>>
        %get3A_320 = tpu.memref_squeeze %get3A_319 : memref<1x2048xf32, #tpu.memory_space<vmem>> -> memref<2048xf32, #tpu.memory_space<vmem>>
        %get3A_321 = arith.index_cast %add3A_317 : i32 to index
        %get3A_322 = tpu.vector_load %get3A_320[%get3A_321] {strides = array<i32>} : memref<2048xf32, #tpu.memory_space<vmem>>, vector<16xf32>,
        %get3A_323 = vector.shape_cast %get3A_322 : vector<16xf32> to vector<16xf32>
        %get3A_324 = arith.constant 0 : i32
        %get3A_325 = tpu.memref_slice %arg9[%scan3A_191, %get3A_324] : memref<8x2048xf32, #tpu.memory_space<vmem>> -> memref<1x2048xf32, #tpu.memory_space<vmem>>
        %get3A_326 = tpu.memref_squeeze %get3A_325 : memref<1x2048xf32, #tpu.memory_space<vmem>> -> memref<2048xf32, #tpu.memory_space<vmem>>
        %get3A_327 = arith.index_cast %add3A_317 : i32 to index
        %get3A_328 = tpu.vector_load %get3A_326[%get3A_327] {strides = array<i32>} : memref<2048xf32, #tpu.memory_space<vmem>>, vector<16xf32>,
        %get3A_329 = vector.shape_cast %get3A_328 : vector<16xf32> to vector<16xf32>
        %sub3A_330 = arith.subf %get3A_323, %get3A_329 : vector<16xf32>
        %mul3A_331 = arith.mulf %sub3A_330, %sub3A_330 : vector<16xf32>
        %eq3A_332 = arith.cmpf oeq, %mul3A_331, %mul3A_331 : vector<16xf32>
        %jit3A_333 = arith.constant 0.000000e+00 : f32
        %broadcast_in_dim3A_334 = vector.broadcast %jit3A_333 : f32 to vector<16xf32>
        %select_n3A_335 = arith.select %eq3A_332, %mul3A_331, %broadcast_in_dim3A_334 : vector<16xi1>, vector<16xf32>
        %add3A_336 = arith.addf %add3A_282, %select_n3A_335 : vector<16xf32>
        %jit3A_337 = arith.constant 1.000000e+00 : f32
        %jit3A_338 = arith.constant 0.000000e+00 : f32
        %broadcast_in_dim3A_339 = vector.broadcast %jit3A_337 : f32 to vector<16xf32>
        %broadcast_in_dim3A_340 = vector.broadcast %jit3A_338 : f32 to vector<16xf32>
        %select_n3A_341 = arith.select %eq3A_332, %broadcast_in_dim3A_339, %broadcast_in_dim3A_340 : vector<16xi1>, vector<16xf32>
        %add3A_342 = arith.addf %add3A_288, %select_n3A_341 : vector<16xf32>
        %add3A_343 = arith.constant 80 : i32
        %add3A_344 = arith.addi %mul3A_212, %add3A_343 : i32
        %get3A_345 = arith.constant 0 : i32
        %get3A_346 = tpu.memref_slice %arg7[%scan3A_190, %get3A_345] : memref<8x2048xf32, #tpu.memory_space<vmem>> -> memref<1x2048xf32, #tpu.memory_space<vmem>>
        %get3A_347 = tpu.memref_squeeze %get3A_346 : memref<1x2048xf32, #tpu.memory_space<vmem>> -> memref<2048xf32, #tpu.memory_space<vmem>>
        %get3A_348 = arith.index_cast %add3A_344 : i32 to index
        %get3A_349 = tpu.vector_load %get3A_347[%get3A_348] {strides = array<i32>} : memref<2048xf32, #tpu.memory_space<vmem>>, vector<16xf32>,
        %get3A_350 = vector.shape_cast %get3A_349 : vector<16xf32> to vector<16xf32>
        %get3A_351 = arith.constant 0 : i32
        %get3A_352 = tpu.memref_slice %arg9[%scan3A_191, %get3A_351] : memref<8x2048xf32, #tpu.memory_space<vmem>> -> memref<1x2048xf32, #tpu.memory_space<vmem>>
        %get3A_353 = tpu.memref_squeeze %get3A_352 : memref<1x2048xf32, #tpu.memory_space<vmem>> -> memref<2048xf32, #tpu.memory_space<vmem>>
        %get3A_354 = arith.index_cast %add3A_344 : i32 to index
        %get3A_355 = tpu.vector_load %get3A_353[%get3A_354] {strides = array<i32>} : memref<2048xf32, #tpu.memory_space<vmem>>, vector<16xf32>,
        %get3A_356 = vector.shape_cast %get3A_355 : vector<16xf32> to vector<16xf32>
        %sub3A_357 = arith.subf %get3A_350, %get3A_356 : vector<16xf32>
        %mul3A_358 = arith.mulf %sub3A_357, %sub3A_357 : vector<16xf32>
        %eq3A_359 = arith.cmpf oeq, %mul3A_358, %mul3A_358 : vector<16xf32>
        %jit3A_360 = arith.constant 0.000000e+00 : f32
        %broadcast_in_dim3A_361 = vector.broadcast %jit3A_360 : f32 to vector<16xf32>
        %select_n3A_362 = arith.select %eq3A_359, %mul3A_358, %broadcast_in_dim3A_361 : vector<16xi1>, vector<16xf32>
        %add3A_363 = arith.addf %add3A_309, %select_n3A_362 : vector<16xf32>
        %jit3A_364 = arith.constant 1.000000e+00 : f32
        %jit3A_365 = arith.constant 0.000000e+00 : f32
        %broadcast_in_dim3A_366 = vector.broadcast %jit3A_364 : f32 to vector<16xf32>
        %broadcast_in_dim3A_367 = vector.broadcast %jit3A_365 : f32 to vector<16xf32>
        %select_n3A_368 = arith.select %eq3A_359, %broadcast_in_dim3A_366, %broadcast_in_dim3A_367 : vector<16xi1>, vector<16xf32>
        %add3A_369 = arith.addf %add3A_315, %select_n3A_368 : vector<16xf32>
        %add3A_370 = arith.constant 96 : i32
        %add3A_371 = arith.addi %mul3A_212, %add3A_370 : i32
        %get3A_372 = arith.constant 0 : i32
        %get3A_373 = tpu.memref_slice %arg7[%scan3A_190, %get3A_372] : memref<8x2048xf32, #tpu.memory_space<vmem>> -> memref<1x2048xf32, #tpu.memory_space<vmem>>
        %get3A_374 = tpu.memref_squeeze %get3A_373 : memref<1x2048xf32, #tpu.memory_space<vmem>> -> memref<2048xf32, #tpu.memory_space<vmem>>
        %get3A_375 = arith.index_cast %add3A_371 : i32 to index
        %get3A_376 = tpu.vector_load %get3A_374[%get3A_375] {strides = array<i32>} : memref<2048xf32, #tpu.memory_space<vmem>>, vector<16xf32>,
        %get3A_377 = vector.shape_cast %get3A_376 : vector<16xf32> to vector<16xf32>
        %get3A_378 = arith.constant 0 : i32
        %get3A_379 = tpu.memref_slice %arg9[%scan3A_191, %get3A_378] : memref<8x2048xf32, #tpu.memory_space<vmem>> -> memref<1x2048xf32, #tpu.memory_space<vmem>>
        %get3A_380 = tpu.memref_squeeze %get3A_379 : memref<1x2048xf32, #tpu.memory_space<vmem>> -> memref<2048xf32, #tpu.memory_space<vmem>>
        %get3A_381 = arith.index_cast %add3A_371 : i32 to index
        %get3A_382 = tpu.vector_load %get3A_380[%get3A_381] {strides = array<i32>} : memref<2048xf32, #tpu.memory_space<vmem>>, vector<16xf32>,
        %get3A_383 = vector.shape_cast %get3A_382 : vector<16xf32> to vector<16xf32>
        %sub3A_384 = arith.subf %get3A_377, %get3A_383 : vector<16xf32>
        %mul3A_385 = arith.mulf %sub3A_384, %sub3A_384 : vector<16xf32>
        %eq3A_386 = arith.cmpf oeq, %mul3A_385, %mul3A_385 : vector<16xf32>
        %jit3A_387 = arith.constant 0.000000e+00 : f32
        %broadcast_in_dim3A_388 = vector.broadcast %jit3A_387 : f32 to vector<16xf32>
        %select_n3A_389 = arith.select %eq3A_386, %mul3A_385, %broadcast_in_dim3A_388 : vector<16xi1>, vector<16xf32>
        %add3A_390 = arith.addf %add3A_336, %select_n3A_389 : vector<16xf32>
        %jit3A_391 = arith.constant 1.000000e+00 : f32
        %jit3A_392 = arith.constant 0.000000e+00 : f32
        %broadcast_in_dim3A_393 = vector.broadcast %jit3A_391 : f32 to vector<16xf32>
        %broadcast_in_dim3A_394 = vector.broadcast %jit3A_392 : f32 to vector<16xf32>
        %select_n3A_395 = arith.select %eq3A_386, %broadcast_in_dim3A_393, %broadcast_in_dim3A_394 : vector<16xi1>, vector<16xf32>
        %add3A_396 = arith.addf %add3A_342, %select_n3A_395 : vector<16xf32>
        %add3A_397 = arith.constant 112 : i32
        %add3A_398 = arith.addi %mul3A_212, %add3A_397 : i32
        %get3A_399 = arith.constant 0 : i32
        %get3A_400 = tpu.memref_slice %arg7[%scan3A_190, %get3A_399] : memref<8x2048xf32, #tpu.memory_space<vmem>> -> memref<1x2048xf32, #tpu.memory_space<vmem>>
        %get3A_401 = tpu.memref_squeeze %get3A_400 : memref<1x2048xf32, #tpu.memory_space<vmem>> -> memref<2048xf32, #tpu.memory_space<vmem>>
        %get3A_402 = arith.index_cast %add3A_398 : i32 to index
        %get3A_403 = tpu.vector_load %get3A_401[%get3A_402] {strides = array<i32>} : memref<2048xf32, #tpu.memory_space<vmem>>, vector<16xf32>,
        %get3A_404 = vector.shape_cast %get3A_403 : vector<16xf32> to vector<16xf32>
        %get3A_405 = arith.constant 0 : i32
        %get3A_406 = tpu.memref_slice %arg9[%scan3A_191, %get3A_405] : memref<8x2048xf32, #tpu.memory_space<vmem>> -> memref<1x2048xf32, #tpu.memory_space<vmem>>
        %get3A_407 = tpu.memref_squeeze %get3A_406 : memref<1x2048xf32, #tpu.memory_space<vmem>> -> memref<2048xf32, #tpu.memory_space<vmem>>
        %get3A_408 = arith.index_cast %add3A_398 : i32 to index
        %get3A_409 = tpu.vector_load %get3A_407[%get3A_408] {strides = array<i32>} : memref<2048xf32, #tpu.memory_space<vmem>>, vector<16xf32>,
        %get3A_410 = vector.shape_cast %get3A_409 : vector<16xf32> to vector<16xf32>
        %sub3A_411 = arith.subf %get3A_404, %get3A_410 : vector<16xf32>
        %mul3A_412 = arith.mulf %sub3A_411, %sub3A_411 : vector<16xf32>
        %eq3A_413 = arith.cmpf oeq, %mul3A_412, %mul3A_412 : vector<16xf32>
        %jit3A_414 = arith.constant 0.000000e+00 : f32
        %broadcast_in_dim3A_415 = vector.broadcast %jit3A_414 : f32 to vector<16xf32>
        %select_n3A_416 = arith.select %eq3A_413, %mul3A_412, %broadcast_in_dim3A_415 : vector<16xi1>, vector<16xf32>
        %add3A_417 = arith.addf %add3A_363, %select_n3A_416 : vector<16xf32>
        %jit3A_418 = arith.constant 1.000000e+00 : f32
        %jit3A_419 = arith.constant 0.000000e+00 : f32
        %broadcast_in_dim3A_420 = vector.broadcast %jit3A_418 : f32 to vector<16xf32>
        %broadcast_in_dim3A_421 = vector.broadcast %jit3A_419 : f32 to vector<16xf32>
        %select_n3A_422 = arith.select %eq3A_413, %broadcast_in_dim3A_420, %broadcast_in_dim3A_421 : vector<16xi1>, vector<16xf32>
        %add3A_423 = arith.addf %add3A_369, %select_n3A_422 : vector<16xf32>
        scf.yield %add3A_390, %add3A_417, %add3A_396, %add3A_423 : vector<16xf32>, vector<16xf32>, vector<16xf32>, vector<16xf32>
      }
      %scan3A_197 = arith.constant 16 : i32
      %scan3A_198 = arith.constant 7 : i32
      %scan3A_199 = arith.constant 7 : i32
      %scan3A_200 = arith.constant 0 : i32
      %scan3A_201 = arith.constant 16 : i32
      %scan3A_202 = arith.addi %scan3A_200, %scan3A_201 : i32
      %scan3A_203 = arith.constant 1 : i32
      %scan3A_204:4 = scf.for %scan3A_206 = %scan3A_200 to %scan3A_202 step %scan3A_203 iter_args(%scan3A_207 = %scan3A_196#0, %scan3A_208 = %scan3A_196#1, %scan3A_209 = %scan3A_196#2, %scan3A_210 = %scan3A_196#3) -> (vector<16xf32>, vector<16xf32>, vector<16xf32>, vector<16xf32>)  : i32 {
        %mul3A_211 = arith.constant 128 : i32
        %mul3A_212 = arith.muli %scan3A_206, %mul3A_211 : i32
        %add3A_213 = arith.constant 0 : i32
        %add3A_214 = arith.addi %mul3A_212, %add3A_213 : i32
        %get3A = arith.constant 0 : i32
        %get3A_215 = tpu.memref_slice %arg7[%scan3A_198, %get3A] : memref<8x2048xf32, #tpu.memory_space<vmem>> -> memref<1x2048xf32, #tpu.memory_space<vmem>>
        %get3A_216 = tpu.memref_squeeze %get3A_215 : memref<1x2048xf32, #tpu.memory_space<vmem>> -> memref<2048xf32, #tpu.memory_space<vmem>>
        %get3A_217 = arith.index_cast %add3A_214 : i32 to index
        %get3A_218 = tpu.vector_load %get3A_216[%get3A_217] {strides = array<i32>} : memref<2048xf32, #tpu.memory_space<vmem>>, vector<16xf32>,
        %get3A_219 = vector.shape_cast %get3A_218 : vector<16xf32> to vector<16xf32>
        %get3A_220 = arith.constant 0 : i32
        %get3A_221 = tpu.memref_slice %arg9[%scan3A_199, %get3A_220] : memref<8x2048xf32, #tpu.memory_space<vmem>> -> memref<1x2048xf32, #tpu.memory_space<vmem>>
        %get3A_222 = tpu.memref_squeeze %get3A_221 : memref<1x2048xf32, #tpu.memory_space<vmem>> -> memref<2048xf32, #tpu.memory_space<vmem>>
        %get3A_223 = arith.index_cast %add3A_214 : i32 to index
        %get3A_224 = tpu.vector_load %get3A_222[%get3A_223] {strides = array<i32>} : memref<2048xf32, #tpu.memory_space<vmem>>, vector<16xf32>,
        %get3A_225 = vector.shape_cast %get3A_224 : vector<16xf32> to vector<16xf32>
        %sub3A = arith.subf %get3A_219, %get3A_225 : vector<16xf32>
        %mul3A_226 = arith.mulf %sub3A, %sub3A : vector<16xf32>
        %eq3A = arith.cmpf oeq, %mul3A_226, %mul3A_226 : vector<16xf32>
        %jit3A = arith.constant 0.000000e+00 : f32
        %broadcast_in_dim3A_227 = vector.broadcast %jit3A : f32 to vector<16xf32>
        %select_n3A = arith.select %eq3A, %mul3A_226, %broadcast_in_dim3A_227 : vector<16xi1>, vector<16xf32>
        %add3A_228 = arith.addf %scan3A_207, %select_n3A : vector<16xf32>
        %jit3A_229 = arith.constant 1.000000e+00 : f32
        %jit3A_230 = arith.constant 0.000000e+00 : f32
        %broadcast_in_dim3A_231 = vector.broadcast %jit3A_229 : f32 to vector<16xf32>
        %broadcast_in_dim3A_232 = vector.broadcast %jit3A_230 : f32 to vector<16xf32>
        %select_n3A_233 = arith.select %eq3A, %broadcast_in_dim3A_231, %broadcast_in_dim3A_232 : vector<16xi1>, vector<16xf32>
        %add3A_234 = arith.addf %scan3A_209, %select_n3A_233 : vector<16xf32>
        %add3A_235 = arith.constant 16 : i32
        %add3A_236 = arith.addi %mul3A_212, %add3A_235 : i32
        %get3A_237 = arith.constant 0 : i32
        %get3A_238 = tpu.memref_slice %arg7[%scan3A_198, %get3A_237] : memref<8x2048xf32, #tpu.memory_space<vmem>> -> memref<1x2048xf32, #tpu.memory_space<vmem>>
        %get3A_239 = tpu.memref_squeeze %get3A_238 : memref<1x2048xf32, #tpu.memory_space<vmem>> -> memref<2048xf32, #tpu.memory_space<vmem>>
        %get3A_240 = arith.index_cast %add3A_236 : i32 to index
        %get3A_241 = tpu.vector_load %get3A_239[%get3A_240] {strides = array<i32>} : memref<2048xf32, #tpu.memory_space<vmem>>, vector<16xf32>,
        %get3A_242 = vector.shape_cast %get3A_241 : vector<16xf32> to vector<16xf32>
        %get3A_243 = arith.constant 0 : i32
        %get3A_244 = tpu.memref_slice %arg9[%scan3A_199, %get3A_243] : memref<8x2048xf32, #tpu.memory_space<vmem>> -> memref<1x2048xf32, #tpu.memory_space<vmem>>
        %get3A_245 = tpu.memref_squeeze %get3A_244 : memref<1x2048xf32, #tpu.memory_space<vmem>> -> memref<2048xf32, #tpu.memory_space<vmem>>
        %get3A_246 = arith.index_cast %add3A_236 : i32 to index
        %get3A_247 = tpu.vector_load %get3A_245[%get3A_246] {strides = array<i32>} : memref<2048xf32, #tpu.memory_space<vmem>>, vector<16xf32>,
        %get3A_248 = vector.shape_cast %get3A_247 : vector<16xf32> to vector<16xf32>
        %sub3A_249 = arith.subf %get3A_242, %get3A_248 : vector<16xf32>
        %mul3A_250 = arith.mulf %sub3A_249, %sub3A_249 : vector<16xf32>
        %eq3A_251 = arith.cmpf oeq, %mul3A_250, %mul3A_250 : vector<16xf32>
        %jit3A_252 = arith.constant 0.000000e+00 : f32
        %broadcast_in_dim3A_253 = vector.broadcast %jit3A_252 : f32 to vector<16xf32>
        %select_n3A_254 = arith.select %eq3A_251, %mul3A_250, %broadcast_in_dim3A_253 : vector<16xi1>, vector<16xf32>
        %add3A_255 = arith.addf %scan3A_208, %select_n3A_254 : vector<16xf32>
        %jit3A_256 = arith.constant 1.000000e+00 : f32
        %jit3A_257 = arith.constant 0.000000e+00 : f32
        %broadcast_in_dim3A_258 = vector.broadcast %jit3A_256 : f32 to vector<16xf32>
        %broadcast_in_dim3A_259 = vector.broadcast %jit3A_257 : f32 to vector<16xf32>
        %select_n3A_260 = arith.select %eq3A_251, %broadcast_in_dim3A_258, %broadcast_in_dim3A_259 : vector<16xi1>, vector<16xf32>
        %add3A_261 = arith.addf %scan3A_210, %select_n3A_260 : vector<16xf32>
        %add3A_262 = arith.constant 32 : i32
        %add3A_263 = arith.addi %mul3A_212, %add3A_262 : i32
        %get3A_264 = arith.constant 0 : i32
        %get3A_265 = tpu.memref_slice %arg7[%scan3A_198, %get3A_264] : memref<8x2048xf32, #tpu.memory_space<vmem>> -> memref<1x2048xf32, #tpu.memory_space<vmem>>
        %get3A_266 = tpu.memref_squeeze %get3A_265 : memref<1x2048xf32, #tpu.memory_space<vmem>> -> memref<2048xf32, #tpu.memory_space<vmem>>
        %get3A_267 = arith.index_cast %add3A_263 : i32 to index
        %get3A_268 = tpu.vector_load %get3A_266[%get3A_267] {strides = array<i32>} : memref<2048xf32, #tpu.memory_space<vmem>>, vector<16xf32>,
        %get3A_269 = vector.shape_cast %get3A_268 : vector<16xf32> to vector<16xf32>
        %get3A_270 = arith.constant 0 : i32
        %get3A_271 = tpu.memref_slice %arg9[%scan3A_199, %get3A_270] : memref<8x2048xf32, #tpu.memory_space<vmem>> -> memref<1x2048xf32, #tpu.memory_space<vmem>>
        %get3A_272 = tpu.memref_squeeze %get3A_271 : memref<1x2048xf32, #tpu.memory_space<vmem>> -> memref<2048xf32, #tpu.memory_space<vmem>>
        %get3A_273 = arith.index_cast %add3A_263 : i32 to index
        %get3A_274 = tpu.vector_load %get3A_272[%get3A_273] {strides = array<i32>} : memref<2048xf32, #tpu.memory_space<vmem>>, vector<16xf32>,
        %get3A_275 = vector.shape_cast %get3A_274 : vector<16xf32> to vector<16xf32>
        %sub3A_276 = arith.subf %get3A_269, %get3A_275 : vector<16xf32>
        %mul3A_277 = arith.mulf %sub3A_276, %sub3A_276 : vector<16xf32>
        %eq3A_278 = arith.cmpf oeq, %mul3A_277, %mul3A_277 : vector<16xf32>
        %jit3A_279 = arith.constant 0.000000e+00 : f32
        %broadcast_in_dim3A_280 = vector.broadcast %jit3A_279 : f32 to vector<16xf32>
        %select_n3A_281 = arith.select %eq3A_278, %mul3A_277, %broadcast_in_dim3A_280 : vector<16xi1>, vector<16xf32>
        %add3A_282 = arith.addf %add3A_228, %select_n3A_281 : vector<16xf32>
        %jit3A_283 = arith.constant 1.000000e+00 : f32
        %jit3A_284 = arith.constant 0.000000e+00 : f32
        %broadcast_in_dim3A_285 = vector.broadcast %jit3A_283 : f32 to vector<16xf32>
        %broadcast_in_dim3A_286 = vector.broadcast %jit3A_284 : f32 to vector<16xf32>
        %select_n3A_287 = arith.select %eq3A_278, %broadcast_in_dim3A_285, %broadcast_in_dim3A_286 : vector<16xi1>, vector<16xf32>
        %add3A_288 = arith.addf %add3A_234, %select_n3A_287 : vector<16xf32>
        %add3A_289 = arith.constant 48 : i32
        %add3A_290 = arith.addi %mul3A_212, %add3A_289 : i32
        %get3A_291 = arith.constant 0 : i32
        %get3A_292 = tpu.memref_slice %arg7[%scan3A_198, %get3A_291] : memref<8x2048xf32, #tpu.memory_space<vmem>> -> memref<1x2048xf32, #tpu.memory_space<vmem>>
        %get3A_293 = tpu.memref_squeeze %get3A_292 : memref<1x2048xf32, #tpu.memory_space<vmem>> -> memref<2048xf32, #tpu.memory_space<vmem>>
        %get3A_294 = arith.index_cast %add3A_290 : i32 to index
        %get3A_295 = tpu.vector_load %get3A_293[%get3A_294] {strides = array<i32>} : memref<2048xf32, #tpu.memory_space<vmem>>, vector<16xf32>,
        %get3A_296 = vector.shape_cast %get3A_295 : vector<16xf32> to vector<16xf32>
        %get3A_297 = arith.constant 0 : i32
        %get3A_298 = tpu.memref_slice %arg9[%scan3A_199, %get3A_297] : memref<8x2048xf32, #tpu.memory_space<vmem>> -> memref<1x2048xf32, #tpu.memory_space<vmem>>
        %get3A_299 = tpu.memref_squeeze %get3A_298 : memref<1x2048xf32, #tpu.memory_space<vmem>> -> memref<2048xf32, #tpu.memory_space<vmem>>
        %get3A_300 = arith.index_cast %add3A_290 : i32 to index
        %get3A_301 = tpu.vector_load %get3A_299[%get3A_300] {strides = array<i32>} : memref<2048xf32, #tpu.memory_space<vmem>>, vector<16xf32>,
        %get3A_302 = vector.shape_cast %get3A_301 : vector<16xf32> to vector<16xf32>
        %sub3A_303 = arith.subf %get3A_296, %get3A_302 : vector<16xf32>
        %mul3A_304 = arith.mulf %sub3A_303, %sub3A_303 : vector<16xf32>
        %eq3A_305 = arith.cmpf oeq, %mul3A_304, %mul3A_304 : vector<16xf32>
        %jit3A_306 = arith.constant 0.000000e+00 : f32
        %broadcast_in_dim3A_307 = vector.broadcast %jit3A_306 : f32 to vector<16xf32>
        %select_n3A_308 = arith.select %eq3A_305, %mul3A_304, %broadcast_in_dim3A_307 : vector<16xi1>, vector<16xf32>
        %add3A_309 = arith.addf %add3A_255, %select_n3A_308 : vector<16xf32>
        %jit3A_310 = arith.constant 1.000000e+00 : f32
        %jit3A_311 = arith.constant 0.000000e+00 : f32
        %broadcast_in_dim3A_312 = vector.broadcast %jit3A_310 : f32 to vector<16xf32>
        %broadcast_in_dim3A_313 = vector.broadcast %jit3A_311 : f32 to vector<16xf32>
        %select_n3A_314 = arith.select %eq3A_305, %broadcast_in_dim3A_312, %broadcast_in_dim3A_313 : vector<16xi1>, vector<16xf32>
        %add3A_315 = arith.addf %add3A_261, %select_n3A_314 : vector<16xf32>
        %add3A_316 = arith.constant 64 : i32
        %add3A_317 = arith.addi %mul3A_212, %add3A_316 : i32
        %get3A_318 = arith.constant 0 : i32
        %get3A_319 = tpu.memref_slice %arg7[%scan3A_198, %get3A_318] : memref<8x2048xf32, #tpu.memory_space<vmem>> -> memref<1x2048xf32, #tpu.memory_space<vmem>>
        %get3A_320 = tpu.memref_squeeze %get3A_319 : memref<1x2048xf32, #tpu.memory_space<vmem>> -> memref<2048xf32, #tpu.memory_space<vmem>>
        %get3A_321 = arith.index_cast %add3A_317 : i32 to index
        %get3A_322 = tpu.vector_load %get3A_320[%get3A_321] {strides = array<i32>} : memref<2048xf32, #tpu.memory_space<vmem>>, vector<16xf32>,
        %get3A_323 = vector.shape_cast %get3A_322 : vector<16xf32> to vector<16xf32>
        %get3A_324 = arith.constant 0 : i32
        %get3A_325 = tpu.memref_slice %arg9[%scan3A_199, %get3A_324] : memref<8x2048xf32, #tpu.memory_space<vmem>> -> memref<1x2048xf32, #tpu.memory_space<vmem>>
        %get3A_326 = tpu.memref_squeeze %get3A_325 : memref<1x2048xf32, #tpu.memory_space<vmem>> -> memref<2048xf32, #tpu.memory_space<vmem>>
        %get3A_327 = arith.index_cast %add3A_317 : i32 to index
        %get3A_328 = tpu.vector_load %get3A_326[%get3A_327] {strides = array<i32>} : memref<2048xf32, #tpu.memory_space<vmem>>, vector<16xf32>,
        %get3A_329 = vector.shape_cast %get3A_328 : vector<16xf32> to vector<16xf32>
        %sub3A_330 = arith.subf %get3A_323, %get3A_329 : vector<16xf32>
        %mul3A_331 = arith.mulf %sub3A_330, %sub3A_330 : vector<16xf32>
        %eq3A_332 = arith.cmpf oeq, %mul3A_331, %mul3A_331 : vector<16xf32>
        %jit3A_333 = arith.constant 0.000000e+00 : f32
        %broadcast_in_dim3A_334 = vector.broadcast %jit3A_333 : f32 to vector<16xf32>
        %select_n3A_335 = arith.select %eq3A_332, %mul3A_331, %broadcast_in_dim3A_334 : vector<16xi1>, vector<16xf32>
        %add3A_336 = arith.addf %add3A_282, %select_n3A_335 : vector<16xf32>
        %jit3A_337 = arith.constant 1.000000e+00 : f32
        %jit3A_338 = arith.constant 0.000000e+00 : f32
        %broadcast_in_dim3A_339 = vector.broadcast %jit3A_337 : f32 to vector<16xf32>
        %broadcast_in_dim3A_340 = vector.broadcast %jit3A_338 : f32 to vector<16xf32>
        %select_n3A_341 = arith.select %eq3A_332, %broadcast_in_dim3A_339, %broadcast_in_dim3A_340 : vector<16xi1>, vector<16xf32>
        %add3A_342 = arith.addf %add3A_288, %select_n3A_341 : vector<16xf32>
        %add3A_343 = arith.constant 80 : i32
        %add3A_344 = arith.addi %mul3A_212, %add3A_343 : i32
        %get3A_345 = arith.constant 0 : i32
        %get3A_346 = tpu.memref_slice %arg7[%scan3A_198, %get3A_345] : memref<8x2048xf32, #tpu.memory_space<vmem>> -> memref<1x2048xf32, #tpu.memory_space<vmem>>
        %get3A_347 = tpu.memref_squeeze %get3A_346 : memref<1x2048xf32, #tpu.memory_space<vmem>> -> memref<2048xf32, #tpu.memory_space<vmem>>
        %get3A_348 = arith.index_cast %add3A_344 : i32 to index
        %get3A_349 = tpu.vector_load %get3A_347[%get3A_348] {strides = array<i32>} : memref<2048xf32, #tpu.memory_space<vmem>>, vector<16xf32>,
        %get3A_350 = vector.shape_cast %get3A_349 : vector<16xf32> to vector<16xf32>
        %get3A_351 = arith.constant 0 : i32
        %get3A_352 = tpu.memref_slice %arg9[%scan3A_199, %get3A_351] : memref<8x2048xf32, #tpu.memory_space<vmem>> -> memref<1x2048xf32, #tpu.memory_space<vmem>>
        %get3A_353 = tpu.memref_squeeze %get3A_352 : memref<1x2048xf32, #tpu.memory_space<vmem>> -> memref<2048xf32, #tpu.memory_space<vmem>>
        %get3A_354 = arith.index_cast %add3A_344 : i32 to index
        %get3A_355 = tpu.vector_load %get3A_353[%get3A_354] {strides = array<i32>} : memref<2048xf32, #tpu.memory_space<vmem>>, vector<16xf32>,
        %get3A_356 = vector.shape_cast %get3A_355 : vector<16xf32> to vector<16xf32>
        %sub3A_357 = arith.subf %get3A_350, %get3A_356 : vector<16xf32>
        %mul3A_358 = arith.mulf %sub3A_357, %sub3A_357 : vector<16xf32>
        %eq3A_359 = arith.cmpf oeq, %mul3A_358, %mul3A_358 : vector<16xf32>
        %jit3A_360 = arith.constant 0.000000e+00 : f32
        %broadcast_in_dim3A_361 = vector.broadcast %jit3A_360 : f32 to vector<16xf32>
        %select_n3A_362 = arith.select %eq3A_359, %mul3A_358, %broadcast_in_dim3A_361 : vector<16xi1>, vector<16xf32>
        %add3A_363 = arith.addf %add3A_309, %select_n3A_362 : vector<16xf32>
        %jit3A_364 = arith.constant 1.000000e+00 : f32
        %jit3A_365 = arith.constant 0.000000e+00 : f32
        %broadcast_in_dim3A_366 = vector.broadcast %jit3A_364 : f32 to vector<16xf32>
        %broadcast_in_dim3A_367 = vector.broadcast %jit3A_365 : f32 to vector<16xf32>
        %select_n3A_368 = arith.select %eq3A_359, %broadcast_in_dim3A_366, %broadcast_in_dim3A_367 : vector<16xi1>, vector<16xf32>
        %add3A_369 = arith.addf %add3A_315, %select_n3A_368 : vector<16xf32>
        %add3A_370 = arith.constant 96 : i32
        %add3A_371 = arith.addi %mul3A_212, %add3A_370 : i32
        %get3A_372 = arith.constant 0 : i32
        %get3A_373 = tpu.memref_slice %arg7[%scan3A_198, %get3A_372] : memref<8x2048xf32, #tpu.memory_space<vmem>> -> memref<1x2048xf32, #tpu.memory_space<vmem>>
        %get3A_374 = tpu.memref_squeeze %get3A_373 : memref<1x2048xf32, #tpu.memory_space<vmem>> -> memref<2048xf32, #tpu.memory_space<vmem>>
        %get3A_375 = arith.index_cast %add3A_371 : i32 to index
        %get3A_376 = tpu.vector_load %get3A_374[%get3A_375] {strides = array<i32>} : memref<2048xf32, #tpu.memory_space<vmem>>, vector<16xf32>,
        %get3A_377 = vector.shape_cast %get3A_376 : vector<16xf32> to vector<16xf32>
        %get3A_378 = arith.constant 0 : i32
        %get3A_379 = tpu.memref_slice %arg9[%scan3A_199, %get3A_378] : memref<8x2048xf32, #tpu.memory_space<vmem>> -> memref<1x2048xf32, #tpu.memory_space<vmem>>
        %get3A_380 = tpu.memref_squeeze %get3A_379 : memref<1x2048xf32, #tpu.memory_space<vmem>> -> memref<2048xf32, #tpu.memory_space<vmem>>
        %get3A_381 = arith.index_cast %add3A_371 : i32 to index
        %get3A_382 = tpu.vector_load %get3A_380[%get3A_381] {strides = array<i32>} : memref<2048xf32, #tpu.memory_space<vmem>>, vector<16xf32>,
        %get3A_383 = vector.shape_cast %get3A_382 : vector<16xf32> to vector<16xf32>
        %sub3A_384 = arith.subf %get3A_377, %get3A_383 : vector<16xf32>
        %mul3A_385 = arith.mulf %sub3A_384, %sub3A_384 : vector<16xf32>
        %eq3A_386 = arith.cmpf oeq, %mul3A_385, %mul3A_385 : vector<16xf32>
        %jit3A_387 = arith.constant 0.000000e+00 : f32
        %broadcast_in_dim3A_388 = vector.broadcast %jit3A_387 : f32 to vector<16xf32>
        %select_n3A_389 = arith.select %eq3A_386, %mul3A_385, %broadcast_in_dim3A_388 : vector<16xi1>, vector<16xf32>
        %add3A_390 = arith.addf %add3A_336, %select_n3A_389 : vector<16xf32>
        %jit3A_391 = arith.constant 1.000000e+00 : f32
        %jit3A_392 = arith.constant 0.000000e+00 : f32
        %broadcast_in_dim3A_393 = vector.broadcast %jit3A_391 : f32 to vector<16xf32>
        %broadcast_in_dim3A_394 = vector.broadcast %jit3A_392 : f32 to vector<16xf32>
        %select_n3A_395 = arith.select %eq3A_386, %broadcast_in_dim3A_393, %broadcast_in_dim3A_394 : vector<16xi1>, vector<16xf32>
        %add3A_396 = arith.addf %add3A_342, %select_n3A_395 : vector<16xf32>
        %add3A_397 = arith.constant 112 : i32
        %add3A_398 = arith.addi %mul3A_212, %add3A_397 : i32
        %get3A_399 = arith.constant 0 : i32
        %get3A_400 = tpu.memref_slice %arg7[%scan3A_198, %get3A_399] : memref<8x2048xf32, #tpu.memory_space<vmem>> -> memref<1x2048xf32, #tpu.memory_space<vmem>>
        %get3A_401 = tpu.memref_squeeze %get3A_400 : memref<1x2048xf32, #tpu.memory_space<vmem>> -> memref<2048xf32, #tpu.memory_space<vmem>>
        %get3A_402 = arith.index_cast %add3A_398 : i32 to index
        %get3A_403 = tpu.vector_load %get3A_401[%get3A_402] {strides = array<i32>} : memref<2048xf32, #tpu.memory_space<vmem>>, vector<16xf32>,
        %get3A_404 = vector.shape_cast %get3A_403 : vector<16xf32> to vector<16xf32>
        %get3A_405 = arith.constant 0 : i32
        %get3A_406 = tpu.memref_slice %arg9[%scan3A_199, %get3A_405] : memref<8x2048xf32, #tpu.memory_space<vmem>> -> memref<1x2048xf32, #tpu.memory_space<vmem>>
        %get3A_407 = tpu.memref_squeeze %get3A_406 : memref<1x2048xf32, #tpu.memory_space<vmem>> -> memref<2048xf32, #tpu.memory_space<vmem>>
        %get3A_408 = arith.index_cast %add3A_398 : i32 to index
        %get3A_409 = tpu.vector_load %get3A_407[%get3A_408] {strides = array<i32>} : memref<2048xf32, #tpu.memory_space<vmem>>, vector<16xf32>,
        %get3A_410 = vector.shape_cast %get3A_409 : vector<16xf32> to vector<16xf32>
        %sub3A_411 = arith.subf %get3A_404, %get3A_410 : vector<16xf32>
        %mul3A_412 = arith.mulf %sub3A_411, %sub3A_411 : vector<16xf32>
        %eq3A_413 = arith.cmpf oeq, %mul3A_412, %mul3A_412 : vector<16xf32>
        %jit3A_414 = arith.constant 0.000000e+00 : f32
        %broadcast_in_dim3A_415 = vector.broadcast %jit3A_414 : f32 to vector<16xf32>
        %select_n3A_416 = arith.select %eq3A_413, %mul3A_412, %broadcast_in_dim3A_415 : vector<16xi1>, vector<16xf32>
        %add3A_417 = arith.addf %add3A_363, %select_n3A_416 : vector<16xf32>
        %jit3A_418 = arith.constant 1.000000e+00 : f32
        %jit3A_419 = arith.constant 0.000000e+00 : f32
        %broadcast_in_dim3A_420 = vector.broadcast %jit3A_418 : f32 to vector<16xf32>
        %broadcast_in_dim3A_421 = vector.broadcast %jit3A_419 : f32 to vector<16xf32>
        %select_n3A_422 = arith.select %eq3A_413, %broadcast_in_dim3A_420, %broadcast_in_dim3A_421 : vector<16xi1>, vector<16xf32>
        %add3A_423 = arith.addf %add3A_369, %select_n3A_422 : vector<16xf32>
        scf.yield %add3A_390, %add3A_417, %add3A_396, %add3A_423 : vector<16xf32>, vector<16xf32>, vector<16xf32>, vector<16xf32>
      }
      %scan3A_205 = arith.constant 16 : i32
      scf.yield %scan3A_204#0, %scan3A_204#1, %scan3A_204#2, %scan3A_204#3 : vector<16xf32>, vector<16xf32>, vector<16xf32>, vector<16xf32>
    }
    %scan3A_17 = arith.constant 8 : i32
    %add3A_18 = arith.addf %scan3A_16#0, %scan3A_16#1 : vector<16xf32>
    %swap3A = arith.constant 0 : index
    %swap3A_19 = tpu.vector_load %arg10[%swap3A] {strides = array<i32>} : memref<16xf32, #tpu.memory_space<vmem>>, vector<16xf32>,
    %swap3A_20 = vector.shape_cast %swap3A_19 : vector<16xf32> to vector<16xf32>
    %swap3A_21 = vector.shape_cast %add3A_18 : vector<16xf32> to vector<16xf32>
    tpu.vector_store %arg10[%swap3A], %swap3A_21 {strides = array<i32>} : memref<16xf32, #tpu.memory_space<vmem>>, vector<16xf32>,
    %add3A_22 = arith.addf %scan3A_16#2, %scan3A_16#3 : vector<16xf32>
    %swap3A_23 = arith.constant 0 : index
    %swap3A_24 = tpu.vector_load %arg11[%swap3A_23] {strides = array<i32>} : memref<16xf32, #tpu.memory_space<vmem>>, vector<16xf32>,
    %swap3A_25 = vector.shape_cast %swap3A_24 : vector<16xf32> to vector<16xf32>
    %swap3A_26 = vector.shape_cast %add3A_22 : vector<16xf32> to vector<16xf32>
    tpu.vector_store %arg11[%swap3A_23], %swap3A_26 {strides = array<i32>} : memref<16xf32, #tpu.memory_space<vmem>>, vector<16xf32>,
    %mul3A_27 = arith.constant 16 : i32
    %mul3A_28 = arith.muli %add3A, %mul3A_27 : i32
    "tpu.region"() ({
      %run_scoped3A = tpu.sem_alloc : memref<!tpu.dma_semaphore, #tpu.memory_space<semaphore_mem>>
      %dma_start3A_31 = tpu.memref_slice %arg4[%mul3A_28] : memref<256xf32, #tpu.memory_space<hbm>> -> memref<16xf32, #tpu.memory_space<hbm>>
      %dma_start3A_32 = tpu.memref_slice %arg4[%mul3A_28] : memref<256xf32, #tpu.memory_space<hbm>> -> memref<16xf32, #tpu.memory_space<hbm>>
      tpu.enqueue_dma source(%arg10 : memref<16xf32, #tpu.memory_space<vmem>>) target(%dma_start3A_32 : memref<16xf32, #tpu.memory_space<hbm>>) target_semaphore(%run_scoped3A : memref<!tpu.dma_semaphore, #tpu.memory_space<semaphore_mem>>)
      %dma_wait3A = tpu.memref_slice %arg4[%mul3A_28] : memref<256xf32, #tpu.memory_space<hbm>> -> memref<16xf32, #tpu.memory_space<hbm>>
      %dma_wait3A_33 = tpu.memref_slice %arg4[%mul3A_28] : memref<256xf32, #tpu.memory_space<hbm>> -> memref<16xf32, #tpu.memory_space<hbm>>
      tpu.wait_dma2 semaphore(%run_scoped3A : memref<!tpu.dma_semaphore, #tpu.memory_space<semaphore_mem>>) src(%arg10 : memref<16xf32, #tpu.memory_space<vmem>>) dst(%dma_wait3A_33 : memref<16xf32, #tpu.memory_space<hbm>>)
      tpu.yield
    }) : () -> ()
    %mul3A_29 = arith.constant 16 : i32
    %mul3A_30 = arith.muli %add3A, %mul3A_29 : i32
    "tpu.region"() ({
      %run_scoped3A = tpu.sem_alloc : memref<!tpu.dma_semaphore, #tpu.memory_space<semaphore_mem>>
      %dma_start3A_31 = tpu.memref_slice %arg5[%mul3A_30] : memref<256xf32, #tpu.memory_space<hbm>> -> memref<16xf32, #tpu.memory_space<hbm>>
      %dma_start3A_32 = tpu.memref_slice %arg5[%mul3A_30] : memref<256xf32, #tpu.memory_space<hbm>> -> memref<16xf32, #tpu.memory_space<hbm>>
      tpu.enqueue_dma source(%arg11 : memref<16xf32, #tpu.memory_space<vmem>>) target(%dma_start3A_32 : memref<16xf32, #tpu.memory_space<hbm>>) target_semaphore(%run_scoped3A : memref<!tpu.dma_semaphore, #tpu.memory_space<semaphore_mem>>)
      %dma_wait3A = tpu.memref_slice %arg5[%mul3A_30] : memref<256xf32, #tpu.memory_space<hbm>> -> memref<16xf32, #tpu.memory_space<hbm>>
      %dma_wait3A_33 = tpu.memref_slice %arg5[%mul3A_30] : memref<256xf32, #tpu.memory_space<hbm>> -> memref<16xf32, #tpu.memory_space<hbm>>
      tpu.wait_dma2 semaphore(%run_scoped3A : memref<!tpu.dma_semaphore, #tpu.memory_space<semaphore_mem>>) src(%arg11 : memref<16xf32, #tpu.memory_space<vmem>>) dst(%dma_wait3A_33 : memref<16xf32, #tpu.memory_space<hbm>>)
      tpu.yield
    }) : () -> ()
    return
  }
}

module attributes {stable_mosaic.version = 14 : i64} {
  func.func @_tc_body(%arg0: i32, %arg1: memref<512x2048xf32, #tpu.memory_space<vmem>>, %arg2: memref<512x2048xf32, #tpu.memory_space<vmem>>, %arg3: memref<1xf32, #tpu.memory_space<smem>>, %arg4: memref<1xf32, #tpu.memory_space<smem>>) attributes {dimension_semantics = [#tpu.dimension_semantics<arbitrary>], iteration_bounds = array<i64: 28>, scalar_prefetch = 0 : i64, scratch_operands = 0 : i64, tpu.core_type = #tpu.core_type<tc>, window_params = [{transform_indices = @transform_0, window_bounds = array<i64: 512, 2048>}, {transform_indices = @transform_1, window_bounds = array<i64: 512, 2048>}, {transform_indices = @transform_2, window_bounds = array<i64: 1>}, {transform_indices = @transform_3, window_bounds = array<i64: 1>}]} {
    %eq3A = arith.constant 0 : i32
    %eq3A_0 = arith.cmpi eq, %arg0, %eq3A : i32
    %convert_element_type3A = arith.extui %eq3A_0 : i1 to i32
    %cond3A = arith.constant 0 : i32
    %cond3A_1 = arith.cmpi ne, %convert_element_type3A, %cond3A : i32
    scf.if %cond3A_1 {
      %swap3A_29 = arith.constant 0.000000e+00 : f32
      %swap3A_30 = arith.constant 0 : index
      %swap3A_31 = memref.load %arg3[%swap3A_30] : memref<1xf32, #tpu.memory_space<smem>>
      memref.store %swap3A_29, %arg3[%swap3A_30] : memref<1xf32, #tpu.memory_space<smem>>
      %swap3A_32 = arith.constant 0.000000e+00 : f32
      %swap3A_33 = arith.constant 0 : index
      %swap3A_34 = memref.load %arg4[%swap3A_33] : memref<1xf32, #tpu.memory_space<smem>>
      memref.store %swap3A_32, %arg4[%swap3A_33] : memref<1xf32, #tpu.memory_space<smem>>
    } else {
    }
    %get3A = arith.constant 0 : index
    %get3A_2 = arith.constant 0 : index
    %get3A_3 = vector.load %arg2[%get3A, %get3A_2] : memref<512x2048xf32, #tpu.memory_space<vmem>>, vector<512x2048xf32>
    %get3A_4 = arith.constant 0 : index
    %get3A_5 = arith.constant 0 : index
    %get3A_6 = vector.load %arg1[%get3A_4, %get3A_5] : memref<512x2048xf32, #tpu.memory_space<vmem>>, vector<512x2048xf32>
    %ne3A = arith.cmpf one, %get3A_3, %get3A_3 : vector<512x2048xf32>
    %sub3A = arith.subf %get3A_6, %get3A_3 : vector<512x2048xf32>
    %jit3A = arith.constant 0.000000e+00 : f32
    %broadcast_in_dim3A = vector.broadcast %jit3A : f32 to vector<512x2048xf32>
    %select_n3A = arith.select %ne3A, %broadcast_in_dim3A, %sub3A : vector<512x2048xi1>, vector<512x2048xf32>
    %get3A_7 = arith.constant 0 : index
    %get3A_8 = memref.load %arg3[%get3A_7] : memref<1xf32, #tpu.memory_space<smem>>
    %mul3A = arith.mulf %select_n3A, %select_n3A : vector<512x2048xf32>
    %reduce_sum3A = vector.shape_cast %mul3A : vector<512x2048xf32> to vector<1x512x2048xf32>
    %reduce_sum3A_9 = arith.constant dense<0.000000e+00> : vector<1xf32>
    %reduce_sum3A_10 = vector.multi_reduction <add>, %reduce_sum3A, %reduce_sum3A_9 [1, 2] : vector<1x512x2048xf32> to vector<1xf32>
    %reduce_sum3A_11 = vector.shape_cast %reduce_sum3A_10 : vector<1xf32> to vector<1x1x1xf32>
    %reduce_sum3A_12 = vector.extract %reduce_sum3A_11[0, 0, 0] : f32 from vector<1x1x1xf32>
    %add3A = arith.addf %get3A_8, %reduce_sum3A_12 : f32
    %swap3A = arith.constant 0 : index
    %swap3A_13 = memref.load %arg3[%swap3A] : memref<1xf32, #tpu.memory_space<smem>>
    memref.store %add3A, %arg3[%swap3A] : memref<1xf32, #tpu.memory_space<smem>>
    %get3A_14 = arith.constant 0 : index
    %get3A_15 = memref.load %arg4[%get3A_14] : memref<1xf32, #tpu.memory_space<smem>>
    %jit3A_16 = arith.constant 0.000000e+00 : f32
    %jit3A_17 = arith.constant 1.000000e+00 : f32
    %broadcast_in_dim3A_18 = vector.broadcast %jit3A_16 : f32 to vector<512x2048xf32>
    %broadcast_in_dim3A_19 = vector.broadcast %jit3A_17 : f32 to vector<512x2048xf32>
    %select_n3A_20 = arith.select %ne3A, %broadcast_in_dim3A_18, %broadcast_in_dim3A_19 : vector<512x2048xi1>, vector<512x2048xf32>
    %reduce_sum3A_21 = vector.shape_cast %select_n3A_20 : vector<512x2048xf32> to vector<1x512x2048xf32>
    %reduce_sum3A_22 = arith.constant dense<0.000000e+00> : vector<1xf32>
    %reduce_sum3A_23 = vector.multi_reduction <add>, %reduce_sum3A_21, %reduce_sum3A_22 [1, 2] : vector<1x512x2048xf32> to vector<1xf32>
    %reduce_sum3A_24 = vector.shape_cast %reduce_sum3A_23 : vector<1xf32> to vector<1x1x1xf32>
    %reduce_sum3A_25 = vector.extract %reduce_sum3A_24[0, 0, 0] : f32 from vector<1x1x1xf32>
    %add3A_26 = arith.addf %get3A_15, %reduce_sum3A_25 : f32
    %swap3A_27 = arith.constant 0 : index
    %swap3A_28 = memref.load %arg4[%swap3A_27] : memref<1xf32, #tpu.memory_space<smem>>
    memref.store %add3A_26, %arg4[%swap3A_27] : memref<1xf32, #tpu.memory_space<smem>>
    return
  }
  func.func @transform_0(%arg0: i32) -> (i32, i32) {
    %add3A = arith.constant 4 : i32
    %add3A_0 = arith.addi %arg0, %add3A : i32
    %c0_i32 = arith.constant 0 : i32
    %c0_i32_1 = arith.constant 0 : i32
    return %add3A_0, %c0_i32 : i32, i32
  }
  func.func @transform_1(%arg0: i32) -> (i32, i32) {
    %add3A = arith.constant 4 : i32
    %add3A_0 = arith.addi %arg0, %add3A : i32
    %c0_i32 = arith.constant 0 : i32
    %c0_i32_1 = arith.constant 0 : i32
    return %add3A_0, %c0_i32 : i32, i32
  }
  func.func @transform_2(%arg0: i32) -> i32 {
    %c0_i32 = arith.constant 0 : i32
    %c0_i32_0 = arith.constant 0 : i32
    return %c0_i32 : i32
  }
  func.func @transform_3(%arg0: i32) -> i32 {
    %c0_i32 = arith.constant 0 : i32
    %c0_i32_0 = arith.constant 0 : i32
    return %c0_i32 : i32
  }
}

</mosaic_0001>

<sc_bundles>
// kernel: kernel.4.cloned.1.call-start
scs
__scs_entry_jumppad:
0x0: {  	(pc) =	sbr.rel $0x88, $3  }
0x1: {  	(tag) =	ssettag $0x0;
	lr =	simm.s32 $0x1  }
0x2: {  	[smem:$0x3F9F] =	sst lr;
	_ =	strace $0xD0000000  }
0x3: {  	_ = 	snop  }
0x4: {  	_ = 	snop  }
0x5: {  	_ = 	snop  }
0x6: {  	_ = 	snop  }
0x7: {  	_ = 	snop  }
__scs_overlays_trampoline_lowered:
0x8: {  	[smem:$0x3FAE] =	sst s0  }
0x9: {  	[smem:$0x3FAF] =	sst s1  }
0xa: {  	[smem:$0x3FB0] =	sst s2  }
0xb: {  	[smem:$0x3FB1] =	sst s3  }
0xc: {  	[smem:$0x3FB2] =	sst s4  }
0xd: {  	[smem:$0x3FB3] =	sst s5  }
0xe: {  	[smem:$0x3FB4] =	sst s6  }
0xf: {  	[smem:$0x3FB5] =	sst s7  }
0x10: {  	[smem:$0x3FB6] =	sst s8  }
0x11: {  	[smem:$0x3FB7] =	sst s9;
	s0 =	simm.s32 @!p0 $0x0  }
0x12: {  	s1 =	sld [smem:$0x3F9D];
	s0 =	simm.s32 @p0 $0x1  }
0x13: {  	[smem:$0x3FB8] =	sst s0;
	s0 =	simm.s32 @!p1 $0x0  }
0x14: {  	s2 =	sld [smem:$0x3F9C];
	s0 =	simm.s32 @p1 $0x1  }
0x15: {  	[smem:$0x3FB9] =	sst s0;
	s0 =	simm.s32 @!p2 $0x0  }
0x16: {  	s3 =	sld [smem:$0x3FDB];
	s0 =	simm.s32 @p2 $0x1  }
0x17: {  	s4 =	simm.s32 $0x1BF5;
	[smem:$0x3FBB] =	sst s0  }
0x18: {  	s0 =	sld [smem:$0x3F9E];
	_ =	swait.ge [sflag:s4], $0x0  }
0x19: {  	s7 =	sld [smem:$0x3F9F]  }
0x1a: {  	s8 =	sadd.s32 $0xFFFFE003, lr  }
0x1b: {  	s9 =	sadd.s32 $0xFFFFFEF7, lr;
	s5 =	simm.s32 $0xFFFFFFFF;
	p2 =	slt.u32 s8, $0xFFFFF086  }
0x1c: {  	p1 =	slt.u32 s9, $0xF7A;
	s5 =	simm.s32 @!p2 $0x0  }
0x1d: {  	s5 =	simm.s32 @p1 $0x1;
	p0 =	seq.s32 s7, s2  }
0x1e: {  	s7 =	smul.u32 @!p0 $0xF7A, s2;
	p2 =	seq.s32 @!p0 s5, $0x0  }
0x1f: {  	s9 =	smul.u32 $0xF7A, s1;
	s8 =	simm.s32 @!p0 $0x1BF5;
	p2 =	por !p2, p0  }
0x20: {  	[sflag:s8] =	ssyncset.s32 @!p0 $0xFFFFF086;
	s6 =	sadd.s32 @!p0 s3, s7;
	s7 =	simm.s32 @!p0 $0x108  }
0x21: {  	s3 =	sadd.s32 s3, s9;
	s6 =	sadd.s32 @!p0 $0x88, s6;
	s7 =	simm.s32 @p2 $0x1082  }
0x22: {  	[simem:s7], [sflag:s8] =	dma.local @!p0 [hbm:s6], $0xF7A  }
0x23: {  	s9 =	sor.u32 $0xD0000000, s2;
	s6 =	simm.s32 $0x108;
	_ =	swait.ge @!p0 [sflag:s8], $0x0  }
0x24: {  	s3 =	sadd.s32 $0x88, s3;
	s6 =	simm.s32 @!p1 $0x1082;
	[sflag:s4] =	ssyncset.s32 $0xFFFFF086  }
0x25: {  	[simem:s6], [sflag:s4] =	dma.local [hbm:s3], $0xF7A  }
0x26: {  	[smem:$0x3F9F] =	sst s1;
	(tag) =	ssettag s2;
	_ =	strace s9  }
0x27: {  	s1 =	sld [smem:$0x3FAF]  }
0x28: {  	s2 =	sld [smem:$0x3FB0]  }
0x29: {  	s4 =	sld [smem:$0x3FB2]  }
0x2a: {  	p0 =	seq.s32 s5, $0x0;
	s5 =	sld [smem:$0x3FB3]  }
0x2b: {  	s6 =	sld [smem:$0x3FB4]  }
0x2c: {  	s7 =	sld [smem:$0x3FB5]  }
0x2d: {  	s3 =	simm.s32 $0x108;
	s8 =	sld [smem:$0x3FB6]  }
0x2e: {  	s3 =	simm.s32 @!p0 $0x1082;
	s9 =	sld [smem:$0x3FB7]  }
0x2f: {  	lr =	sadd.s32 s0, s3;
	s0 =	sld [smem:$0x3FAE]  }
0x30: {  	s3 =	sld [smem:$0x3FB1]  }
0x31: {  	[smem:$0x3FBA] =	sst s10  }
0x32: {  	s10 =	sld [smem:$0x3FB8];
	_ =	sdelay $0x3  }
0x33: {  	p0 =	seq.s32 s10, $0x1;
	s10 =	sld [smem:$0x3FBA];
	_ =	sdelay $0x3  }
0x34: {  	[smem:$0x3FBA] =	sst s10  }
0x35: {  	s10 =	sld [smem:$0x3FB9];
	_ =	sdelay $0x3  }
0x36: {  	p1 =	seq.s32 s10, $0x1;
	s10 =	sld [smem:$0x3FBA];
	_ =	sdelay $0x3  }
0x37: {  	[smem:$0x3FBA] =	sst s10  }
0x38: {  	s10 =	sld [smem:$0x3FBB]  }
0x39: {  	_ = 	snop;
	(pc) =	sbr.ind lr, $3  }
0x3a: {  	_ = 	snop  }
0x3b: {  	_ = 	snop  }
0x3c: {  	p2 =	seq.s32 s10, $0x1;
	s10 =	sld [smem:$0x3FBA]  }
0x3d: {  	_ =	shalt  }
0x3e: {  	_ =	shalt  }
0x3f: {  	_ =	shalt  }
0x40: {  	_ =	shalt  }
0x41: {  	_ =	shalt  }
0x42: {  	_ =	shalt  }
0x43: {  	_ =	shalt  }
0x44: {  	_ =	shalt  }
0x45: {  	_ =	shalt  }
0x46: {  	_ =	shalt  }
0x47: {  	_ =	shalt  }
0x48: {  	_ =	shalt  }
0x49: {  	_ =	shalt  }
0x4a: {  	_ =	shalt  }
0x4b: {  	_ =	shalt  }
0x4c: {  	_ =	shalt  }
0x4d: {  	_ =	shalt  }
0x4e: {  	_ =	shalt  }
0x4f: {  	_ =	shalt  }
0x50: {  	_ =	shalt  }
0x51: {  	_ =	shalt  }
0x52: {  	_ =	shalt  }
0x53: {  	_ =	shalt  }
0x54: {  	_ =	shalt  }
0x55: {  	_ =	shalt  }
0x56: {  	_ =	shalt  }
0x57: {  	_ =	shalt  }
0x58: {  	_ =	shalt  }
0x59: {  	_ =	shalt  }
0x5a: {  	_ =	shalt  }
0x5b: {  	_ =	shalt  }
0x5c: {  	_ =	shalt  }
0x5d: {  	_ =	shalt  }
0x5e: {  	_ =	shalt  }
0x5f: {  	_ =	shalt  }
0x60: {  	_ =	shalt  }
0x61: {  	_ =	shalt  }
0x62: {  	_ =	shalt  }
0x63: {  	_ =	shalt  }
0x64: {  	_ =	shalt  }
0x65: {  	_ =	shalt  }
0x66: {  	_ =	shalt  }
0x67: {  	_ =	shalt  }
0x68: {  	_ =	shalt  }
0x69: {  	_ =	shalt  }
0x6a: {  	_ =	shalt  }
0x6b: {  	_ =	shalt  }
0x6c: {  	_ =	shalt  }
0x6d: {  	_ =	shalt  }
0x6e: {  	_ =	shalt  }
0x6f: {  	_ =	shalt  }
0x70: {  	_ =	shalt  }
0x71: {  	_ =	shalt  }
0x72: {  	_ =	shalt  }
0x73: {  	_ =	shalt  }
0x74: {  	_ =	shalt  }
0x75: {  	_ =	shalt  }
0x76: {  	_ =	shalt  }
0x77: {  	_ =	shalt  }
0x78: {  	_ =	shalt  }
0x79: {  	_ =	shalt  }
0x7a: {  	_ =	shalt  }
0x7b: {  	_ =	shalt  }
0x7c: {  	_ =	shalt  }
0x7d: {  	_ =	shalt  }
0x7e: {  	_ =	shalt  }
0x7f: {  	_ =	shalt  }
0x80: {  	_ =	shalt  }
0x81: {  	_ =	shalt  }
0x82: {  	_ =	shalt  }
0x83: {  	_ =	shalt  }
0x84: {  	_ =	shalt  }
0x85: {  	_ =	shalt  }
0x86: {  	_ =	shalt  }
0x87: {  	_ =	shalt  }
.Lfunc_end0:
.L_simem_size_0:
called_computation_lowered:
.L_overlay_start_0:
0x88: {  	s0 =	sld [smem:$0x3FD9]  }
0x89: {  	s1 =	sld [smem:$0x3FFE];
	_ =	sdelay $0x3  }
0x8a: {  	s0 =	sadd.s32 s1, s0  }
0x8b: {  	[smem:$0x3FC6] =	sst s0  }
0x8c: {  	_ = 	snop  }
0x8d: {  	s0 =	sld [smem:$0x3FC9]  }
0x8e: {  	s16 =	sld [smem:$0x3FC8];
	(tm) =	ssettm $0x1  }
0x8f: {  	s2 =	sld [smem:$0x3FFB];
	_ =	sdelay $0x3  }
0x90: {  	_ =	strace s2  }
0x91: {  	s2 =	sld [smem:$0x3FFC];
	_ =	sdelay $0x3  }
0x92: {  	_ =	strace s2  }
0x93: {  	s2 =	sld [smem:$0x3FFD];
	_ =	sdelay $0x3  }
0x94: {  	_ =	strace s2  }
0x95: {  	_ =	strace $0x8FFFFFFF  }
0x96: {  	s17 =	sld [smem:$0x3FDB];
	_ =	sdelay $0x1  }
0x97: {  	s3 =	simm.s32 $_scs_section_size  }
0x98: {  	s4 =	simm.s32 $_size__tile_overlayer_lowered;
	s5 =	simm.s32 $_tile_overlayer_lowered  }
0x99: {  	s20 =	simm.s32 $0x1BFF;
	s19 =	sshll.u32 s5, $0x1;
	s2 =	sadd.s32 s3, s17  }
0x9a: {  	s6 =	simm.s32 $0x0;
	s18 =	sshll.u32 s4, $0x1;
	s4 =	sadd.s32 s19, s2  }
0x9b: {  	[timem:s6], [sflag:s20] =	dma.local [hbm:s4], s18  }
0x9c: {  	_ =	swait.ge [sflag:s20], s18  }
0x9d: {  	s3 =	ssub.s32 $0x0, s18;
	[sflag:s20] =	ssyncset.done $0x0  }
0x9e: {  	[sflag:s20] =	ssyncadd.s32 s3;
	_ =	sdelay $0x1  }
0x9f: {  	s21 =	simm.s32 $0x1B8B  }
0xa0: {  	_ =	swait.ge [sflag:s21], $0x1  }
0xa1: {  	[sflag:s21] =	ssyncset.done $0x0  }
0xa2: {  	s23 =	simm.s32 $0x1B8E;
	s22 =	sld [smem:$0x3FFE];
	[sflag:s21] =	ssyncadd.s32 $0xFFFFFFFF  }
0xa3: {  	s24 =	simm.s32 $execute0_lowered;
	[smem:$0x3FD2] =	sst s23  }
0xa4: {  	s4 =	sshll.u32 s24, $0x1;
	_ =	strace $0x80000046;
	[dreg:$0x1] =	wrdreg $0xFFFFFFFF  }
0xa5: {  	s25 =	simm.s32 $_size_execute0_lowered;
	s2 =	sadd.s32 s2, s4;
	[dreg:$0x0] =	wrdreg $0x0  }
0xa6: {  	s4 =	sshll.u32 s25, $0x1;
	[dreg:$0x2] =	wrdreg s2  }
0xa7: {  	[dreg:$0x3] =	wrdreg s4  }
0xa8: {  	[dreg:$0x4] =	wrdreg $0xC0  }
0xa9: {  	_ =	task [dreg:s6], $0x5FFFF  }
0xaa: {  	[dreg:$0x1] =	wrdreg $0xFFFFFFFF  }
0xab: {  	[dreg:$0x0] =	wrdreg $0x60  }
0xac: {  	[dreg:$0x2] =	wrdreg s0  }
0xad: {  	[dreg:$0x3] =	wrdreg s16  }
0xae: {  	[dreg:$0x4] =	wrdreg s22  }
0xaf: {  	[dreg:$0x5] =	wrdreg $0x9  }
0xb0: {  	_ =	task.clear_ibuf [dreg:s6], $0x6FFFF;
	_ =	strace $0x90000046  }
0xb1: {  	s26 =	simm.s32 $0x9;
	_ =	strace $0x80000048  }
0xb2: {  	_ =	swait.ge [sflag:s26], $0x1  }
0xb3: {  	[sflag:s26] =	ssyncadd.s32 $0xFFFFFFFF  }
0xb4: {  	_ =	strace $0x90000048  }
0xb5: {  	_ =	sfence  }
0xb6: {  	s28 =	sld [smem:$0x0];
	_ =	sdelay $0x1  }
0xb7: {  	s29 =	srdreg.scid  }
0xb8: {  	s30 =	sshll.u32 s29, $0xD;
	s31 =	sshrl.u32 s29, $0x2  }
0xb9: {  	s1 =	sand.u32 $0x1, s29;
	s2 =	sand.u32 $0x4000, s30;
	s0 =	sadd.s32 s31, s28  }
0xba: {  	s1 =	sor.u32 s2, s1;
	s0 =	sshll.u32 s0, $0x11  }
0xbb: {  	s0 =	sor.u32 s0, s1  }
0xbc: {  	s0 =	sadd.s32 $0x8F2B, s0  }
0xbd: {  	[sflag:s0] =	ssyncadd.remote.s32 $0x1  }
0xbe: {  	_ =	sfence.sel $0xFFFF  }
0xbf: {  	[dreg:$0x0] =	wrdreg $0xFFFFFFFF;
	(pc) =	sbr.abs _section_cstart, $3  }
0xc0: {  	[dreg:$0x1] =	wrdreg $0xFFFFFFFF  }
0xc1: {  	_ =	task.clear_ibuf [dreg:s6], $0x2FFFF;
	_ =	strace $0x9FFFFFFF  }
0xc2: {  	(tm) =	ssettm $0x7FFFFFFF  }
0xc3: {  	_ =	shalt  }
tec
execute0_lowered:
.L_overlay_start_1:
0x0: {  	(tag) =	ssettag $0x1  }
0x1: {  	s3 =	rddreg [dreg:$0x0]  }
0x2: {  	s4 =	rddreg [dreg:$0x1]  }
0x3: {  	s2 =	rddreg [dreg:$0x2]  }
0x4: {  	s0 =	rddreg [dreg:$0x3]  }
0x5: {  	s6 =	simm.s32 $0x0;
	s1 =	stileid.u32;
	s8 =	simm.s32 $0x8000  }
0x6: {  	s9 =	simm.s32 $0x4000;
	s10 =	simm.s32 $0xC000;
	s11 =	simm.s32 $0x1  }
0x7: {  	s12 =	simm.s32 $0x3;
	[smem:$0x7FF] =	sst s6;
	s5 =	sshll.u32 s1, $0xF  }
0x8: {  	s13 =	simm.s32 $0x2;
	_ =	strace $0x80000047;
	s7 =	sadd.s32 s3, s5  }
0x9: {  	[tilespmem:s6], [sflag:$0x1] =	stream.linear.gather [hbm4b:s7+s6], $0x4000, $0x38;
	[tilespmem:$0x10100] =	vst v63  }
0xa: {  	s14 =	simm.s32 $0x4;
	s5 =	sadd.s32 s4, s5;
	s7 =	sshll.u32 s1, $0x7  }
0xb: {  	v0 =	vimm.f32 $0.0e+00;
	vm0 =	vmmov $0xffff;
	v1 =	vimm.f32 $0.0e+00;
	[tilespmem:s8], [sflag:$0x3] =	stream.linear.gather [hbm4b:s5+s6], $0x4000, $0x38;
	[tilespmem:$0x10100] =	vst v63  }
0xc: {  	v3 =	vimm.f32 $0.0e+00;
	v5 =	vimm.f32 $0.0e+00;
	v4 =	vimm.f32 $0.0e+00;
	s15 =	simm.s32 $0x0;
	s5 =	sadd.s32 $0x200, s2;
	s8 =	sor.u32 $0x10, s7  }
.LBB2_2:
0xd: {  	s16 =	sshll.u32 s15, $0x4  }
0xe: {  	s17 =	sor.u32 s16, s7  }
0xf: {  	s17 =	sshll.u32 s17, $0x8  }
0x10: {  	s17 =	sor.u32 $0x800, s17  }
0x11: {  	s18 =	sadd.s32 s3, s17  }
0x12: {  	[tilespmem:s9], [sflag:$0x2] =	stream.linear.gather [hbm4b:s18+s6], $0x4000, $0x38;
	[tilespmem:$0x10100] =	vst v63  }
0x13: {  	s17 =	sadd.s32 s4, s17  }
0x14: {  	[tilespmem:s10], [sflag:$0x4] =	stream.linear.gather [hbm4b:s17+s6], $0x4000, $0x38;
	[tilespmem:$0x10100] =	vst v63  }
0x15: {  	_ =	swait.ge [sflag:s11], $0x4000  }
0x16: {  	[sflag:s11] =	ssyncset.done $0x0  }
0x17: {  	[sflag:s11] =	ssyncadd.s32 $0xFFFFC000  }
0x18: {  	_ =	swait.ge [sflag:s12], $0x4000  }
0x19: {  	[sflag:s12] =	ssyncset.done $0x0  }
0x1a: {  	s31 =	simm.s32 $0x0;
	[sflag:s12] =	ssyncadd.s32 $0xFFFFC000  }
0x1b: {  	v2 =	vld [tilespmem:s31+$0x8060]  }
0x1c: {  	v7 =	vld [tilespmem:s31+$0x60]  }
0x1d: {  	v6 =	vld [tilespmem:s31+$0x8070]  }
0x1e: {  	v12 =	vld [tilespmem:s31+$0x8000]  }
0x1f: {  	v8 =	vld [tilespmem:s31+$0x70]  }
0x20: {  	v9 =	vld [tilespmem:s31+$0x50]  }
0x21: {  	v10 =	vld [tilespmem:s31+$0x8020]  }
0x22: {  	v11 =	vld [tilespmem:s31+$0x8030]  }
0x23: {  	v14 =	vld [tilespmem:s31+$0x8050]  }
0x24: {  	v13 =	vld [tilespmem:s31+$0x20]  }
0x25: {  	v6 =	vsub.f32 v8, v6;
	v8 =	vld [tilespmem:s31+$0x30]  }
0x26: {  	v15 =	vld [tilespmem:s31+$0x8010]  }
0x27: {  	v16 =	vld [tilespmem:s31+$0x10]  }
0x28: {  	v17 =	vld [tilespmem:s31+$0x0]  }
0x29: {  	v2 =	vsub.f32 v7, v2;
	v18 =	vsub.f32 v13, v10;
	v7 =	vld [tilespmem:s31+$0x8040]  }
0x2a: {  	v6 =	vmul.f32 v6, v6;
	v13 =	vsub.f32 v8, v11;
	v11 =	vsub.f32 v9, v14;
	v9 =	vld [tilespmem:s31+$0x40]  }
0x2b: {  	v2 =	vmul.f32 v2, v2  }
0x2c: {  	vm1 =	veq.f32 v6, v6  }
0x2d: {  	v10 =	vsub.f32 v16, v15;
	vm2 =	vmand vm1, vm0;
	vm1 =	veq.f32 v2, v2  }
0x2e: {  	s17 =	simm.s32 $0x1000;
	v12 =	vsub.f32 v17, v12;
	v8 =	vmul.f32 v18, v18;
	vm1 =	vmand vm1, vm0  }
.LBB2_3:
0x2f: {  	s18 =	sshra.s32 s17, $0x2;
	p0 =	sne.s32 s17, $0xF000;
	s17 =	sadd.s32 $0x1000, s17;
	v13 =	vmul.f32 v13, v13;
	v7 =	vsub.f32 v9, v7;
	v9 =	vmul.f32 v11, v11  }
0x30: {  	v10 =	vmul.f32 v10, v10;
	vm3 =	veq.f32 v8, v8;
	v11 =	vld [tilespmem:s18+$0x8060]  }
0x31: {  	v12 =	vmul.f32 v12, v12;
	v14 =	vld [tilespmem:s18+$0x60];
	v15 =	vmul.f32 v7, v7;
	vm4 =	veq.f32 v9, v9  }
0x32: {  	vm5 =	vmand vm3, vm0;
	vm6 =	veq.f32 v13, v13;
	v16 =	vld [tilespmem:s18+$0x8070];
	vm3 =	vmand vm4, vm0  }
0x33: {  	vm4 =	veq.f32 v10, v10;
	vm6 =	vmand vm6, vm0;
	v17 =	vld [tilespmem:s18+$0x8000];
	vm7 =	veq.f32 v15, v15  }
0x34: {  	v8 =	vnsel vm5, $0x0, v8;
	v19 =	vsel vm5, $0x3F800000, v0;
	v20 =	vnsel vm3, $0x0, v9;
	v18 =	vld [tilespmem:s18+$0x70]  }
0x35: {  	v23 =	vnsel vm2, $0x0, v6;
	vm4 =	vmand vm4, vm0;
	v22 =	vsel vm6, $0x3F800000, v0;
	v21 =	vld [tilespmem:s18+$0x50]  }
0x36: {  	v25 =	vsel vm2, $0x3F800000, v0;
	vm5 =	veq.f32 v12, v12;
	v6 =	vnsel vm4, $0x0, v10;
	v24 =	vld [tilespmem:s18+$0x8020]  }
0x37: {  	vm2 =	vmand vm5, vm0;
	v10 =	vnsel vm6, $0x0, v13;
	v5 =	vadd.f32 v6, v5;
	v7 =	vld [tilespmem:s18+$0x8040]  }
0x38: {  	v9 =	vsel vm2, $0x3F800000, v0;
	v6 =	vnsel vm2, $0x0, v12;
	v12 =	vsel vm4, $0x3F800000, v0;
	v13 =	vld [tilespmem:s18+$0x8030]  }
0x39: {  	v3 =	vadd.f32 v9, v3;
	vm2 =	vmand vm7, vm0;
	v26 =	vld [tilespmem:s18+$0x8050];
	v16 =	vsub.f32 v18, v16  }
0x3a: {  	v28 =	vsel vm1, $0x3F800000, v0;
	v4 =	vadd.f32 v6, v4;
	v27 =	vsel vm2, $0x3F800000, v0;
	v18 =	vld [tilespmem:s18+$0x8010]  }
0x3b: {  	v5 =	vadd.f32 v10, v5;
	v10 =	vnsel vm2, $0x0, v15;
	v9 =	vld [tilespmem:s18+$0x40];
	v6 =	vmul.f32 v16, v16  }
0x3c: {  	v11 =	vsub.f32 v14, v11;
	v14 =	vnsel vm1, $0x0, v2;
	v3 =	vadd.f32 v19, v3;
	v15 =	vld [tilespmem:s18+$0x20]  }
0x3d: {  	v1 =	vadd.f32 v12, v1;
	v4 =	vadd.f32 v8, v4;
	v16 =	vld [tilespmem:s18+$0x30];
	vm1 =	veq.f32 v6, v6  }
0x3e: {  	v2 =	vmul.f32 v11, v11;
	v3 =	vadd.f32 v27, v3;
	v5 =	vadd.f32 v20, v5;
	v8 =	vld [tilespmem:s18+$0x10]  }
0x3f: {  	v1 =	vadd.f32 v22, v1;
	v4 =	vadd.f32 v10, v4;
	vm2 =	vmand vm1, vm0;
	v12 =	vld [tilespmem:s18+$0x0]  }
.Ltmp0:
0x40: {  	v10 =	vsel vm3, $0x3F800000, v0;
	v3 =	vadd.f32 v28, v3;
	v5 =	vadd.f32 v23, v5;
	(pc) =	sbr.rel @p0 .LBB2_3-.Ltmp0, $4  }
0x41: {  	v1 =	vadd.f32 v10, v1;
	vm1 =	veq.f32 v2, v2;
	v15 =	vsub.f32 v15, v24  }
0x42: {  	v11 =	vsub.f32 v21, v26;
	v13 =	vsub.f32 v16, v13  }
0x43: {  	v1 =	vadd.f32 v25, v1;
	v10 =	vsub.f32 v8, v18;
	v8 =	vmul.f32 v15, v15  }
0x44: {  	v4 =	vadd.f32 v14, v4;
	vm1 =	vmand vm1, vm0;
	v12 =	vsub.f32 v12, v17  }
0x45: {  	v13 =	vmul.f32 v13, v13;
	v7 =	vsub.f32 v9, v7  }
0x46: {  	s17 =	simm.s32 $0x0;
	v9 =	vmul.f32 v11, v11;
	v10 =	vmul.f32 v10, v10;
	vm3 =	veq.f32 v8, v8  }
0x47: {  	v6 =	vnsel vm2, $0x0, v6;
	v23 =	vsel vm2, $0x3F800000, v0;
	v11 =	vld [tilespmem:s17+$0x80E0];
	v12 =	vmul.f32 v12, v12  }
0x48: {  	v14 =	vld [tilespmem:s17+$0xE0];
	vm5 =	vmand vm3, vm0;
	v7 =	vmul.f32 v7, v7;
	vm4 =	veq.f32 v9, v9  }
0x49: {  	v15 =	vld [tilespmem:s17+$0x8080];
	vm6 =	veq.f32 v13, v13;
	vm12 =	veq.f32 v10, v10;
	v8 =	vnsel vm5, $0x0, v8  }
0x4a: {  	v16 =	vld [tilespmem:s17+$0x80F0];
	v17 =	vsel vm5, $0x3F800000, v0;
	vm3 =	vmand vm4, vm0;
	vm6 =	vmand vm6, vm0  }
0x4b: {  	v18 =	vld [tilespmem:s17+$0xD0];
	vm4 =	vmand vm12, vm0;
	vm13 =	veq.f32 v12, v12;
	vm7 =	veq.f32 v7, v7  }
0x4c: {  	v19 =	vld [tilespmem:s17+$0x80B0];
	v9 =	vnsel vm3, $0x0, v9;
	v20 =	vsel vm6, $0x3F800000, v0;
	v10 =	vnsel vm4, $0x0, v10  }
0x4d: {  	v21 =	vld [tilespmem:s17+$0x80C0];
	vm5 =	vmand vm13, vm0;
	v24 =	vsel vm4, $0x3F800000, v0;
	v5 =	vadd.f32 v10, v5  }
0x4e: {  	v22 =	vld [tilespmem:s17+$0x80A0];
	v10 =	vnsel vm5, $0x0, v12;
	v12 =	vsel vm5, $0x3F800000, v0;
	v1 =	vadd.f32 v24, v1  }
0x4f: {  	v49 =	vld [tilespmem:s17+$0x80D0];
	v13 =	vnsel vm6, $0x0, v13;
	v3 =	vadd.f32 v12, v3;
	v4 =	vadd.f32 v10, v4  }
0x50: {  	vm2 =	vmand vm7, vm0;
	v10 =	vld [tilespmem:s17+$0xA0];
	v11 =	vsub.f32 v14, v11;
	v5 =	vadd.f32 v13, v5  }
0x51: {  	v50 =	vsel vm2, $0x3F800000, v0;
	v14 =	vld [tilespmem:s17+$0xB0];
	v3 =	vadd.f32 v17, v3;
	v4 =	vadd.f32 v8, v4  }
0x52: {  	v7 =	vnsel vm2, $0x0, v7;
	v1 =	vadd.f32 v20, v1;
	v13 =	vld [tilespmem:s17+$0xC0];
	v5 =	vadd.f32 v9, v5  }
0x53: {  	v8 =	vld [tilespmem:s17+$0x80];
	v9 =	vsel vm3, $0x3F800000, v0;
	v3 =	vadd.f32 v50, v3;
	v4 =	vadd.f32 v7, v4  }
0x54: {  	v51 =	vsel vm1, $0x3F800000, v0;
	v12 =	vld [tilespmem:s17+$0x8090];
	v1 =	vadd.f32 v9, v1;
	v5 =	vadd.f32 v6, v5  }
0x55: {  	v2 =	vnsel vm1, $0x0, v2;
	v7 =	vld [tilespmem:s17+$0x90];
	v10 =	vsub.f32 v10, v22;
	v3 =	vadd.f32 v51, v3  }
0x56: {  	v9 =	vmul.f32 v11, v11;
	v6 =	vld [tilespmem:s17+$0xF0];
	v1 =	vadd.f32 v23, v1;
	v2 =	vadd.f32 v2, v4  }
0x57: {  	v4 =	vsub.f32 v18, v49;
	v11 =	vsub.f32 v13, v21  }
0x58: {  	vm1 =	veq.f32 v9, v9;
	v13 =	vsub.f32 v14, v19;
	v8 =	vsub.f32 v8, v15  }
0x59: {  	s18 =	simm.s32 $0x400;
	v10 =	vmul.f32 v10, v10;
	vm1 =	vmand vm1, vm0;
	v4 =	vmul.f32 v4, v4  }
0x5a: {  	v52 =	vld [tilespmem:s18+$0x8080];
	v13 =	vmul.f32 v13, v13;
	v11 =	vmul.f32 v11, v11;
	v7 =	vsub.f32 v7, v12  }
0x5b: {  	v53 =	vld [tilespmem:s18+$0x80F0];
	v8 =	vmul.f32 v8, v8;
	vm2 =	veq.f32 v10, v10;
	v6 =	vsub.f32 v6, v16  }
0x5c: {  	v14 =	vld [tilespmem:s18+$0xE0];
	vm2 =	vmand vm2, vm0;
	vm15 =	veq.f32 v13, v13;
	v7 =	vmul.f32 v7, v7  }
0x5d: {  	v12 =	vld [tilespmem:s18+$0x80E0];
	vm3 =	veq.f32 v8, v8;
	v15 =	vsel vm2, $0x3F800000, v0;
	v10 =	vnsel vm2, $0x0, v10  }
0x5e: {  	v54 =	vld [tilespmem:s18+$0xD0];
	vm2 =	veq.f32 v11, v11;
	vm3 =	vmand vm3, vm0;
	v6 =	vmul.f32 v6, v6  }
0x5f: {  	v55 =	vld [tilespmem:s18+$0x80B0];
	vm2 =	vmand vm2, vm0;
	vm14 =	veq.f32 v7, v7;
	v8 =	vnsel vm3, $0x0, v8  }
0x60: {  	v57 =	vld [tilespmem:s18+$0x80C0];
	v61 =	vsel vm2, $0x3F800000, v0;
	v11 =	vnsel vm2, $0x0, v11;
	vm4 =	vmand vm14, vm0  }
0x61: {  	v58 =	vld [tilespmem:s18+$0xF0];
	v2 =	vadd.f32 v8, v2;
	v8 =	vsel vm3, $0x3F800000, v0;
	vm3 =	veq.f32 v4, v4  }
0x62: {  	v59 =	vld [tilespmem:s18+$0x8090];
	v12 =	vsub.f32 v14, v12;
	v56 =	vsel vm4, $0x3F800000, v0;
	v7 =	vnsel vm4, $0x0, v7  }
0x63: {  	v27 =	vld [tilespmem:s18+$0x90];
	v8 =	vadd.f32 v8, v3;
	vm3 =	vmand vm3, vm0;
	v3 =	vnsel vm1, $0x0, v9  }
0x64: {  	vm4 =	vmand vm15, vm0;
	v9 =	vld [tilespmem:s18+$0xA0];
	v2 =	vadd.f32 v10, v2;
	v1 =	vadd.f32 v56, v1  }
0x65: {  	v10 =	vld [tilespmem:s18+$0x80A0];
	v5 =	vadd.f32 v7, v5;
	v7 =	vsel vm1, $0x3F800000, v0;
	v13 =	vnsel vm4, $0x0, v13  }
0x66: {  	v25 =	vld [tilespmem:s18+$0x80];
	vm1 =	veq.f32 v6, v6;
	v60 =	vsel vm4, $0x3F800000, v0;
	v8 =	vadd.f32 v15, v8  }
0x67: {  	v26 =	vnsel vm3, $0x0, v4;
	v15 =	vld [tilespmem:s18+$0x80D0];
	v14 =	vadd.f32 v60, v1;
	v5 =	vadd.f32 v13, v5  }
0x68: {  	v63 =	vld [tilespmem:s18+$0xB0];
	v1 =	vmul.f32 v12, v12;
	v12 =	vsel vm3, $0x3F800000, v0;
	v8 =	vadd.f32 v61, v8  }
0x69: {  	v62 =	vld [tilespmem:s18+$0xC0];
	vm1 =	vmand vm1, vm0;
	v12 =	vadd.f32 v12, v14;
	v14 =	vsub.f32 v27, v59  }
0x6a: {  	v13 =	vsel vm1, $0x3F800000, v0;
	v4 =	vadd.f32 v7, v8;
	v10 =	vsub.f32 v9, v10  }
0x6b: {  	v8 =	vadd.f32 v26, v5;
	v7 =	vnsel vm1, $0x0, v6;
	v9 =	vadd.f32 v11, v2  }
0x6c: {  	vm1 =	veq.f32 v1, v1;
	v5 =	vadd.f32 v13, v12;
	v2 =	vsub.f32 v54, v15  }
0x6d: {  	v12 =	vsub.f32 v25, v52;
	v13 =	vsub.f32 v63, v55;
	v10 =	vmul.f32 v10, v10  }
0x6e: {  	s19 =	simm.s32 $0x2000;
	s18 =	simm.s32 $0x1000;
	v11 =	vsub.f32 v62, v57;
	v6 =	vsub.f32 v58, v53;
	v2 =	vmul.f32 v2, v2  }
.LBB2_5:
0x6f: {  	s20 =	sshra.s32 s19, $0x2;
	p0 =	sne.s32 s19, $0xF000;
	s19 =	sadd.s32 $0x1000, s19;
	v12 =	vmul.f32 v12, v12;
	vm2 =	veq.f32 v10, v10;
	v13 =	vmul.f32 v13, v13  }
0x70: {  	v11 =	vmul.f32 v11, v11;
	v15 =	vld [tilespmem:s20+$0x80E0];
	v14 =	vmul.f32 v14, v14;
	vm2 =	vmand vm2, vm0  }
0x71: {  	v3 =	vadd.f32 v3, v9;
	v16 =	vld [tilespmem:s20+$0xE0];
	vm3 =	veq.f32 v12, v12;
	v17 =	vsel vm2, $0x3F800000, v0  }
0x72: {  	v9 =	vnsel vm2, $0x0, v10;
	v18 =	vld [tilespmem:s20+$0x8080];
	vm3 =	vmand vm3, vm0;
	vm4 =	veq.f32 v14, v14  }
0x73: {  	v7 =	vadd.f32 v7, v8;
	vm2 =	veq.f32 v11, v11;
	v19 =	vld [tilespmem:s20+$0x80F0];
	v10 =	vnsel vm3, $0x0, v12  }
0x74: {  	v8 =	vsel vm3, $0x3F800000, v0;
	vm3 =	vmand vm4, vm0;
	v12 =	vld [tilespmem:s20+$0xD0];
	v3 =	vadd.f32 v10, v3  }
0x75: {  	vm5 =	vmand vm1, vm0;
	vm4 =	veq.f32 v2, v2;
	v10 =	vsel vm3, $0x3F800000, v0;
	v20 =	vld [tilespmem:s20+$0x80B0]  }
0x76: {  	v14 =	vnsel vm3, $0x0, v14;
	vm3 =	veq.f32 v13, v13;
	v21 =	vld [tilespmem:s20+$0x80C0];
	v9 =	vadd.f32 v9, v3  }
0x77: {  	v4 =	vadd.f32 v8, v4;
	vm1 =	vmand vm4, vm0;
	v5 =	vadd.f32 v10, v5;
	v22 =	vld [tilespmem:s20+$0x80A0]  }
0x78: {  	v8 =	vadd.f32 v14, v7;
	v3 =	vnsel vm5, $0x0, v1;
	v1 =	vmul.f32 v6, v6;
	v23 =	vld [tilespmem:s20+$0xF0]  }
0x79: {  	vm2 =	vmand vm2, vm0;
	vm3 =	vmand vm3, vm0;
	v10 =	vsel vm5, $0x3F800000, v0;
	v6 =	vld [tilespmem:s20+$0x8090]  }
0x7a: {  	v4 =	vadd.f32 v17, v4;
	v13 =	vnsel vm3, $0x0, v13;
	vm4 =	veq.f32 v1, v1;
	v14 =	vld [tilespmem:s20+$0xA0]  }
0x7b: {  	v24 =	vsel vm2, $0x3F800000, v0;
	v7 =	vsel vm3, $0x3F800000, v0;
	vm3 =	vmand vm4, vm0;
	v17 =	vld [tilespmem:s20+$0x80D0]  }
0x7c: {  	v15 =	vsub.f32 v16, v15;
	v5 =	vadd.f32 v7, v5;
	v7 =	vnsel vm3, $0x0, v1;
	v25 =	vld [tilespmem:s20+$0x80]  }
0x7d: {  	v8 =	vadd.f32 v13, v8;
	v4 =	vadd.f32 v24, v4;
	v13 =	vsel vm3, $0x3F800000, v0;
	v16 =	vld [tilespmem:s20+$0xC0]  }
0x7e: {  	v11 =	vnsel vm2, $0x0, v11;
	v1 =	vmul.f32 v15, v15;
	v15 =	vsel vm1, $0x3F800000, v0;
	v24 =	vld [tilespmem:s20+$0xB0]  }
0x7f: {  	v2 =	vnsel vm1, $0x0, v2;
	v4 =	vadd.f32 v10, v4;
	v5 =	vadd.f32 v15, v5;
	v26 =	vld [tilespmem:s20+$0x90]  }
.Ltmp1:
0x80: {  	v8 =	vadd.f32 v2, v8;
	vm1 =	veq.f32 v1, v1;
	v10 =	vsub.f32 v14, v22;
	(pc) =	sbr.rel @p0 .LBB2_5-.Ltmp1, $4  }
0x81: {  	v9 =	vadd.f32 v11, v9;
	v5 =	vadd.f32 v13, v5  }
0x82: {  	v2 =	vsub.f32 v12, v17;
	v11 =	vsub.f32 v16, v21  }
0x83: {  	v12 =	vsub.f32 v25, v18;
	v10 =	vmul.f32 v10, v10;
	v13 =	vsub.f32 v24, v20  }
0x84: {  	v2 =	vmul.f32 v2, v2;
	v14 =	vsub.f32 v26, v6;
	v6 =	vsub.f32 v23, v19  }
0x85: {  	v12 =	vmul.f32 v12, v12;
	vm2 =	veq.f32 v10, v10;
	v13 =	vmul.f32 v13, v13  }
0x86: {  	v11 =	vmul.f32 v11, v11;
	v3 =	vadd.f32 v3, v9;
	v7 =	vadd.f32 v7, v8  }
0x87: {  	vm1 =	vmand vm1, vm0;
	v14 =	vmul.f32 v14, v14;
	vm2 =	vmand vm2, vm0  }
0x88: {  	v8 =	vld [tilespmem:s17+$0x160];
	v6 =	vmul.f32 v6, v6;
	v1 =	vnsel vm1, $0x0, v1;
	vm3 =	veq.f32 v12, v12  }
0x89: {  	v17 =	vld [tilespmem:s17+$0x8170];
	v15 =	vsel vm2, $0x3F800000, v0;
	v9 =	vnsel vm2, $0x0, v10;
	vm2 =	veq.f32 v11, v11  }
0x8a: {  	v18 =	vld [tilespmem:s17+$0x8100];
	vm15 =	veq.f32 v13, v13;
	vm3 =	vmand vm3, vm0;
	vm4 =	veq.f32 v14, v14  }
0x8b: {  	v19 =	vld [tilespmem:s17+$0x8150];
	vm2 =	vmand vm2, vm0;
	v10 =	vnsel vm3, $0x0, v12;
	vm4 =	vmand vm4, vm0  }
0x8c: {  	v20 =	vld [tilespmem:s17+$0x8110];
	v61 =	vsel vm2, $0x3F800000, v0;
	v3 =	vadd.f32 v10, v3;
	v10 =	vsel vm3, $0x3F800000, v0  }
0x8d: {  	v63 =	vld [tilespmem:s17+$0x110];
	v16 =	vsel vm4, $0x3F800000, v0;
	vm3 =	veq.f32 v2, v2;
	v14 =	vnsel vm4, $0x0, v14  }
0x8e: {  	v21 =	vld [tilespmem:s17+$0x100];
	vm4 =	vmand vm15, vm0;
	v7 =	vadd.f32 v14, v7;
	v9 =	vadd.f32 v9, v3  }
0x8f: {  	vm3 =	vmand vm3, vm0;
	v3 =	vadd.f32 v10, v4;
	v4 =	vadd.f32 v16, v5;
	v5 =	vld [tilespmem:s17+$0x170]  }
0x90: {  	v12 =	vld [tilespmem:s17+$0x8160];
	v14 =	vsel vm4, $0x3F800000, v0;
	v13 =	vnsel vm4, $0x0, v13;
	v62 =	vsel vm3, $0x3F800000, v0  }
0x91: {  	v10 =	vld [tilespmem:s17+$0x150];
	v2 =	vnsel vm3, $0x0, v2;
	v7 =	vadd.f32 v13, v7;
	v3 =	vadd.f32 v15, v3  }
0x92: {  	v13 =	vsel vm1, $0x3F800000, v0;
	vm1 =	veq.f32 v6, v6;
	v15 =	vld [tilespmem:s17+$0x8120];
	v4 =	vadd.f32 v14, v4  }
0x93: {  	v14 =	vld [tilespmem:s17+$0x8130];
	vm1 =	vmand vm1, vm0;
	v7 =	vadd.f32 v2, v7;
	v3 =	vadd.f32 v61, v3  }
0x94: {  	v16 =	vadd.f32 v62, v4;
	v4 =	vnsel vm2, $0x0, v11;
	v11 =	vld [tilespmem:s17+$0x120];
	v5 =	vsub.f32 v5, v17  }
0x95: {  	v6 =	vnsel vm1, $0x0, v6;
	v9 =	vadd.f32 v4, v9;
	v3 =	vadd.f32 v13, v3;
	v13 =	vld [tilespmem:s17+$0x130]  }
0x96: {  	v8 =	vsub.f32 v8, v12;
	v6 =	vadd.f32 v6, v7;
	v7 =	vld [tilespmem:s17+$0x8140]  }
0x97: {  	v2 =	vsel vm1, $0x3F800000, v0;
	v4 =	vmul.f32 v5, v5;
	v5 =	vadd.f32 v1, v9;
	v9 =	vld [tilespmem:s17+$0x140]  }
0x98: {  	v12 =	vsub.f32 v10, v19;
	v10 =	vsub.f32 v63, v20;
	v1 =	vmul.f32 v8, v8  }
0x99: {  	v2 =	vadd.f32 v2, v16;
	vm1 =	veq.f32 v4, v4;
	v8 =	vsub.f32 v11, v15  }
0x9a: {  	vm2 =	vmand vm1, vm0;
	vm1 =	veq.f32 v1, v1;
	v13 =	vsub.f32 v13, v14  }
0x9b: {  	v11 =	vsub.f32 v21, v18;
	v8 =	vmul.f32 v8, v8;
	vm1 =	vmand vm1, vm0  }
.LBB2_7:
0x9c: {  	s17 =	sshra.s32 s18, $0x2;
	p0 =	sne.s32 s18, $0xF000;
	s18 =	sadd.s32 $0x1000, s18;
	v13 =	vmul.f32 v13, v13;
	v7 =	vsub.f32 v9, v7;
	v9 =	vmul.f32 v12, v12  }
0x9d: {  	v10 =	vmul.f32 v10, v10;
	vm3 =	veq.f32 v8, v8;
	v12 =	vld [tilespmem:s17+$0x8160]  }
0x9e: {  	v11 =	vmul.f32 v11, v11;
	v14 =	vld [tilespmem:s17+$0x160];
	v15 =	vmul.f32 v7, v7;
	vm4 =	veq.f32 v9, v9  }
0x9f: {  	vm5 =	vmand vm3, vm0;
	vm6 =	veq.f32 v13, v13;
	v16 =	vld [tilespmem:s17+$0x8170];
	vm3 =	vmand vm4, vm0  }
0xa0: {  	vm4 =	veq.f32 v10, v10;
	vm6 =	vmand vm6, vm0;
	v17 =	vld [tilespmem:s17+$0x8100];
	vm7 =	veq.f32 v15, v15  }
0xa1: {  	v8 =	vnsel vm5, $0x0, v8;
	v19 =	vsel vm5, $0x3F800000, v0;
	v20 =	vnsel vm3, $0x0, v9;
	v18 =	vld [tilespmem:s17+$0x170]  }
0xa2: {  	v23 =	vnsel vm2, $0x0, v4;
	vm4 =	vmand vm4, vm0;
	v22 =	vsel vm6, $0x3F800000, v0;
	v21 =	vld [tilespmem:s17+$0x150]  }
0xa3: {  	v25 =	vsel vm2, $0x3F800000, v0;
	vm5 =	veq.f32 v11, v11;
	v4 =	vnsel vm4, $0x0, v10;
	v24 =	vld [tilespmem:s17+$0x8120]  }
0xa4: {  	vm2 =	vmand vm5, vm0;
	v10 =	vnsel vm6, $0x0, v13;
	v6 =	vadd.f32 v4, v6;
	v7 =	vld [tilespmem:s17+$0x8140]  }
0xa5: {  	v9 =	vsel vm2, $0x3F800000, v0;
	v4 =	vnsel vm2, $0x0, v11;
	v11 =	vsel vm4, $0x3F800000, v0;
	v13 =	vld [tilespmem:s17+$0x8130]  }
0xa6: {  	v3 =	vadd.f32 v9, v3;
	vm2 =	vmand vm7, vm0;
	v26 =	vld [tilespmem:s17+$0x8150];
	v16 =	vsub.f32 v18, v16  }
0xa7: {  	v28 =	vsel vm1, $0x3F800000, v0;
	v5 =	vadd.f32 v4, v5;
	v27 =	vsel vm2, $0x3F800000, v0;
	v18 =	vld [tilespmem:s17+$0x8110]  }
0xa8: {  	v6 =	vadd.f32 v10, v6;
	v10 =	vnsel vm2, $0x0, v15;
	v9 =	vld [tilespmem:s17+$0x140];
	v4 =	vmul.f32 v16, v16  }
0xa9: {  	v12 =	vsub.f32 v14, v12;
	v14 =	vnsel vm1, $0x0, v1;
	v3 =	vadd.f32 v19, v3;
	v15 =	vld [tilespmem:s17+$0x120]  }
0xaa: {  	v2 =	vadd.f32 v11, v2;
	v5 =	vadd.f32 v8, v5;
	v16 =	vld [tilespmem:s17+$0x130];
	vm1 =	veq.f32 v4, v4  }
0xab: {  	v1 =	vmul.f32 v12, v12;
	v3 =	vadd.f32 v27, v3;
	v6 =	vadd.f32 v20, v6;
	v8 =	vld [tilespmem:s17+$0x110]  }
0xac: {  	v2 =	vadd.f32 v22, v2;
	v5 =	vadd.f32 v10, v5;
	vm2 =	vmand vm1, vm0;
	v11 =	vld [tilespmem:s17+$0x100]  }
.Ltmp2:
0xad: {  	v10 =	vsel vm3, $0x3F800000, v0;
	v3 =	vadd.f32 v28, v3;
	v6 =	vadd.f32 v23, v6;
	(pc) =	sbr.rel @p0 .LBB2_7-.Ltmp2, $4  }
0xae: {  	v2 =	vadd.f32 v10, v2;
	vm1 =	veq.f32 v1, v1;
	v15 =	vsub.f32 v15, v24  }
0xaf: {  	v12 =	vsub.f32 v21, v26;
	v13 =	vsub.f32 v16, v13  }
0xb0: {  	v2 =	vadd.f32 v25, v2;
	v10 =	vsub.f32 v8, v18;
	v8 =	vmul.f32 v15, v15  }
0xb1: {  	v5 =	vadd.f32 v14, v5;
	vm1 =	vmand vm1, vm0;
	v11 =	vsub.f32 v11, v17  }
0xb2: {  	v13 =	vmul.f32 v13, v13;
	v7 =	vsub.f32 v9, v7  }
0xb3: {  	s17 =	simm.s32 $0x0;
	v9 =	vmul.f32 v12, v12;
	v10 =	vmul.f32 v10, v10;
	vm3 =	veq.f32 v8, v8  }
0xb4: {  	v4 =	vnsel vm2, $0x0, v4;
	v23 =	vsel vm2, $0x3F800000, v0;
	v12 =	vld [tilespmem:s17+$0x81E0];
	v11 =	vmul.f32 v11, v11  }
0xb5: {  	v14 =	vld [tilespmem:s17+$0x1E0];
	vm5 =	vmand vm3, vm0;
	v7 =	vmul.f32 v7, v7;
	vm4 =	veq.f32 v9, v9  }
0xb6: {  	v15 =	vld [tilespmem:s17+$0x8180];
	vm6 =	veq.f32 v13, v13;
	vm12 =	veq.f32 v10, v10;
	v8 =	vnsel vm5, $0x0, v8  }
0xb7: {  	v16 =	vld [tilespmem:s17+$0x81F0];
	v17 =	vsel vm5, $0x3F800000, v0;
	vm3 =	vmand vm4, vm0;
	vm6 =	vmand vm6, vm0  }
0xb8: {  	v18 =	vld [tilespmem:s17+$0x1D0];
	vm4 =	vmand vm12, vm0;
	vm13 =	veq.f32 v11, v11;
	vm7 =	veq.f32 v7, v7  }
0xb9: {  	v19 =	vld [tilespmem:s17+$0x81B0];
	v9 =	vnsel vm3, $0x0, v9;
	v20 =	vsel vm6, $0x3F800000, v0;
	v10 =	vnsel vm4, $0x0, v10  }
0xba: {  	v21 =	vld [tilespmem:s17+$0x81C0];
	vm5 =	vmand vm13, vm0;
	v24 =	vsel vm4, $0x3F800000, v0;
	v6 =	vadd.f32 v10, v6  }
0xbb: {  	v22 =	vld [tilespmem:s17+$0x81A0];
	v10 =	vnsel vm5, $0x0, v11;
	v11 =	vsel vm5, $0x3F800000, v0;
	v2 =	vadd.f32 v24, v2  }
0xbc: {  	v50 =	vld [tilespmem:s17+$0x81D0];
	v13 =	vnsel vm6, $0x0, v13;
	v3 =	vadd.f32 v11, v3;
	v5 =	vadd.f32 v10, v5  }
0xbd: {  	vm2 =	vmand vm7, vm0;
	v10 =	vld [tilespmem:s17+$0x1A0];
	v12 =	vsub.f32 v14, v12;
	v6 =	vadd.f32 v13, v6  }
0xbe: {  	v51 =	vsel vm2, $0x3F800000, v0;
	v14 =	vld [tilespmem:s17+$0x1B0];
	v3 =	vadd.f32 v17, v3;
	v5 =	vadd.f32 v8, v5  }
0xbf: {  	v7 =	vnsel vm2, $0x0, v7;
	v2 =	vadd.f32 v20, v2;
	v13 =	vld [tilespmem:s17+$0x1C0];
	v6 =	vadd.f32 v9, v6  }
0xc0: {  	v8 =	vld [tilespmem:s17+$0x180];
	v9 =	vsel vm3, $0x3F800000, v0;
	v3 =	vadd.f32 v51, v3;
	v5 =	vadd.f32 v7, v5  }
0xc1: {  	v52 =	vsel vm1, $0x3F800000, v0;
	v11 =	vld [tilespmem:s17+$0x8190];
	v2 =	vadd.f32 v9, v2;
	v4 =	vadd.f32 v4, v6  }
0xc2: {  	v1 =	vnsel vm1, $0x0, v1;
	v7 =	vld [tilespmem:s17+$0x190];
	v10 =	vsub.f32 v10, v22;
	v3 =	vadd.f32 v52, v3  }
0xc3: {  	v9 =	vmul.f32 v12, v12;
	v6 =	vld [tilespmem:s17+$0x1F0];
	v2 =	vadd.f32 v23, v2;
	v1 =	vadd.f32 v1, v5  }
0xc4: {  	v5 =	vsub.f32 v18, v50;
	v12 =	vsub.f32 v13, v21  }
0xc5: {  	vm1 =	veq.f32 v9, v9;
	v13 =	vsub.f32 v14, v19;
	v8 =	vsub.f32 v8, v15  }
0xc6: {  	s18 =	simm.s32 $0x400;
	v10 =	vmul.f32 v10, v10;
	vm1 =	vmand vm1, vm0;
	v5 =	vmul.f32 v5, v5  }
0xc7: {  	v53 =	vld [tilespmem:s18+$0x8180];
	v13 =	vmul.f32 v13, v13;
	v12 =	vmul.f32 v12, v12;
	v7 =	vsub.f32 v7, v11  }
0xc8: {  	v14 =	vld [tilespmem:s18+$0x1E0];
	v8 =	vmul.f32 v8, v8;
	vm2 =	veq.f32 v10, v10;
	v6 =	vsub.f32 v6, v16  }
0xc9: {  	v11 =	vld [tilespmem:s18+$0x81E0];
	vm2 =	vmand vm2, vm0;
	vm15 =	veq.f32 v13, v13;
	v7 =	vmul.f32 v7, v7  }
0xca: {  	v54 =	vld [tilespmem:s18+$0x81F0];
	vm3 =	veq.f32 v8, v8;
	v15 =	vsel vm2, $0x3F800000, v0;
	v10 =	vnsel vm2, $0x0, v10  }
0xcb: {  	v55 =	vld [tilespmem:s18+$0x1D0];
	vm2 =	veq.f32 v12, v12;
	vm3 =	vmand vm3, vm0;
	v6 =	vmul.f32 v6, v6  }
0xcc: {  	v56 =	vld [tilespmem:s18+$0x81B0];
	vm2 =	vmand vm2, vm0;
	vm14 =	veq.f32 v7, v7;
	v8 =	vnsel vm3, $0x0, v8  }
0xcd: {  	v58 =	vld [tilespmem:s18+$0x81C0];
	v62 =	vsel vm2, $0x3F800000, v0;
	vm4 =	vmand vm14, vm0;
	v1 =	vadd.f32 v8, v1  }
0xce: {  	v59 =	vld [tilespmem:s18+$0x81A0];
	v8 =	vsel vm3, $0x3F800000, v0;
	vm3 =	veq.f32 v5, v5;
	v11 =	vsub.f32 v14, v11  }
0xcf: {  	v60 =	vld [tilespmem:s18+$0x1F0];
	v57 =	vsel vm4, $0x3F800000, v0;
	v7 =	vnsel vm4, $0x0, v7;
	vm3 =	vmand vm3, vm0  }
0xd0: {  	v61 =	vld [tilespmem:s18+$0x8190];
	vm4 =	vmand vm15, vm0;
	v10 =	vadd.f32 v10, v1;
	v1 =	vadd.f32 v8, v3  }
0xd1: {  	v2 =	vadd.f32 v57, v2;
	v4 =	vadd.f32 v7, v4;
	v3 =	vnsel vm1, $0x0, v9;
	v8 =	vld [tilespmem:s18+$0x1A0]  }
0xd2: {  	v25 =	vld [tilespmem:s18+$0x180];
	v7 =	vsel vm1, $0x3F800000, v0;
	v9 =	vnsel vm4, $0x0, v13;
	vm1 =	veq.f32 v6, v6  }
0xd3: {  	v63 =	vld [tilespmem:s18+$0x1B0];
	v5 =	vnsel vm3, $0x0, v5;
	v1 =	vadd.f32 v15, v1;
	v15 =	vsel vm4, $0x3F800000, v0  }
0xd4: {  	v13 =	vld [tilespmem:s18+$0x81D0];
	vm1 =	vmand vm1, vm0;
	v9 =	vadd.f32 v9, v4;
	v2 =	vadd.f32 v15, v2  }
0xd5: {  	v14 =	vld [tilespmem:s18+$0x1C0];
	v4 =	vadd.f32 v62, v1;
	v1 =	vmul.f32 v11, v11;
	v11 =	vsel vm3, $0x3F800000, v0  }
0xd6: {  	v26 =	vld [tilespmem:s18+$0x190];
	v15 =	vsel vm1, $0x3F800000, v0;
	v2 =	vadd.f32 v11, v2;
	v22 =	vsub.f32 v8, v59  }
0xd7: {  	v11 =	vnsel vm2, $0x0, v12;
	v8 =	vadd.f32 v5, v9;
	v12 =	vsub.f32 v25, v53  }
0xd8: {  	v4 =	vadd.f32 v7, v4;
	v7 =	vnsel vm1, $0x0, v6;
	v9 =	vadd.f32 v11, v10  }
0xd9: {  	vm1 =	veq.f32 v1, v1;
	v5 =	vadd.f32 v15, v2;
	v2 =	vsub.f32 v55, v13  }
0xda: {  	v11 =	vsub.f32 v14, v58;
	v10 =	vmul.f32 v22, v22;
	v13 =	vsub.f32 v63, v56  }
0xdb: {  	s19 =	simm.s32 $0x2000;
	s18 =	simm.s32 $0x1000;
	v14 =	vsub.f32 v26, v61;
	v6 =	vsub.f32 v60, v54;
	v2 =	vmul.f32 v2, v2  }
.LBB2_9:
0xdc: {  	s20 =	sshra.s32 s19, $0x2;
	p0 =	sne.s32 s19, $0xF000;
	s19 =	sadd.s32 $0x1000, s19;
	v12 =	vmul.f32 v12, v12;
	vm2 =	veq.f32 v10, v10;
	v13 =	vmul.f32 v13, v13  }
0xdd: {  	v11 =	vmul.f32 v11, v11;
	v15 =	vld [tilespmem:s20+$0x81E0];
	v14 =	vmul.f32 v14, v14;
	vm2 =	vmand vm2, vm0  }
0xde: {  	v3 =	vadd.f32 v3, v9;
	v16 =	vld [tilespmem:s20+$0x1E0];
	vm3 =	veq.f32 v12, v12;
	v17 =	vsel vm2, $0x3F800000, v0  }
0xdf: {  	v9 =	vnsel vm2, $0x0, v10;
	v18 =	vld [tilespmem:s20+$0x8180];
	vm3 =	vmand vm3, vm0;
	vm4 =	veq.f32 v14, v14  }
0xe0: {  	v7 =	vadd.f32 v7, v8;
	vm2 =	veq.f32 v11, v11;
	v19 =	vld [tilespmem:s20+$0x81F0];
	v10 =	vnsel vm3, $0x0, v12  }
0xe1: {  	v8 =	vsel vm3, $0x3F800000, v0;
	vm3 =	vmand vm4, vm0;
	v12 =	vld [tilespmem:s20+$0x1D0];
	v3 =	vadd.f32 v10, v3  }
0xe2: {  	vm5 =	vmand vm1, vm0;
	vm4 =	veq.f32 v2, v2;
	v10 =	vsel vm3, $0x3F800000, v0;
	v20 =	vld [tilespmem:s20+$0x81B0]  }
0xe3: {  	v14 =	vnsel vm3, $0x0, v14;
	vm3 =	veq.f32 v13, v13;
	v21 =	vld [tilespmem:s20+$0x81C0];
	v9 =	vadd.f32 v9, v3  }
0xe4: {  	v4 =	vadd.f32 v8, v4;
	vm1 =	vmand vm4, vm0;
	v5 =	vadd.f32 v10, v5;
	v22 =	vld [tilespmem:s20+$0x81A0]  }
0xe5: {  	v8 =	vadd.f32 v14, v7;
	v3 =	vnsel vm5, $0x0, v1;
	v1 =	vmul.f32 v6, v6;
	v23 =	vld [tilespmem:s20+$0x1F0]  }
0xe6: {  	vm2 =	vmand vm2, vm0;
	vm3 =	vmand vm3, vm0;
	v10 =	vsel vm5, $0x3F800000, v0;
	v6 =	vld [tilespmem:s20+$0x8190]  }
0xe7: {  	v4 =	vadd.f32 v17, v4;
	v13 =	vnsel vm3, $0x0, v13;
	vm4 =	veq.f32 v1, v1;
	v14 =	vld [tilespmem:s20+$0x1A0]  }
0xe8: {  	v24 =	vsel vm2, $0x3F800000, v0;
	v7 =	vsel vm3, $0x3F800000, v0;
	vm3 =	vmand vm4, vm0;
	v17 =	vld [tilespmem:s20+$0x81D0]  }
0xe9: {  	v15 =	vsub.f32 v16, v15;
	v5 =	vadd.f32 v7, v5;
	v7 =	vnsel vm3, $0x0, v1;
	v25 =	vld [tilespmem:s20+$0x180]  }
0xea: {  	v8 =	vadd.f32 v13, v8;
	v4 =	vadd.f32 v24, v4;
	v13 =	vsel vm3, $0x3F800000, v0;
	v16 =	vld [tilespmem:s20+$0x1C0]  }
0xeb: {  	v11 =	vnsel vm2, $0x0, v11;
	v1 =	vmul.f32 v15, v15;
	v15 =	vsel vm1, $0x3F800000, v0;
	v24 =	vld [tilespmem:s20+$0x1B0]  }
0xec: {  	v2 =	vnsel vm1, $0x0, v2;
	v4 =	vadd.f32 v10, v4;
	v5 =	vadd.f32 v15, v5;
	v26 =	vld [tilespmem:s20+$0x190]  }
.Ltmp3:
0xed: {  	v8 =	vadd.f32 v2, v8;
	vm1 =	veq.f32 v1, v1;
	v10 =	vsub.f32 v14, v22;
	(pc) =	sbr.rel @p0 .LBB2_9-.Ltmp3, $4  }
0xee: {  	v9 =	vadd.f32 v11, v9;
	v5 =	vadd.f32 v13, v5  }
0xef: {  	v2 =	vsub.f32 v12, v17;
	v11 =	vsub.f32 v16, v21  }
0xf0: {  	v12 =	vsub.f32 v25, v18;
	v10 =	vmul.f32 v10, v10;
	v13 =	vsub.f32 v24, v20  }
0xf1: {  	v2 =	vmul.f32 v2, v2;
	v14 =	vsub.f32 v26, v6;
	v6 =	vsub.f32 v23, v19  }
0xf2: {  	v12 =	vmul.f32 v12, v12;
	vm2 =	veq.f32 v10, v10;
	v13 =	vmul.f32 v13, v13  }
0xf3: {  	v11 =	vmul.f32 v11, v11;
	v3 =	vadd.f32 v3, v9;
	v7 =	vadd.f32 v7, v8  }
0xf4: {  	vm1 =	vmand vm1, vm0;
	v14 =	vmul.f32 v14, v14;
	vm2 =	vmand vm2, vm0  }
0xf5: {  	v8 =	vld [tilespmem:s17+$0x260];
	v6 =	vmul.f32 v6, v6;
	v1 =	vnsel vm1, $0x0, v1;
	vm3 =	veq.f32 v12, v12  }
0xf6: {  	v17 =	vld [tilespmem:s17+$0x8270];
	v15 =	vsel vm2, $0x3F800000, v0;
	v9 =	vnsel vm2, $0x0, v10;
	vm2 =	veq.f32 v11, v11  }
0xf7: {  	v18 =	vld [tilespmem:s17+$0x8200];
	vm15 =	veq.f32 v13, v13;
	vm3 =	vmand vm3, vm0;
	vm4 =	veq.f32 v14, v14  }
0xf8: {  	v19 =	vld [tilespmem:s17+$0x8250];
	vm2 =	vmand vm2, vm0;
	v10 =	vnsel vm3, $0x0, v12;
	vm4 =	vmand vm4, vm0  }
0xf9: {  	v20 =	vld [tilespmem:s17+$0x8210];
	v61 =	vsel vm2, $0x3F800000, v0;
	v3 =	vadd.f32 v10, v3;
	v10 =	vsel vm3, $0x3F800000, v0  }
0xfa: {  	v63 =	vld [tilespmem:s17+$0x210];
	v16 =	vsel vm4, $0x3F800000, v0;
	vm3 =	veq.f32 v2, v2;
	v14 =	vnsel vm4, $0x0, v14  }
0xfb: {  	v21 =	vld [tilespmem:s17+$0x200];
	vm4 =	vmand vm15, vm0;
	v7 =	vadd.f32 v14, v7;
	v9 =	vadd.f32 v9, v3  }
0xfc: {  	vm3 =	vmand vm3, vm0;
	v3 =	vadd.f32 v10, v4;
	v4 =	vadd.f32 v16, v5;
	v5 =	vld [tilespmem:s17+$0x270]  }
0xfd: {  	v12 =	vld [tilespmem:s17+$0x8260];
	v14 =	vsel vm4, $0x3F800000, v0;
	v13 =	vnsel vm4, $0x0, v13;
	v62 =	vsel vm3, $0x3F800000, v0  }
0xfe: {  	v10 =	vld [tilespmem:s17+$0x250];
	v2 =	vnsel vm3, $0x0, v2;
	v7 =	vadd.f32 v13, v7;
	v3 =	vadd.f32 v15, v3  }
0xff: {  	v13 =	vsel vm1, $0x3F800000, v0;
	vm1 =	veq.f32 v6, v6;
	v15 =	vld [tilespmem:s17+$0x8220];
	v4 =	vadd.f32 v14, v4  }
0x100: {  	v14 =	vld [tilespmem:s17+$0x8230];
	vm1 =	vmand vm1, vm0;
	v7 =	vadd.f32 v2, v7;
	v3 =	vadd.f32 v61, v3  }
0x101: {  	v16 =	vadd.f32 v62, v4;
	v4 =	vnsel vm2, $0x0, v11;
	v11 =	vld [tilespmem:s17+$0x220];
	v5 =	vsub.f32 v5, v17  }
0x102: {  	v6 =	vnsel vm1, $0x0, v6;
	v9 =	vadd.f32 v4, v9;
	v3 =	vadd.f32 v13, v3;
	v13 =	vld [tilespmem:s17+$0x230]  }
0x103: {  	v8 =	vsub.f32 v8, v12;
	v6 =	vadd.f32 v6, v7;
	v7 =	vld [tilespmem:s17+$0x8240]  }
0x104: {  	v2 =	vsel vm1, $0x3F800000, v0;
	v4 =	vmul.f32 v5, v5;
	v5 =	vadd.f32 v1, v9;
	v9 =	vld [tilespmem:s17+$0x240]  }
0x105: {  	v12 =	vsub.f32 v10, v19;
	v10 =	vsub.f32 v63, v20;
	v1 =	vmul.f32 v8, v8  }
0x106: {  	v2 =	vadd.f32 v2, v16;
	vm1 =	veq.f32 v4, v4;
	v8 =	vsub.f32 v11, v15  }
0x107: {  	vm2 =	vmand vm1, vm0;
	vm1 =	veq.f32 v1, v1;
	v13 =	vsub.f32 v13, v14  }
0x108: {  	v11 =	vsub.f32 v21, v18;
	v8 =	vmul.f32 v8, v8;
	vm1 =	vmand vm1, vm0  }
.LBB2_11:
0x109: {  	s17 =	sshra.s32 s18, $0x2;
	p0 =	sne.s32 s18, $0xF000;
	s18 =	sadd.s32 $0x1000, s18;
	v13 =	vmul.f32 v13, v13;
	v7 =	vsub.f32 v9, v7;
	v9 =	vmul.f32 v12, v12  }
0x10a: {  	v10 =	vmul.f32 v10, v10;
	vm3 =	veq.f32 v8, v8;
	v12 =	vld [tilespmem:s17+$0x8260]  }
0x10b: {  	v11 =	vmul.f32 v11, v11;
	v14 =	vld [tilespmem:s17+$0x260];
	v15 =	vmul.f32 v7, v7;
	vm4 =	veq.f32 v9, v9  }
0x10c: {  	vm5 =	vmand vm3, vm0;
	vm6 =	veq.f32 v13, v13;
	v16 =	vld [tilespmem:s17+$0x8270];
	vm3 =	vmand vm4, vm0  }
0x10d: {  	vm4 =	veq.f32 v10, v10;
	vm6 =	vmand vm6, vm0;
	v17 =	vld [tilespmem:s17+$0x8200];
	vm7 =	veq.f32 v15, v15  }
0x10e: {  	v8 =	vnsel vm5, $0x0, v8;
	v19 =	vsel vm5, $0x3F800000, v0;
	v20 =	vnsel vm3, $0x0, v9;
	v18 =	vld [tilespmem:s17+$0x270]  }
0x10f: {  	v23 =	vnsel vm2, $0x0, v4;
	vm4 =	vmand vm4, vm0;
	v22 =	vsel vm6, $0x3F800000, v0;
	v21 =	vld [tilespmem:s17+$0x250]  }
0x110: {  	v25 =	vsel vm2, $0x3F800000, v0;
	vm5 =	veq.f32 v11, v11;
	v4 =	vnsel vm4, $0x0, v10;
	v24 =	vld [tilespmem:s17+$0x8220]  }
0x111: {  	vm2 =	vmand vm5, vm0;
	v10 =	vnsel vm6, $0x0, v13;
	v6 =	vadd.f32 v4, v6;
	v7 =	vld [tilespmem:s17+$0x8240]  }
0x112: {  	v9 =	vsel vm2, $0x3F800000, v0;
	v4 =	vnsel vm2, $0x0, v11;
	v11 =	vsel vm4, $0x3F800000, v0;
	v13 =	vld [tilespmem:s17+$0x8230]  }
0x113: {  	v3 =	vadd.f32 v9, v3;
	vm2 =	vmand vm7, vm0;
	v26 =	vld [tilespmem:s17+$0x8250];
	v16 =	vsub.f32 v18, v16  }
0x114: {  	v28 =	vsel vm1, $0x3F800000, v0;
	v5 =	vadd.f32 v4, v5;
	v27 =	vsel vm2, $0x3F800000, v0;
	v18 =	vld [tilespmem:s17+$0x8210]  }
0x115: {  	v6 =	vadd.f32 v10, v6;
	v10 =	vnsel vm2, $0x0, v15;
	v9 =	vld [tilespmem:s17+$0x240];
	v4 =	vmul.f32 v16, v16  }
0x116: {  	v12 =	vsub.f32 v14, v12;
	v14 =	vnsel vm1, $0x0, v1;
	v3 =	vadd.f32 v19, v3;
	v15 =	vld [tilespmem:s17+$0x220]  }
0x117: {  	v2 =	vadd.f32 v11, v2;
	v5 =	vadd.f32 v8, v5;
	v16 =	vld [tilespmem:s17+$0x230];
	vm1 =	veq.f32 v4, v4  }
0x118: {  	v1 =	vmul.f32 v12, v12;
	v3 =	vadd.f32 v27, v3;
	v6 =	vadd.f32 v20, v6;
	v8 =	vld [tilespmem:s17+$0x210]  }
0x119: {  	v2 =	vadd.f32 v22, v2;
	v5 =	vadd.f32 v10, v5;
	vm2 =	vmand vm1, vm0;
	v11 =	vld [tilespmem:s17+$0x200]  }
.Ltmp4:
0x11a: {  	v10 =	vsel vm3, $0x3F800000, v0;
	v3 =	vadd.f32 v28, v3;
	v6 =	vadd.f32 v23, v6;
	(pc) =	sbr.rel @p0 .LBB2_11-.Ltmp4, $4  }
0x11b: {  	v2 =	vadd.f32 v10, v2;
	vm1 =	veq.f32 v1, v1;
	v15 =	vsub.f32 v15, v24  }
0x11c: {  	v12 =	vsub.f32 v21, v26;
	v13 =	vsub.f32 v16, v13  }
0x11d: {  	v2 =	vadd.f32 v25, v2;
	v10 =	vsub.f32 v8, v18;
	v8 =	vmul.f32 v15, v15  }
0x11e: {  	v5 =	vadd.f32 v14, v5;
	vm1 =	vmand vm1, vm0;
	v11 =	vsub.f32 v11, v17  }
0x11f: {  	v13 =	vmul.f32 v13, v13;
	v7 =	vsub.f32 v9, v7  }
0x120: {  	s17 =	simm.s32 $0x0;
	v9 =	vmul.f32 v12, v12;
	v10 =	vmul.f32 v10, v10;
	vm3 =	veq.f32 v8, v8  }
0x121: {  	v4 =	vnsel vm2, $0x0, v4;
	v23 =	vsel vm2, $0x3F800000, v0;
	v12 =	vld [tilespmem:s17+$0x82E0];
	v11 =	vmul.f32 v11, v11  }
0x122: {  	v14 =	vld [tilespmem:s17+$0x2E0];
	vm5 =	vmand vm3, vm0;
	v7 =	vmul.f32 v7, v7;
	vm4 =	veq.f32 v9, v9  }
0x123: {  	v15 =	vld [tilespmem:s17+$0x8280];
	vm6 =	veq.f32 v13, v13;
	vm12 =	veq.f32 v10, v10;
	v8 =	vnsel vm5, $0x0, v8  }
0x124: {  	v16 =	vld [tilespmem:s17+$0x82F0];
	v17 =	vsel vm5, $0x3F800000, v0;
	vm3 =	vmand vm4, vm0;
	vm6 =	vmand vm6, vm0  }
0x125: {  	v18 =	vld [tilespmem:s17+$0x2D0];
	vm4 =	vmand vm12, vm0;
	vm13 =	veq.f32 v11, v11;
	vm7 =	veq.f32 v7, v7  }
0x126: {  	v19 =	vld [tilespmem:s17+$0x82B0];
	v9 =	vnsel vm3, $0x0, v9;
	v20 =	vsel vm6, $0x3F800000, v0;
	v10 =	vnsel vm4, $0x0, v10  }
0x127: {  	v21 =	vld [tilespmem:s17+$0x82C0];
	vm5 =	vmand vm13, vm0;
	v24 =	vsel vm4, $0x3F800000, v0;
	v6 =	vadd.f32 v10, v6  }
0x128: {  	v22 =	vld [tilespmem:s17+$0x82A0];
	v10 =	vnsel vm5, $0x0, v11;
	v11 =	vsel vm5, $0x3F800000, v0;
	v2 =	vadd.f32 v24, v2  }
0x129: {  	v49 =	vld [tilespmem:s17+$0x82D0];
	v13 =	vnsel vm6, $0x0, v13;
	v3 =	vadd.f32 v11, v3;
	v5 =	vadd.f32 v10, v5  }
0x12a: {  	vm2 =	vmand vm7, vm0;
	v10 =	vld [tilespmem:s17+$0x2A0];
	v12 =	vsub.f32 v14, v12;
	v6 =	vadd.f32 v13, v6  }
0x12b: {  	v50 =	vsel vm2, $0x3F800000, v0;
	v14 =	vld [tilespmem:s17+$0x2B0];
	v3 =	vadd.f32 v17, v3;
	v5 =	vadd.f32 v8, v5  }
0x12c: {  	v7 =	vnsel vm2, $0x0, v7;
	v2 =	vadd.f32 v20, v2;
	v13 =	vld [tilespmem:s17+$0x2C0];
	v6 =	vadd.f32 v9, v6  }
0x12d: {  	v8 =	vld [tilespmem:s17+$0x280];
	v9 =	vsel vm3, $0x3F800000, v0;
	v3 =	vadd.f32 v50, v3;
	v5 =	vadd.f32 v7, v5  }
0x12e: {  	v51 =	vsel vm1, $0x3F800000, v0;
	v11 =	vld [tilespmem:s17+$0x8290];
	v2 =	vadd.f32 v9, v2;
	v4 =	vadd.f32 v4, v6  }
0x12f: {  	v1 =	vnsel vm1, $0x0, v1;
	v7 =	vld [tilespmem:s17+$0x290];
	v10 =	vsub.f32 v10, v22;
	v3 =	vadd.f32 v51, v3  }
0x130: {  	v9 =	vmul.f32 v12, v12;
	v6 =	vld [tilespmem:s17+$0x2F0];
	v2 =	vadd.f32 v23, v2;
	v1 =	vadd.f32 v1, v5  }
0x131: {  	v5 =	vsub.f32 v18, v49;
	v12 =	vsub.f32 v13, v21  }
0x132: {  	vm1 =	veq.f32 v9, v9;
	v13 =	vsub.f32 v14, v19;
	v8 =	vsub.f32 v8, v15  }
0x133: {  	s18 =	simm.s32 $0x400;
	v10 =	vmul.f32 v10, v10;
	vm1 =	vmand vm1, vm0;
	v5 =	vmul.f32 v5, v5  }
0x134: {  	v52 =	vld [tilespmem:s18+$0x8280];
	v13 =	vmul.f32 v13, v13;
	v12 =	vmul.f32 v12, v12;
	v7 =	vsub.f32 v7, v11  }
0x135: {  	v14 =	vld [tilespmem:s18+$0x2E0];
	v8 =	vmul.f32 v8, v8;
	vm2 =	veq.f32 v10, v10;
	v6 =	vsub.f32 v6, v16  }
0x136: {  	v11 =	vld [tilespmem:s18+$0x82E0];
	vm2 =	vmand vm2, vm0;
	vm15 =	veq.f32 v13, v13;
	v7 =	vmul.f32 v7, v7  }
0x137: {  	v53 =	vld [tilespmem:s18+$0x82F0];
	vm3 =	veq.f32 v8, v8;
	v15 =	vsel vm2, $0x3F800000, v0;
	v10 =	vnsel vm2, $0x0, v10  }
0x138: {  	v54 =	vld [tilespmem:s18+$0x2D0];
	vm2 =	veq.f32 v12, v12;
	vm3 =	vmand vm3, vm0;
	v6 =	vmul.f32 v6, v6  }
0x139: {  	v55 =	vld [tilespmem:s18+$0x82B0];
	vm2 =	vmand vm2, vm0;
	vm14 =	veq.f32 v7, v7;
	v8 =	vnsel vm3, $0x0, v8  }
0x13a: {  	v57 =	vld [tilespmem:s18+$0x82C0];
	v61 =	vsel vm2, $0x3F800000, v0;
	vm4 =	vmand vm14, vm0;
	v1 =	vadd.f32 v8, v1  }
0x13b: {  	v58 =	vld [tilespmem:s18+$0x2F0];
	v8 =	vsel vm3, $0x3F800000, v0;
	vm3 =	veq.f32 v5, v5;
	v11 =	vsub.f32 v14, v11  }
0x13c: {  	v59 =	vld [tilespmem:s18+$0x2A0];
	v56 =	vsel vm4, $0x3F800000, v0;
	v7 =	vnsel vm4, $0x0, v7;
	v8 =	vadd.f32 v8, v3  }
0x13d: {  	v25 =	vld [tilespmem:s18+$0x280];
	vm3 =	vmand vm3, vm0;
	v3 =	vnsel vm1, $0x0, v9;
	vm4 =	vmand vm15, vm0  }
0x13e: {  	v26 =	vld [tilespmem:s18+$0x2B0];
	v9 =	vsel vm1, $0x3F800000, v0;
	vm1 =	veq.f32 v6, v6;
	v1 =	vadd.f32 v10, v1  }
0x13f: {  	v27 =	vld [tilespmem:s18+$0x290];
	v2 =	vadd.f32 v56, v2;
	v4 =	vadd.f32 v7, v4;
	v13 =	vnsel vm4, $0x0, v13  }
0x140: {  	v10 =	vld [tilespmem:s18+$0x82A0];
	v60 =	vsel vm4, $0x3F800000, v0;
	vm1 =	vmand vm1, vm0;
	v8 =	vadd.f32 v15, v8  }
0x141: {  	v5 =	vnsel vm3, $0x0, v5;
	v15 =	vld [tilespmem:s18+$0x82D0];
	v14 =	vadd.f32 v60, v2;
	v13 =	vadd.f32 v13, v4  }
0x142: {  	v7 =	vld [tilespmem:s18+$0x8290];
	v63 =	vsel vm1, $0x3F800000, v0;
	v4 =	vadd.f32 v61, v8;
	v8 =	vsel vm3, $0x3F800000, v0  }
0x143: {  	v62 =	vld [tilespmem:s18+$0x2C0];
	v2 =	vmul.f32 v11, v11;
	v11 =	vadd.f32 v8, v14;
	v8 =	vadd.f32 v5, v13  }
0x144: {  	v6 =	vnsel vm1, $0x0, v6;
	v13 =	vsub.f32 v26, v55;
	v4 =	vadd.f32 v9, v4  }
0x145: {  	v9 =	vnsel vm2, $0x0, v12;
	v10 =	vsub.f32 v59, v10;
	v12 =	vsub.f32 v25, v52  }
0x146: {  	vm1 =	veq.f32 v2, v2;
	v9 =	vadd.f32 v9, v1;
	v1 =	vsub.f32 v54, v15  }
0x147: {  	v14 =	vsub.f32 v27, v7;
	v7 =	vsub.f32 v58, v53;
	v10 =	vmul.f32 v10, v10  }
0x148: {  	s19 =	simm.s32 $0x2000;
	v5 =	vadd.f32 v63, v11;
	v11 =	vsub.f32 v62, v57;
	v1 =	vmul.f32 v1, v1  }
.LBB2_13:
0x149: {  	s20 =	sshra.s32 s19, $0x2;
	p0 =	sne.s32 s19, $0xF000;
	s19 =	sadd.s32 $0x1000, s19;
	v12 =	vmul.f32 v12, v12;
	vm2 =	veq.f32 v10, v10;
	v13 =	vmul.f32 v13, v13  }
0x14a: {  	v11 =	vmul.f32 v11, v11;
	v15 =	vld [tilespmem:s20+$0x82E0];
	v14 =	vmul.f32 v14, v14;
	vm2 =	vmand vm2, vm0  }
0x14b: {  	v3 =	vadd.f32 v3, v9;
	v16 =	vld [tilespmem:s20+$0x2E0];
	vm3 =	veq.f32 v12, v12;
	v17 =	vsel vm2, $0x3F800000, v0  }
0x14c: {  	v9 =	vnsel vm2, $0x0, v10;
	v18 =	vld [tilespmem:s20+$0x8280];
	vm3 =	vmand vm3, vm0;
	vm4 =	veq.f32 v14, v14  }
0x14d: {  	v6 =	vadd.f32 v6, v8;
	vm2 =	veq.f32 v11, v11;
	v19 =	vld [tilespmem:s20+$0x82F0];
	v10 =	vnsel vm3, $0x0, v12  }
0x14e: {  	v8 =	vsel vm3, $0x3F800000, v0;
	vm3 =	vmand vm4, vm0;
	v12 =	vld [tilespmem:s20+$0x2D0];
	v3 =	vadd.f32 v10, v3  }
0x14f: {  	vm5 =	vmand vm1, vm0;
	vm4 =	veq.f32 v1, v1;
	v10 =	vsel vm3, $0x3F800000, v0;
	v20 =	vld [tilespmem:s20+$0x82B0]  }
0x150: {  	v14 =	vnsel vm3, $0x0, v14;
	vm3 =	veq.f32 v13, v13;
	v21 =	vld [tilespmem:s20+$0x82C0];
	v9 =	vadd.f32 v9, v3  }
0x151: {  	v4 =	vadd.f32 v8, v4;
	vm1 =	vmand vm4, vm0;
	v5 =	vadd.f32 v10, v5;
	v22 =	vld [tilespmem:s20+$0x82A0]  }
0x152: {  	v8 =	vadd.f32 v14, v6;
	v3 =	vnsel vm5, $0x0, v2;
	v2 =	vmul.f32 v7, v7;
	v23 =	vld [tilespmem:s20+$0x2F0]  }
0x153: {  	vm2 =	vmand vm2, vm0;
	vm3 =	vmand vm3, vm0;
	v10 =	vsel vm5, $0x3F800000, v0;
	v7 =	vld [tilespmem:s20+$0x8290]  }
0x154: {  	v4 =	vadd.f32 v17, v4;
	v13 =	vnsel vm3, $0x0, v13;
	vm4 =	veq.f32 v2, v2;
	v14 =	vld [tilespmem:s20+$0x2A0]  }
0x155: {  	v24 =	vsel vm2, $0x3F800000, v0;
	v6 =	vsel vm3, $0x3F800000, v0;
	vm3 =	vmand vm4, vm0;
	v17 =	vld [tilespmem:s20+$0x82D0]  }
0x156: {  	v15 =	vsub.f32 v16, v15;
	v5 =	vadd.f32 v6, v5;
	v6 =	vnsel vm3, $0x0, v2;
	v25 =	vld [tilespmem:s20+$0x280]  }
0x157: {  	v8 =	vadd.f32 v13, v8;
	v4 =	vadd.f32 v24, v4;
	v13 =	vsel vm3, $0x3F800000, v0;
	v16 =	vld [tilespmem:s20+$0x2C0]  }
0x158: {  	v11 =	vnsel vm2, $0x0, v11;
	v2 =	vmul.f32 v15, v15;
	v15 =	vsel vm1, $0x3F800000, v0;
	v24 =	vld [tilespmem:s20+$0x2B0]  }
0x159: {  	v1 =	vnsel vm1, $0x0, v1;
	v4 =	vadd.f32 v10, v4;
	v5 =	vadd.f32 v15, v5;
	v26 =	vld [tilespmem:s20+$0x290]  }
.Ltmp5:
0x15a: {  	v8 =	vadd.f32 v1, v8;
	vm1 =	veq.f32 v2, v2;
	v10 =	vsub.f32 v14, v22;
	(pc) =	sbr.rel @p0 .LBB2_13-.Ltmp5, $4  }
0x15b: {  	v9 =	vadd.f32 v11, v9;
	v5 =	vadd.f32 v13, v5  }
0x15c: {  	v1 =	vsub.f32 v12, v17;
	v11 =	vsub.f32 v16, v21  }
0x15d: {  	v12 =	vsub.f32 v25, v18;
	v10 =	vmul.f32 v10, v10;
	v13 =	vsub.f32 v24, v20  }
0x15e: {  	v1 =	vmul.f32 v1, v1;
	v14 =	vsub.f32 v26, v7;
	v7 =	vsub.f32 v23, v19  }
0x15f: {  	v12 =	vmul.f32 v12, v12;
	vm2 =	veq.f32 v10, v10  }
0x160: {  	v13 =	vmul.f32 v13, v13;
	v11 =	vmul.f32 v11, v11;
	v3 =	vadd.f32 v3, v9  }
0x161: {  	v16 =	vld [tilespmem:s17+$0x8360];
	v6 =	vadd.f32 v6, v8;
	vm1 =	vmand vm1, vm0;
	v14 =	vmul.f32 v14, v14  }
0x162: {  	v9 =	vld [tilespmem:s17+$0x360];
	vm2 =	vmand vm2, vm0;
	v2 =	vnsel vm1, $0x0, v2;
	v7 =	vmul.f32 v7, v7  }
0x163: {  	v17 =	vld [tilespmem:s17+$0x8300];
	v20 =	vsel vm1, $0x3F800000, v0;
	vm3 =	veq.f32 v12, v12;
	v15 =	vsel vm2, $0x3F800000, v0  }
0x164: {  	v8 =	vld [tilespmem:s17+$0x8370];
	v10 =	vnsel vm2, $0x0, v10;
	vm2 =	veq.f32 v11, v11;
	vm13 =	veq.f32 v13, v13  }
0x165: {  	v19 =	vld [tilespmem:s17+$0x350];
	vm3 =	vmand vm3, vm0;
	vm4 =	veq.f32 v14, v14;
	vm2 =	vmand vm2, vm0  }
0x166: {  	v50 =	vld [tilespmem:s17+$0x8310];
	vm1 =	veq.f32 v7, v7;
	v12 =	vnsel vm3, $0x0, v12;
	vm4 =	vmand vm4, vm0  }
0x167: {  	v23 =	vld [tilespmem:s17+$0x8350];
	v22 =	vsel vm2, $0x3F800000, v0;
	vm1 =	vmand vm1, vm0;
	v11 =	vnsel vm2, $0x0, v11  }
0x168: {  	v24 =	vld [tilespmem:s17+$0x340];
	v3 =	vadd.f32 v12, v3;
	v12 =	vsel vm3, $0x3F800000, v0;
	v18 =	vsel vm4, $0x3F800000, v0  }
0x169: {  	v53 =	vld [tilespmem:s17+$0x330];
	vm3 =	veq.f32 v1, v1;
	v14 =	vnsel vm4, $0x0, v14;
	v9 =	vsub.f32 v9, v16  }
0x16a: {  	vm4 =	vmand vm13, vm0;
	v4 =	vadd.f32 v12, v4;
	v5 =	vadd.f32 v18, v5;
	v12 =	vld [tilespmem:s17+$0x8340]  }
0x16b: {  	vm3 =	vmand vm3, vm0;
	v6 =	vadd.f32 v14, v6;
	v14 =	vld [tilespmem:s17+$0x8320];
	v13 =	vnsel vm4, $0x0, v13  }
0x16c: {  	v21 =	vsel vm4, $0x3F800000, v0;
	v3 =	vadd.f32 v10, v3;
	v10 =	vld [tilespmem:s17+$0x8330];
	v4 =	vadd.f32 v15, v4  }
0x16d: {  	v52 =	vsel vm3, $0x3F800000, v0;
	v15 =	vld [tilespmem:s17+$0x320];
	v5 =	vadd.f32 v21, v5;
	v6 =	vadd.f32 v13, v6  }
0x16e: {  	v1 =	vnsel vm3, $0x0, v1;
	v13 =	vld [tilespmem:s17+$0x300];
	v3 =	vadd.f32 v11, v3;
	v4 =	vadd.f32 v22, v4  }
0x16f: {  	v7 =	vnsel vm1, $0x0, v7;
	v11 =	vld [tilespmem:s17+$0x310];
	v5 =	vadd.f32 v52, v5;
	v1 =	vadd.f32 v1, v6  }
0x170: {  	v9 =	vmul.f32 v9, v9;
	v6 =	vld [tilespmem:s17+$0x370];
	v2 =	vadd.f32 v2, v3;
	v12 =	vsub.f32 v24, v12  }
0x171: {  	v51 =	vsel vm1, $0x3F800000, v0;
	v4 =	vadd.f32 v20, v4;
	v1 =	vadd.f32 v7, v1  }
0x172: {  	vm1 =	veq.f32 v9, v9;
	v7 =	vsub.f32 v19, v23;
	v10 =	vsub.f32 v53, v10  }
0x173: {  	vm1 =	vmand vm1, vm0;
	v3 =	vsub.f32 v15, v14;
	v13 =	vsub.f32 v13, v17  }
0x174: {  	v12 =	vmul.f32 v12, v12;
	v11 =	vsub.f32 v11, v50;
	v10 =	vmul.f32 v10, v10  }
0x175: {  	v54 =	vld [tilespmem:s18+$0x8300];
	v3 =	vmul.f32 v3, v3;
	v6 =	vsub.f32 v6, v8;
	v8 =	vmul.f32 v13, v13  }
0x176: {  	v55 =	vld [tilespmem:s18+$0x8370];
	v5 =	vadd.f32 v51, v5;
	v7 =	vmul.f32 v7, v7;
	v11 =	vmul.f32 v11, v11  }
0x177: {  	v14 =	vld [tilespmem:s18+$0x360];
	vm15 =	veq.f32 v10, v10;
	vm2 =	veq.f32 v3, v3;
	vm3 =	veq.f32 v8, v8  }
0x178: {  	v13 =	vld [tilespmem:s18+$0x8360];
	vm2 =	vmand vm2, vm0;
	vm3 =	vmand vm3, vm0;
	vm14 =	veq.f32 v11, v11  }
0x179: {  	v56 =	vld [tilespmem:s18+$0x350];
	v15 =	vsel vm2, $0x3F800000, v0;
	v3 =	vnsel vm2, $0x0, v3;
	v8 =	vnsel vm3, $0x0, v8  }
0x17a: {  	v57 =	vld [tilespmem:s18+$0x8330];
	vm2 =	veq.f32 v12, v12;
	vm4 =	vmand vm14, vm0;
	v2 =	vadd.f32 v8, v2  }
0x17b: {  	v59 =	vld [tilespmem:s18+$0x8340];
	v8 =	vsel vm3, $0x3F800000, v0;
	v58 =	vsel vm4, $0x3F800000, v0;
	vm3 =	veq.f32 v7, v7  }
0x17c: {  	v61 =	vld [tilespmem:s18+$0x8320];
	v11 =	vnsel vm4, $0x0, v11;
	vm4 =	vmand vm15, vm0;
	vm2 =	vmand vm2, vm0  }
0x17d: {  	v62 =	vld [tilespmem:s18+$0x370];
	v13 =	vsub.f32 v14, v13;
	vm3 =	vmand vm3, vm0;
	v1 =	vadd.f32 v11, v1  }
0x17e: {  	v63 =	vld [tilespmem:s18+$0x8310];
	v11 =	vsel vm4, $0x3F800000, v0;
	v60 =	vadd.f32 v3, v2;
	v2 =	vadd.f32 v8, v4  }
0x17f: {  	v4 =	vadd.f32 v58, v5;
	v3 =	vnsel vm1, $0x0, v9;
	v5 =	vmul.f32 v6, v6;
	v8 =	vld [tilespmem:s18+$0x320]  }
0x180: {  	v6 =	vsel vm1, $0x3F800000, v0;
	v9 =	vnsel vm4, $0x0, v10;
	v10 =	vld [tilespmem:s18+$0x8350];
	v2 =	vadd.f32 v15, v2  }
0x181: {  	v25 =	vld [tilespmem:s18+$0x300];
	v1 =	vadd.f32 v9, v1;
	v15 =	vsel vm2, $0x3F800000, v0;
	v4 =	vadd.f32 v11, v4  }
0x182: {  	v26 =	vld [tilespmem:s18+$0x310];
	v9 =	vadd.f32 v15, v2;
	v2 =	vmul.f32 v13, v13;
	v13 =	vsel vm3, $0x3F800000, v0  }
0x183: {  	v7 =	vnsel vm3, $0x0, v7;
	vm1 =	veq.f32 v5, v5;
	v15 =	vld [tilespmem:s18+$0x330];
	v13 =	vadd.f32 v13, v4  }
0x184: {  	v11 =	vld [tilespmem:s18+$0x340];
	vm1 =	vmand vm1, vm0;
	v23 =	vsub.f32 v8, v61;
	v8 =	vadd.f32 v7, v1  }
0x185: {  	v14 =	vsel vm1, $0x3F800000, v0;
	v1 =	vsub.f32 v56, v10;
	v7 =	vsub.f32 v62, v55  }
0x186: {  	v4 =	vadd.f32 v6, v9;
	v9 =	vnsel vm2, $0x0, v12;
	v6 =	vnsel vm1, $0x0, v5  }
0x187: {  	vm1 =	veq.f32 v2, v2;
	v12 =	vsub.f32 v25, v54;
	v9 =	vadd.f32 v9, v60  }
0x188: {  	v5 =	vadd.f32 v14, v13;
	v10 =	vmul.f32 v23, v23;
	v13 =	vsub.f32 v15, v57  }
0x189: {  	s17 =	simm.s32 $0x2000;
	v11 =	vsub.f32 v11, v59;
	v14 =	vsub.f32 v26, v63;
	v1 =	vmul.f32 v1, v1  }
.LBB2_15:
0x18a: {  	s18 =	sshra.s32 s17, $0x2;
	p0 =	sne.s32 s17, $0xF000;
	s17 =	sadd.s32 $0x1000, s17;
	v12 =	vmul.f32 v12, v12;
	vm2 =	veq.f32 v10, v10;
	v13 =	vmul.f32 v13, v13  }
0x18b: {  	v11 =	vmul.f32 v11, v11;
	v15 =	vld [tilespmem:s18+$0x8360];
	v14 =	vmul.f32 v14, v14;
	vm2 =	vmand vm2, vm0  }
0x18c: {  	v3 =	vadd.f32 v3, v9;
	v16 =	vld [tilespmem:s18+$0x360];
	vm3 =	veq.f32 v12, v12;
	v17 =	vsel vm2, $0x3F800000, v0  }
0x18d: {  	v9 =	vnsel vm2, $0x0, v10;
	v18 =	vld [tilespmem:s18+$0x8300];
	vm3 =	vmand vm3, vm0;
	vm4 =	veq.f32 v14, v14  }
0x18e: {  	v6 =	vadd.f32 v6, v8;
	vm2 =	veq.f32 v11, v11;
	v19 =	vld [tilespmem:s18+$0x8370];
	v10 =	vnsel vm3, $0x0, v12  }
0x18f: {  	v8 =	vsel vm3, $0x3F800000, v0;
	vm3 =	vmand vm4, vm0;
	v12 =	vld [tilespmem:s18+$0x350];
	v3 =	vadd.f32 v10, v3  }
0x190: {  	vm5 =	vmand vm1, vm0;
	vm4 =	veq.f32 v1, v1;
	v10 =	vsel vm3, $0x3F800000, v0;
	v20 =	vld [tilespmem:s18+$0x8330]  }
0x191: {  	v14 =	vnsel vm3, $0x0, v14;
	vm3 =	veq.f32 v13, v13;
	v21 =	vld [tilespmem:s18+$0x8340];
	v9 =	vadd.f32 v9, v3  }
0x192: {  	v4 =	vadd.f32 v8, v4;
	vm1 =	vmand vm4, vm0;
	v5 =	vadd.f32 v10, v5;
	v22 =	vld [tilespmem:s18+$0x8320]  }
0x193: {  	v8 =	vadd.f32 v14, v6;
	v3 =	vnsel vm5, $0x0, v2;
	v2 =	vmul.f32 v7, v7;
	v23 =	vld [tilespmem:s18+$0x370]  }
0x194: {  	vm2 =	vmand vm2, vm0;
	vm3 =	vmand vm3, vm0;
	v10 =	vsel vm5, $0x3F800000, v0;
	v7 =	vld [tilespmem:s18+$0x8310]  }
0x195: {  	v4 =	vadd.f32 v17, v4;
	v13 =	vnsel vm3, $0x0, v13;
	vm4 =	veq.f32 v2, v2;
	v14 =	vld [tilespmem:s18+$0x320]  }
0x196: {  	v24 =	vsel vm2, $0x3F800000, v0;
	v6 =	vsel vm3, $0x3F800000, v0;
	vm3 =	vmand vm4, vm0;
	v17 =	vld [tilespmem:s18+$0x8350]  }
0x197: {  	v15 =	vsub.f32 v16, v15;
	v5 =	vadd.f32 v6, v5;
	v6 =	vnsel vm3, $0x0, v2;
	v25 =	vld [tilespmem:s18+$0x300]  }
0x198: {  	v8 =	vadd.f32 v13, v8;
	v4 =	vadd.f32 v24, v4;
	v13 =	vsel vm3, $0x3F800000, v0;
	v16 =	vld [tilespmem:s18+$0x340]  }
0x199: {  	v11 =	vnsel vm2, $0x0, v11;
	v2 =	vmul.f32 v15, v15;
	v15 =	vsel vm1, $0x3F800000, v0;
	v24 =	vld [tilespmem:s18+$0x330]  }
0x19a: {  	v1 =	vnsel vm1, $0x0, v1;
	v4 =	vadd.f32 v10, v4;
	v5 =	vadd.f32 v15, v5;
	v26 =	vld [tilespmem:s18+$0x310]  }
.Ltmp6:
0x19b: {  	v8 =	vadd.f32 v1, v8;
	vm1 =	veq.f32 v2, v2;
	v10 =	vsub.f32 v14, v22;
	(pc) =	sbr.rel @p0 .LBB2_15-.Ltmp6, $4  }
0x19c: {  	v9 =	vadd.f32 v11, v9;
	v5 =	vadd.f32 v13, v5  }
0x19d: {  	v1 =	vsub.f32 v12, v17;
	v11 =	vsub.f32 v16, v21  }
0x19e: {  	v12 =	vsub.f32 v25, v18;
	v10 =	vmul.f32 v10, v10;
	v13 =	vsub.f32 v24, v20  }
0x19f: {  	v1 =	vmul.f32 v1, v1;
	v14 =	vsub.f32 v26, v7;
	v7 =	vsub.f32 v23, v19  }
0x1a0: {  	v12 =	vmul.f32 v12, v12;
	vm2 =	veq.f32 v10, v10  }
0x1a1: {  	v13 =	vmul.f32 v13, v13;
	s17 =	simm.s32 $0x0;
	v11 =	vmul.f32 v11, v11;
	v3 =	vadd.f32 v3, v9  }
0x1a2: {  	v6 =	vadd.f32 v6, v8;
	vm1 =	vmand vm1, vm0;
	v14 =	vmul.f32 v14, v14;
	v16 =	vld [tilespmem:s17+$0x83E0]  }
0x1a3: {  	vm2 =	vmand vm2, vm0;
	v9 =	vld [tilespmem:s17+$0x3E0];
	v2 =	vnsel vm1, $0x0, v2;
	v7 =	vmul.f32 v7, v7  }
0x1a4: {  	v17 =	vld [tilespmem:s17+$0x8380];
	v20 =	vsel vm1, $0x3F800000, v0;
	vm3 =	veq.f32 v12, v12;
	v15 =	vsel vm2, $0x3F800000, v0  }
0x1a5: {  	v8 =	vld [tilespmem:s17+$0x83F0];
	v10 =	vnsel vm2, $0x0, v10;
	vm2 =	veq.f32 v11, v11;
	vm13 =	veq.f32 v13, v13  }
0x1a6: {  	v19 =	vld [tilespmem:s17+$0x3D0];
	vm3 =	vmand vm3, vm0;
	vm4 =	veq.f32 v14, v14;
	vm2 =	vmand vm2, vm0  }
0x1a7: {  	v50 =	vld [tilespmem:s17+$0x8390];
	vm1 =	veq.f32 v7, v7;
	v12 =	vnsel vm3, $0x0, v12;
	vm4 =	vmand vm4, vm0  }
0x1a8: {  	v23 =	vld [tilespmem:s17+$0x83D0];
	v22 =	vsel vm2, $0x3F800000, v0;
	vm1 =	vmand vm1, vm0;
	v11 =	vnsel vm2, $0x0, v11  }
0x1a9: {  	v24 =	vld [tilespmem:s17+$0x3C0];
	v3 =	vadd.f32 v12, v3;
	v12 =	vsel vm3, $0x3F800000, v0;
	v18 =	vsel vm4, $0x3F800000, v0  }
0x1aa: {  	v53 =	vld [tilespmem:s17+$0x3B0];
	vm3 =	veq.f32 v1, v1;
	v14 =	vnsel vm4, $0x0, v14;
	vm4 =	vmand vm13, vm0  }
0x1ab: {  	v4 =	vadd.f32 v12, v4;
	v5 =	vadd.f32 v18, v5;
	v12 =	vld [tilespmem:s17+$0x83C0];
	vm3 =	vmand vm3, vm0  }
0x1ac: {  	v6 =	vadd.f32 v14, v6;
	v14 =	vld [tilespmem:s17+$0x83A0];
	v13 =	vnsel vm4, $0x0, v13;
	v9 =	vsub.f32 v9, v16  }
0x1ad: {  	v21 =	vsel vm4, $0x3F800000, v0;
	v3 =	vadd.f32 v10, v3;
	v10 =	vld [tilespmem:s17+$0x83B0];
	v4 =	vadd.f32 v15, v4  }
0x1ae: {  	v52 =	vsel vm3, $0x3F800000, v0;
	v15 =	vld [tilespmem:s17+$0x3A0];
	v5 =	vadd.f32 v21, v5;
	v6 =	vadd.f32 v13, v6  }
0x1af: {  	v1 =	vnsel vm3, $0x0, v1;
	v13 =	vld [tilespmem:s17+$0x380];
	v3 =	vadd.f32 v11, v3;
	v4 =	vadd.f32 v22, v4  }
0x1b0: {  	v7 =	vnsel vm1, $0x0, v7;
	v11 =	vld [tilespmem:s17+$0x390];
	v5 =	vadd.f32 v52, v5;
	v1 =	vadd.f32 v1, v6  }
0x1b1: {  	v9 =	vmul.f32 v9, v9;
	v6 =	vld [tilespmem:s17+$0x3F0];
	v2 =	vadd.f32 v2, v3;
	v12 =	vsub.f32 v24, v12  }
0x1b2: {  	v51 =	vsel vm1, $0x3F800000, v0;
	v4 =	vadd.f32 v20, v4;
	v1 =	vadd.f32 v7, v1  }
0x1b3: {  	vm1 =	veq.f32 v9, v9;
	v7 =	vsub.f32 v19, v23;
	v10 =	vsub.f32 v53, v10  }
0x1b4: {  	vm1 =	vmand vm1, vm0;
	v3 =	vsub.f32 v15, v14;
	v13 =	vsub.f32 v13, v17  }
0x1b5: {  	s31 =	simm.s32 $0x400;
	v12 =	vmul.f32 v12, v12;
	v11 =	vsub.f32 v11, v50;
	v10 =	vmul.f32 v10, v10  }
0x1b6: {  	v54 =	vld [tilespmem:s31+$0x8380];
	v3 =	vmul.f32 v3, v3;
	v6 =	vsub.f32 v6, v8;
	v8 =	vmul.f32 v13, v13  }
0x1b7: {  	v55 =	vld [tilespmem:s31+$0x83F0];
	v5 =	vadd.f32 v51, v5;
	v7 =	vmul.f32 v7, v7;
	v11 =	vmul.f32 v11, v11  }
0x1b8: {  	v14 =	vld [tilespmem:s31+$0x3E0];
	vm15 =	veq.f32 v10, v10;
	vm2 =	veq.f32 v3, v3;
	vm3 =	veq.f32 v8, v8  }
0x1b9: {  	v13 =	vld [tilespmem:s31+$0x83E0];
	vm2 =	vmand vm2, vm0;
	vm3 =	vmand vm3, vm0;
	vm14 =	veq.f32 v11, v11  }
0x1ba: {  	v56 =	vld [tilespmem:s31+$0x3D0];
	v15 =	vsel vm2, $0x3F800000, v0;
	v3 =	vnsel vm2, $0x0, v3;
	v8 =	vnsel vm3, $0x0, v8  }
0x1bb: {  	v57 =	vld [tilespmem:s31+$0x83B0];
	vm2 =	veq.f32 v12, v12;
	vm4 =	vmand vm14, vm0;
	v2 =	vadd.f32 v8, v2  }
0x1bc: {  	v59 =	vld [tilespmem:s31+$0x83C0];
	v8 =	vsel vm3, $0x3F800000, v0;
	v58 =	vsel vm4, $0x3F800000, v0;
	vm3 =	veq.f32 v7, v7  }
0x1bd: {  	v61 =	vld [tilespmem:s31+$0x83A0];
	v11 =	vnsel vm4, $0x0, v11;
	vm4 =	vmand vm15, vm0;
	vm2 =	vmand vm2, vm0  }
0x1be: {  	v62 =	vld [tilespmem:s31+$0x3F0];
	v13 =	vsub.f32 v14, v13;
	vm3 =	vmand vm3, vm0;
	v1 =	vadd.f32 v11, v1  }
0x1bf: {  	v63 =	vld [tilespmem:s31+$0x8390];
	v11 =	vsel vm4, $0x3F800000, v0;
	v60 =	vadd.f32 v3, v2;
	v2 =	vadd.f32 v8, v4  }
0x1c0: {  	v25 =	vld [tilespmem:s31+$0x380];
	v4 =	vadd.f32 v58, v5;
	v3 =	vnsel vm1, $0x0, v9;
	v5 =	vmul.f32 v6, v6  }
0x1c1: {  	v6 =	vsel vm1, $0x3F800000, v0;
	v8 =	vld [tilespmem:s31+$0x3A0];
	v9 =	vnsel vm4, $0x0, v10;
	v2 =	vadd.f32 v15, v2  }
0x1c2: {  	v10 =	vld [tilespmem:s31+$0x83D0];
	v7 =	vnsel vm3, $0x0, v7;
	v1 =	vadd.f32 v9, v1;
	v15 =	vsel vm2, $0x3F800000, v0  }
0x1c3: {  	v26 =	vld [tilespmem:s31+$0x390];
	vm1 =	veq.f32 v5, v5;
	v4 =	vadd.f32 v11, v4;
	v9 =	vadd.f32 v15, v2  }
0x1c4: {  	vm1 =	vmand vm1, vm0;
	v15 =	vld [tilespmem:s31+$0x3B0];
	v2 =	vmul.f32 v13, v13;
	v13 =	vsel vm3, $0x3F800000, v0  }
0x1c5: {  	v11 =	vld [tilespmem:s31+$0x3C0];
	v14 =	vsel vm1, $0x3F800000, v0;
	v13 =	vadd.f32 v13, v4;
	v4 =	vadd.f32 v6, v9  }
0x1c6: {  	v9 =	vnsel vm2, $0x0, v12;
	v12 =	vsub.f32 v8, v61;
	v8 =	vadd.f32 v7, v1  }
0x1c7: {  	v6 =	vnsel vm1, $0x0, v5;
	v1 =	vsub.f32 v56, v10;
	v7 =	vsub.f32 v62, v55  }
0x1c8: {  	vm1 =	veq.f32 v2, v2;
	v9 =	vadd.f32 v9, v60;
	v5 =	vadd.f32 v14, v13  }
0x1c9: {  	v14 =	vsub.f32 v25, v54;
	v10 =	vmul.f32 v12, v12;
	v12 =	vsub.f32 v15, v57  }
0x1ca: {  	s17 =	simm.s32 $0x2000;
	v11 =	vsub.f32 v11, v59;
	v13 =	vsub.f32 v26, v63;
	v1 =	vmul.f32 v1, v1  }
.LBB2_17:
0x1cb: {  	s18 =	sshra.s32 s17, $0x2;
	p0 =	sne.s32 s17, $0xF000;
	s17 =	sadd.s32 $0x1000, s17;
	v14 =	vmul.f32 v14, v14;
	vm2 =	veq.f32 v10, v10;
	v12 =	vmul.f32 v12, v12  }
0x1cc: {  	v11 =	vmul.f32 v11, v11;
	v15 =	vld [tilespmem:s18+$0x83E0];
	v13 =	vmul.f32 v13, v13;
	vm2 =	vmand vm2, vm0  }
0x1cd: {  	v3 =	vadd.f32 v3, v9;
	v16 =	vld [tilespmem:s18+$0x3E0];
	vm3 =	veq.f32 v14, v14;
	v17 =	vsel vm2, $0x3F800000, v0  }
0x1ce: {  	v9 =	vnsel vm2, $0x0, v10;
	v18 =	vld [tilespmem:s18+$0x8380];
	vm3 =	vmand vm3, vm0;
	vm4 =	veq.f32 v13, v13  }
0x1cf: {  	v6 =	vadd.f32 v6, v8;
	vm2 =	veq.f32 v11, v11;
	v19 =	vld [tilespmem:s18+$0x83F0];
	v10 =	vnsel vm3, $0x0, v14  }
0x1d0: {  	v8 =	vsel vm3, $0x3F800000, v0;
	vm3 =	vmand vm4, vm0;
	v14 =	vld [tilespmem:s18+$0x3D0];
	v3 =	vadd.f32 v10, v3  }
0x1d1: {  	vm5 =	vmand vm1, vm0;
	vm4 =	veq.f32 v1, v1;
	v10 =	vsel vm3, $0x3F800000, v0;
	v20 =	vld [tilespmem:s18+$0x83B0]  }
0x1d2: {  	v13 =	vnsel vm3, $0x0, v13;
	vm3 =	veq.f32 v12, v12;
	v21 =	vld [tilespmem:s18+$0x83C0];
	v9 =	vadd.f32 v9, v3  }
0x1d3: {  	v4 =	vadd.f32 v8, v4;
	vm1 =	vmand vm4, vm0;
	v5 =	vadd.f32 v10, v5;
	v22 =	vld [tilespmem:s18+$0x83A0]  }
0x1d4: {  	v8 =	vadd.f32 v13, v6;
	v3 =	vnsel vm5, $0x0, v2;
	v2 =	vmul.f32 v7, v7;
	v23 =	vld [tilespmem:s18+$0x3F0]  }
0x1d5: {  	vm2 =	vmand vm2, vm0;
	vm3 =	vmand vm3, vm0;
	v10 =	vsel vm5, $0x3F800000, v0;
	v7 =	vld [tilespmem:s18+$0x8390]  }
0x1d6: {  	v4 =	vadd.f32 v17, v4;
	v12 =	vnsel vm3, $0x0, v12;
	vm4 =	veq.f32 v2, v2;
	v13 =	vld [tilespmem:s18+$0x3A0]  }
0x1d7: {  	v24 =	vsel vm2, $0x3F800000, v0;
	v6 =	vsel vm3, $0x3F800000, v0;
	vm3 =	vmand vm4, vm0;
	v17 =	vld [tilespmem:s18+$0x83D0]  }
0x1d8: {  	v15 =	vsub.f32 v16, v15;
	v5 =	vadd.f32 v6, v5;
	v6 =	vnsel vm3, $0x0, v2;
	v25 =	vld [tilespmem:s18+$0x380]  }
0x1d9: {  	v8 =	vadd.f32 v12, v8;
	v4 =	vadd.f32 v24, v4;
	v12 =	vsel vm3, $0x3F800000, v0;
	v16 =	vld [tilespmem:s18+$0x3C0]  }
0x1da: {  	v11 =	vnsel vm2, $0x0, v11;
	v2 =	vmul.f32 v15, v15;
	v15 =	vsel vm1, $0x3F800000, v0;
	v24 =	vld [tilespmem:s18+$0x3B0]  }
0x1db: {  	v1 =	vnsel vm1, $0x0, v1;
	v4 =	vadd.f32 v10, v4;
	v5 =	vadd.f32 v15, v5;
	v26 =	vld [tilespmem:s18+$0x390]  }
.Ltmp7:
0x1dc: {  	v8 =	vadd.f32 v1, v8;
	vm1 =	veq.f32 v2, v2;
	v10 =	vsub.f32 v13, v22;
	(pc) =	sbr.rel @p0 .LBB2_17-.Ltmp7, $4  }
0x1dd: {  	v9 =	vadd.f32 v11, v9;
	v5 =	vadd.f32 v12, v5  }
0x1de: {  	v1 =	vsub.f32 v14, v17;
	v11 =	vsub.f32 v16, v21  }
0x1df: {  	v14 =	vsub.f32 v25, v18;
	v10 =	vmul.f32 v10, v10;
	v12 =	vsub.f32 v24, v20  }
0x1e0: {  	v1 =	vmul.f32 v1, v1;
	v13 =	vsub.f32 v26, v7;
	v7 =	vsub.f32 v23, v19  }
0x1e1: {  	p0 =	seq.s32 s15, $0x7  }
0x1e2: {  	s16 =	sadd.s32 @!p0 s16, s8  }
0x1e3: {  	s16 =	sshll.u32 @!p0 s16, $0x8  }
0x1e4: {  	s18 =	simm.s32 @!p0 $0x0;
	s17 =	sadd.s32 @!p0 s3, s16  }
0x1e5: {  	[tilespmem:s18], [sflag:$0x1] =	stream.linear.gather @!p0 [hbm4b:s17+s18], $0x4000, $0x38;
	[tilespmem:$0x10100] =	vst v63  }
0x1e6: {  	s16 =	sadd.s32 @!p0 s4, s16;
	s17 =	simm.s32 @!p0 $0x8000  }
0x1e7: {  	[tilespmem:s17], [sflag:$0x3] =	stream.linear.gather @!p0 [hbm4b:s16+s18], $0x4000, $0x38;
	[tilespmem:$0x10100] =	vst v63  }
0x1e8: {  	_ =	swait.ge [sflag:s13], $0x4000  }
0x1e9: {  	[sflag:s13] =	ssyncset.done $0x0  }
0x1ea: {  	[sflag:s13] =	ssyncadd.s32 $0xFFFFC000  }
0x1eb: {  	_ =	swait.ge [sflag:s14], $0x4000  }
0x1ec: {  	v14 =	vmul.f32 v14, v14;
	[sflag:s14] =	ssyncset.done $0x0  }
0x1ed: {  	vm2 =	veq.f32 v10, v10;
	v12 =	vmul.f32 v12, v12;
	v11 =	vmul.f32 v11, v11;
	s16 =	simm.s32 $0x0;
	[sflag:s14] =	ssyncadd.s32 $0xFFFFC000  }
0x1ee: {  	v3 =	vadd.f32 v3, v9;
	v6 =	vadd.f32 v6, v8;
	vm3 =	veq.f32 v14, v14;
	v16 =	vld [tilespmem:s16+$0xC060]  }
0x1ef: {  	vm1 =	vmand vm1, vm0;
	v13 =	vmul.f32 v13, v13;
	vm3 =	vmand vm3, vm0;
	v9 =	vld [tilespmem:s16+$0x4060]  }
0x1f0: {  	vm2 =	vmand vm2, vm0;
	v2 =	vnsel vm1, $0x0, v2;
	v14 =	vnsel vm3, $0x0, v14;
	v17 =	vld [tilespmem:s16+$0xC000]  }
0x1f1: {  	v7 =	vmul.f32 v7, v7;
	v20 =	vsel vm1, $0x3F800000, v0;
	v3 =	vadd.f32 v14, v3;
	v8 =	vld [tilespmem:s16+$0xC070]  }
0x1f2: {  	v15 =	vsel vm2, $0x3F800000, v0;
	v10 =	vnsel vm2, $0x0, v10;
	vm4 =	veq.f32 v13, v13;
	v19 =	vld [tilespmem:s16+$0x4050]  }
0x1f3: {  	vm4 =	vmand vm4, vm0;
	v14 =	vsel vm3, $0x3F800000, v0;
	v3 =	vadd.f32 v10, v3;
	v10 =	vld [tilespmem:s16+$0xC030]  }
0x1f4: {  	vm2 =	veq.f32 v11, v11;
	v13 =	vnsel vm4, $0x0, v13;
	v4 =	vadd.f32 v14, v4;
	v14 =	vld [tilespmem:s16+$0xC040]  }
0x1f5: {  	vm2 =	vmand vm2, vm0;
	vm1 =	veq.f32 v7, v7;
	v6 =	vadd.f32 v13, v6;
	v13 =	vld [tilespmem:s16+$0xC020]  }
0x1f6: {  	vm13 =	veq.f32 v12, v12;
	v22 =	vsel vm2, $0x3F800000, v0;
	vm1 =	vmand vm1, vm0;
	v49 =	vld [tilespmem:s16+$0xC010]  }
0x1f7: {  	v18 =	vsel vm4, $0x3F800000, v0;
	vm4 =	vmand vm13, vm0;
	v4 =	vadd.f32 v15, v4;
	v15 =	vld [tilespmem:s16+$0x4020]  }
0x1f8: {  	vm3 =	veq.f32 v1, v1;
	v5 =	vadd.f32 v18, v5;
	v12 =	vnsel vm4, $0x0, v12;
	v23 =	vld [tilespmem:s16+$0xC050]  }
0x1f9: {  	vm3 =	vmand vm3, vm0;
	v21 =	vsel vm4, $0x3F800000, v0;
	v6 =	vadd.f32 v12, v6;
	v12 =	vld [tilespmem:s16+$0x4000]  }
0x1fa: {  	v11 =	vnsel vm2, $0x0, v11;
	v1 =	vnsel vm3, $0x0, v1;
	v5 =	vadd.f32 v21, v5;
	v24 =	vld [tilespmem:s16+$0x4040]  }
0x1fb: {  	v51 =	vsel vm3, $0x3F800000, v0;
	v3 =	vadd.f32 v11, v3;
	v1 =	vadd.f32 v1, v6;
	v52 =	vld [tilespmem:s16+$0x4030]  }
0x1fc: {  	v7 =	vnsel vm1, $0x0, v7;
	v4 =	vadd.f32 v22, v4;
	v5 =	vadd.f32 v51, v5;
	v11 =	vld [tilespmem:s16+$0x4010]  }
0x1fd: {  	v2 =	vadd.f32 v2, v3;
	v1 =	vadd.f32 v7, v1;
	v6 =	vld [tilespmem:s16+$0x4070]  }
0x1fe: {  	v9 =	vsub.f32 v9, v16;
	v3 =	vsub.f32 v15, v13  }
0x1ff: {  	v7 =	vsub.f32 v19, v23;
	v13 =	vsub.f32 v24, v14  }
0x200: {  	v50 =	vsel vm1, $0x3F800000, v0;
	v12 =	vsub.f32 v12, v17;
	v10 =	vsub.f32 v52, v10  }
0x201: {  	v11 =	vsub.f32 v11, v49;
	v9 =	vmul.f32 v9, v9;
	v3 =	vmul.f32 v3, v3  }
0x202: {  	v6 =	vsub.f32 v6, v8;
	v7 =	vmul.f32 v7, v7;
	v8 =	vmul.f32 v12, v12  }
0x203: {  	s31 =	simm.s32 $0x400;
	v4 =	vadd.f32 v20, v4;
	v10 =	vmul.f32 v10, v10;
	v11 =	vmul.f32 v11, v11  }
0x204: {  	v5 =	vadd.f32 v50, v5;
	v53 =	vld [tilespmem:s31+$0xC000];
	v13 =	vmul.f32 v13, v13;
	v6 =	vmul.f32 v6, v6  }
0x205: {  	v54 =	vld [tilespmem:s31+$0xC070];
	vm1 =	veq.f32 v9, v9;
	vm2 =	veq.f32 v3, v3;
	vm3 =	veq.f32 v8, v8  }
0x206: {  	v55 =	vld [tilespmem:s31+$0x4050];
	vm14 =	veq.f32 v11, v11;
	vm15 =	veq.f32 v10, v10;
	vm2 =	vmand vm2, vm0  }
0x207: {  	v14 =	vld [tilespmem:s31+$0x4060];
	vm3 =	vmand vm3, vm0;
	vm4 =	vmand vm14, vm0;
	vm1 =	vmand vm1, vm0  }
0x208: {  	v12 =	vld [tilespmem:s31+$0xC060];
	v15 =	vsel vm2, $0x3F800000, v0;
	v3 =	vnsel vm2, $0x0, v3;
	v8 =	vnsel vm3, $0x0, v8  }
0x209: {  	v56 =	vld [tilespmem:s31+$0xC030];
	vm2 =	veq.f32 v13, v13;
	v57 =	vsel vm4, $0x3F800000, v0;
	v11 =	vnsel vm4, $0x0, v11  }
0x20a: {  	v58 =	vld [tilespmem:s31+$0xC040];
	vm4 =	vmand vm15, vm0;
	v2 =	vadd.f32 v8, v2;
	v8 =	vsel vm3, $0x3F800000, v0  }
0x20b: {  	v59 =	vld [tilespmem:s31+$0xC020];
	vm3 =	veq.f32 v7, v7;
	v5 =	vadd.f32 v57, v5;
	v1 =	vadd.f32 v11, v1  }
0x20c: {  	v60 =	vld [tilespmem:s31+$0x4070];
	vm2 =	vmand vm2, vm0;
	v10 =	vnsel vm4, $0x0, v10;
	v11 =	vsel vm4, $0x3F800000, v0  }
0x20d: {  	v61 =	vld [tilespmem:s31+$0xC010];
	v12 =	vsub.f32 v14, v12;
	v4 =	vadd.f32 v8, v4;
	vm3 =	vmand vm3, vm0  }
0x20e: {  	v25 =	vld [tilespmem:s31+$0x4000];
	v8 =	vsel vm1, $0x3F800000, v0;
	v2 =	vadd.f32 v3, v2;
	v3 =	vnsel vm1, $0x0, v9  }
0x20f: {  	v26 =	vld [tilespmem:s31+$0x4010];
	vm1 =	veq.f32 v6, v6;
	v5 =	vadd.f32 v11, v5;
	v10 =	vadd.f32 v10, v1  }
0x210: {  	v9 =	vld [tilespmem:s31+$0x4020];
	v1 =	vmul.f32 v12, v12;
	v12 =	vsel vm3, $0x3F800000, v0;
	v4 =	vadd.f32 v15, v4  }
0x211: {  	v62 =	vsel vm2, $0x3F800000, v0;
	v15 =	vld [tilespmem:s31+$0xC050];
	vm1 =	vmand vm1, vm0;
	v5 =	vadd.f32 v12, v5  }
0x212: {  	v63 =	vld [tilespmem:s31+$0x4030];
	v14 =	vsel vm1, $0x3F800000, v0;
	v4 =	vadd.f32 v62, v4  }
0x213: {  	v11 =	vld [tilespmem:s31+$0x4040];
	v7 =	vnsel vm3, $0x0, v7;
	v5 =	vadd.f32 v14, v5  }
0x214: {  	v12 =	vnsel vm2, $0x0, v13;
	v14 =	vsub.f32 v26, v61;
	v4 =	vadd.f32 v8, v4  }
0x215: {  	v13 =	vsub.f32 v9, v59;
	v8 =	vadd.f32 v7, v10;
	v7 =	vnsel vm1, $0x0, v6  }
0x216: {  	v9 =	vadd.f32 v12, v2;
	vm1 =	veq.f32 v1, v1;
	v2 =	vsub.f32 v55, v15  }
0x217: {  	v12 =	vsub.f32 v25, v53;
	v10 =	vmul.f32 v13, v13;
	v13 =	vsub.f32 v63, v56  }
0x218: {  	s15 =	sadd.s32 $0x1, s15;
	s17 =	simm.s32 $0x1000;
	s18 =	simm.s32 $0x2000;
	v11 =	vsub.f32 v11, v58;
	v6 =	vsub.f32 v60, v54;
	v2 =	vmul.f32 v2, v2  }
.LBB2_19:
0x219: {  	s19 =	sshra.s32 s18, $0x2;
	p0 =	sne.s32 s18, $0xF000;
	s18 =	sadd.s32 $0x1000, s18;
	v12 =	vmul.f32 v12, v12;
	vm2 =	veq.f32 v10, v10;
	v13 =	vmul.f32 v13, v13  }
0x21a: {  	v11 =	vmul.f32 v11, v11;
	v15 =	vld [tilespmem:s19+$0xC060];
	v14 =	vmul.f32 v14, v14;
	vm2 =	vmand vm2, vm0  }
0x21b: {  	v3 =	vadd.f32 v3, v9;
	v16 =	vld [tilespmem:s19+$0x4060];
	vm3 =	veq.f32 v12, v12;
	v17 =	vsel vm2, $0x3F800000, v0  }
0x21c: {  	v9 =	vnsel vm2, $0x0, v10;
	v18 =	vld [tilespmem:s19+$0xC000];
	vm3 =	vmand vm3, vm0;
	vm4 =	veq.f32 v14, v14  }
0x21d: {  	v7 =	vadd.f32 v7, v8;
	vm2 =	veq.f32 v11, v11;
	v19 =	vld [tilespmem:s19+$0xC070];
	v10 =	vnsel vm3, $0x0, v12  }
0x21e: {  	v8 =	vsel vm3, $0x3F800000, v0;
	vm3 =	vmand vm4, vm0;
	v12 =	vld [tilespmem:s19+$0x4050];
	v3 =	vadd.f32 v10, v3  }
0x21f: {  	vm5 =	vmand vm1, vm0;
	vm4 =	veq.f32 v2, v2;
	v10 =	vsel vm3, $0x3F800000, v0;
	v20 =	vld [tilespmem:s19+$0xC030]  }
0x220: {  	v14 =	vnsel vm3, $0x0, v14;
	vm3 =	veq.f32 v13, v13;
	v21 =	vld [tilespmem:s19+$0xC040];
	v9 =	vadd.f32 v9, v3  }
0x221: {  	v4 =	vadd.f32 v8, v4;
	vm1 =	vmand vm4, vm0;
	v5 =	vadd.f32 v10, v5;
	v22 =	vld [tilespmem:s19+$0xC020]  }
0x222: {  	v8 =	vadd.f32 v14, v7;
	v3 =	vnsel vm5, $0x0, v1;
	v1 =	vmul.f32 v6, v6;
	v23 =	vld [tilespmem:s19+$0x4070]  }
0x223: {  	vm2 =	vmand vm2, vm0;
	vm3 =	vmand vm3, vm0;
	v10 =	vsel vm5, $0x3F800000, v0;
	v6 =	vld [tilespmem:s19+$0xC010]  }
0x224: {  	v4 =	vadd.f32 v17, v4;
	v13 =	vnsel vm3, $0x0, v13;
	vm4 =	veq.f32 v1, v1;
	v14 =	vld [tilespmem:s19+$0x4020]  }
0x225: {  	v24 =	vsel vm2, $0x3F800000, v0;
	v7 =	vsel vm3, $0x3F800000, v0;
	vm3 =	vmand vm4, vm0;
	v17 =	vld [tilespmem:s19+$0xC050]  }
0x226: {  	v15 =	vsub.f32 v16, v15;
	v5 =	vadd.f32 v7, v5;
	v7 =	vnsel vm3, $0x0, v1;
	v25 =	vld [tilespmem:s19+$0x4000]  }
0x227: {  	v8 =	vadd.f32 v13, v8;
	v4 =	vadd.f32 v24, v4;
	v13 =	vsel vm3, $0x3F800000, v0;
	v16 =	vld [tilespmem:s19+$0x4040]  }
0x228: {  	v11 =	vnsel vm2, $0x0, v11;
	v1 =	vmul.f32 v15, v15;
	v15 =	vsel vm1, $0x3F800000, v0;
	v24 =	vld [tilespmem:s19+$0x4030]  }
0x229: {  	v2 =	vnsel vm1, $0x0, v2;
	v4 =	vadd.f32 v10, v4;
	v5 =	vadd.f32 v15, v5;
	v26 =	vld [tilespmem:s19+$0x4010]  }
.Ltmp8:
0x22a: {  	v8 =	vadd.f32 v2, v8;
	vm1 =	veq.f32 v1, v1;
	v10 =	vsub.f32 v14, v22;
	(pc) =	sbr.rel @p0 .LBB2_19-.Ltmp8, $4  }
0x22b: {  	v9 =	vadd.f32 v11, v9;
	v5 =	vadd.f32 v13, v5  }
0x22c: {  	v2 =	vsub.f32 v12, v17;
	v11 =	vsub.f32 v16, v21  }
0x22d: {  	v12 =	vsub.f32 v25, v18;
	v10 =	vmul.f32 v10, v10;
	v13 =	vsub.f32 v24, v20  }
0x22e: {  	v2 =	vmul.f32 v2, v2;
	v14 =	vsub.f32 v26, v6;
	v6 =	vsub.f32 v23, v19  }
0x22f: {  	v12 =	vmul.f32 v12, v12;
	vm2 =	veq.f32 v10, v10;
	v13 =	vmul.f32 v13, v13  }
0x230: {  	v11 =	vmul.f32 v11, v11;
	v3 =	vadd.f32 v3, v9;
	v7 =	vadd.f32 v7, v8  }
0x231: {  	vm1 =	vmand vm1, vm0;
	v14 =	vmul.f32 v14, v14;
	vm2 =	vmand vm2, vm0  }
0x232: {  	v8 =	vld [tilespmem:s16+$0x40E0];
	v6 =	vmul.f32 v6, v6;
	v1 =	vnsel vm1, $0x0, v1;
	vm3 =	veq.f32 v12, v12  }
0x233: {  	v17 =	vld [tilespmem:s16+$0xC0F0];
	v15 =	vsel vm2, $0x3F800000, v0;
	v9 =	vnsel vm2, $0x0, v10;
	vm2 =	veq.f32 v11, v11  }
0x234: {  	v18 =	vld [tilespmem:s16+$0xC080];
	vm15 =	veq.f32 v13, v13;
	vm3 =	vmand vm3, vm0;
	vm4 =	veq.f32 v14, v14  }
0x235: {  	v19 =	vld [tilespmem:s16+$0xC0D0];
	vm2 =	vmand vm2, vm0;
	v10 =	vnsel vm3, $0x0, v12;
	vm4 =	vmand vm4, vm0  }
0x236: {  	v20 =	vld [tilespmem:s16+$0xC090];
	v61 =	vsel vm2, $0x3F800000, v0;
	v3 =	vadd.f32 v10, v3;
	v10 =	vsel vm3, $0x3F800000, v0  }
0x237: {  	v63 =	vld [tilespmem:s16+$0x4090];
	v16 =	vsel vm4, $0x3F800000, v0;
	vm3 =	veq.f32 v2, v2;
	v14 =	vnsel vm4, $0x0, v14  }
0x238: {  	v21 =	vld [tilespmem:s16+$0x4080];
	vm4 =	vmand vm15, vm0;
	v7 =	vadd.f32 v14, v7;
	v9 =	vadd.f32 v9, v3  }
0x239: {  	vm3 =	vmand vm3, vm0;
	v3 =	vadd.f32 v10, v4;
	v4 =	vadd.f32 v16, v5;
	v5 =	vld [tilespmem:s16+$0x40F0]  }
0x23a: {  	v12 =	vld [tilespmem:s16+$0xC0E0];
	v14 =	vsel vm4, $0x3F800000, v0;
	v13 =	vnsel vm4, $0x0, v13;
	v62 =	vsel vm3, $0x3F800000, v0  }
0x23b: {  	v10 =	vld [tilespmem:s16+$0x40D0];
	v2 =	vnsel vm3, $0x0, v2;
	v7 =	vadd.f32 v13, v7;
	v3 =	vadd.f32 v15, v3  }
0x23c: {  	v13 =	vsel vm1, $0x3F800000, v0;
	vm1 =	veq.f32 v6, v6;
	v15 =	vld [tilespmem:s16+$0xC0A0];
	v4 =	vadd.f32 v14, v4  }
0x23d: {  	v14 =	vld [tilespmem:s16+$0xC0B0];
	vm1 =	vmand vm1, vm0;
	v7 =	vadd.f32 v2, v7;
	v3 =	vadd.f32 v61, v3  }
0x23e: {  	v16 =	vadd.f32 v62, v4;
	v4 =	vnsel vm2, $0x0, v11;
	v11 =	vld [tilespmem:s16+$0x40A0];
	v5 =	vsub.f32 v5, v17  }
0x23f: {  	v6 =	vnsel vm1, $0x0, v6;
	v9 =	vadd.f32 v4, v9;
	v3 =	vadd.f32 v13, v3;
	v13 =	vld [tilespmem:s16+$0x40B0]  }
0x240: {  	v8 =	vsub.f32 v8, v12;
	v6 =	vadd.f32 v6, v7;
	v7 =	vld [tilespmem:s16+$0xC0C0]  }
0x241: {  	v2 =	vsel vm1, $0x3F800000, v0;
	v4 =	vmul.f32 v5, v5;
	v5 =	vadd.f32 v1, v9;
	v9 =	vld [tilespmem:s16+$0x40C0]  }
0x242: {  	v12 =	vsub.f32 v10, v19;
	v10 =	vsub.f32 v63, v20;
	v1 =	vmul.f32 v8, v8  }
0x243: {  	v2 =	vadd.f32 v2, v16;
	vm1 =	veq.f32 v4, v4;
	v8 =	vsub.f32 v11, v15  }
0x244: {  	vm2 =	vmand vm1, vm0;
	vm1 =	veq.f32 v1, v1;
	v13 =	vsub.f32 v13, v14  }
0x245: {  	v11 =	vsub.f32 v21, v18;
	v8 =	vmul.f32 v8, v8;
	vm1 =	vmand vm1, vm0  }
.LBB2_21:
0x246: {  	s16 =	sshra.s32 s17, $0x2;
	p0 =	sne.s32 s17, $0xF000;
	s17 =	sadd.s32 $0x1000, s17;
	v13 =	vmul.f32 v13, v13;
	v7 =	vsub.f32 v9, v7;
	v9 =	vmul.f32 v12, v12  }
0x247: {  	v10 =	vmul.f32 v10, v10;
	vm3 =	veq.f32 v8, v8;
	v12 =	vld [tilespmem:s16+$0xC0E0]  }
0x248: {  	v11 =	vmul.f32 v11, v11;
	v14 =	vld [tilespmem:s16+$0x40E0];
	v15 =	vmul.f32 v7, v7;
	vm4 =	veq.f32 v9, v9  }
0x249: {  	vm5 =	vmand vm3, vm0;
	vm6 =	veq.f32 v13, v13;
	v16 =	vld [tilespmem:s16+$0xC0F0];
	vm3 =	vmand vm4, vm0  }
0x24a: {  	vm4 =	veq.f32 v10, v10;
	vm6 =	vmand vm6, vm0;
	v17 =	vld [tilespmem:s16+$0xC080];
	vm7 =	veq.f32 v15, v15  }
0x24b: {  	v8 =	vnsel vm5, $0x0, v8;
	v19 =	vsel vm5, $0x3F800000, v0;
	v20 =	vnsel vm3, $0x0, v9;
	v18 =	vld [tilespmem:s16+$0x40F0]  }
0x24c: {  	v23 =	vnsel vm2, $0x0, v4;
	vm4 =	vmand vm4, vm0;
	v22 =	vsel vm6, $0x3F800000, v0;
	v21 =	vld [tilespmem:s16+$0x40D0]  }
0x24d: {  	v25 =	vsel vm2, $0x3F800000, v0;
	vm5 =	veq.f32 v11, v11;
	v4 =	vnsel vm4, $0x0, v10;
	v24 =	vld [tilespmem:s16+$0xC0A0]  }
0x24e: {  	vm2 =	vmand vm5, vm0;
	v10 =	vnsel vm6, $0x0, v13;
	v6 =	vadd.f32 v4, v6;
	v7 =	vld [tilespmem:s16+$0xC0C0]  }
0x24f: {  	v9 =	vsel vm2, $0x3F800000, v0;
	v4 =	vnsel vm2, $0x0, v11;
	v11 =	vsel vm4, $0x3F800000, v0;
	v13 =	vld [tilespmem:s16+$0xC0B0]  }
0x250: {  	v3 =	vadd.f32 v9, v3;
	vm2 =	vmand vm7, vm0;
	v26 =	vld [tilespmem:s16+$0xC0D0];
	v16 =	vsub.f32 v18, v16  }
0x251: {  	v28 =	vsel vm1, $0x3F800000, v0;
	v5 =	vadd.f32 v4, v5;
	v27 =	vsel vm2, $0x3F800000, v0;
	v18 =	vld [tilespmem:s16+$0xC090]  }
0x252: {  	v6 =	vadd.f32 v10, v6;
	v10 =	vnsel vm2, $0x0, v15;
	v9 =	vld [tilespmem:s16+$0x40C0];
	v4 =	vmul.f32 v16, v16  }
0x253: {  	v12 =	vsub.f32 v14, v12;
	v14 =	vnsel vm1, $0x0, v1;
	v3 =	vadd.f32 v19, v3;
	v15 =	vld [tilespmem:s16+$0x40A0]  }
0x254: {  	v2 =	vadd.f32 v11, v2;
	v5 =	vadd.f32 v8, v5;
	v16 =	vld [tilespmem:s16+$0x40B0];
	vm1 =	veq.f32 v4, v4  }
0x255: {  	v1 =	vmul.f32 v12, v12;
	v3 =	vadd.f32 v27, v3;
	v6 =	vadd.f32 v20, v6;
	v8 =	vld [tilespmem:s16+$0x4090]  }
0x256: {  	v2 =	vadd.f32 v22, v2;
	v5 =	vadd.f32 v10, v5;
	vm2 =	vmand vm1, vm0;
	v11 =	vld [tilespmem:s16+$0x4080]  }
.Ltmp9:
0x257: {  	v10 =	vsel vm3, $0x3F800000, v0;
	v3 =	vadd.f32 v28, v3;
	v6 =	vadd.f32 v23, v6;
	(pc) =	sbr.rel @p0 .LBB2_21-.Ltmp9, $4  }
0x258: {  	v2 =	vadd.f32 v10, v2;
	vm1 =	veq.f32 v1, v1;
	v15 =	vsub.f32 v15, v24  }
0x259: {  	v12 =	vsub.f32 v21, v26;
	v13 =	vsub.f32 v16, v13  }
0x25a: {  	v2 =	vadd.f32 v25, v2;
	v10 =	vsub.f32 v8, v18;
	v8 =	vmul.f32 v15, v15  }
0x25b: {  	v5 =	vadd.f32 v14, v5;
	vm1 =	vmand vm1, vm0;
	v11 =	vsub.f32 v11, v17  }
0x25c: {  	v13 =	vmul.f32 v13, v13;
	v7 =	vsub.f32 v9, v7  }
0x25d: {  	s16 =	simm.s32 $0x0;
	v9 =	vmul.f32 v12, v12;
	v10 =	vmul.f32 v10, v10;
	vm3 =	veq.f32 v8, v8  }
0x25e: {  	v4 =	vnsel vm2, $0x0, v4;
	v23 =	vsel vm2, $0x3F800000, v0;
	v12 =	vld [tilespmem:s16+$0xC160];
	v11 =	vmul.f32 v11, v11  }
0x25f: {  	v14 =	vld [tilespmem:s16+$0x4160];
	vm5 =	vmand vm3, vm0;
	v7 =	vmul.f32 v7, v7;
	vm4 =	veq.f32 v9, v9  }
0x260: {  	v15 =	vld [tilespmem:s16+$0xC100];
	vm6 =	veq.f32 v13, v13;
	vm12 =	veq.f32 v10, v10;
	v8 =	vnsel vm5, $0x0, v8  }
0x261: {  	v16 =	vld [tilespmem:s16+$0xC170];
	v17 =	vsel vm5, $0x3F800000, v0;
	vm3 =	vmand vm4, vm0;
	vm6 =	vmand vm6, vm0  }
0x262: {  	v18 =	vld [tilespmem:s16+$0x4150];
	vm4 =	vmand vm12, vm0;
	vm13 =	veq.f32 v11, v11;
	vm7 =	veq.f32 v7, v7  }
0x263: {  	v19 =	vld [tilespmem:s16+$0xC130];
	v9 =	vnsel vm3, $0x0, v9;
	v20 =	vsel vm6, $0x3F800000, v0;
	v10 =	vnsel vm4, $0x0, v10  }
0x264: {  	v21 =	vld [tilespmem:s16+$0xC140];
	vm5 =	vmand vm13, vm0;
	v24 =	vsel vm4, $0x3F800000, v0;
	v6 =	vadd.f32 v10, v6  }
0x265: {  	v22 =	vld [tilespmem:s16+$0xC120];
	v10 =	vnsel vm5, $0x0, v11;
	v11 =	vsel vm5, $0x3F800000, v0;
	v2 =	vadd.f32 v24, v2  }
0x266: {  	v50 =	vld [tilespmem:s16+$0xC150];
	v13 =	vnsel vm6, $0x0, v13;
	v3 =	vadd.f32 v11, v3;
	v5 =	vadd.f32 v10, v5  }
0x267: {  	vm2 =	vmand vm7, vm0;
	v10 =	vld [tilespmem:s16+$0x4120];
	v12 =	vsub.f32 v14, v12;
	v6 =	vadd.f32 v13, v6  }
0x268: {  	v51 =	vsel vm2, $0x3F800000, v0;
	v14 =	vld [tilespmem:s16+$0x4130];
	v3 =	vadd.f32 v17, v3;
	v5 =	vadd.f32 v8, v5  }
0x269: {  	v7 =	vnsel vm2, $0x0, v7;
	v2 =	vadd.f32 v20, v2;
	v13 =	vld [tilespmem:s16+$0x4140];
	v6 =	vadd.f32 v9, v6  }
0x26a: {  	v8 =	vld [tilespmem:s16+$0x4100];
	v9 =	vsel vm3, $0x3F800000, v0;
	v3 =	vadd.f32 v51, v3;
	v5 =	vadd.f32 v7, v5  }
0x26b: {  	v52 =	vsel vm1, $0x3F800000, v0;
	v11 =	vld [tilespmem:s16+$0xC110];
	v2 =	vadd.f32 v9, v2;
	v4 =	vadd.f32 v4, v6  }
0x26c: {  	v1 =	vnsel vm1, $0x0, v1;
	v7 =	vld [tilespmem:s16+$0x4110];
	v10 =	vsub.f32 v10, v22;
	v3 =	vadd.f32 v52, v3  }
0x26d: {  	v9 =	vmul.f32 v12, v12;
	v6 =	vld [tilespmem:s16+$0x4170];
	v2 =	vadd.f32 v23, v2;
	v1 =	vadd.f32 v1, v5  }
0x26e: {  	v5 =	vsub.f32 v18, v50;
	v12 =	vsub.f32 v13, v21  }
0x26f: {  	vm1 =	veq.f32 v9, v9;
	v13 =	vsub.f32 v14, v19;
	v8 =	vsub.f32 v8, v15  }
0x270: {  	s17 =	simm.s32 $0x400;
	v10 =	vmul.f32 v10, v10;
	vm1 =	vmand vm1, vm0;
	v5 =	vmul.f32 v5, v5  }
0x271: {  	v53 =	vld [tilespmem:s17+$0xC100];
	v13 =	vmul.f32 v13, v13;
	v12 =	vmul.f32 v12, v12;
	v7 =	vsub.f32 v7, v11  }
0x272: {  	v14 =	vld [tilespmem:s17+$0x4160];
	v8 =	vmul.f32 v8, v8;
	vm2 =	veq.f32 v10, v10;
	v6 =	vsub.f32 v6, v16  }
0x273: {  	v11 =	vld [tilespmem:s17+$0xC160];
	vm2 =	vmand vm2, vm0;
	vm15 =	veq.f32 v13, v13;
	v7 =	vmul.f32 v7, v7  }
0x274: {  	v54 =	vld [tilespmem:s17+$0xC170];
	vm3 =	veq.f32 v8, v8;
	v15 =	vsel vm2, $0x3F800000, v0;
	v10 =	vnsel vm2, $0x0, v10  }
0x275: {  	v55 =	vld [tilespmem:s17+$0x4150];
	vm2 =	veq.f32 v12, v12;
	vm3 =	vmand vm3, vm0;
	v6 =	vmul.f32 v6, v6  }
0x276: {  	v56 =	vld [tilespmem:s17+$0xC130];
	vm2 =	vmand vm2, vm0;
	vm14 =	veq.f32 v7, v7;
	v8 =	vnsel vm3, $0x0, v8  }
0x277: {  	v58 =	vld [tilespmem:s17+$0xC140];
	v62 =	vsel vm2, $0x3F800000, v0;
	vm4 =	vmand vm14, vm0;
	v1 =	vadd.f32 v8, v1  }
0x278: {  	v59 =	vld [tilespmem:s17+$0xC120];
	v8 =	vsel vm3, $0x3F800000, v0;
	vm3 =	veq.f32 v5, v5;
	v11 =	vsub.f32 v14, v11  }
0x279: {  	v60 =	vld [tilespmem:s17+$0x4170];
	v57 =	vsel vm4, $0x3F800000, v0;
	v7 =	vnsel vm4, $0x0, v7;
	vm3 =	vmand vm3, vm0  }
0x27a: {  	v61 =	vld [tilespmem:s17+$0xC110];
	vm4 =	vmand vm15, vm0;
	v10 =	vadd.f32 v10, v1;
	v1 =	vadd.f32 v8, v3  }
0x27b: {  	v2 =	vadd.f32 v57, v2;
	v4 =	vadd.f32 v7, v4;
	v3 =	vnsel vm1, $0x0, v9;
	v8 =	vld [tilespmem:s17+$0x4120]  }
0x27c: {  	v25 =	vld [tilespmem:s17+$0x4100];
	v7 =	vsel vm1, $0x3F800000, v0;
	v9 =	vnsel vm4, $0x0, v13;
	vm1 =	veq.f32 v6, v6  }
0x27d: {  	v63 =	vld [tilespmem:s17+$0x4130];
	v5 =	vnsel vm3, $0x0, v5;
	v1 =	vadd.f32 v15, v1;
	v15 =	vsel vm4, $0x3F800000, v0  }
0x27e: {  	v13 =	vld [tilespmem:s17+$0xC150];
	vm1 =	vmand vm1, vm0;
	v9 =	vadd.f32 v9, v4;
	v2 =	vadd.f32 v15, v2  }
0x27f: {  	v14 =	vld [tilespmem:s17+$0x4140];
	v4 =	vadd.f32 v62, v1;
	v1 =	vmul.f32 v11, v11;
	v11 =	vsel vm3, $0x3F800000, v0  }
0x280: {  	v26 =	vld [tilespmem:s17+$0x4110];
	v15 =	vsel vm1, $0x3F800000, v0;
	v2 =	vadd.f32 v11, v2;
	v22 =	vsub.f32 v8, v59  }
0x281: {  	v11 =	vnsel vm2, $0x0, v12;
	v8 =	vadd.f32 v5, v9;
	v12 =	vsub.f32 v25, v53  }
0x282: {  	v4 =	vadd.f32 v7, v4;
	v7 =	vnsel vm1, $0x0, v6;
	v9 =	vadd.f32 v11, v10  }
0x283: {  	vm1 =	veq.f32 v1, v1;
	v5 =	vadd.f32 v15, v2;
	v2 =	vsub.f32 v55, v13  }
0x284: {  	v11 =	vsub.f32 v14, v58;
	v10 =	vmul.f32 v22, v22;
	v13 =	vsub.f32 v63, v56  }
0x285: {  	s18 =	simm.s32 $0x2000;
	s17 =	simm.s32 $0x1000;
	v14 =	vsub.f32 v26, v61;
	v6 =	vsub.f32 v60, v54;
	v2 =	vmul.f32 v2, v2  }
.LBB2_23:
0x286: {  	s19 =	sshra.s32 s18, $0x2;
	p0 =	sne.s32 s18, $0xF000;
	s18 =	sadd.s32 $0x1000, s18;
	v12 =	vmul.f32 v12, v12;
	vm2 =	veq.f32 v10, v10;
	v13 =	vmul.f32 v13, v13  }
0x287: {  	v11 =	vmul.f32 v11, v11;
	v15 =	vld [tilespmem:s19+$0xC160];
	v14 =	vmul.f32 v14, v14;
	vm2 =	vmand vm2, vm0  }
0x288: {  	v3 =	vadd.f32 v3, v9;
	v16 =	vld [tilespmem:s19+$0x4160];
	vm3 =	veq.f32 v12, v12;
	v17 =	vsel vm2, $0x3F800000, v0  }
0x289: {  	v9 =	vnsel vm2, $0x0, v10;
	v18 =	vld [tilespmem:s19+$0xC100];
	vm3 =	vmand vm3, vm0;
	vm4 =	veq.f32 v14, v14  }
0x28a: {  	v7 =	vadd.f32 v7, v8;
	vm2 =	veq.f32 v11, v11;
	v19 =	vld [tilespmem:s19+$0xC170];
	v10 =	vnsel vm3, $0x0, v12  }
0x28b: {  	v8 =	vsel vm3, $0x3F800000, v0;
	vm3 =	vmand vm4, vm0;
	v12 =	vld [tilespmem:s19+$0x4150];
	v3 =	vadd.f32 v10, v3  }
0x28c: {  	vm5 =	vmand vm1, vm0;
	vm4 =	veq.f32 v2, v2;
	v10 =	vsel vm3, $0x3F800000, v0;
	v20 =	vld [tilespmem:s19+$0xC130]  }
0x28d: {  	v14 =	vnsel vm3, $0x0, v14;
	vm3 =	veq.f32 v13, v13;
	v21 =	vld [tilespmem:s19+$0xC140];
	v9 =	vadd.f32 v9, v3  }
0x28e: {  	v4 =	vadd.f32 v8, v4;
	vm1 =	vmand vm4, vm0;
	v5 =	vadd.f32 v10, v5;
	v22 =	vld [tilespmem:s19+$0xC120]  }
0x28f: {  	v8 =	vadd.f32 v14, v7;
	v3 =	vnsel vm5, $0x0, v1;
	v1 =	vmul.f32 v6, v6;
	v23 =	vld [tilespmem:s19+$0x4170]  }
0x290: {  	vm2 =	vmand vm2, vm0;
	vm3 =	vmand vm3, vm0;
	v10 =	vsel vm5, $0x3F800000, v0;
	v6 =	vld [tilespmem:s19+$0xC110]  }
0x291: {  	v4 =	vadd.f32 v17, v4;
	v13 =	vnsel vm3, $0x0, v13;
	vm4 =	veq.f32 v1, v1;
	v14 =	vld [tilespmem:s19+$0x4120]  }
0x292: {  	v24 =	vsel vm2, $0x3F800000, v0;
	v7 =	vsel vm3, $0x3F800000, v0;
	vm3 =	vmand vm4, vm0;
	v17 =	vld [tilespmem:s19+$0xC150]  }
0x293: {  	v15 =	vsub.f32 v16, v15;
	v5 =	vadd.f32 v7, v5;
	v7 =	vnsel vm3, $0x0, v1;
	v25 =	vld [tilespmem:s19+$0x4100]  }
0x294: {  	v8 =	vadd.f32 v13, v8;
	v4 =	vadd.f32 v24, v4;
	v13 =	vsel vm3, $0x3F800000, v0;
	v16 =	vld [tilespmem:s19+$0x4140]  }
0x295: {  	v11 =	vnsel vm2, $0x0, v11;
	v1 =	vmul.f32 v15, v15;
	v15 =	vsel vm1, $0x3F800000, v0;
	v24 =	vld [tilespmem:s19+$0x4130]  }
0x296: {  	v2 =	vnsel vm1, $0x0, v2;
	v4 =	vadd.f32 v10, v4;
	v5 =	vadd.f32 v15, v5;
	v26 =	vld [tilespmem:s19+$0x4110]  }
.Ltmp10:
0x297: {  	v8 =	vadd.f32 v2, v8;
	vm1 =	veq.f32 v1, v1;
	v10 =	vsub.f32 v14, v22;
	(pc) =	sbr.rel @p0 .LBB2_23-.Ltmp10, $4  }
0x298: {  	v9 =	vadd.f32 v11, v9;
	v5 =	vadd.f32 v13, v5  }
0x299: {  	v2 =	vsub.f32 v12, v17;
	v11 =	vsub.f32 v16, v21  }
0x29a: {  	v12 =	vsub.f32 v25, v18;
	v10 =	vmul.f32 v10, v10;
	v13 =	vsub.f32 v24, v20  }
0x29b: {  	v2 =	vmul.f32 v2, v2;
	v14 =	vsub.f32 v26, v6;
	v6 =	vsub.f32 v23, v19  }
0x29c: {  	v12 =	vmul.f32 v12, v12;
	vm2 =	veq.f32 v10, v10;
	v13 =	vmul.f32 v13, v13  }
0x29d: {  	v11 =	vmul.f32 v11, v11;
	v3 =	vadd.f32 v3, v9;
	v7 =	vadd.f32 v7, v8  }
0x29e: {  	vm1 =	vmand vm1, vm0;
	v14 =	vmul.f32 v14, v14;
	vm2 =	vmand vm2, vm0  }
0x29f: {  	v8 =	vld [tilespmem:s16+$0x41E0];
	v6 =	vmul.f32 v6, v6;
	v1 =	vnsel vm1, $0x0, v1;
	vm3 =	veq.f32 v12, v12  }
0x2a0: {  	v17 =	vld [tilespmem:s16+$0xC1F0];
	v15 =	vsel vm2, $0x3F800000, v0;
	v9 =	vnsel vm2, $0x0, v10;
	vm2 =	veq.f32 v11, v11  }
0x2a1: {  	v18 =	vld [tilespmem:s16+$0xC180];
	vm15 =	veq.f32 v13, v13;
	vm3 =	vmand vm3, vm0;
	vm4 =	veq.f32 v14, v14  }
0x2a2: {  	v19 =	vld [tilespmem:s16+$0xC1D0];
	vm2 =	vmand vm2, vm0;
	v10 =	vnsel vm3, $0x0, v12;
	vm4 =	vmand vm4, vm0  }
0x2a3: {  	v20 =	vld [tilespmem:s16+$0xC190];
	v61 =	vsel vm2, $0x3F800000, v0;
	v3 =	vadd.f32 v10, v3;
	v10 =	vsel vm3, $0x3F800000, v0  }
0x2a4: {  	v63 =	vld [tilespmem:s16+$0x4190];
	v16 =	vsel vm4, $0x3F800000, v0;
	vm3 =	veq.f32 v2, v2;
	v14 =	vnsel vm4, $0x0, v14  }
0x2a5: {  	v21 =	vld [tilespmem:s16+$0x4180];
	vm4 =	vmand vm15, vm0;
	v7 =	vadd.f32 v14, v7;
	v9 =	vadd.f32 v9, v3  }
0x2a6: {  	vm3 =	vmand vm3, vm0;
	v3 =	vadd.f32 v10, v4;
	v4 =	vadd.f32 v16, v5;
	v5 =	vld [tilespmem:s16+$0x41F0]  }
0x2a7: {  	v12 =	vld [tilespmem:s16+$0xC1E0];
	v14 =	vsel vm4, $0x3F800000, v0;
	v13 =	vnsel vm4, $0x0, v13;
	v62 =	vsel vm3, $0x3F800000, v0  }
0x2a8: {  	v10 =	vld [tilespmem:s16+$0x41D0];
	v2 =	vnsel vm3, $0x0, v2;
	v7 =	vadd.f32 v13, v7;
	v3 =	vadd.f32 v15, v3  }
0x2a9: {  	v13 =	vsel vm1, $0x3F800000, v0;
	vm1 =	veq.f32 v6, v6;
	v15 =	vld [tilespmem:s16+$0xC1A0];
	v4 =	vadd.f32 v14, v4  }
0x2aa: {  	v14 =	vld [tilespmem:s16+$0xC1B0];
	vm1 =	vmand vm1, vm0;
	v7 =	vadd.f32 v2, v7;
	v3 =	vadd.f32 v61, v3  }
0x2ab: {  	v16 =	vadd.f32 v62, v4;
	v4 =	vnsel vm2, $0x0, v11;
	v11 =	vld [tilespmem:s16+$0x41A0];
	v5 =	vsub.f32 v5, v17  }
0x2ac: {  	v6 =	vnsel vm1, $0x0, v6;
	v9 =	vadd.f32 v4, v9;
	v3 =	vadd.f32 v13, v3;
	v13 =	vld [tilespmem:s16+$0x41B0]  }
0x2ad: {  	v8 =	vsub.f32 v8, v12;
	v6 =	vadd.f32 v6, v7;
	v7 =	vld [tilespmem:s16+$0xC1C0]  }
0x2ae: {  	v2 =	vsel vm1, $0x3F800000, v0;
	v4 =	vmul.f32 v5, v5;
	v5 =	vadd.f32 v1, v9;
	v9 =	vld [tilespmem:s16+$0x41C0]  }
0x2af: {  	v12 =	vsub.f32 v10, v19;
	v10 =	vsub.f32 v63, v20;
	v1 =	vmul.f32 v8, v8  }
0x2b0: {  	v2 =	vadd.f32 v2, v16;
	vm1 =	veq.f32 v4, v4;
	v8 =	vsub.f32 v11, v15  }
0x2b1: {  	vm2 =	vmand vm1, vm0;
	vm1 =	veq.f32 v1, v1;
	v13 =	vsub.f32 v13, v14  }
0x2b2: {  	v11 =	vsub.f32 v21, v18;
	v8 =	vmul.f32 v8, v8;
	vm1 =	vmand vm1, vm0  }
.LBB2_25:
0x2b3: {  	s16 =	sshra.s32 s17, $0x2;
	p0 =	sne.s32 s17, $0xF000;
	s17 =	sadd.s32 $0x1000, s17;
	v13 =	vmul.f32 v13, v13;
	v7 =	vsub.f32 v9, v7;
	v9 =	vmul.f32 v12, v12  }
0x2b4: {  	v10 =	vmul.f32 v10, v10;
	vm3 =	veq.f32 v8, v8;
	v12 =	vld [tilespmem:s16+$0xC1E0]  }
0x2b5: {  	v11 =	vmul.f32 v11, v11;
	v14 =	vld [tilespmem:s16+$0x41E0];
	v15 =	vmul.f32 v7, v7;
	vm4 =	veq.f32 v9, v9  }
0x2b6: {  	vm5 =	vmand vm3, vm0;
	vm6 =	veq.f32 v13, v13;
	v16 =	vld [tilespmem:s16+$0xC1F0];
	vm3 =	vmand vm4, vm0  }
0x2b7: {  	vm4 =	veq.f32 v10, v10;
	vm6 =	vmand vm6, vm0;
	v17 =	vld [tilespmem:s16+$0xC180];
	vm7 =	veq.f32 v15, v15  }
0x2b8: {  	v8 =	vnsel vm5, $0x0, v8;
	v19 =	vsel vm5, $0x3F800000, v0;
	v20 =	vnsel vm3, $0x0, v9;
	v18 =	vld [tilespmem:s16+$0x41F0]  }
0x2b9: {  	v23 =	vnsel vm2, $0x0, v4;
	vm4 =	vmand vm4, vm0;
	v22 =	vsel vm6, $0x3F800000, v0;
	v21 =	vld [tilespmem:s16+$0x41D0]  }
0x2ba: {  	v25 =	vsel vm2, $0x3F800000, v0;
	vm5 =	veq.f32 v11, v11;
	v4 =	vnsel vm4, $0x0, v10;
	v24 =	vld [tilespmem:s16+$0xC1A0]  }
0x2bb: {  	vm2 =	vmand vm5, vm0;
	v10 =	vnsel vm6, $0x0, v13;
	v6 =	vadd.f32 v4, v6;
	v7 =	vld [tilespmem:s16+$0xC1C0]  }
0x2bc: {  	v9 =	vsel vm2, $0x3F800000, v0;
	v4 =	vnsel vm2, $0x0, v11;
	v11 =	vsel vm4, $0x3F800000, v0;
	v13 =	vld [tilespmem:s16+$0xC1B0]  }
0x2bd: {  	v3 =	vadd.f32 v9, v3;
	vm2 =	vmand vm7, vm0;
	v26 =	vld [tilespmem:s16+$0xC1D0];
	v16 =	vsub.f32 v18, v16  }
0x2be: {  	v28 =	vsel vm1, $0x3F800000, v0;
	v5 =	vadd.f32 v4, v5;
	v27 =	vsel vm2, $0x3F800000, v0;
	v18 =	vld [tilespmem:s16+$0xC190]  }
0x2bf: {  	v6 =	vadd.f32 v10, v6;
	v10 =	vnsel vm2, $0x0, v15;
	v9 =	vld [tilespmem:s16+$0x41C0];
	v4 =	vmul.f32 v16, v16  }
0x2c0: {  	v12 =	vsub.f32 v14, v12;
	v14 =	vnsel vm1, $0x0, v1;
	v3 =	vadd.f32 v19, v3;
	v15 =	vld [tilespmem:s16+$0x41A0]  }
0x2c1: {  	v2 =	vadd.f32 v11, v2;
	v5 =	vadd.f32 v8, v5;
	v16 =	vld [tilespmem:s16+$0x41B0];
	vm1 =	veq.f32 v4, v4  }
0x2c2: {  	v1 =	vmul.f32 v12, v12;
	v3 =	vadd.f32 v27, v3;
	v6 =	vadd.f32 v20, v6;
	v8 =	vld [tilespmem:s16+$0x4190]  }
0x2c3: {  	v2 =	vadd.f32 v22, v2;
	v5 =	vadd.f32 v10, v5;
	vm2 =	vmand vm1, vm0;
	v11 =	vld [tilespmem:s16+$0x4180]  }
.Ltmp11:
0x2c4: {  	v10 =	vsel vm3, $0x3F800000, v0;
	v3 =	vadd.f32 v28, v3;
	v6 =	vadd.f32 v23, v6;
	(pc) =	sbr.rel @p0 .LBB2_25-.Ltmp11, $4  }
0x2c5: {  	v2 =	vadd.f32 v10, v2;
	vm1 =	veq.f32 v1, v1;
	v15 =	vsub.f32 v15, v24  }
0x2c6: {  	v12 =	vsub.f32 v21, v26;
	v13 =	vsub.f32 v16, v13  }
0x2c7: {  	v2 =	vadd.f32 v25, v2;
	v10 =	vsub.f32 v8, v18;
	v8 =	vmul.f32 v15, v15  }
0x2c8: {  	v5 =	vadd.f32 v14, v5;
	vm1 =	vmand vm1, vm0;
	v11 =	vsub.f32 v11, v17  }
0x2c9: {  	v13 =	vmul.f32 v13, v13;
	v7 =	vsub.f32 v9, v7  }
0x2ca: {  	s16 =	simm.s32 $0x0;
	v9 =	vmul.f32 v12, v12;
	v10 =	vmul.f32 v10, v10;
	vm3 =	veq.f32 v8, v8  }
0x2cb: {  	v4 =	vnsel vm2, $0x0, v4;
	v23 =	vsel vm2, $0x3F800000, v0;
	v12 =	vld [tilespmem:s16+$0xC260];
	v11 =	vmul.f32 v11, v11  }
0x2cc: {  	v14 =	vld [tilespmem:s16+$0x4260];
	vm5 =	vmand vm3, vm0;
	v7 =	vmul.f32 v7, v7;
	vm4 =	veq.f32 v9, v9  }
0x2cd: {  	v15 =	vld [tilespmem:s16+$0xC200];
	vm6 =	veq.f32 v13, v13;
	vm12 =	veq.f32 v10, v10;
	v8 =	vnsel vm5, $0x0, v8  }
0x2ce: {  	v16 =	vld [tilespmem:s16+$0xC270];
	v17 =	vsel vm5, $0x3F800000, v0;
	vm3 =	vmand vm4, vm0;
	vm6 =	vmand vm6, vm0  }
0x2cf: {  	v18 =	vld [tilespmem:s16+$0x4250];
	vm4 =	vmand vm12, vm0;
	vm13 =	veq.f32 v11, v11;
	vm7 =	veq.f32 v7, v7  }
0x2d0: {  	v19 =	vld [tilespmem:s16+$0xC230];
	v9 =	vnsel vm3, $0x0, v9;
	v20 =	vsel vm6, $0x3F800000, v0;
	v10 =	vnsel vm4, $0x0, v10  }
0x2d1: {  	v21 =	vld [tilespmem:s16+$0xC240];
	vm5 =	vmand vm13, vm0;
	v24 =	vsel vm4, $0x3F800000, v0;
	v6 =	vadd.f32 v10, v6  }
0x2d2: {  	v22 =	vld [tilespmem:s16+$0xC220];
	v10 =	vnsel vm5, $0x0, v11;
	v11 =	vsel vm5, $0x3F800000, v0;
	v2 =	vadd.f32 v24, v2  }
0x2d3: {  	v50 =	vld [tilespmem:s16+$0xC250];
	v13 =	vnsel vm6, $0x0, v13;
	v3 =	vadd.f32 v11, v3;
	v5 =	vadd.f32 v10, v5  }
0x2d4: {  	vm2 =	vmand vm7, vm0;
	v10 =	vld [tilespmem:s16+$0x4220];
	v12 =	vsub.f32 v14, v12;
	v6 =	vadd.f32 v13, v6  }
0x2d5: {  	v51 =	vsel vm2, $0x3F800000, v0;
	v14 =	vld [tilespmem:s16+$0x4230];
	v3 =	vadd.f32 v17, v3;
	v5 =	vadd.f32 v8, v5  }
0x2d6: {  	v7 =	vnsel vm2, $0x0, v7;
	v2 =	vadd.f32 v20, v2;
	v13 =	vld [tilespmem:s16+$0x4240];
	v6 =	vadd.f32 v9, v6  }
0x2d7: {  	v8 =	vld [tilespmem:s16+$0x4200];
	v9 =	vsel vm3, $0x3F800000, v0;
	v3 =	vadd.f32 v51, v3;
	v5 =	vadd.f32 v7, v5  }
0x2d8: {  	v52 =	vsel vm1, $0x3F800000, v0;
	v11 =	vld [tilespmem:s16+$0xC210];
	v2 =	vadd.f32 v9, v2;
	v4 =	vadd.f32 v4, v6  }
0x2d9: {  	v1 =	vnsel vm1, $0x0, v1;
	v7 =	vld [tilespmem:s16+$0x4210];
	v10 =	vsub.f32 v10, v22;
	v3 =	vadd.f32 v52, v3  }
0x2da: {  	v9 =	vmul.f32 v12, v12;
	v6 =	vld [tilespmem:s16+$0x4270];
	v2 =	vadd.f32 v23, v2;
	v1 =	vadd.f32 v1, v5  }
0x2db: {  	v5 =	vsub.f32 v18, v50;
	v12 =	vsub.f32 v13, v21  }
0x2dc: {  	vm1 =	veq.f32 v9, v9;
	v13 =	vsub.f32 v14, v19;
	v8 =	vsub.f32 v8, v15  }
0x2dd: {  	s17 =	simm.s32 $0x400;
	v10 =	vmul.f32 v10, v10;
	vm1 =	vmand vm1, vm0;
	v5 =	vmul.f32 v5, v5  }
0x2de: {  	v53 =	vld [tilespmem:s17+$0xC200];
	v13 =	vmul.f32 v13, v13;
	v12 =	vmul.f32 v12, v12;
	v7 =	vsub.f32 v7, v11  }
0x2df: {  	v14 =	vld [tilespmem:s17+$0x4260];
	v8 =	vmul.f32 v8, v8;
	vm2 =	veq.f32 v10, v10;
	v6 =	vsub.f32 v6, v16  }
0x2e0: {  	v11 =	vld [tilespmem:s17+$0xC260];
	vm2 =	vmand vm2, vm0;
	vm15 =	veq.f32 v13, v13;
	v7 =	vmul.f32 v7, v7  }
0x2e1: {  	v54 =	vld [tilespmem:s17+$0xC270];
	vm3 =	veq.f32 v8, v8;
	v15 =	vsel vm2, $0x3F800000, v0;
	v10 =	vnsel vm2, $0x0, v10  }
0x2e2: {  	v55 =	vld [tilespmem:s17+$0x4250];
	vm2 =	veq.f32 v12, v12;
	vm3 =	vmand vm3, vm0;
	v6 =	vmul.f32 v6, v6  }
0x2e3: {  	v56 =	vld [tilespmem:s17+$0xC230];
	vm2 =	vmand vm2, vm0;
	vm14 =	veq.f32 v7, v7;
	v8 =	vnsel vm3, $0x0, v8  }
0x2e4: {  	v58 =	vld [tilespmem:s17+$0xC240];
	v62 =	vsel vm2, $0x3F800000, v0;
	vm4 =	vmand vm14, vm0;
	v1 =	vadd.f32 v8, v1  }
0x2e5: {  	v59 =	vld [tilespmem:s17+$0xC220];
	v8 =	vsel vm3, $0x3F800000, v0;
	vm3 =	veq.f32 v5, v5;
	v11 =	vsub.f32 v14, v11  }
0x2e6: {  	v60 =	vld [tilespmem:s17+$0x4270];
	v57 =	vsel vm4, $0x3F800000, v0;
	v7 =	vnsel vm4, $0x0, v7;
	vm3 =	vmand vm3, vm0  }
0x2e7: {  	v61 =	vld [tilespmem:s17+$0xC210];
	vm4 =	vmand vm15, vm0;
	v10 =	vadd.f32 v10, v1;
	v1 =	vadd.f32 v8, v3  }
0x2e8: {  	v2 =	vadd.f32 v57, v2;
	v4 =	vadd.f32 v7, v4;
	v3 =	vnsel vm1, $0x0, v9;
	v8 =	vld [tilespmem:s17+$0x4220]  }
0x2e9: {  	v25 =	vld [tilespmem:s17+$0x4200];
	v7 =	vsel vm1, $0x3F800000, v0;
	v9 =	vnsel vm4, $0x0, v13;
	vm1 =	veq.f32 v6, v6  }
0x2ea: {  	v63 =	vld [tilespmem:s17+$0x4230];
	v5 =	vnsel vm3, $0x0, v5;
	v1 =	vadd.f32 v15, v1;
	v15 =	vsel vm4, $0x3F800000, v0  }
0x2eb: {  	v13 =	vld [tilespmem:s17+$0xC250];
	vm1 =	vmand vm1, vm0;
	v9 =	vadd.f32 v9, v4;
	v2 =	vadd.f32 v15, v2  }
0x2ec: {  	v14 =	vld [tilespmem:s17+$0x4240];
	v4 =	vadd.f32 v62, v1;
	v1 =	vmul.f32 v11, v11;
	v11 =	vsel vm3, $0x3F800000, v0  }
0x2ed: {  	v26 =	vld [tilespmem:s17+$0x4210];
	v15 =	vsel vm1, $0x3F800000, v0;
	v2 =	vadd.f32 v11, v2;
	v22 =	vsub.f32 v8, v59  }
0x2ee: {  	v11 =	vnsel vm2, $0x0, v12;
	v8 =	vadd.f32 v5, v9;
	v12 =	vsub.f32 v25, v53  }
0x2ef: {  	v4 =	vadd.f32 v7, v4;
	v7 =	vnsel vm1, $0x0, v6;
	v9 =	vadd.f32 v11, v10  }
0x2f0: {  	vm1 =	veq.f32 v1, v1;
	v5 =	vadd.f32 v15, v2;
	v2 =	vsub.f32 v55, v13  }
0x2f1: {  	v11 =	vsub.f32 v14, v58;
	v10 =	vmul.f32 v22, v22;
	v13 =	vsub.f32 v63, v56  }
0x2f2: {  	s18 =	simm.s32 $0x2000;
	s17 =	simm.s32 $0x1000;
	v14 =	vsub.f32 v26, v61;
	v6 =	vsub.f32 v60, v54;
	v2 =	vmul.f32 v2, v2  }
.LBB2_27:
0x2f3: {  	s19 =	sshra.s32 s18, $0x2;
	p0 =	sne.s32 s18, $0xF000;
	s18 =	sadd.s32 $0x1000, s18;
	v12 =	vmul.f32 v12, v12;
	vm2 =	veq.f32 v10, v10;
	v13 =	vmul.f32 v13, v13  }
0x2f4: {  	v11 =	vmul.f32 v11, v11;
	v15 =	vld [tilespmem:s19+$0xC260];
	v14 =	vmul.f32 v14, v14;
	vm2 =	vmand vm2, vm0  }
0x2f5: {  	v3 =	vadd.f32 v3, v9;
	v16 =	vld [tilespmem:s19+$0x4260];
	vm3 =	veq.f32 v12, v12;
	v17 =	vsel vm2, $0x3F800000, v0  }
0x2f6: {  	v9 =	vnsel vm2, $0x0, v10;
	v18 =	vld [tilespmem:s19+$0xC200];
	vm3 =	vmand vm3, vm0;
	vm4 =	veq.f32 v14, v14  }
0x2f7: {  	v7 =	vadd.f32 v7, v8;
	vm2 =	veq.f32 v11, v11;
	v19 =	vld [tilespmem:s19+$0xC270];
	v10 =	vnsel vm3, $0x0, v12  }
0x2f8: {  	v8 =	vsel vm3, $0x3F800000, v0;
	vm3 =	vmand vm4, vm0;
	v12 =	vld [tilespmem:s19+$0x4250];
	v3 =	vadd.f32 v10, v3  }
0x2f9: {  	vm5 =	vmand vm1, vm0;
	vm4 =	veq.f32 v2, v2;
	v10 =	vsel vm3, $0x3F800000, v0;
	v20 =	vld [tilespmem:s19+$0xC230]  }
0x2fa: {  	v14 =	vnsel vm3, $0x0, v14;
	vm3 =	veq.f32 v13, v13;
	v21 =	vld [tilespmem:s19+$0xC240];
	v9 =	vadd.f32 v9, v3  }
0x2fb: {  	v4 =	vadd.f32 v8, v4;
	vm1 =	vmand vm4, vm0;
	v5 =	vadd.f32 v10, v5;
	v22 =	vld [tilespmem:s19+$0xC220]  }
0x2fc: {  	v8 =	vadd.f32 v14, v7;
	v3 =	vnsel vm5, $0x0, v1;
	v1 =	vmul.f32 v6, v6;
	v23 =	vld [tilespmem:s19+$0x4270]  }
0x2fd: {  	vm2 =	vmand vm2, vm0;
	vm3 =	vmand vm3, vm0;
	v10 =	vsel vm5, $0x3F800000, v0;
	v6 =	vld [tilespmem:s19+$0xC210]  }
0x2fe: {  	v4 =	vadd.f32 v17, v4;
	v13 =	vnsel vm3, $0x0, v13;
	vm4 =	veq.f32 v1, v1;
	v14 =	vld [tilespmem:s19+$0x4220]  }
0x2ff: {  	v24 =	vsel vm2, $0x3F800000, v0;
	v7 =	vsel vm3, $0x3F800000, v0;
	vm3 =	vmand vm4, vm0;
	v17 =	vld [tilespmem:s19+$0xC250]  }
0x300: {  	v15 =	vsub.f32 v16, v15;
	v5 =	vadd.f32 v7, v5;
	v7 =	vnsel vm3, $0x0, v1;
	v25 =	vld [tilespmem:s19+$0x4200]  }
0x301: {  	v8 =	vadd.f32 v13, v8;
	v4 =	vadd.f32 v24, v4;
	v13 =	vsel vm3, $0x3F800000, v0;
	v16 =	vld [tilespmem:s19+$0x4240]  }
0x302: {  	v11 =	vnsel vm2, $0x0, v11;
	v1 =	vmul.f32 v15, v15;
	v15 =	vsel vm1, $0x3F800000, v0;
	v24 =	vld [tilespmem:s19+$0x4230]  }
0x303: {  	v2 =	vnsel vm1, $0x0, v2;
	v4 =	vadd.f32 v10, v4;
	v5 =	vadd.f32 v15, v5;
	v26 =	vld [tilespmem:s19+$0x4210]  }
.Ltmp12:
0x304: {  	v8 =	vadd.f32 v2, v8;
	vm1 =	veq.f32 v1, v1;
	v10 =	vsub.f32 v14, v22;
	(pc) =	sbr.rel @p0 .LBB2_27-.Ltmp12, $4  }
0x305: {  	v9 =	vadd.f32 v11, v9;
	v5 =	vadd.f32 v13, v5  }
0x306: {  	v2 =	vsub.f32 v12, v17;
	v11 =	vsub.f32 v16, v21  }
0x307: {  	v12 =	vsub.f32 v25, v18;
	v10 =	vmul.f32 v10, v10;
	v13 =	vsub.f32 v24, v20  }
0x308: {  	v2 =	vmul.f32 v2, v2;
	v14 =	vsub.f32 v26, v6;
	v6 =	vsub.f32 v23, v19  }
0x309: {  	v12 =	vmul.f32 v12, v12;
	vm2 =	veq.f32 v10, v10;
	v13 =	vmul.f32 v13, v13  }
0x30a: {  	v11 =	vmul.f32 v11, v11;
	v3 =	vadd.f32 v3, v9;
	v7 =	vadd.f32 v7, v8  }
0x30b: {  	vm1 =	vmand vm1, vm0;
	v14 =	vmul.f32 v14, v14;
	vm2 =	vmand vm2, vm0  }
0x30c: {  	v8 =	vld [tilespmem:s16+$0x42E0];
	v6 =	vmul.f32 v6, v6;
	v1 =	vnsel vm1, $0x0, v1;
	vm3 =	veq.f32 v12, v12  }
0x30d: {  	v17 =	vld [tilespmem:s16+$0xC2F0];
	v15 =	vsel vm2, $0x3F800000, v0;
	v9 =	vnsel vm2, $0x0, v10;
	vm2 =	veq.f32 v11, v11  }
0x30e: {  	v18 =	vld [tilespmem:s16+$0xC280];
	vm15 =	veq.f32 v13, v13;
	vm3 =	vmand vm3, vm0;
	vm4 =	veq.f32 v14, v14  }
0x30f: {  	v19 =	vld [tilespmem:s16+$0xC2D0];
	vm2 =	vmand vm2, vm0;
	v10 =	vnsel vm3, $0x0, v12;
	vm4 =	vmand vm4, vm0  }
0x310: {  	v20 =	vld [tilespmem:s16+$0xC290];
	v61 =	vsel vm2, $0x3F800000, v0;
	v3 =	vadd.f32 v10, v3;
	v10 =	vsel vm3, $0x3F800000, v0  }
0x311: {  	v63 =	vld [tilespmem:s16+$0x4290];
	v16 =	vsel vm4, $0x3F800000, v0;
	vm3 =	veq.f32 v2, v2;
	v14 =	vnsel vm4, $0x0, v14  }
0x312: {  	v21 =	vld [tilespmem:s16+$0x4280];
	vm4 =	vmand vm15, vm0;
	v7 =	vadd.f32 v14, v7;
	v9 =	vadd.f32 v9, v3  }
0x313: {  	vm3 =	vmand vm3, vm0;
	v3 =	vadd.f32 v10, v4;
	v4 =	vadd.f32 v16, v5;
	v5 =	vld [tilespmem:s16+$0x42F0]  }
0x314: {  	v12 =	vld [tilespmem:s16+$0xC2E0];
	v14 =	vsel vm4, $0x3F800000, v0;
	v13 =	vnsel vm4, $0x0, v13;
	v62 =	vsel vm3, $0x3F800000, v0  }
0x315: {  	v10 =	vld [tilespmem:s16+$0x42D0];
	v2 =	vnsel vm3, $0x0, v2;
	v7 =	vadd.f32 v13, v7;
	v3 =	vadd.f32 v15, v3  }
0x316: {  	v13 =	vsel vm1, $0x3F800000, v0;
	vm1 =	veq.f32 v6, v6;
	v15 =	vld [tilespmem:s16+$0xC2A0];
	v4 =	vadd.f32 v14, v4  }
0x317: {  	v14 =	vld [tilespmem:s16+$0xC2B0];
	vm1 =	vmand vm1, vm0;
	v7 =	vadd.f32 v2, v7;
	v3 =	vadd.f32 v61, v3  }
0x318: {  	v16 =	vadd.f32 v62, v4;
	v4 =	vnsel vm2, $0x0, v11;
	v11 =	vld [tilespmem:s16+$0x42A0];
	v5 =	vsub.f32 v5, v17  }
0x319: {  	v6 =	vnsel vm1, $0x0, v6;
	v9 =	vadd.f32 v4, v9;
	v3 =	vadd.f32 v13, v3;
	v13 =	vld [tilespmem:s16+$0x42B0]  }
0x31a: {  	v8 =	vsub.f32 v8, v12;
	v6 =	vadd.f32 v6, v7;
	v7 =	vld [tilespmem:s16+$0xC2C0]  }
0x31b: {  	v2 =	vsel vm1, $0x3F800000, v0;
	v4 =	vmul.f32 v5, v5;
	v5 =	vadd.f32 v1, v9;
	v9 =	vld [tilespmem:s16+$0x42C0]  }
0x31c: {  	v12 =	vsub.f32 v10, v19;
	v10 =	vsub.f32 v63, v20;
	v1 =	vmul.f32 v8, v8  }
0x31d: {  	v2 =	vadd.f32 v2, v16;
	vm1 =	veq.f32 v4, v4;
	v8 =	vsub.f32 v11, v15  }
0x31e: {  	vm2 =	vmand vm1, vm0;
	vm1 =	veq.f32 v1, v1;
	v13 =	vsub.f32 v13, v14  }
0x31f: {  	v11 =	vsub.f32 v21, v18;
	v8 =	vmul.f32 v8, v8;
	vm1 =	vmand vm1, vm0  }
.LBB2_29:
0x320: {  	s16 =	sshra.s32 s17, $0x2;
	p0 =	sne.s32 s17, $0xF000;
	s17 =	sadd.s32 $0x1000, s17;
	v13 =	vmul.f32 v13, v13;
	v7 =	vsub.f32 v9, v7;
	v9 =	vmul.f32 v12, v12  }
0x321: {  	v10 =	vmul.f32 v10, v10;
	vm3 =	veq.f32 v8, v8;
	v12 =	vld [tilespmem:s16+$0xC2E0]  }
0x322: {  	v11 =	vmul.f32 v11, v11;
	v14 =	vld [tilespmem:s16+$0x42E0];
	v15 =	vmul.f32 v7, v7;
	vm4 =	veq.f32 v9, v9  }
0x323: {  	vm5 =	vmand vm3, vm0;
	vm6 =	veq.f32 v13, v13;
	v16 =	vld [tilespmem:s16+$0xC2F0];
	vm3 =	vmand vm4, vm0  }
0x324: {  	vm4 =	veq.f32 v10, v10;
	vm6 =	vmand vm6, vm0;
	v17 =	vld [tilespmem:s16+$0xC280];
	vm7 =	veq.f32 v15, v15  }
0x325: {  	v8 =	vnsel vm5, $0x0, v8;
	v19 =	vsel vm5, $0x3F800000, v0;
	v20 =	vnsel vm3, $0x0, v9;
	v18 =	vld [tilespmem:s16+$0x42F0]  }
0x326: {  	v23 =	vnsel vm2, $0x0, v4;
	vm4 =	vmand vm4, vm0;
	v22 =	vsel vm6, $0x3F800000, v0;
	v21 =	vld [tilespmem:s16+$0x42D0]  }
0x327: {  	v25 =	vsel vm2, $0x3F800000, v0;
	vm5 =	veq.f32 v11, v11;
	v4 =	vnsel vm4, $0x0, v10;
	v24 =	vld [tilespmem:s16+$0xC2A0]  }
0x328: {  	vm2 =	vmand vm5, vm0;
	v10 =	vnsel vm6, $0x0, v13;
	v6 =	vadd.f32 v4, v6;
	v7 =	vld [tilespmem:s16+$0xC2C0]  }
0x329: {  	v9 =	vsel vm2, $0x3F800000, v0;
	v4 =	vnsel vm2, $0x0, v11;
	v11 =	vsel vm4, $0x3F800000, v0;
	v13 =	vld [tilespmem:s16+$0xC2B0]  }
0x32a: {  	v3 =	vadd.f32 v9, v3;
	vm2 =	vmand vm7, vm0;
	v26 =	vld [tilespmem:s16+$0xC2D0];
	v16 =	vsub.f32 v18, v16  }
0x32b: {  	v28 =	vsel vm1, $0x3F800000, v0;
	v5 =	vadd.f32 v4, v5;
	v27 =	vsel vm2, $0x3F800000, v0;
	v18 =	vld [tilespmem:s16+$0xC290]  }
0x32c: {  	v6 =	vadd.f32 v10, v6;
	v10 =	vnsel vm2, $0x0, v15;
	v9 =	vld [tilespmem:s16+$0x42C0];
	v4 =	vmul.f32 v16, v16  }
0x32d: {  	v12 =	vsub.f32 v14, v12;
	v14 =	vnsel vm1, $0x0, v1;
	v3 =	vadd.f32 v19, v3;
	v15 =	vld [tilespmem:s16+$0x42A0]  }
0x32e: {  	v2 =	vadd.f32 v11, v2;
	v5 =	vadd.f32 v8, v5;
	v16 =	vld [tilespmem:s16+$0x42B0];
	vm1 =	veq.f32 v4, v4  }
0x32f: {  	v1 =	vmul.f32 v12, v12;
	v3 =	vadd.f32 v27, v3;
	v6 =	vadd.f32 v20, v6;
	v8 =	vld [tilespmem:s16+$0x4290]  }
0x330: {  	v2 =	vadd.f32 v22, v2;
	v5 =	vadd.f32 v10, v5;
	vm2 =	vmand vm1, vm0;
	v11 =	vld [tilespmem:s16+$0x4280]  }
.Ltmp13:
0x331: {  	v10 =	vsel vm3, $0x3F800000, v0;
	v3 =	vadd.f32 v28, v3;
	v6 =	vadd.f32 v23, v6;
	(pc) =	sbr.rel @p0 .LBB2_29-.Ltmp13, $4  }
0x332: {  	v2 =	vadd.f32 v10, v2;
	vm1 =	veq.f32 v1, v1;
	v15 =	vsub.f32 v15, v24  }
0x333: {  	v12 =	vsub.f32 v21, v26;
	v13 =	vsub.f32 v16, v13  }
0x334: {  	v2 =	vadd.f32 v25, v2;
	v10 =	vsub.f32 v8, v18;
	v8 =	vmul.f32 v15, v15  }
0x335: {  	v5 =	vadd.f32 v14, v5;
	vm1 =	vmand vm1, vm0;
	v11 =	vsub.f32 v11, v17  }
0x336: {  	v13 =	vmul.f32 v13, v13;
	v7 =	vsub.f32 v9, v7  }
0x337: {  	s16 =	simm.s32 $0x0;
	v9 =	vmul.f32 v12, v12;
	v10 =	vmul.f32 v10, v10;
	vm3 =	veq.f32 v8, v8  }
0x338: {  	v4 =	vnsel vm2, $0x0, v4;
	v23 =	vsel vm2, $0x3F800000, v0;
	v12 =	vld [tilespmem:s16+$0xC360];
	v11 =	vmul.f32 v11, v11  }
0x339: {  	v14 =	vld [tilespmem:s16+$0x4360];
	vm5 =	vmand vm3, vm0;
	v7 =	vmul.f32 v7, v7;
	vm4 =	veq.f32 v9, v9  }
0x33a: {  	v15 =	vld [tilespmem:s16+$0xC300];
	vm6 =	veq.f32 v13, v13;
	vm12 =	veq.f32 v10, v10;
	v8 =	vnsel vm5, $0x0, v8  }
0x33b: {  	v16 =	vld [tilespmem:s16+$0xC370];
	v17 =	vsel vm5, $0x3F800000, v0;
	vm3 =	vmand vm4, vm0;
	vm6 =	vmand vm6, vm0  }
0x33c: {  	v18 =	vld [tilespmem:s16+$0x4350];
	vm4 =	vmand vm12, vm0;
	vm13 =	veq.f32 v11, v11;
	vm7 =	veq.f32 v7, v7  }
0x33d: {  	v19 =	vld [tilespmem:s16+$0xC330];
	v9 =	vnsel vm3, $0x0, v9;
	v20 =	vsel vm6, $0x3F800000, v0;
	v10 =	vnsel vm4, $0x0, v10  }
0x33e: {  	v21 =	vld [tilespmem:s16+$0xC340];
	vm5 =	vmand vm13, vm0;
	v24 =	vsel vm4, $0x3F800000, v0;
	v6 =	vadd.f32 v10, v6  }
0x33f: {  	v22 =	vld [tilespmem:s16+$0xC320];
	v10 =	vnsel vm5, $0x0, v11;
	v11 =	vsel vm5, $0x3F800000, v0;
	v2 =	vadd.f32 v24, v2  }
0x340: {  	v49 =	vld [tilespmem:s16+$0xC350];
	v13 =	vnsel vm6, $0x0, v13;
	v3 =	vadd.f32 v11, v3;
	v5 =	vadd.f32 v10, v5  }
0x341: {  	vm2 =	vmand vm7, vm0;
	v10 =	vld [tilespmem:s16+$0x4320];
	v12 =	vsub.f32 v14, v12;
	v6 =	vadd.f32 v13, v6  }
0x342: {  	v50 =	vsel vm2, $0x3F800000, v0;
	v14 =	vld [tilespmem:s16+$0x4330];
	v3 =	vadd.f32 v17, v3;
	v5 =	vadd.f32 v8, v5  }
0x343: {  	v7 =	vnsel vm2, $0x0, v7;
	v2 =	vadd.f32 v20, v2;
	v13 =	vld [tilespmem:s16+$0x4340];
	v6 =	vadd.f32 v9, v6  }
0x344: {  	v8 =	vld [tilespmem:s16+$0x4300];
	v9 =	vsel vm3, $0x3F800000, v0;
	v3 =	vadd.f32 v50, v3;
	v5 =	vadd.f32 v7, v5  }
0x345: {  	v51 =	vsel vm1, $0x3F800000, v0;
	v11 =	vld [tilespmem:s16+$0xC310];
	v2 =	vadd.f32 v9, v2;
	v4 =	vadd.f32 v4, v6  }
0x346: {  	v1 =	vnsel vm1, $0x0, v1;
	v7 =	vld [tilespmem:s16+$0x4310];
	v10 =	vsub.f32 v10, v22;
	v3 =	vadd.f32 v51, v3  }
0x347: {  	v9 =	vmul.f32 v12, v12;
	v6 =	vld [tilespmem:s16+$0x4370];
	v2 =	vadd.f32 v23, v2;
	v1 =	vadd.f32 v1, v5  }
0x348: {  	v5 =	vsub.f32 v18, v49;
	v12 =	vsub.f32 v13, v21  }
0x349: {  	vm1 =	veq.f32 v9, v9;
	v13 =	vsub.f32 v14, v19;
	v8 =	vsub.f32 v8, v15  }
0x34a: {  	s17 =	simm.s32 $0x400;
	v10 =	vmul.f32 v10, v10;
	vm1 =	vmand vm1, vm0;
	v5 =	vmul.f32 v5, v5  }
0x34b: {  	v52 =	vld [tilespmem:s17+$0xC300];
	v13 =	vmul.f32 v13, v13;
	v12 =	vmul.f32 v12, v12;
	v7 =	vsub.f32 v7, v11  }
0x34c: {  	v14 =	vld [tilespmem:s17+$0x4360];
	v8 =	vmul.f32 v8, v8;
	vm2 =	veq.f32 v10, v10;
	v6 =	vsub.f32 v6, v16  }
0x34d: {  	v11 =	vld [tilespmem:s17+$0xC360];
	vm2 =	vmand vm2, vm0;
	vm15 =	veq.f32 v13, v13;
	v7 =	vmul.f32 v7, v7  }
0x34e: {  	v53 =	vld [tilespmem:s17+$0xC370];
	vm3 =	veq.f32 v8, v8;
	v15 =	vsel vm2, $0x3F800000, v0;
	v10 =	vnsel vm2, $0x0, v10  }
0x34f: {  	v54 =	vld [tilespmem:s17+$0x4350];
	vm2 =	veq.f32 v12, v12;
	vm3 =	vmand vm3, vm0;
	v6 =	vmul.f32 v6, v6  }
0x350: {  	v55 =	vld [tilespmem:s17+$0xC330];
	vm2 =	vmand vm2, vm0;
	vm14 =	veq.f32 v7, v7;
	v8 =	vnsel vm3, $0x0, v8  }
0x351: {  	v57 =	vld [tilespmem:s17+$0xC340];
	v61 =	vsel vm2, $0x3F800000, v0;
	vm4 =	vmand vm14, vm0;
	v1 =	vadd.f32 v8, v1  }
0x352: {  	v58 =	vld [tilespmem:s17+$0x4370];
	v8 =	vsel vm3, $0x3F800000, v0;
	vm3 =	veq.f32 v5, v5;
	v11 =	vsub.f32 v14, v11  }
0x353: {  	v59 =	vld [tilespmem:s17+$0x4320];
	v56 =	vsel vm4, $0x3F800000, v0;
	v7 =	vnsel vm4, $0x0, v7;
	v8 =	vadd.f32 v8, v3  }
0x354: {  	v25 =	vld [tilespmem:s17+$0x4300];
	vm3 =	vmand vm3, vm0;
	v3 =	vnsel vm1, $0x0, v9;
	vm4 =	vmand vm15, vm0  }
0x355: {  	v26 =	vld [tilespmem:s17+$0x4330];
	v9 =	vsel vm1, $0x3F800000, v0;
	vm1 =	veq.f32 v6, v6;
	v1 =	vadd.f32 v10, v1  }
0x356: {  	v27 =	vld [tilespmem:s17+$0x4310];
	v2 =	vadd.f32 v56, v2;
	v4 =	vadd.f32 v7, v4;
	v13 =	vnsel vm4, $0x0, v13  }
0x357: {  	v10 =	vld [tilespmem:s17+$0xC320];
	v60 =	vsel vm4, $0x3F800000, v0;
	vm1 =	vmand vm1, vm0;
	v8 =	vadd.f32 v15, v8  }
0x358: {  	v5 =	vnsel vm3, $0x0, v5;
	v15 =	vld [tilespmem:s17+$0xC350];
	v14 =	vadd.f32 v60, v2;
	v13 =	vadd.f32 v13, v4  }
0x359: {  	v7 =	vld [tilespmem:s17+$0xC310];
	v63 =	vsel vm1, $0x3F800000, v0;
	v4 =	vadd.f32 v61, v8;
	v8 =	vsel vm3, $0x3F800000, v0  }
0x35a: {  	v62 =	vld [tilespmem:s17+$0x4340];
	v2 =	vmul.f32 v11, v11;
	v11 =	vadd.f32 v8, v14;
	v8 =	vadd.f32 v5, v13  }
0x35b: {  	v6 =	vnsel vm1, $0x0, v6;
	v13 =	vsub.f32 v26, v55;
	v4 =	vadd.f32 v9, v4  }
0x35c: {  	v9 =	vnsel vm2, $0x0, v12;
	v10 =	vsub.f32 v59, v10;
	v12 =	vsub.f32 v25, v52  }
0x35d: {  	vm1 =	veq.f32 v2, v2;
	v9 =	vadd.f32 v9, v1;
	v1 =	vsub.f32 v54, v15  }
0x35e: {  	v14 =	vsub.f32 v27, v7;
	v7 =	vsub.f32 v58, v53;
	v10 =	vmul.f32 v10, v10  }
0x35f: {  	s18 =	simm.s32 $0x2000;
	v5 =	vadd.f32 v63, v11;
	v11 =	vsub.f32 v62, v57;
	v1 =	vmul.f32 v1, v1  }
.LBB2_31:
0x360: {  	s19 =	sshra.s32 s18, $0x2;
	p0 =	sne.s32 s18, $0xF000;
	s18 =	sadd.s32 $0x1000, s18;
	v12 =	vmul.f32 v12, v12;
	vm2 =	veq.f32 v10, v10;
	v13 =	vmul.f32 v13, v13  }
0x361: {  	v11 =	vmul.f32 v11, v11;
	v15 =	vld [tilespmem:s19+$0xC360];
	v14 =	vmul.f32 v14, v14;
	vm2 =	vmand vm2, vm0  }
0x362: {  	v3 =	vadd.f32 v3, v9;
	v16 =	vld [tilespmem:s19+$0x4360];
	vm3 =	veq.f32 v12, v12;
	v17 =	vsel vm2, $0x3F800000, v0  }
0x363: {  	v9 =	vnsel vm2, $0x0, v10;
	v18 =	vld [tilespmem:s19+$0xC300];
	vm3 =	vmand vm3, vm0;
	vm4 =	veq.f32 v14, v14  }
0x364: {  	v6 =	vadd.f32 v6, v8;
	vm2 =	veq.f32 v11, v11;
	v19 =	vld [tilespmem:s19+$0xC370];
	v10 =	vnsel vm3, $0x0, v12  }
0x365: {  	v8 =	vsel vm3, $0x3F800000, v0;
	vm3 =	vmand vm4, vm0;
	v12 =	vld [tilespmem:s19+$0x4350];
	v3 =	vadd.f32 v10, v3  }
0x366: {  	vm5 =	vmand vm1, vm0;
	vm4 =	veq.f32 v1, v1;
	v10 =	vsel vm3, $0x3F800000, v0;
	v20 =	vld [tilespmem:s19+$0xC330]  }
0x367: {  	v14 =	vnsel vm3, $0x0, v14;
	vm3 =	veq.f32 v13, v13;
	v21 =	vld [tilespmem:s19+$0xC340];
	v9 =	vadd.f32 v9, v3  }
0x368: {  	v4 =	vadd.f32 v8, v4;
	vm1 =	vmand vm4, vm0;
	v5 =	vadd.f32 v10, v5;
	v22 =	vld [tilespmem:s19+$0xC320]  }
0x369: {  	v8 =	vadd.f32 v14, v6;
	v3 =	vnsel vm5, $0x0, v2;
	v2 =	vmul.f32 v7, v7;
	v23 =	vld [tilespmem:s19+$0x4370]  }
0x36a: {  	vm2 =	vmand vm2, vm0;
	vm3 =	vmand vm3, vm0;
	v10 =	vsel vm5, $0x3F800000, v0;
	v7 =	vld [tilespmem:s19+$0xC310]  }
0x36b: {  	v4 =	vadd.f32 v17, v4;
	v13 =	vnsel vm3, $0x0, v13;
	vm4 =	veq.f32 v2, v2;
	v14 =	vld [tilespmem:s19+$0x4320]  }
0x36c: {  	v24 =	vsel vm2, $0x3F800000, v0;
	v6 =	vsel vm3, $0x3F800000, v0;
	vm3 =	vmand vm4, vm0;
	v17 =	vld [tilespmem:s19+$0xC350]  }
0x36d: {  	v15 =	vsub.f32 v16, v15;
	v5 =	vadd.f32 v6, v5;
	v6 =	vnsel vm3, $0x0, v2;
	v25 =	vld [tilespmem:s19+$0x4300]  }
0x36e: {  	v8 =	vadd.f32 v13, v8;
	v4 =	vadd.f32 v24, v4;
	v13 =	vsel vm3, $0x3F800000, v0;
	v16 =	vld [tilespmem:s19+$0x4340]  }
0x36f: {  	v11 =	vnsel vm2, $0x0, v11;
	v2 =	vmul.f32 v15, v15;
	v15 =	vsel vm1, $0x3F800000, v0;
	v24 =	vld [tilespmem:s19+$0x4330]  }
0x370: {  	v1 =	vnsel vm1, $0x0, v1;
	v4 =	vadd.f32 v10, v4;
	v5 =	vadd.f32 v15, v5;
	v26 =	vld [tilespmem:s19+$0x4310]  }
.Ltmp14:
0x371: {  	v8 =	vadd.f32 v1, v8;
	vm1 =	veq.f32 v2, v2;
	v10 =	vsub.f32 v14, v22;
	(pc) =	sbr.rel @p0 .LBB2_31-.Ltmp14, $4  }
0x372: {  	v9 =	vadd.f32 v11, v9;
	v5 =	vadd.f32 v13, v5  }
0x373: {  	v1 =	vsub.f32 v12, v17;
	v11 =	vsub.f32 v16, v21  }
0x374: {  	v12 =	vsub.f32 v25, v18;
	v10 =	vmul.f32 v10, v10;
	v13 =	vsub.f32 v24, v20  }
0x375: {  	v1 =	vmul.f32 v1, v1;
	v14 =	vsub.f32 v26, v7;
	v7 =	vsub.f32 v23, v19  }
0x376: {  	v12 =	vmul.f32 v12, v12;
	vm2 =	veq.f32 v10, v10  }
0x377: {  	v13 =	vmul.f32 v13, v13;
	v11 =	vmul.f32 v11, v11;
	v3 =	vadd.f32 v3, v9  }
0x378: {  	v16 =	vld [tilespmem:s16+$0xC3E0];
	v6 =	vadd.f32 v6, v8;
	vm1 =	vmand vm1, vm0;
	v14 =	vmul.f32 v14, v14  }
0x379: {  	v9 =	vld [tilespmem:s16+$0x43E0];
	vm2 =	vmand vm2, vm0;
	v2 =	vnsel vm1, $0x0, v2;
	v7 =	vmul.f32 v7, v7  }
0x37a: {  	v17 =	vld [tilespmem:s16+$0xC380];
	v20 =	vsel vm1, $0x3F800000, v0;
	vm3 =	veq.f32 v12, v12;
	v15 =	vsel vm2, $0x3F800000, v0  }
0x37b: {  	v8 =	vld [tilespmem:s16+$0xC3F0];
	v10 =	vnsel vm2, $0x0, v10;
	vm2 =	veq.f32 v11, v11;
	vm13 =	veq.f32 v13, v13  }
0x37c: {  	v19 =	vld [tilespmem:s16+$0x43D0];
	vm3 =	vmand vm3, vm0;
	vm4 =	veq.f32 v14, v14;
	vm2 =	vmand vm2, vm0  }
0x37d: {  	v50 =	vld [tilespmem:s16+$0xC390];
	vm1 =	veq.f32 v7, v7;
	v12 =	vnsel vm3, $0x0, v12;
	vm4 =	vmand vm4, vm0  }
0x37e: {  	v23 =	vld [tilespmem:s16+$0xC3D0];
	v22 =	vsel vm2, $0x3F800000, v0;
	vm1 =	vmand vm1, vm0;
	v11 =	vnsel vm2, $0x0, v11  }
0x37f: {  	v24 =	vld [tilespmem:s16+$0x43C0];
	v3 =	vadd.f32 v12, v3;
	v12 =	vsel vm3, $0x3F800000, v0;
	v18 =	vsel vm4, $0x3F800000, v0  }
0x380: {  	v53 =	vld [tilespmem:s16+$0x43B0];
	vm3 =	veq.f32 v1, v1;
	v14 =	vnsel vm4, $0x0, v14;
	v9 =	vsub.f32 v9, v16  }
0x381: {  	vm4 =	vmand vm13, vm0;
	v4 =	vadd.f32 v12, v4;
	v5 =	vadd.f32 v18, v5;
	v12 =	vld [tilespmem:s16+$0xC3C0]  }
0x382: {  	vm3 =	vmand vm3, vm0;
	v6 =	vadd.f32 v14, v6;
	v14 =	vld [tilespmem:s16+$0xC3A0];
	v13 =	vnsel vm4, $0x0, v13  }
0x383: {  	v21 =	vsel vm4, $0x3F800000, v0;
	v3 =	vadd.f32 v10, v3;
	v10 =	vld [tilespmem:s16+$0xC3B0];
	v4 =	vadd.f32 v15, v4  }
0x384: {  	v52 =	vsel vm3, $0x3F800000, v0;
	v15 =	vld [tilespmem:s16+$0x43A0];
	v5 =	vadd.f32 v21, v5;
	v6 =	vadd.f32 v13, v6  }
0x385: {  	v1 =	vnsel vm3, $0x0, v1;
	v13 =	vld [tilespmem:s16+$0x4380];
	v3 =	vadd.f32 v11, v3;
	v4 =	vadd.f32 v22, v4  }
0x386: {  	v7 =	vnsel vm1, $0x0, v7;
	v11 =	vld [tilespmem:s16+$0x4390];
	v5 =	vadd.f32 v52, v5;
	v1 =	vadd.f32 v1, v6  }
0x387: {  	v9 =	vmul.f32 v9, v9;
	v6 =	vld [tilespmem:s16+$0x43F0];
	v2 =	vadd.f32 v2, v3;
	v12 =	vsub.f32 v24, v12  }
0x388: {  	v51 =	vsel vm1, $0x3F800000, v0;
	v4 =	vadd.f32 v20, v4;
	v1 =	vadd.f32 v7, v1  }
0x389: {  	vm1 =	veq.f32 v9, v9;
	v7 =	vsub.f32 v19, v23;
	v10 =	vsub.f32 v53, v10  }
0x38a: {  	vm1 =	vmand vm1, vm0;
	v3 =	vsub.f32 v15, v14;
	v13 =	vsub.f32 v13, v17  }
0x38b: {  	v12 =	vmul.f32 v12, v12;
	v11 =	vsub.f32 v11, v50;
	v10 =	vmul.f32 v10, v10  }
0x38c: {  	v54 =	vld [tilespmem:s17+$0xC380];
	v3 =	vmul.f32 v3, v3;
	v6 =	vsub.f32 v6, v8;
	v8 =	vmul.f32 v13, v13  }
0x38d: {  	v55 =	vld [tilespmem:s17+$0xC3F0];
	v5 =	vadd.f32 v51, v5;
	v7 =	vmul.f32 v7, v7;
	v11 =	vmul.f32 v11, v11  }
0x38e: {  	v14 =	vld [tilespmem:s17+$0x43E0];
	vm15 =	veq.f32 v10, v10;
	vm2 =	veq.f32 v3, v3;
	vm3 =	veq.f32 v8, v8  }
0x38f: {  	v13 =	vld [tilespmem:s17+$0xC3E0];
	vm2 =	vmand vm2, vm0;
	vm3 =	vmand vm3, vm0;
	vm14 =	veq.f32 v11, v11  }
0x390: {  	v56 =	vld [tilespmem:s17+$0x43D0];
	v15 =	vsel vm2, $0x3F800000, v0;
	v3 =	vnsel vm2, $0x0, v3;
	v8 =	vnsel vm3, $0x0, v8  }
0x391: {  	v57 =	vld [tilespmem:s17+$0xC3B0];
	vm2 =	veq.f32 v12, v12;
	vm4 =	vmand vm14, vm0;
	v2 =	vadd.f32 v8, v2  }
0x392: {  	v59 =	vld [tilespmem:s17+$0xC3C0];
	v8 =	vsel vm3, $0x3F800000, v0;
	v58 =	vsel vm4, $0x3F800000, v0;
	vm3 =	veq.f32 v7, v7  }
0x393: {  	v61 =	vld [tilespmem:s17+$0xC3A0];
	v11 =	vnsel vm4, $0x0, v11;
	vm4 =	vmand vm15, vm0;
	vm2 =	vmand vm2, vm0  }
0x394: {  	v62 =	vld [tilespmem:s17+$0x43F0];
	v13 =	vsub.f32 v14, v13;
	vm3 =	vmand vm3, vm0;
	v1 =	vadd.f32 v11, v1  }
0x395: {  	v63 =	vld [tilespmem:s17+$0xC390];
	v11 =	vsel vm4, $0x3F800000, v0;
	v60 =	vadd.f32 v3, v2;
	v2 =	vadd.f32 v8, v4  }
0x396: {  	v4 =	vadd.f32 v58, v5;
	v3 =	vnsel vm1, $0x0, v9;
	v5 =	vmul.f32 v6, v6;
	v8 =	vld [tilespmem:s17+$0x43A0]  }
0x397: {  	v6 =	vsel vm1, $0x3F800000, v0;
	v9 =	vnsel vm4, $0x0, v10;
	v10 =	vld [tilespmem:s17+$0xC3D0];
	v2 =	vadd.f32 v15, v2  }
0x398: {  	v25 =	vld [tilespmem:s17+$0x4380];
	v1 =	vadd.f32 v9, v1;
	v15 =	vsel vm2, $0x3F800000, v0;
	v4 =	vadd.f32 v11, v4  }
0x399: {  	v26 =	vld [tilespmem:s17+$0x4390];
	v9 =	vadd.f32 v15, v2;
	v2 =	vmul.f32 v13, v13;
	v13 =	vsel vm3, $0x3F800000, v0  }
0x39a: {  	v7 =	vnsel vm3, $0x0, v7;
	vm1 =	veq.f32 v5, v5;
	v15 =	vld [tilespmem:s17+$0x43B0];
	v13 =	vadd.f32 v13, v4  }
0x39b: {  	v11 =	vld [tilespmem:s17+$0x43C0];
	vm1 =	vmand vm1, vm0;
	v23 =	vsub.f32 v8, v61;
	v8 =	vadd.f32 v7, v1  }
0x39c: {  	v14 =	vsel vm1, $0x3F800000, v0;
	v1 =	vsub.f32 v56, v10;
	v7 =	vsub.f32 v62, v55  }
0x39d: {  	v4 =	vadd.f32 v6, v9;
	v9 =	vnsel vm2, $0x0, v12;
	v6 =	vnsel vm1, $0x0, v5  }
0x39e: {  	vm1 =	veq.f32 v2, v2;
	v12 =	vsub.f32 v25, v54;
	v9 =	vadd.f32 v9, v60  }
0x39f: {  	v5 =	vadd.f32 v14, v13;
	v10 =	vmul.f32 v23, v23;
	v13 =	vsub.f32 v15, v57  }
0x3a0: {  	s16 =	simm.s32 $0x2000;
	v11 =	vsub.f32 v11, v59;
	v14 =	vsub.f32 v26, v63;
	v1 =	vmul.f32 v1, v1  }
.LBB2_33:
0x3a1: {  	s17 =	sshra.s32 s16, $0x2;
	p0 =	seq.s32 s16, $0xF000;
	s16 =	sadd.s32 $0x1000, s16;
	v12 =	vmul.f32 v12, v12;
	vm2 =	veq.f32 v10, v10;
	v13 =	vmul.f32 v13, v13  }
0x3a2: {  	v11 =	vmul.f32 v11, v11;
	v15 =	vld [tilespmem:s17+$0xC3E0];
	v14 =	vmul.f32 v14, v14;
	vm2 =	vmand vm2, vm0  }
0x3a3: {  	v3 =	vadd.f32 v3, v9;
	v16 =	vld [tilespmem:s17+$0x43E0];
	vm3 =	veq.f32 v12, v12;
	v17 =	vsel vm2, $0x3F800000, v0  }
0x3a4: {  	v9 =	vnsel vm2, $0x0, v10;
	v18 =	vld [tilespmem:s17+$0xC380];
	vm3 =	vmand vm3, vm0;
	vm4 =	veq.f32 v14, v14  }
0x3a5: {  	v6 =	vadd.f32 v6, v8;
	vm2 =	veq.f32 v11, v11;
	v19 =	vld [tilespmem:s17+$0xC3F0];
	v10 =	vnsel vm3, $0x0, v12  }
0x3a6: {  	v8 =	vsel vm3, $0x3F800000, v0;
	vm3 =	vmand vm4, vm0;
	v12 =	vld [tilespmem:s17+$0x43D0];
	v3 =	vadd.f32 v10, v3  }
0x3a7: {  	vm5 =	vmand vm1, vm0;
	vm4 =	veq.f32 v1, v1;
	v10 =	vsel vm3, $0x3F800000, v0;
	v20 =	vld [tilespmem:s17+$0xC3B0]  }
0x3a8: {  	v14 =	vnsel vm3, $0x0, v14;
	vm3 =	veq.f32 v13, v13;
	v21 =	vld [tilespmem:s17+$0xC3C0];
	v9 =	vadd.f32 v9, v3  }
0x3a9: {  	v4 =	vadd.f32 v8, v4;
	vm1 =	vmand vm4, vm0;
	v5 =	vadd.f32 v10, v5;
	v22 =	vld [tilespmem:s17+$0xC3A0]  }
0x3aa: {  	v8 =	vadd.f32 v14, v6;
	v3 =	vnsel vm5, $0x0, v2;
	v2 =	vmul.f32 v7, v7;
	v23 =	vld [tilespmem:s17+$0x43F0]  }
0x3ab: {  	vm2 =	vmand vm2, vm0;
	vm3 =	vmand vm3, vm0;
	v10 =	vsel vm5, $0x3F800000, v0;
	v7 =	vld [tilespmem:s17+$0xC390]  }
0x3ac: {  	v4 =	vadd.f32 v17, v4;
	v13 =	vnsel vm3, $0x0, v13;
	vm4 =	veq.f32 v2, v2;
	v14 =	vld [tilespmem:s17+$0x43A0]  }
0x3ad: {  	v24 =	vsel vm2, $0x3F800000, v0;
	v6 =	vsel vm3, $0x3F800000, v0;
	vm3 =	vmand vm4, vm0;
	v17 =	vld [tilespmem:s17+$0xC3D0]  }
0x3ae: {  	v15 =	vsub.f32 v16, v15;
	v5 =	vadd.f32 v6, v5;
	v6 =	vnsel vm3, $0x0, v2;
	v25 =	vld [tilespmem:s17+$0x4380]  }
0x3af: {  	v8 =	vadd.f32 v13, v8;
	v4 =	vadd.f32 v24, v4;
	v13 =	vsel vm3, $0x3F800000, v0;
	v16 =	vld [tilespmem:s17+$0x43C0]  }
0x3b0: {  	v11 =	vnsel vm2, $0x0, v11;
	v2 =	vmul.f32 v15, v15;
	v15 =	vsel vm1, $0x3F800000, v0;
	v24 =	vld [tilespmem:s17+$0x43B0]  }
0x3b1: {  	v1 =	vnsel vm1, $0x0, v1;
	v4 =	vadd.f32 v10, v4;
	v5 =	vadd.f32 v15, v5;
	v26 =	vld [tilespmem:s17+$0x4390]  }
.Ltmp15:
0x3b2: {  	v8 =	vadd.f32 v1, v8;
	vm1 =	veq.f32 v2, v2;
	v10 =	vsub.f32 v14, v22;
	(pc) =	sbr.rel @!p0 .LBB2_33-.Ltmp15, $4  }
0x3b3: {  	v9 =	vadd.f32 v11, v9;
	v5 =	vadd.f32 v13, v5  }
0x3b4: {  	v1 =	vsub.f32 v12, v17;
	v11 =	vsub.f32 v16, v21  }
0x3b5: {  	v12 =	vsub.f32 v25, v18;
	v10 =	vmul.f32 v10, v10;
	v13 =	vsub.f32 v24, v20  }
0x3b6: {  	v1 =	vmul.f32 v1, v1;
	v14 =	vsub.f32 v26, v7;
	v7 =	vsub.f32 v23, v19  }
0x3b7: {  	v12 =	vmul.f32 v12, v12  }
0x3b8: {  	vm2 =	veq.f32 v10, v10;
	v13 =	vmul.f32 v13, v13;
	v11 =	vmul.f32 v11, v11  }
0x3b9: {  	v3 =	vadd.f32 v3, v9;
	v6 =	vadd.f32 v6, v8;
	vm1 =	vmand vm1, vm0  }
0x3ba: {  	v14 =	vmul.f32 v14, v14;
	vm2 =	vmand vm2, vm0;
	v2 =	vnsel vm1, $0x0, v2  }
0x3bb: {  	v7 =	vmul.f32 v7, v7;
	v57 =	vsel vm1, $0x3F800000, v0;
	vm3 =	veq.f32 v12, v12  }
0x3bc: {  	v15 =	vsel vm2, $0x3F800000, v0;
	v52 =	vnsel vm2, $0x0, v10;
	vm2 =	veq.f32 v11, v11  }
0x3bd: {  	vm15 =	veq.f32 v13, v13;
	vm3 =	vmand vm3, vm0;
	vm4 =	veq.f32 v14, v14  }
0x3be: {  	vm2 =	vmand vm2, vm0;
	vm1 =	veq.f32 v7, v7;
	v53 =	vnsel vm3, $0x0, v12  }
0x3bf: {  	vm4 =	vmand vm4, vm0;
	v54 =	vsel vm3, $0x3F800000, v0;
	vm3 =	veq.f32 v1, v1  }
0x3c0: {  	v60 =	vsel vm2, $0x3F800000, v0;
	vm1 =	vmand vm1, vm0;
	v62 =	vnsel vm2, $0x0, v11  }
0x3c1: {  	v3 =	vadd.f32 v53, v3;
	v55 =	vsel vm4, $0x3F800000, v0;
	v56 =	vnsel vm4, $0x0, v14  }
0x3c2: {  	v4 =	vadd.f32 v54, v4;
	vm3 =	vmand vm3, vm0;
	vm4 =	vmand vm15, vm0  }
0x3c3: {  	v5 =	vadd.f32 v55, v5;
	v6 =	vadd.f32 v56, v6;
	v58 =	vnsel vm4, $0x0, v13  }
0x3c4: {  	v59 =	vsel vm4, $0x3F800000, v0;
	v3 =	vadd.f32 v52, v3;
	v4 =	vadd.f32 v15, v4  }
0x3c5: {  	v61 =	vsel vm3, $0x3F800000, v0;
	v5 =	vadd.f32 v59, v5;
	v6 =	vadd.f32 v58, v6  }
0x3c6: {  	v1 =	vnsel vm3, $0x0, v1;
	v4 =	vadd.f32 v60, v4;
	v10 =	vadd.f32 v62, v3  }
0x3c7: {  	v63 =	vsel vm1, $0x3F800000, v0;
	v5 =	vadd.f32 v61, v5;
	v6 =	vadd.f32 v1, v6  }
0x3c8: {  	v7 =	vnsel vm1, $0x0, v7;
	v3 =	vadd.f32 v57, v4;
	v4 =	vadd.f32 v2, v10  }
0x3c9: {  	v1 =	vadd.f32 v63, v5;
	v5 =	vadd.f32 v7, v6  }
0x3ca: {  	p0 =	seq.s32 s15, $0x8  }
.Ltmp16:
0x3cb: {  	_ = 	snop;
	(pc) =	sbr.rel @!p0 .LBB2_2-.Ltmp16, $1  }
0x3cc: {  	_ =	sdelay $0x3  }
0x3cd: {  	v0 =	vadd.f32 v5, v4  }
0x3ce: {  	v1 =	vadd.f32 v1, v3  }
0x3cf: {  	s3 =	sshll.u32 s1, $0x1;
	s4 =	simm.s32 $0x0;
	[tilespmem:$0x10000] =	vst v0  }
0x3d0: {  	s6 =	simm.s32 $0x10000;
	s30 =	simm.s32 $0x5;
	s2 =	sadd.s32 s2, s3;
	[tilespmem:$0x10080] =	vst v1  }
0x3d1: {  	[hbm4b:s2+s4] =	stream.linear.scatter [tilespmem:s6], [sflag:$0x5], $0x10, $0x38;
	[tilespmem:$0x10100] =	vst v63  }
0x3d2: {  	_ =	swait.ge [sflag:s30], $0x10  }
0x3d3: {  	[sflag:s30] =	ssyncset.done $0x0  }
0x3d4: {  	s31 =	simm.s32 $0x10080;
	s3 =	sadd.s32 s5, s3;
	[sflag:s30] =	ssyncadd.s32 $0xFFFFFFF0  }
0x3d5: {  	[hbm4b:s3+s4] =	stream.linear.scatter [tilespmem:s31], [sflag:$0x5], $0x10, $0x38;
	[tilespmem:$0x10100] =	vst v63  }
0x3d6: {  	_ =	swait.ge [sflag:s30], $0x10  }
0x3d7: {  	[sflag:s30] =	ssyncset.done $0x0  }
0x3d8: {  	[sflag:s30] =	ssyncadd.s32 $0xFFFFFFF0  }
0x3d9: {  	_ =	sfence.sel $0x180000  }
0x3da: {  	[bflag:$0x0] =	sbarrier.arrive $0xFFFF  }
0x3db: {  	p0 =	sne.s32 s1, $0x0;
	_ =	strace $0x90000047  }
0x3dc: {  	s0 =	sadd.s32 @!p0 $0x100000, s0;
	[bflag:$0x2] =	sbarrier.arrive $0xFFFF  }
0x3dd: {  	[sflag:s0] =	ssyncadd.tile.s32 @!p0 $0x1;
	_ =	shalt  }
.Lfunc_end2:
_tile_overlayer_lowered:
.L_overlay_start_2:
0x3de: {  	(tag) =	ssettag $0x2  }
0x3df: {  	s0 =	rddreg [dreg:$0x0];
	s2 =	stileid.u32  }
0x3e0: {  	s1 =	rddreg [dreg:$0x1];
	p0 =	sne.s32 s2, $0x0  }
0x3e1: {  	s3 =	rddreg [dreg:$0x2];
	[bflag:$0x3] =	sbarrier.arrive $0xFFFF;
	s2 =	simm.s32 @!p0 $0x1C05  }
0x3e2: {  	[timem:s3], [sflag:s2] =	dma.local @!p0 [hbm:s0], s1  }
0x3e3: {  	s0 =	simm.s32 @!p0 $0x5  }
0x3e4: {  	_ =	swait.ge @!p0 [sflag:s0], s1  }
0x3e5: {  	s1 =	ssub.s32 @!p0 $0x0, s1;
	[sflag:s0] =	ssyncset.done @!p0 $0x0  }
0x3e6: {  	[sflag:s0] =	ssyncadd.s32 @!p0 s1  }
0x3e7: {  	[bflag:$0x3] =	sbarrier.arrive $0xFFFF  }
0x3e8: {  	_ =	shalt  }

</sc_bundles>
